<compile_context>
chip_gen: v7x
topology: tpu7x:2x2x1
jax: 0.10.2.dev20260603
libtpu: 0.0.44.dev20260713+nightly
codegen_flags: <defaults>
</compile_context>

<pallas_src>
import functools

import jax
import jax.numpy as jnp
from jax import lax
from jax.experimental import pallas as pl
from jax.experimental.pallas import tpu as pltpu
from jax.experimental.pallas import tpu_sc as plsc

N_NODES = 10000
IN_DIM = 128
HEADS = 4
OUT_DIM = 32
HD = HEADS * OUT_DIM
NEG_SLOPE = 0.2
NPAD = 10112
K_EDGE = 32


def _proj_body(x_ref, w_ref, asrc_ref, adst_ref, xp_ref, ast_ref, adt_ref):
    xp = jnp.dot(x_ref[...], w_ref[...], preferred_element_type=jnp.float32)
    xp_ref[...] = xp
    col = lax.broadcasted_iota(jnp.int32, (HD, 16), 0) // OUT_DIM
    k16 = lax.broadcasted_iota(jnp.int32, (HD, 16), 1)
    m2 = jnp.where((k16 < HEADS) & (col == k16), 1.0, 0.0)
    ast_ref[...] = jnp.dot(xp * asrc_ref[...], m2, preferred_element_type=jnp.float32)
    adt_ref[...] = jnp.dot(xp * adst_ref[...], m2, preferred_element_type=jnp.float32)


def _project(x, w, att_src, att_dst):
    rows = 2000
    grid = N_NODES // rows
    return pl.pallas_call(
        _proj_body,
        grid=(grid,),
        in_specs=[
            pl.BlockSpec((rows, IN_DIM), lambda i: (i, 0)),
            pl.BlockSpec((IN_DIM, HD), lambda i: (0, 0)),
            pl.BlockSpec((1, HD), lambda i: (0, 0)),
            pl.BlockSpec((1, HD), lambda i: (0, 0)),
        ],
        out_specs=[
            pl.BlockSpec((rows, HD), lambda i: (i, 0)),
            pl.BlockSpec((rows, 16), lambda i: (i, 0)),
            pl.BlockSpec((rows, 16), lambda i: (i, 0)),
        ],
        out_shape=[
            jax.ShapeDtypeStruct((N_NODES, HD), jnp.float32),
            jax.ShapeDtypeStruct((N_NODES, 16), jnp.float32),
            jax.ShapeDtypeStruct((N_NODES, 16), jnp.float32),
        ],
    )(x, w, att_src.reshape(1, HD), att_dst.reshape(1, HD))


def _sc_info():
    try:
        info = plsc.get_sparse_core_info()
        return info.num_cores, info.num_subcores
    except Exception:
        return 2, 16


def _edge_body(num_rounds, num_cores, num_subcores,
               xp_hbm, ast_hbm, adt_hbm, src_hbm, dst_hbm, zn_hbm, zd_hbm,
               pnum_hbm, pden_hbm,
               acc_n, acc_d, sidx_all, didx_all,
               asr0, adr0, xrows0, wbuf0,
               asr1, adr1, xrows1, wbuf1,
               asr2, adr2, xrows2, wbuf2,
               sem_a0, sem_b0, sem_x0, sem_s0,
               sem_a1, sem_b1, sem_x1, sem_s1,
               sem_a2, sem_b2, sem_x2, sem_s2):
    c = lax.axis_index("c")
    s = lax.axis_index("s")
    wid = s * num_cores + c
    rows_per = NPAD // num_subcores
    r0 = s * rows_per
    pltpu.sync_copy(zn_hbm.at[pl.ds(r0, rows_per)], acc_n.at[pl.ds(r0, rows_per)])
    pltpu.sync_copy(zd_hbm.at[pl.ds(r0, rows_per)], acc_d.at[pl.ds(r0, rows_per)])
    pltpu.sync_copy(src_hbm.at[wid], sidx_all)
    pltpu.sync_copy(dst_hbm.at[wid], didx_all)
    plsc.subcore_barrier()

    bufs = (
        (asr0, adr0, xrows0, wbuf0, sem_a0, sem_b0, sem_x0, sem_s0),
        (asr1, adr1, xrows1, wbuf1, sem_a1, sem_b1, sem_x1, sem_s1),
        (asr2, adr2, xrows2, wbuf2, sem_a2, sem_b2, sem_x2, sem_s2),
    )

    def issue(g, buf):
        asr, adr, xrows, _, sem_a, sem_b, sem_x, _ = buf
        pltpu.async_copy(ast_hbm.at[sidx_all.at[g]], asr, sem_a)
        pltpu.async_copy(adt_hbm.at[didx_all.at[g]], adr, sem_b)
        pltpu.async_copy(xp_hbm.at[sidx_all.at[g]], xrows, sem_x)

    def wait_gathers(g, buf):
        asr, adr, xrows, _, sem_a, sem_b, sem_x, _ = buf
        pltpu.make_async_copy(ast_hbm.at[sidx_all.at[g]], asr, sem_a).wait()
        pltpu.make_async_copy(adt_hbm.at[didx_all.at[g]], adr, sem_b).wait()
        pltpu.make_async_copy(xp_hbm.at[sidx_all.at[g]], xrows, sem_x).wait()

    def compute_scatter(g, buf):
        asr, adr, xrows, wbuf, _, _, _, sem_s = buf
        didx = didx_all.at[g]

        def w_block(b, carry2):
            e0 = b * 8
            atts = [asr[e0 + i, :] + adr[e0 + i, :] for i in range(8)]
            atts = [jnp.where(a >= 0.0, a, a * NEG_SLOPE) for a in atts]
            ws = [jnp.exp(a) for a in atts]
            for i in range(8):
                wbuf[e0 + i, :] = ws[i]
            return carry2

        lax.fori_loop(0, K_EDGE // 8, w_block, 0)

        def mul_block(b, carry2):
            e0 = b * 2
            wrows = [wbuf[e0 + i, :] for i in range(2)]
            xvs = [
                [xrows[e0 + i, pl.ds(j * 16, 16)] for j in range(8)]
                for i in range(2)
            ]
            outs = []
            for i in range(2):
                wvs = [jnp.full((16,), wrows[i][h], jnp.float32) for h in range(HEADS)]
                outs.append([xvs[i][j] * wvs[j // 2] for j in range(8)])
            for i in range(2):
                for j in range(8):
                    xrows[e0 + i, pl.ds(j * 16, 16)] = outs[i][j]
            return carry2

        lax.fori_loop(0, K_EDGE // 2, mul_block, 0, unroll=2)
        pltpu.async_copy(xrows, acc_n.at[didx], sem_s, add=True)
        pltpu.async_copy(wbuf, acc_d.at[didx], sem_s, add=True)

    def wait_scatter(g, buf):
        _, _, xrows, wbuf, _, _, _, sem_s = buf
        didx = didx_all.at[g]
        pltpu.make_async_copy(xrows, acc_n.at[didx], sem_s).wait()
        pltpu.make_async_copy(wbuf, acc_d.at[didx], sem_s).wait()

    issue(0, bufs[0])
    issue(1, bufs[1])

    def triple_body(g3, carry):
        a = 3 * g3
        wait_gathers(a, bufs[0])
        compute_scatter(a, bufs[0])

        @pl.when(g3 > 0)
        def _():
            wait_scatter(a, bufs[2])

        issue(a + 2, bufs[2])
        wait_gathers(a + 1, bufs[1])
        compute_scatter(a + 1, bufs[1])
        wait_scatter(a, bufs[0])
        issue(jnp.minimum(a + 3, num_rounds - 1), bufs[0])
        wait_gathers(a + 2, bufs[2])
        compute_scatter(a + 2, bufs[2])
        wait_scatter(a + 1, bufs[1])
        issue(jnp.minimum(a + 4, num_rounds - 1), bufs[1])
        return carry

    lax.fori_loop(0, num_rounds // 3, triple_body, 0)
    wait_scatter(num_rounds - 1, bufs[2])
    wait_gathers(num_rounds - 1, bufs[0])
    wait_gathers(num_rounds - 1, bufs[1])
    plsc.subcore_barrier()
    pltpu.sync_copy(acc_n.at[pl.ds(r0, rows_per)], pnum_hbm.at[c, pl.ds(r0, rows_per)])
    pltpu.sync_copy(acc_d.at[pl.ds(r0, rows_per)], pden_hbm.at[c, pl.ds(r0, rows_per)])


def _edge_pass(xp, ast_pad, adt_pad, src3, dst3, num_rounds, num_cores, num_subcores):
    mesh = plsc.VectorSubcoreMesh(core_axis_name="c", subcore_axis_name="s")
    zn = jnp.zeros((NPAD, HD), jnp.float32)
    zd = jnp.zeros((NPAD, 16), jnp.float32)
    body = functools.partial(_edge_body, num_rounds, num_cores, num_subcores)
    return pl.kernel(
        body,
        out_type=[
            jax.ShapeDtypeStruct((num_cores, NPAD, HD), jnp.float32),
            jax.ShapeDtypeStruct((num_cores, NPAD, 16), jnp.float32),
        ],
        mesh=mesh,
        compiler_params=pltpu.CompilerParams(use_tc_tiling_on_sc=False),
        scratch_types=(
            [
                pltpu.VMEM_SHARED((NPAD, HD), jnp.float32),
                pltpu.VMEM_SHARED((NPAD, 16), jnp.float32),
            ]
            + [
                pltpu.VMEM((num_rounds, K_EDGE), jnp.int32),
                pltpu.VMEM((num_rounds, K_EDGE), jnp.int32),
            ]
            + 3 * [
                pltpu.VMEM((K_EDGE, 16), jnp.float32),
                pltpu.VMEM((K_EDGE, 16), jnp.float32),
                pltpu.VMEM((K_EDGE, HD), jnp.float32),
                pltpu.VMEM((K_EDGE, 16), jnp.float32),
            ]
            + 12 * [pltpu.SemaphoreType.DMA]
        ),
    )(xp, ast_pad, adt_pad, src3, dst3, zn, zd)


def _combine_body(pnum_ref, pden_ref, bias_ref, out_ref):
    pn = pnum_ref[...]
    pd = pden_ref[...]
    num = pn[0] + pn[1]
    den = pd[0] + pd[1]
    r16 = lax.broadcasted_iota(jnp.int32, (16, HD), 0)
    c16 = lax.broadcasted_iota(jnp.int32, (16, HD), 1) // OUT_DIM
    m16 = jnp.where(r16 == c16, 1.0, 0.0)
    den_b = jnp.dot(den, m16, preferred_element_type=jnp.float32)
    out_ref[...] = num / den_b + bias_ref[...]


def _combine(pnum, pden, bias, num_cores):
    rows = 2000
    grid = N_NODES // rows
    return pl.pallas_call(
        _combine_body,
        grid=(grid,),
        in_specs=[
            pl.BlockSpec((num_cores, rows, HD), lambda i: (0, i, 0)),
            pl.BlockSpec((num_cores, rows, 16), lambda i: (0, i, 0)),
            pl.BlockSpec((1, HD), lambda i: (0, 0)),
        ],
        out_specs=pl.BlockSpec((rows, HD), lambda i: (i, 0)),
        out_shape=jax.ShapeDtypeStruct((N_NODES, HD), jnp.float32),
    )(pnum, pden, bias.reshape(1, HD))


def kernel(x, edge_index, W, att_src, att_dst, bias):
    num_cores, num_subcores = _sc_info()
    nw = num_cores * num_subcores
    xp, ast, adt = _project(x, W, att_src, att_dst)
    ast_pad = jnp.pad(ast, ((0, NPAD - N_NODES), (0, 0)))
    adt_pad = jnp.pad(adt, ((0, NPAD - N_NODES), (0, 0)))

    self_loops = jnp.arange(N_NODES, dtype=jnp.int32)
    src = jnp.concatenate([edge_index[0], self_loops])
    dst = jnp.concatenate([edge_index[1], self_loops])
    e_tot = src.shape[0]
    chunk = nw * K_EDGE
    num_rounds = 3 * -(-e_tot // (3 * chunk))
    e_pad = num_rounds * chunk - e_tot
    src = jnp.pad(src, (0, e_pad)).reshape(nw, num_rounds, K_EDGE)
    dst = jnp.pad(dst, (0, e_pad), constant_values=N_NODES).reshape(nw, num_rounds, K_EDGE)

    pnum, pden = _edge_pass(xp, ast_pad, adt_pad, src, dst, num_rounds, num_cores, num_subcores)
    return _combine(pnum, pden, bias, num_cores)

# --- scband reference (transcript-rebuilt; emitter-appended) ---
"""Pipeline reference for scband-gatconv-77206332112931 (READ-ONLY COPY).

The authoritative reference and input builder live on the scoring server;
editing this copy changes nothing except your own understanding.
"""

import jax, jax.numpy as jnp
import numpy as np

N = 10000
E = 320000
IN_DIM = 128
HEADS = 4
OUT_DIM = 32
NEG_SLOPE = 0.2


def _xavier(key, shape, fan_in, fan_out, gain):
    std = gain * np.sqrt(2.0 / (fan_in + fan_out))
    return jax.random.normal(key, shape, dtype=jnp.float32) * std


def setup_inputs(seed: int = 0) -> dict:
    key = jax.random.key(seed)
    k1, k2, k3, k4, k5 = jax.random.split(key, 5)
    gain = float(np.sqrt(2.0))
    x = jax.random.normal(k1, (N, IN_DIM), dtype=jnp.float32)
    edge_index = jax.random.randint(k2, (2, E), 0, N, dtype=jnp.int32)
    # lin.weight in torch is [heads*out_dim, in_dim]; we store W = weight.T -> [in_dim, heads*out_dim]
    W = _xavier(k3, (IN_DIM, HEADS * OUT_DIM), IN_DIM, HEADS * OUT_DIM, gain)
    att_src = _xavier(k4, (HEADS, OUT_DIM), OUT_DIM, HEADS, gain)
    att_dst = _xavier(k5, (HEADS, OUT_DIM), OUT_DIM, HEADS, gain)
    bias = jnp.zeros((HEADS * OUT_DIM,), dtype=jnp.float32)
    return {"x": x, "edge_index": edge_index, "W": W, "att_src": att_src, "att_dst": att_dst, "bias": bias}


def reference(x, edge_index, W, att_src, att_dst, bias):
    # add self loops
    self_loops = jnp.arange(N, dtype=edge_index.dtype)
    ei = jnp.concatenate([edge_index, jnp.stack([self_loops, self_loops], axis=0)], axis=1)
    src = ei[0]
    dst = ei[1]
    # linear projection
    x_proj = (x @ W).reshape(N, HEADS, OUT_DIM)
    # gather per-edge features
    x_src = x_proj[src]  # [E+N, H, D]
    x_dst = x_proj[dst]  # [E+N, H, D]
    # attention logits
    att = (x_src * att_src).sum(-1) + (x_dst * att_dst).sum(-1)  # [E+N, H]
    att = jax.nn.leaky_relu(att, negative_slope=NEG_SLOPE)
    # segment softmax over dst (stable)
    seg_max = jax.ops.segment_max(att, dst, num_segments=N)
    exps = jnp.exp(att - seg_max[dst])
    denom = jax.ops.segment_sum(exps, dst, num_segments=N)
    alpha = exps / (denom[dst] + 1e-12)
    # weighted message aggregation (scatter-add)
    m = x_src * alpha[..., None]  # [E+N, H, D]
    out = jax.ops.segment_sum(m, dst, num_segments=N)  # [N, H, D]
    out = out.reshape(N, HEADS * OUT_DIM)
    out = out + bias
    return out

if __name__ == "__main__":
    import jax
    _d = setup_inputs()
    print(jax.jit(kernel)(*tuple(_d.values())))

</pallas_src>

<mosaic_0001>
#map = affine_map<(d0, d1) -> (0, 0)>
#map1 = affine_map<(d0, d1) -> (0, 0, 0)>
module attributes {stable_mosaic.version = 14 : i64} {
  func.func @_edge_body(%arg0: i32, %arg1: i32, %arg2: memref<10000x128xf32, #tpu.memory_space<hbm>>, %arg3: memref<10112x16xf32, #tpu.memory_space<hbm>>, %arg4: memref<10112x16xf32, #tpu.memory_space<hbm>>, %arg5: memref<32x324x32xi32, #tpu.memory_space<hbm>>, %arg6: memref<32x324x32xi32, #tpu.memory_space<hbm>>, %arg7: memref<10112x128xf32, #tpu.memory_space<hbm>>, %arg8: memref<10112x16xf32, #tpu.memory_space<hbm>>, %arg9: memref<2x10112x128xf32, #tpu.memory_space<hbm>>, %arg10: memref<2x10112x16xf32, #tpu.memory_space<hbm>>, %arg11: memref<10112x128xf32, #tpu.memory_space<vmem_shared>>, %arg12: memref<10112x16xf32, #tpu.memory_space<vmem_shared>>, %arg13: memref<324x32xi32, #tpu.memory_space<vmem>>, %arg14: memref<324x32xi32, #tpu.memory_space<vmem>>, %arg15: memref<32x16xf32, #tpu.memory_space<vmem>>, %arg16: memref<32x16xf32, #tpu.memory_space<vmem>>, %arg17: memref<32x128xf32, #tpu.memory_space<vmem>>, %arg18: memref<32x16xf32, #tpu.memory_space<vmem>>, %arg19: memref<32x16xf32, #tpu.memory_space<vmem>>, %arg20: memref<32x16xf32, #tpu.memory_space<vmem>>, %arg21: memref<32x128xf32, #tpu.memory_space<vmem>>, %arg22: memref<32x16xf32, #tpu.memory_space<vmem>>, %arg23: memref<32x16xf32, #tpu.memory_space<vmem>>, %arg24: memref<32x16xf32, #tpu.memory_space<vmem>>, %arg25: memref<32x128xf32, #tpu.memory_space<vmem>>, %arg26: memref<32x16xf32, #tpu.memory_space<vmem>>, %arg27: memref<!tpu.dma_semaphore, #tpu.memory_space<semaphore_mem>>, %arg28: memref<!tpu.dma_semaphore, #tpu.memory_space<semaphore_mem>>, %arg29: memref<!tpu.dma_semaphore, #tpu.memory_space<semaphore_mem>>, %arg30: memref<!tpu.dma_semaphore, #tpu.memory_space<semaphore_mem>>, %arg31: memref<!tpu.dma_semaphore, #tpu.memory_space<semaphore_mem>>, %arg32: memref<!tpu.dma_semaphore, #tpu.memory_space<semaphore_mem>>, %arg33: memref<!tpu.dma_semaphore, #tpu.memory_space<semaphore_mem>>, %arg34: memref<!tpu.dma_semaphore, #tpu.memory_space<semaphore_mem>>, %arg35: memref<!tpu.dma_semaphore, #tpu.memory_space<semaphore_mem>>, %arg36: memref<!tpu.dma_semaphore, #tpu.memory_space<semaphore_mem>>, %arg37: memref<!tpu.dma_semaphore, #tpu.memory_space<semaphore_mem>>, %arg38: memref<!tpu.dma_semaphore, #tpu.memory_space<semaphore_mem>>) attributes {dimension_semantics = [#tpu.dimension_semantics<core_parallel>, #tpu.dimension_semantics<subcore_parallel>], iteration_bounds = array<i64: 2, 16>, scalar_prefetch = 0 : i64, scratch_operands = 28 : i64, tpu.core_type = #tpu.core_type<sc_vector_subcore>, window_params = [{transform_indices = #map}, {transform_indices = #map}, {transform_indices = #map}, {transform_indices = #map1}, {transform_indices = #map1}, {transform_indices = #map}, {transform_indices = #map}, {transform_indices = #map1}, {transform_indices = #map1}]} {
    %mul3A = arith.constant 2 : i32
    %mul3A_0 = arith.muli %arg1, %mul3A : i32
    %add3A = arith.addi %mul3A_0, %arg0 : i32
    %mul3A_1 = arith.constant 632 : i32
    %mul3A_2 = arith.muli %arg1, %mul3A_1 : i32
    "tpu.region"() ({
      %run_scoped3A = tpu.sem_alloc : memref<!tpu.dma_semaphore, #tpu.memory_space<semaphore_mem>>
      %dma_start3A_105 = arith.constant 0 : i32
      %dma_start3A_106 = tpu.memref_slice %arg11[%mul3A_2, %dma_start3A_105] : memref<10112x128xf32, #tpu.memory_space<vmem_shared>> -> memref<632x128xf32, #tpu.memory_space<vmem_shared>>
      %dma_start3A_107 = arith.constant 0 : i32
      %dma_start3A_108 = tpu.memref_slice %arg7[%mul3A_2, %dma_start3A_107] : memref<10112x128xf32, #tpu.memory_space<hbm>> -> memref<632x128xf32, #tpu.memory_space<hbm>>
      tpu.enqueue_dma source(%dma_start3A_108 : memref<632x128xf32, #tpu.memory_space<hbm>>) target(%dma_start3A_106 : memref<632x128xf32, #tpu.memory_space<vmem_shared>>) target_semaphore(%run_scoped3A : memref<!tpu.dma_semaphore, #tpu.memory_space<semaphore_mem>>)
      %dma_wait3A_109 = arith.constant 0 : i32
      %dma_wait3A_110 = tpu.memref_slice %arg11[%mul3A_2, %dma_wait3A_109] : memref<10112x128xf32, #tpu.memory_space<vmem_shared>> -> memref<632x128xf32, #tpu.memory_space<vmem_shared>>
      %dma_wait3A_111 = arith.constant 0 : i32
      %dma_wait3A_112 = tpu.memref_slice %arg7[%mul3A_2, %dma_wait3A_111] : memref<10112x128xf32, #tpu.memory_space<hbm>> -> memref<632x128xf32, #tpu.memory_space<hbm>>
      tpu.wait_dma2 semaphore(%run_scoped3A : memref<!tpu.dma_semaphore, #tpu.memory_space<semaphore_mem>>) src(%dma_wait3A_112 : memref<632x128xf32, #tpu.memory_space<hbm>>) dst(%dma_wait3A_110 : memref<632x128xf32, #tpu.memory_space<vmem_shared>>)
      tpu.yield
    }) : () -> ()
    "tpu.region"() ({
      %run_scoped3A = tpu.sem_alloc : memref<!tpu.dma_semaphore, #tpu.memory_space<semaphore_mem>>
      %dma_start3A_105 = arith.constant 0 : i32
      %dma_start3A_106 = tpu.memref_slice %arg12[%mul3A_2, %dma_start3A_105] : memref<10112x16xf32, #tpu.memory_space<vmem_shared>> -> memref<632x16xf32, #tpu.memory_space<vmem_shared>>
      %dma_start3A_107 = arith.constant 0 : i32
      %dma_start3A_108 = tpu.memref_slice %arg8[%mul3A_2, %dma_start3A_107] : memref<10112x16xf32, #tpu.memory_space<hbm>> -> memref<632x16xf32, #tpu.memory_space<hbm>>
      tpu.enqueue_dma source(%dma_start3A_108 : memref<632x16xf32, #tpu.memory_space<hbm>>) target(%dma_start3A_106 : memref<632x16xf32, #tpu.memory_space<vmem_shared>>) target_semaphore(%run_scoped3A : memref<!tpu.dma_semaphore, #tpu.memory_space<semaphore_mem>>)
      %dma_wait3A_109 = arith.constant 0 : i32
      %dma_wait3A_110 = tpu.memref_slice %arg12[%mul3A_2, %dma_wait3A_109] : memref<10112x16xf32, #tpu.memory_space<vmem_shared>> -> memref<632x16xf32, #tpu.memory_space<vmem_shared>>
      %dma_wait3A_111 = arith.constant 0 : i32
      %dma_wait3A_112 = tpu.memref_slice %arg8[%mul3A_2, %dma_wait3A_111] : memref<10112x16xf32, #tpu.memory_space<hbm>> -> memref<632x16xf32, #tpu.memory_space<hbm>>
      tpu.wait_dma2 semaphore(%run_scoped3A : memref<!tpu.dma_semaphore, #tpu.memory_space<semaphore_mem>>) src(%dma_wait3A_112 : memref<632x16xf32, #tpu.memory_space<hbm>>) dst(%dma_wait3A_110 : memref<632x16xf32, #tpu.memory_space<vmem_shared>>)
      tpu.yield
    }) : () -> ()
    "tpu.region"() ({
      %run_scoped3A = tpu.sem_alloc : memref<!tpu.dma_semaphore, #tpu.memory_space<semaphore_mem>>
      %dma_start3A_105 = arith.constant 0 : i32
      %dma_start3A_106 = arith.constant 0 : i32
      %dma_start3A_107 = tpu.memref_slice %arg5[%add3A, %dma_start3A_105, %dma_start3A_106] : memref<32x324x32xi32, #tpu.memory_space<hbm>> -> memref<1x324x32xi32, #tpu.memory_space<hbm>>
      %dma_start3A_108 = tpu.memref_squeeze %dma_start3A_107 : memref<1x324x32xi32, #tpu.memory_space<hbm>> -> memref<324x32xi32, #tpu.memory_space<hbm>>
      %dma_start3A_109 = arith.constant 0 : i32
      %dma_start3A_110 = arith.constant 0 : i32
      %dma_start3A_111 = tpu.memref_slice %arg5[%add3A, %dma_start3A_109, %dma_start3A_110] : memref<32x324x32xi32, #tpu.memory_space<hbm>> -> memref<1x324x32xi32, #tpu.memory_space<hbm>>
      %dma_start3A_112 = tpu.memref_squeeze %dma_start3A_111 : memref<1x324x32xi32, #tpu.memory_space<hbm>> -> memref<324x32xi32, #tpu.memory_space<hbm>>
      tpu.enqueue_dma source(%dma_start3A_112 : memref<324x32xi32, #tpu.memory_space<hbm>>) target(%arg13 : memref<324x32xi32, #tpu.memory_space<vmem>>) target_semaphore(%run_scoped3A : memref<!tpu.dma_semaphore, #tpu.memory_space<semaphore_mem>>)
      %dma_wait3A_113 = arith.constant 0 : i32
      %dma_wait3A_114 = arith.constant 0 : i32
      %dma_wait3A_115 = tpu.memref_slice %arg5[%add3A, %dma_wait3A_113, %dma_wait3A_114] : memref<32x324x32xi32, #tpu.memory_space<hbm>> -> memref<1x324x32xi32, #tpu.memory_space<hbm>>
      %dma_wait3A_116 = tpu.memref_squeeze %dma_wait3A_115 : memref<1x324x32xi32, #tpu.memory_space<hbm>> -> memref<324x32xi32, #tpu.memory_space<hbm>>
      %dma_wait3A_117 = arith.constant 0 : i32
      %dma_wait3A_118 = arith.constant 0 : i32
      %dma_wait3A_119 = tpu.memref_slice %arg5[%add3A, %dma_wait3A_117, %dma_wait3A_118] : memref<32x324x32xi32, #tpu.memory_space<hbm>> -> memref<1x324x32xi32, #tpu.memory_space<hbm>>
      %dma_wait3A_120 = tpu.memref_squeeze %dma_wait3A_119 : memref<1x324x32xi32, #tpu.memory_space<hbm>> -> memref<324x32xi32, #tpu.memory_space<hbm>>
      tpu.wait_dma2 semaphore(%run_scoped3A : memref<!tpu.dma_semaphore, #tpu.memory_space<semaphore_mem>>) src(%dma_wait3A_120 : memref<324x32xi32, #tpu.memory_space<hbm>>) dst(%arg13 : memref<324x32xi32, #tpu.memory_space<vmem>>)
      tpu.yield
    }) : () -> ()
    "tpu.region"() ({
      %run_scoped3A = tpu.sem_alloc : memref<!tpu.dma_semaphore, #tpu.memory_space<semaphore_mem>>
      %dma_start3A_105 = arith.constant 0 : i32
      %dma_start3A_106 = arith.constant 0 : i32
      %dma_start3A_107 = tpu.memref_slice %arg6[%add3A, %dma_start3A_105, %dma_start3A_106] : memref<32x324x32xi32, #tpu.memory_space<hbm>> -> memref<1x324x32xi32, #tpu.memory_space<hbm>>
      %dma_start3A_108 = tpu.memref_squeeze %dma_start3A_107 : memref<1x324x32xi32, #tpu.memory_space<hbm>> -> memref<324x32xi32, #tpu.memory_space<hbm>>
      %dma_start3A_109 = arith.constant 0 : i32
      %dma_start3A_110 = arith.constant 0 : i32
      %dma_start3A_111 = tpu.memref_slice %arg6[%add3A, %dma_start3A_109, %dma_start3A_110] : memref<32x324x32xi32, #tpu.memory_space<hbm>> -> memref<1x324x32xi32, #tpu.memory_space<hbm>>
      %dma_start3A_112 = tpu.memref_squeeze %dma_start3A_111 : memref<1x324x32xi32, #tpu.memory_space<hbm>> -> memref<324x32xi32, #tpu.memory_space<hbm>>
      tpu.enqueue_dma source(%dma_start3A_112 : memref<324x32xi32, #tpu.memory_space<hbm>>) target(%arg14 : memref<324x32xi32, #tpu.memory_space<vmem>>) target_semaphore(%run_scoped3A : memref<!tpu.dma_semaphore, #tpu.memory_space<semaphore_mem>>)
      %dma_wait3A_113 = arith.constant 0 : i32
      %dma_wait3A_114 = arith.constant 0 : i32
      %dma_wait3A_115 = tpu.memref_slice %arg6[%add3A, %dma_wait3A_113, %dma_wait3A_114] : memref<32x324x32xi32, #tpu.memory_space<hbm>> -> memref<1x324x32xi32, #tpu.memory_space<hbm>>
      %dma_wait3A_116 = tpu.memref_squeeze %dma_wait3A_115 : memref<1x324x32xi32, #tpu.memory_space<hbm>> -> memref<324x32xi32, #tpu.memory_space<hbm>>
      %dma_wait3A_117 = arith.constant 0 : i32
      %dma_wait3A_118 = arith.constant 0 : i32
      %dma_wait3A_119 = tpu.memref_slice %arg6[%add3A, %dma_wait3A_117, %dma_wait3A_118] : memref<32x324x32xi32, #tpu.memory_space<hbm>> -> memref<1x324x32xi32, #tpu.memory_space<hbm>>
      %dma_wait3A_120 = tpu.memref_squeeze %dma_wait3A_119 : memref<1x324x32xi32, #tpu.memory_space<hbm>> -> memref<324x32xi32, #tpu.memory_space<hbm>>
      tpu.wait_dma2 semaphore(%run_scoped3A : memref<!tpu.dma_semaphore, #tpu.memory_space<semaphore_mem>>) src(%dma_wait3A_120 : memref<324x32xi32, #tpu.memory_space<hbm>>) dst(%arg14 : memref<324x32xi32, #tpu.memory_space<vmem>>)
      tpu.yield
    }) : () -> ()
    %barrier3A = arith.constant 0 : index
    tpu.barrier barrier_id(%barrier3A)
    %dma_start3A = arith.constant 0 : i32
    %dma_start3A_3 = arith.constant 0 : i32
    %dma_start3A_4 = tpu.memref_slice %arg13[%dma_start3A, %dma_start3A_3] : memref<324x32xi32, #tpu.memory_space<vmem>> -> memref<1x32xi32, #tpu.memory_space<vmem>>
    %dma_start3A_5 = tpu.memref_squeeze %dma_start3A_4 : memref<1x32xi32, #tpu.memory_space<vmem>> -> memref<32xi32, #tpu.memory_space<vmem>>
    %dma_start3A_6 = arith.constant 0 : i32
    %dma_start3A_7 = arith.constant 0 : i32
    %dma_start3A_8 = tpu.memref_slice %arg3[%dma_start3A_6, %dma_start3A_7] : memref<10112x16xf32, #tpu.memory_space<hbm>> -> memref<10112x16xf32, #tpu.memory_space<hbm>>
    tpu.enqueue_indirect_dma source(%dma_start3A_8 : memref<10112x16xf32, #tpu.memory_space<hbm>>) target(%arg15 : memref<32x16xf32, #tpu.memory_space<vmem>>) offsets(%dma_start3A_5 : memref<32xi32, #tpu.memory_space<vmem>>) semaphore(%arg27 : memref<!tpu.dma_semaphore, #tpu.memory_space<semaphore_mem>>)
    %dma_start3A_9 = arith.constant 0 : i32
    %dma_start3A_10 = arith.constant 0 : i32
    %dma_start3A_11 = tpu.memref_slice %arg14[%dma_start3A_9, %dma_start3A_10] : memref<324x32xi32, #tpu.memory_space<vmem>> -> memref<1x32xi32, #tpu.memory_space<vmem>>
    %dma_start3A_12 = tpu.memref_squeeze %dma_start3A_11 : memref<1x32xi32, #tpu.memory_space<vmem>> -> memref<32xi32, #tpu.memory_space<vmem>>
    %dma_start3A_13 = arith.constant 0 : i32
    %dma_start3A_14 = arith.constant 0 : i32
    %dma_start3A_15 = tpu.memref_slice %arg4[%dma_start3A_13, %dma_start3A_14] : memref<10112x16xf32, #tpu.memory_space<hbm>> -> memref<10112x16xf32, #tpu.memory_space<hbm>>
    tpu.enqueue_indirect_dma source(%dma_start3A_15 : memref<10112x16xf32, #tpu.memory_space<hbm>>) target(%arg16 : memref<32x16xf32, #tpu.memory_space<vmem>>) offsets(%dma_start3A_12 : memref<32xi32, #tpu.memory_space<vmem>>) semaphore(%arg28 : memref<!tpu.dma_semaphore, #tpu.memory_space<semaphore_mem>>)
    %dma_start3A_16 = arith.constant 0 : i32
    %dma_start3A_17 = arith.constant 0 : i32
    %dma_start3A_18 = tpu.memref_slice %arg13[%dma_start3A_16, %dma_start3A_17] : memref<324x32xi32, #tpu.memory_space<vmem>> -> memref<1x32xi32, #tpu.memory_space<vmem>>
    %dma_start3A_19 = tpu.memref_squeeze %dma_start3A_18 : memref<1x32xi32, #tpu.memory_space<vmem>> -> memref<32xi32, #tpu.memory_space<vmem>>
    %dma_start3A_20 = arith.constant 0 : i32
    %dma_start3A_21 = arith.constant 0 : i32
    %dma_start3A_22 = tpu.memref_slice %arg2[%dma_start3A_20, %dma_start3A_21] : memref<10000x128xf32, #tpu.memory_space<hbm>> -> memref<10000x128xf32, #tpu.memory_space<hbm>>
    tpu.enqueue_indirect_dma source(%dma_start3A_22 : memref<10000x128xf32, #tpu.memory_space<hbm>>) target(%arg17 : memref<32x128xf32, #tpu.memory_space<vmem>>) offsets(%dma_start3A_19 : memref<32xi32, #tpu.memory_space<vmem>>) semaphore(%arg29 : memref<!tpu.dma_semaphore, #tpu.memory_space<semaphore_mem>>)
    %dma_start3A_23 = arith.constant 1 : i32
    %dma_start3A_24 = arith.constant 0 : i32
    %dma_start3A_25 = tpu.memref_slice %arg13[%dma_start3A_23, %dma_start3A_24] : memref<324x32xi32, #tpu.memory_space<vmem>> -> memref<1x32xi32, #tpu.memory_space<vmem>>
    %dma_start3A_26 = tpu.memref_squeeze %dma_start3A_25 : memref<1x32xi32, #tpu.memory_space<vmem>> -> memref<32xi32, #tpu.memory_space<vmem>>
    %dma_start3A_27 = arith.constant 0 : i32
    %dma_start3A_28 = arith.constant 0 : i32
    %dma_start3A_29 = tpu.memref_slice %arg3[%dma_start3A_27, %dma_start3A_28] : memref<10112x16xf32, #tpu.memory_space<hbm>> -> memref<10112x16xf32, #tpu.memory_space<hbm>>
    tpu.enqueue_indirect_dma source(%dma_start3A_29 : memref<10112x16xf32, #tpu.memory_space<hbm>>) target(%arg19 : memref<32x16xf32, #tpu.memory_space<vmem>>) offsets(%dma_start3A_26 : memref<32xi32, #tpu.memory_space<vmem>>) semaphore(%arg31 : memref<!tpu.dma_semaphore, #tpu.memory_space<semaphore_mem>>)
    %dma_start3A_30 = arith.constant 1 : i32
    %dma_start3A_31 = arith.constant 0 : i32
    %dma_start3A_32 = tpu.memref_slice %arg14[%dma_start3A_30, %dma_start3A_31] : memref<324x32xi32, #tpu.memory_space<vmem>> -> memref<1x32xi32, #tpu.memory_space<vmem>>
    %dma_start3A_33 = tpu.memref_squeeze %dma_start3A_32 : memref<1x32xi32, #tpu.memory_space<vmem>> -> memref<32xi32, #tpu.memory_space<vmem>>
    %dma_start3A_34 = arith.constant 0 : i32
    %dma_start3A_35 = arith.constant 0 : i32
    %dma_start3A_36 = tpu.memref_slice %arg4[%dma_start3A_34, %dma_start3A_35] : memref<10112x16xf32, #tpu.memory_space<hbm>> -> memref<10112x16xf32, #tpu.memory_space<hbm>>
    tpu.enqueue_indirect_dma source(%dma_start3A_36 : memref<10112x16xf32, #tpu.memory_space<hbm>>) target(%arg20 : memref<32x16xf32, #tpu.memory_space<vmem>>) offsets(%dma_start3A_33 : memref<32xi32, #tpu.memory_space<vmem>>) semaphore(%arg32 : memref<!tpu.dma_semaphore, #tpu.memory_space<semaphore_mem>>)
    %dma_start3A_37 = arith.constant 1 : i32
    %dma_start3A_38 = arith.constant 0 : i32
    %dma_start3A_39 = tpu.memref_slice %arg13[%dma_start3A_37, %dma_start3A_38] : memref<324x32xi32, #tpu.memory_space<vmem>> -> memref<1x32xi32, #tpu.memory_space<vmem>>
    %dma_start3A_40 = tpu.memref_squeeze %dma_start3A_39 : memref<1x32xi32, #tpu.memory_space<vmem>> -> memref<32xi32, #tpu.memory_space<vmem>>
    %dma_start3A_41 = arith.constant 0 : i32
    %dma_start3A_42 = arith.constant 0 : i32
    %dma_start3A_43 = tpu.memref_slice %arg2[%dma_start3A_41, %dma_start3A_42] : memref<10000x128xf32, #tpu.memory_space<hbm>> -> memref<10000x128xf32, #tpu.memory_space<hbm>>
    tpu.enqueue_indirect_dma source(%dma_start3A_43 : memref<10000x128xf32, #tpu.memory_space<hbm>>) target(%arg21 : memref<32x128xf32, #tpu.memory_space<vmem>>) offsets(%dma_start3A_40 : memref<32xi32, #tpu.memory_space<vmem>>) semaphore(%arg33 : memref<!tpu.dma_semaphore, #tpu.memory_space<semaphore_mem>>)
    %scan3A = arith.constant 0 : i32
    %scan3A_44 = arith.constant 0 : i32
    %scan3A_45 = arith.constant 108 : i32
    %scan3A_46 = arith.addi %scan3A_44, %scan3A_45 : i32
    %scan3A_47 = arith.constant 1 : i32
    scf.for %scan3A_105 = %scan3A_44 to %scan3A_46 step %scan3A_47  : i32 {
      %mul3A_106 = arith.constant 3 : i32
      %mul3A_107 = arith.muli %mul3A_106, %scan3A_105 : i32
      %dma_wait3A_108 = arith.constant 0 : i32
      %dma_wait3A_109 = tpu.memref_slice %arg13[%mul3A_107, %dma_wait3A_108] : memref<324x32xi32, #tpu.memory_space<vmem>> -> memref<1x32xi32, #tpu.memory_space<vmem>>
      %dma_wait3A_110 = tpu.memref_squeeze %dma_wait3A_109 : memref<1x32xi32, #tpu.memory_space<vmem>> -> memref<32xi32, #tpu.memory_space<vmem>>
      %dma_wait3A_111 = arith.constant 0 : i32
      %dma_wait3A_112 = arith.constant 0 : i32
      %dma_wait3A_113 = tpu.memref_slice %arg3[%dma_wait3A_111, %dma_wait3A_112] : memref<10112x16xf32, #tpu.memory_space<hbm>> -> memref<10112x16xf32, #tpu.memory_space<hbm>>
      tpu.wait_indirect_dma semaphore(%arg27 : memref<!tpu.dma_semaphore, #tpu.memory_space<semaphore_mem>>) src(%dma_wait3A_113 : memref<10112x16xf32, #tpu.memory_space<hbm>>) dst(%arg15 : memref<32x16xf32, #tpu.memory_space<vmem>>)
      %dma_wait3A_114 = arith.constant 0 : i32
      %dma_wait3A_115 = tpu.memref_slice %arg14[%mul3A_107, %dma_wait3A_114] : memref<324x32xi32, #tpu.memory_space<vmem>> -> memref<1x32xi32, #tpu.memory_space<vmem>>
      %dma_wait3A_116 = tpu.memref_squeeze %dma_wait3A_115 : memref<1x32xi32, #tpu.memory_space<vmem>> -> memref<32xi32, #tpu.memory_space<vmem>>
      %dma_wait3A_117 = arith.constant 0 : i32
      %dma_wait3A_118 = arith.constant 0 : i32
      %dma_wait3A_119 = tpu.memref_slice %arg4[%dma_wait3A_117, %dma_wait3A_118] : memref<10112x16xf32, #tpu.memory_space<hbm>> -> memref<10112x16xf32, #tpu.memory_space<hbm>>
      tpu.wait_indirect_dma semaphore(%arg28 : memref<!tpu.dma_semaphore, #tpu.memory_space<semaphore_mem>>) src(%dma_wait3A_119 : memref<10112x16xf32, #tpu.memory_space<hbm>>) dst(%arg16 : memref<32x16xf32, #tpu.memory_space<vmem>>)
      %dma_wait3A_120 = arith.constant 0 : i32
      %dma_wait3A_121 = tpu.memref_slice %arg13[%mul3A_107, %dma_wait3A_120] : memref<324x32xi32, #tpu.memory_space<vmem>> -> memref<1x32xi32, #tpu.memory_space<vmem>>
      %dma_wait3A_122 = tpu.memref_squeeze %dma_wait3A_121 : memref<1x32xi32, #tpu.memory_space<vmem>> -> memref<32xi32, #tpu.memory_space<vmem>>
      %dma_wait3A_123 = arith.constant 0 : i32
      %dma_wait3A_124 = arith.constant 0 : i32
      %dma_wait3A_125 = tpu.memref_slice %arg2[%dma_wait3A_123, %dma_wait3A_124] : memref<10000x128xf32, #tpu.memory_space<hbm>> -> memref<10000x128xf32, #tpu.memory_space<hbm>>
      tpu.wait_indirect_dma semaphore(%arg29 : memref<!tpu.dma_semaphore, #tpu.memory_space<semaphore_mem>>) src(%dma_wait3A_125 : memref<10000x128xf32, #tpu.memory_space<hbm>>) dst(%arg17 : memref<32x128xf32, #tpu.memory_space<vmem>>)
      %scan3A_126 = arith.constant 0 : i32
      %scan3A_127 = arith.constant 0 : i32
      %scan3A_128 = arith.constant 4 : i32
      %scan3A_129 = arith.addi %scan3A_127, %scan3A_128 : i32
      %scan3A_130 = arith.constant 1 : i32
      scf.for %scan3A_333 = %scan3A_127 to %scan3A_129 step %scan3A_130  : i32 {
        %mul3A_334 = arith.constant 8 : i32
        %mul3A_335 = arith.muli %scan3A_333, %mul3A_334 : i32
        %add3A_336 = arith.constant 0 : i32
        %add3A_337 = arith.addi %mul3A_335, %add3A_336 : i32
        %get3A = arith.index_cast %add3A_337 : i32 to index
        %get3A_338 = arith.constant 0 : index
        %get3A_339 = tpu.vector_load %arg15[%get3A, %get3A_338] {strides = array<i32>} : memref<32x16xf32, #tpu.memory_space<vmem>>, vector<1x16xf32>,
        %get3A_340 = vector.shape_cast %get3A_339 : vector<1x16xf32> to vector<16xf32>
        %add3A_341 = arith.constant 0 : i32
        %add3A_342 = arith.addi %mul3A_335, %add3A_341 : i32
        %get3A_343 = arith.index_cast %add3A_342 : i32 to index
        %get3A_344 = arith.constant 0 : index
        %get3A_345 = tpu.vector_load %arg16[%get3A_343, %get3A_344] {strides = array<i32>} : memref<32x16xf32, #tpu.memory_space<vmem>>, vector<1x16xf32>,
        %get3A_346 = vector.shape_cast %get3A_345 : vector<1x16xf32> to vector<16xf32>
        %add3A_347 = arith.addf %get3A_340, %get3A_346 : vector<16xf32>
        %add3A_348 = arith.constant 1 : i32
        %add3A_349 = arith.addi %mul3A_335, %add3A_348 : i32
        %get3A_350 = arith.index_cast %add3A_349 : i32 to index
        %get3A_351 = arith.constant 0 : index
        %get3A_352 = tpu.vector_load %arg15[%get3A_350, %get3A_351] {strides = array<i32>} : memref<32x16xf32, #tpu.memory_space<vmem>>, vector<1x16xf32>,
        %get3A_353 = vector.shape_cast %get3A_352 : vector<1x16xf32> to vector<16xf32>
        %add3A_354 = arith.constant 1 : i32
        %add3A_355 = arith.addi %mul3A_335, %add3A_354 : i32
        %get3A_356 = arith.index_cast %add3A_355 : i32 to index
        %get3A_357 = arith.constant 0 : index
        %get3A_358 = tpu.vector_load %arg16[%get3A_356, %get3A_357] {strides = array<i32>} : memref<32x16xf32, #tpu.memory_space<vmem>>, vector<1x16xf32>,
        %get3A_359 = vector.shape_cast %get3A_358 : vector<1x16xf32> to vector<16xf32>
        %add3A_360 = arith.addf %get3A_353, %get3A_359 : vector<16xf32>
        %add3A_361 = arith.constant 2 : i32
        %add3A_362 = arith.addi %mul3A_335, %add3A_361 : i32
        %get3A_363 = arith.index_cast %add3A_362 : i32 to index
        %get3A_364 = arith.constant 0 : index
        %get3A_365 = tpu.vector_load %arg15[%get3A_363, %get3A_364] {strides = array<i32>} : memref<32x16xf32, #tpu.memory_space<vmem>>, vector<1x16xf32>,
        %get3A_366 = vector.shape_cast %get3A_365 : vector<1x16xf32> to vector<16xf32>
        %add3A_367 = arith.constant 2 : i32
        %add3A_368 = arith.addi %mul3A_335, %add3A_367 : i32
        %get3A_369 = arith.index_cast %add3A_368 : i32 to index
        %get3A_370 = arith.constant 0 : index
        %get3A_371 = tpu.vector_load %arg16[%get3A_369, %get3A_370] {strides = array<i32>} : memref<32x16xf32, #tpu.memory_space<vmem>>, vector<1x16xf32>,
        %get3A_372 = vector.shape_cast %get3A_371 : vector<1x16xf32> to vector<16xf32>
        %add3A_373 = arith.addf %get3A_366, %get3A_372 : vector<16xf32>
        %add3A_374 = arith.constant 3 : i32
        %add3A_375 = arith.addi %mul3A_335, %add3A_374 : i32
        %get3A_376 = arith.index_cast %add3A_375 : i32 to index
        %get3A_377 = arith.constant 0 : index
        %get3A_378 = tpu.vector_load %arg15[%get3A_376, %get3A_377] {strides = array<i32>} : memref<32x16xf32, #tpu.memory_space<vmem>>, vector<1x16xf32>,
        %get3A_379 = vector.shape_cast %get3A_378 : vector<1x16xf32> to vector<16xf32>
        %add3A_380 = arith.constant 3 : i32
        %add3A_381 = arith.addi %mul3A_335, %add3A_380 : i32
        %get3A_382 = arith.index_cast %add3A_381 : i32 to index
        %get3A_383 = arith.constant 0 : index
        %get3A_384 = tpu.vector_load %arg16[%get3A_382, %get3A_383] {strides = array<i32>} : memref<32x16xf32, #tpu.memory_space<vmem>>, vector<1x16xf32>,
        %get3A_385 = vector.shape_cast %get3A_384 : vector<1x16xf32> to vector<16xf32>
        %add3A_386 = arith.addf %get3A_379, %get3A_385 : vector<16xf32>
        %add3A_387 = arith.constant 4 : i32
        %add3A_388 = arith.addi %mul3A_335, %add3A_387 : i32
        %get3A_389 = arith.index_cast %add3A_388 : i32 to index
        %get3A_390 = arith.constant 0 : index
        %get3A_391 = tpu.vector_load %arg15[%get3A_389, %get3A_390] {strides = array<i32>} : memref<32x16xf32, #tpu.memory_space<vmem>>, vector<1x16xf32>,
        %get3A_392 = vector.shape_cast %get3A_391 : vector<1x16xf32> to vector<16xf32>
        %add3A_393 = arith.constant 4 : i32
        %add3A_394 = arith.addi %mul3A_335, %add3A_393 : i32
        %get3A_395 = arith.index_cast %add3A_394 : i32 to index
        %get3A_396 = arith.constant 0 : index
        %get3A_397 = tpu.vector_load %arg16[%get3A_395, %get3A_396] {strides = array<i32>} : memref<32x16xf32, #tpu.memory_space<vmem>>, vector<1x16xf32>,
        %get3A_398 = vector.shape_cast %get3A_397 : vector<1x16xf32> to vector<16xf32>
        %add3A_399 = arith.addf %get3A_392, %get3A_398 : vector<16xf32>
        %add3A_400 = arith.constant 5 : i32
        %add3A_401 = arith.addi %mul3A_335, %add3A_400 : i32
        %get3A_402 = arith.index_cast %add3A_401 : i32 to index
        %get3A_403 = arith.constant 0 : index
        %get3A_404 = tpu.vector_load %arg15[%get3A_402, %get3A_403] {strides = array<i32>} : memref<32x16xf32, #tpu.memory_space<vmem>>, vector<1x16xf32>,
        %get3A_405 = vector.shape_cast %get3A_404 : vector<1x16xf32> to vector<16xf32>
        %add3A_406 = arith.constant 5 : i32
        %add3A_407 = arith.addi %mul3A_335, %add3A_406 : i32
        %get3A_408 = arith.index_cast %add3A_407 : i32 to index
        %get3A_409 = arith.constant 0 : index
        %get3A_410 = tpu.vector_load %arg16[%get3A_408, %get3A_409] {strides = array<i32>} : memref<32x16xf32, #tpu.memory_space<vmem>>, vector<1x16xf32>,
        %get3A_411 = vector.shape_cast %get3A_410 : vector<1x16xf32> to vector<16xf32>
        %add3A_412 = arith.addf %get3A_405, %get3A_411 : vector<16xf32>
        %add3A_413 = arith.constant 6 : i32
        %add3A_414 = arith.addi %mul3A_335, %add3A_413 : i32
        %get3A_415 = arith.index_cast %add3A_414 : i32 to index
        %get3A_416 = arith.constant 0 : index
        %get3A_417 = tpu.vector_load %arg15[%get3A_415, %get3A_416] {strides = array<i32>} : memref<32x16xf32, #tpu.memory_space<vmem>>, vector<1x16xf32>,
        %get3A_418 = vector.shape_cast %get3A_417 : vector<1x16xf32> to vector<16xf32>
        %add3A_419 = arith.constant 6 : i32
        %add3A_420 = arith.addi %mul3A_335, %add3A_419 : i32
        %get3A_421 = arith.index_cast %add3A_420 : i32 to index
        %get3A_422 = arith.constant 0 : index
        %get3A_423 = tpu.vector_load %arg16[%get3A_421, %get3A_422] {strides = array<i32>} : memref<32x16xf32, #tpu.memory_space<vmem>>, vector<1x16xf32>,
        %get3A_424 = vector.shape_cast %get3A_423 : vector<1x16xf32> to vector<16xf32>
        %add3A_425 = arith.addf %get3A_418, %get3A_424 : vector<16xf32>
        %add3A_426 = arith.constant 7 : i32
        %add3A_427 = arith.addi %mul3A_335, %add3A_426 : i32
        %get3A_428 = arith.index_cast %add3A_427 : i32 to index
        %get3A_429 = arith.constant 0 : index
        %get3A_430 = tpu.vector_load %arg15[%get3A_428, %get3A_429] {strides = array<i32>} : memref<32x16xf32, #tpu.memory_space<vmem>>, vector<1x16xf32>,
        %get3A_431 = vector.shape_cast %get3A_430 : vector<1x16xf32> to vector<16xf32>
        %add3A_432 = arith.constant 7 : i32
        %add3A_433 = arith.addi %mul3A_335, %add3A_432 : i32
        %get3A_434 = arith.index_cast %add3A_433 : i32 to index
        %get3A_435 = arith.constant 0 : index
        %get3A_436 = tpu.vector_load %arg16[%get3A_434, %get3A_435] {strides = array<i32>} : memref<32x16xf32, #tpu.memory_space<vmem>>, vector<1x16xf32>,
        %get3A_437 = vector.shape_cast %get3A_436 : vector<1x16xf32> to vector<16xf32>
        %add3A_438 = arith.addf %get3A_431, %get3A_437 : vector<16xf32>
        %ge3A = arith.constant 0.000000e+00 : f32
        %ge3A_439 = vector.broadcast %ge3A : f32 to vector<16xf32>
        %ge3A_440 = arith.cmpf oge, %add3A_347, %ge3A_439 : vector<16xf32>
        %mul3A_441 = arith.constant 2.000000e-01 : f32
        %mul3A_442 = vector.broadcast %mul3A_441 : f32 to vector<16xf32>
        %mul3A_443 = arith.mulf %add3A_347, %mul3A_442 : vector<16xf32>
        %select_n3A = arith.select %ge3A_440, %add3A_347, %mul3A_443 : vector<16xi1>, vector<16xf32>
        %ge3A_444 = arith.constant 0.000000e+00 : f32
        %ge3A_445 = vector.broadcast %ge3A_444 : f32 to vector<16xf32>
        %ge3A_446 = arith.cmpf oge, %add3A_360, %ge3A_445 : vector<16xf32>
        %mul3A_447 = arith.constant 2.000000e-01 : f32
        %mul3A_448 = vector.broadcast %mul3A_447 : f32 to vector<16xf32>
        %mul3A_449 = arith.mulf %add3A_360, %mul3A_448 : vector<16xf32>
        %select_n3A_450 = arith.select %ge3A_446, %add3A_360, %mul3A_449 : vector<16xi1>, vector<16xf32>
        %ge3A_451 = arith.constant 0.000000e+00 : f32
        %ge3A_452 = vector.broadcast %ge3A_451 : f32 to vector<16xf32>
        %ge3A_453 = arith.cmpf oge, %add3A_373, %ge3A_452 : vector<16xf32>
        %mul3A_454 = arith.constant 2.000000e-01 : f32
        %mul3A_455 = vector.broadcast %mul3A_454 : f32 to vector<16xf32>
        %mul3A_456 = arith.mulf %add3A_373, %mul3A_455 : vector<16xf32>
        %select_n3A_457 = arith.select %ge3A_453, %add3A_373, %mul3A_456 : vector<16xi1>, vector<16xf32>
        %ge3A_458 = arith.constant 0.000000e+00 : f32
        %ge3A_459 = vector.broadcast %ge3A_458 : f32 to vector<16xf32>
        %ge3A_460 = arith.cmpf oge, %add3A_386, %ge3A_459 : vector<16xf32>
        %mul3A_461 = arith.constant 2.000000e-01 : f32
        %mul3A_462 = vector.broadcast %mul3A_461 : f32 to vector<16xf32>
        %mul3A_463 = arith.mulf %add3A_386, %mul3A_462 : vector<16xf32>
        %select_n3A_464 = arith.select %ge3A_460, %add3A_386, %mul3A_463 : vector<16xi1>, vector<16xf32>
        %ge3A_465 = arith.constant 0.000000e+00 : f32
        %ge3A_466 = vector.broadcast %ge3A_465 : f32 to vector<16xf32>
        %ge3A_467 = arith.cmpf oge, %add3A_399, %ge3A_466 : vector<16xf32>
        %mul3A_468 = arith.constant 2.000000e-01 : f32
        %mul3A_469 = vector.broadcast %mul3A_468 : f32 to vector<16xf32>
        %mul3A_470 = arith.mulf %add3A_399, %mul3A_469 : vector<16xf32>
        %select_n3A_471 = arith.select %ge3A_467, %add3A_399, %mul3A_470 : vector<16xi1>, vector<16xf32>
        %ge3A_472 = arith.constant 0.000000e+00 : f32
        %ge3A_473 = vector.broadcast %ge3A_472 : f32 to vector<16xf32>
        %ge3A_474 = arith.cmpf oge, %add3A_412, %ge3A_473 : vector<16xf32>
        %mul3A_475 = arith.constant 2.000000e-01 : f32
        %mul3A_476 = vector.broadcast %mul3A_475 : f32 to vector<16xf32>
        %mul3A_477 = arith.mulf %add3A_412, %mul3A_476 : vector<16xf32>
        %select_n3A_478 = arith.select %ge3A_474, %add3A_412, %mul3A_477 : vector<16xi1>, vector<16xf32>
        %ge3A_479 = arith.constant 0.000000e+00 : f32
        %ge3A_480 = vector.broadcast %ge3A_479 : f32 to vector<16xf32>
        %ge3A_481 = arith.cmpf oge, %add3A_425, %ge3A_480 : vector<16xf32>
        %mul3A_482 = arith.constant 2.000000e-01 : f32
        %mul3A_483 = vector.broadcast %mul3A_482 : f32 to vector<16xf32>
        %mul3A_484 = arith.mulf %add3A_425, %mul3A_483 : vector<16xf32>
        %select_n3A_485 = arith.select %ge3A_481, %add3A_425, %mul3A_484 : vector<16xi1>, vector<16xf32>
        %ge3A_486 = arith.constant 0.000000e+00 : f32
        %ge3A_487 = vector.broadcast %ge3A_486 : f32 to vector<16xf32>
        %ge3A_488 = arith.cmpf oge, %add3A_438, %ge3A_487 : vector<16xf32>
        %mul3A_489 = arith.constant 2.000000e-01 : f32
        %mul3A_490 = vector.broadcast %mul3A_489 : f32 to vector<16xf32>
        %mul3A_491 = arith.mulf %add3A_438, %mul3A_490 : vector<16xf32>
        %select_n3A_492 = arith.select %ge3A_488, %add3A_438, %mul3A_491 : vector<16xi1>, vector<16xf32>
        %exp3A = math.exp %select_n3A : vector<16xf32>
        %exp3A_493 = math.exp %select_n3A_450 : vector<16xf32>
        %exp3A_494 = math.exp %select_n3A_457 : vector<16xf32>
        %exp3A_495 = math.exp %select_n3A_464 : vector<16xf32>
        %exp3A_496 = math.exp %select_n3A_471 : vector<16xf32>
        %exp3A_497 = math.exp %select_n3A_478 : vector<16xf32>
        %exp3A_498 = math.exp %select_n3A_485 : vector<16xf32>
        %exp3A_499 = math.exp %select_n3A_492 : vector<16xf32>
        %add3A_500 = arith.constant 0 : i32
        %add3A_501 = arith.addi %mul3A_335, %add3A_500 : i32
        %swap3A = arith.index_cast %add3A_501 : i32 to index
        %swap3A_502 = arith.constant 0 : index
        %swap3A_503 = tpu.vector_load %arg18[%swap3A, %swap3A_502] {strides = array<i32>} : memref<32x16xf32, #tpu.memory_space<vmem>>, vector<1x16xf32>,
        %swap3A_504 = vector.shape_cast %swap3A_503 : vector<1x16xf32> to vector<16xf32>
        %swap3A_505 = vector.shape_cast %exp3A : vector<16xf32> to vector<1x16xf32>
        tpu.vector_store %arg18[%swap3A, %swap3A_502], %swap3A_505 {strides = array<i32>} : memref<32x16xf32, #tpu.memory_space<vmem>>, vector<1x16xf32>,
        %add3A_506 = arith.constant 1 : i32
        %add3A_507 = arith.addi %mul3A_335, %add3A_506 : i32
        %swap3A_508 = arith.index_cast %add3A_507 : i32 to index
        %swap3A_509 = arith.constant 0 : index
        %swap3A_510 = tpu.vector_load %arg18[%swap3A_508, %swap3A_509] {strides = array<i32>} : memref<32x16xf32, #tpu.memory_space<vmem>>, vector<1x16xf32>,
        %swap3A_511 = vector.shape_cast %swap3A_510 : vector<1x16xf32> to vector<16xf32>
        %swap3A_512 = vector.shape_cast %exp3A_493 : vector<16xf32> to vector<1x16xf32>
        tpu.vector_store %arg18[%swap3A_508, %swap3A_509], %swap3A_512 {strides = array<i32>} : memref<32x16xf32, #tpu.memory_space<vmem>>, vector<1x16xf32>,
        %add3A_513 = arith.constant 2 : i32
        %add3A_514 = arith.addi %mul3A_335, %add3A_513 : i32
        %swap3A_515 = arith.index_cast %add3A_514 : i32 to index
        %swap3A_516 = arith.constant 0 : index
        %swap3A_517 = tpu.vector_load %arg18[%swap3A_515, %swap3A_516] {strides = array<i32>} : memref<32x16xf32, #tpu.memory_space<vmem>>, vector<1x16xf32>,
        %swap3A_518 = vector.shape_cast %swap3A_517 : vector<1x16xf32> to vector<16xf32>
        %swap3A_519 = vector.shape_cast %exp3A_494 : vector<16xf32> to vector<1x16xf32>
        tpu.vector_store %arg18[%swap3A_515, %swap3A_516], %swap3A_519 {strides = array<i32>} : memref<32x16xf32, #tpu.memory_space<vmem>>, vector<1x16xf32>,
        %add3A_520 = arith.constant 3 : i32
        %add3A_521 = arith.addi %mul3A_335, %add3A_520 : i32
        %swap3A_522 = arith.index_cast %add3A_521 : i32 to index
        %swap3A_523 = arith.constant 0 : index
        %swap3A_524 = tpu.vector_load %arg18[%swap3A_522, %swap3A_523] {strides = array<i32>} : memref<32x16xf32, #tpu.memory_space<vmem>>, vector<1x16xf32>,
        %swap3A_525 = vector.shape_cast %swap3A_524 : vector<1x16xf32> to vector<16xf32>
        %swap3A_526 = vector.shape_cast %exp3A_495 : vector<16xf32> to vector<1x16xf32>
        tpu.vector_store %arg18[%swap3A_522, %swap3A_523], %swap3A_526 {strides = array<i32>} : memref<32x16xf32, #tpu.memory_space<vmem>>, vector<1x16xf32>,
        %add3A_527 = arith.constant 4 : i32
        %add3A_528 = arith.addi %mul3A_335, %add3A_527 : i32
        %swap3A_529 = arith.index_cast %add3A_528 : i32 to index
        %swap3A_530 = arith.constant 0 : index
        %swap3A_531 = tpu.vector_load %arg18[%swap3A_529, %swap3A_530] {strides = array<i32>} : memref<32x16xf32, #tpu.memory_space<vmem>>, vector<1x16xf32>,
        %swap3A_532 = vector.shape_cast %swap3A_531 : vector<1x16xf32> to vector<16xf32>
        %swap3A_533 = vector.shape_cast %exp3A_496 : vector<16xf32> to vector<1x16xf32>
        tpu.vector_store %arg18[%swap3A_529, %swap3A_530], %swap3A_533 {strides = array<i32>} : memref<32x16xf32, #tpu.memory_space<vmem>>, vector<1x16xf32>,
        %add3A_534 = arith.constant 5 : i32
        %add3A_535 = arith.addi %mul3A_335, %add3A_534 : i32
        %swap3A_536 = arith.index_cast %add3A_535 : i32 to index
        %swap3A_537 = arith.constant 0 : index
        %swap3A_538 = tpu.vector_load %arg18[%swap3A_536, %swap3A_537] {strides = array<i32>} : memref<32x16xf32, #tpu.memory_space<vmem>>, vector<1x16xf32>,
        %swap3A_539 = vector.shape_cast %swap3A_538 : vector<1x16xf32> to vector<16xf32>
        %swap3A_540 = vector.shape_cast %exp3A_497 : vector<16xf32> to vector<1x16xf32>
        tpu.vector_store %arg18[%swap3A_536, %swap3A_537], %swap3A_540 {strides = array<i32>} : memref<32x16xf32, #tpu.memory_space<vmem>>, vector<1x16xf32>,
        %add3A_541 = arith.constant 6 : i32
        %add3A_542 = arith.addi %mul3A_335, %add3A_541 : i32
        %swap3A_543 = arith.index_cast %add3A_542 : i32 to index
        %swap3A_544 = arith.constant 0 : index
        %swap3A_545 = tpu.vector_load %arg18[%swap3A_543, %swap3A_544] {strides = array<i32>} : memref<32x16xf32, #tpu.memory_space<vmem>>, vector<1x16xf32>,
        %swap3A_546 = vector.shape_cast %swap3A_545 : vector<1x16xf32> to vector<16xf32>
        %swap3A_547 = vector.shape_cast %exp3A_498 : vector<16xf32> to vector<1x16xf32>
        tpu.vector_store %arg18[%swap3A_543, %swap3A_544], %swap3A_547 {strides = array<i32>} : memref<32x16xf32, #tpu.memory_space<vmem>>, vector<1x16xf32>,
        %add3A_548 = arith.constant 7 : i32
        %add3A_549 = arith.addi %mul3A_335, %add3A_548 : i32
        %swap3A_550 = arith.index_cast %add3A_549 : i32 to index
        %swap3A_551 = arith.constant 0 : index
        %swap3A_552 = tpu.vector_load %arg18[%swap3A_550, %swap3A_551] {strides = array<i32>} : memref<32x16xf32, #tpu.memory_space<vmem>>, vector<1x16xf32>,
        %swap3A_553 = vector.shape_cast %swap3A_552 : vector<1x16xf32> to vector<16xf32>
        %swap3A_554 = vector.shape_cast %exp3A_499 : vector<16xf32> to vector<1x16xf32>
        tpu.vector_store %arg18[%swap3A_550, %swap3A_551], %swap3A_554 {strides = array<i32>} : memref<32x16xf32, #tpu.memory_space<vmem>>, vector<1x16xf32>,
      }
      %scan3A_131 = arith.constant 4 : i32
      %scan3A_132 = arith.constant 0 : i32
      %scan3A_133 = arith.constant 0 : i32
      %scan3A_134 = arith.constant 16 : i32
      %scan3A_135 = arith.addi %scan3A_133, %scan3A_134 : i32
      %scan3A_136 = arith.constant 2 : i32
      scf.for %scan3A_333 = %scan3A_133 to %scan3A_135 step %scan3A_136  : i32 {
        %mul3A_334 = arith.constant 2 : i32
        %mul3A_335 = arith.muli %scan3A_333, %mul3A_334 : i32
        %add3A_336 = arith.constant 0 : i32
        %add3A_337 = arith.addi %mul3A_335, %add3A_336 : i32
        %get3A = arith.index_cast %add3A_337 : i32 to index
        %get3A_338 = arith.constant 0 : index
        %get3A_339 = tpu.vector_load %arg18[%get3A, %get3A_338] {strides = array<i32>} : memref<32x16xf32, #tpu.memory_space<vmem>>, vector<1x16xf32>,
        %get3A_340 = vector.shape_cast %get3A_339 : vector<1x16xf32> to vector<16xf32>
        %add3A_341 = arith.constant 1 : i32
        %add3A_342 = arith.addi %mul3A_335, %add3A_341 : i32
        %get3A_343 = arith.index_cast %add3A_342 : i32 to index
        %get3A_344 = arith.constant 0 : index
        %get3A_345 = tpu.vector_load %arg18[%get3A_343, %get3A_344] {strides = array<i32>} : memref<32x16xf32, #tpu.memory_space<vmem>>, vector<1x16xf32>,
        %get3A_346 = vector.shape_cast %get3A_345 : vector<1x16xf32> to vector<16xf32>
        %add3A_347 = arith.constant 0 : i32
        %add3A_348 = arith.addi %mul3A_335, %add3A_347 : i32
        %get3A_349 = arith.index_cast %add3A_348 : i32 to index
        %get3A_350 = arith.constant 0 : index
        %get3A_351 = tpu.vector_load %arg17[%get3A_349, %get3A_350] {strides = array<i32>} : memref<32x128xf32, #tpu.memory_space<vmem>>, vector<1x16xf32>,
        %get3A_352 = vector.shape_cast %get3A_351 : vector<1x16xf32> to vector<16xf32>
        %add3A_353 = arith.constant 0 : i32
        %add3A_354 = arith.addi %mul3A_335, %add3A_353 : i32
        %get3A_355 = arith.index_cast %add3A_354 : i32 to index
        %get3A_356 = arith.constant 16 : index
        %get3A_357 = tpu.vector_load %arg17[%get3A_355, %get3A_356] {strides = array<i32>} : memref<32x128xf32, #tpu.memory_space<vmem>>, vector<1x16xf32>,
        %get3A_358 = vector.shape_cast %get3A_357 : vector<1x16xf32> to vector<16xf32>
        %add3A_359 = arith.constant 0 : i32
        %add3A_360 = arith.addi %mul3A_335, %add3A_359 : i32
        %get3A_361 = arith.index_cast %add3A_360 : i32 to index
        %get3A_362 = arith.constant 32 : index
        %get3A_363 = tpu.vector_load %arg17[%get3A_361, %get3A_362] {strides = array<i32>} : memref<32x128xf32, #tpu.memory_space<vmem>>, vector<1x16xf32>,
        %get3A_364 = vector.shape_cast %get3A_363 : vector<1x16xf32> to vector<16xf32>
        %add3A_365 = arith.constant 0 : i32
        %add3A_366 = arith.addi %mul3A_335, %add3A_365 : i32
        %get3A_367 = arith.index_cast %add3A_366 : i32 to index
        %get3A_368 = arith.constant 48 : index
        %get3A_369 = tpu.vector_load %arg17[%get3A_367, %get3A_368] {strides = array<i32>} : memref<32x128xf32, #tpu.memory_space<vmem>>, vector<1x16xf32>,
        %get3A_370 = vector.shape_cast %get3A_369 : vector<1x16xf32> to vector<16xf32>
        %add3A_371 = arith.constant 0 : i32
        %add3A_372 = arith.addi %mul3A_335, %add3A_371 : i32
        %get3A_373 = arith.index_cast %add3A_372 : i32 to index
        %get3A_374 = arith.constant 64 : index
        %get3A_375 = tpu.vector_load %arg17[%get3A_373, %get3A_374] {strides = array<i32>} : memref<32x128xf32, #tpu.memory_space<vmem>>, vector<1x16xf32>,
        %get3A_376 = vector.shape_cast %get3A_375 : vector<1x16xf32> to vector<16xf32>
        %add3A_377 = arith.constant 0 : i32
        %add3A_378 = arith.addi %mul3A_335, %add3A_377 : i32
        %get3A_379 = arith.index_cast %add3A_378 : i32 to index
        %get3A_380 = arith.constant 80 : index
        %get3A_381 = tpu.vector_load %arg17[%get3A_379, %get3A_380] {strides = array<i32>} : memref<32x128xf32, #tpu.memory_space<vmem>>, vector<1x16xf32>,
        %get3A_382 = vector.shape_cast %get3A_381 : vector<1x16xf32> to vector<16xf32>
        %add3A_383 = arith.constant 0 : i32
        %add3A_384 = arith.addi %mul3A_335, %add3A_383 : i32
        %get3A_385 = arith.index_cast %add3A_384 : i32 to index
        %get3A_386 = arith.constant 96 : index
        %get3A_387 = tpu.vector_load %arg17[%get3A_385, %get3A_386] {strides = array<i32>} : memref<32x128xf32, #tpu.memory_space<vmem>>, vector<1x16xf32>,
        %get3A_388 = vector.shape_cast %get3A_387 : vector<1x16xf32> to vector<16xf32>
        %add3A_389 = arith.constant 0 : i32
        %add3A_390 = arith.addi %mul3A_335, %add3A_389 : i32
        %get3A_391 = arith.index_cast %add3A_390 : i32 to index
        %get3A_392 = arith.constant 112 : index
        %get3A_393 = tpu.vector_load %arg17[%get3A_391, %get3A_392] {strides = array<i32>} : memref<32x128xf32, #tpu.memory_space<vmem>>, vector<1x16xf32>,
        %get3A_394 = vector.shape_cast %get3A_393 : vector<1x16xf32> to vector<16xf32>
        %add3A_395 = arith.constant 1 : i32
        %add3A_396 = arith.addi %mul3A_335, %add3A_395 : i32
        %get3A_397 = arith.index_cast %add3A_396 : i32 to index
        %get3A_398 = arith.constant 0 : index
        %get3A_399 = tpu.vector_load %arg17[%get3A_397, %get3A_398] {strides = array<i32>} : memref<32x128xf32, #tpu.memory_space<vmem>>, vector<1x16xf32>,
        %get3A_400 = vector.shape_cast %get3A_399 : vector<1x16xf32> to vector<16xf32>
        %add3A_401 = arith.constant 1 : i32
        %add3A_402 = arith.addi %mul3A_335, %add3A_401 : i32
        %get3A_403 = arith.index_cast %add3A_402 : i32 to index
        %get3A_404 = arith.constant 16 : index
        %get3A_405 = tpu.vector_load %arg17[%get3A_403, %get3A_404] {strides = array<i32>} : memref<32x128xf32, #tpu.memory_space<vmem>>, vector<1x16xf32>,
        %get3A_406 = vector.shape_cast %get3A_405 : vector<1x16xf32> to vector<16xf32>
        %add3A_407 = arith.constant 1 : i32
        %add3A_408 = arith.addi %mul3A_335, %add3A_407 : i32
        %get3A_409 = arith.index_cast %add3A_408 : i32 to index
        %get3A_410 = arith.constant 32 : index
        %get3A_411 = tpu.vector_load %arg17[%get3A_409, %get3A_410] {strides = array<i32>} : memref<32x128xf32, #tpu.memory_space<vmem>>, vector<1x16xf32>,
        %get3A_412 = vector.shape_cast %get3A_411 : vector<1x16xf32> to vector<16xf32>
        %add3A_413 = arith.constant 1 : i32
        %add3A_414 = arith.addi %mul3A_335, %add3A_413 : i32
        %get3A_415 = arith.index_cast %add3A_414 : i32 to index
        %get3A_416 = arith.constant 48 : index
        %get3A_417 = tpu.vector_load %arg17[%get3A_415, %get3A_416] {strides = array<i32>} : memref<32x128xf32, #tpu.memory_space<vmem>>, vector<1x16xf32>,
        %get3A_418 = vector.shape_cast %get3A_417 : vector<1x16xf32> to vector<16xf32>
        %add3A_419 = arith.constant 1 : i32
        %add3A_420 = arith.addi %mul3A_335, %add3A_419 : i32
        %get3A_421 = arith.index_cast %add3A_420 : i32 to index
        %get3A_422 = arith.constant 64 : index
        %get3A_423 = tpu.vector_load %arg17[%get3A_421, %get3A_422] {strides = array<i32>} : memref<32x128xf32, #tpu.memory_space<vmem>>, vector<1x16xf32>,
        %get3A_424 = vector.shape_cast %get3A_423 : vector<1x16xf32> to vector<16xf32>
        %add3A_425 = arith.constant 1 : i32
        %add3A_426 = arith.addi %mul3A_335, %add3A_425 : i32
        %get3A_427 = arith.index_cast %add3A_426 : i32 to index
        %get3A_428 = arith.constant 80 : index
        %get3A_429 = tpu.vector_load %arg17[%get3A_427, %get3A_428] {strides = array<i32>} : memref<32x128xf32, #tpu.memory_space<vmem>>, vector<1x16xf32>,
        %get3A_430 = vector.shape_cast %get3A_429 : vector<1x16xf32> to vector<16xf32>
        %add3A_431 = arith.constant 1 : i32
        %add3A_432 = arith.addi %mul3A_335, %add3A_431 : i32
        %get3A_433 = arith.index_cast %add3A_432 : i32 to index
        %get3A_434 = arith.constant 96 : index
        %get3A_435 = tpu.vector_load %arg17[%get3A_433, %get3A_434] {strides = array<i32>} : memref<32x128xf32, #tpu.memory_space<vmem>>, vector<1x16xf32>,
        %get3A_436 = vector.shape_cast %get3A_435 : vector<1x16xf32> to vector<16xf32>
        %add3A_437 = arith.constant 1 : i32
        %add3A_438 = arith.addi %mul3A_335, %add3A_437 : i32
        %get3A_439 = arith.index_cast %add3A_438 : i32 to index
        %get3A_440 = arith.constant 112 : index
        %get3A_441 = tpu.vector_load %arg17[%get3A_439, %get3A_440] {strides = array<i32>} : memref<32x128xf32, #tpu.memory_space<vmem>>, vector<1x16xf32>,
        %get3A_442 = vector.shape_cast %get3A_441 : vector<1x16xf32> to vector<16xf32>
        %slice3A = vector.extract_strided_slice %get3A_340 {offsets = [0], sizes = [1], strides = [1]} : vector<16xf32> to vector<1xf32>
        %squeeze3A = vector.extract %slice3A[0] : f32 from vector<1xf32>
        %broadcast_in_dim3A = vector.broadcast %squeeze3A : f32 to vector<16xf32>
        %slice3A_443 = vector.extract_strided_slice %get3A_340 {offsets = [1], sizes = [1], strides = [1]} : vector<16xf32> to vector<1xf32>
        %squeeze3A_444 = vector.extract %slice3A_443[0] : f32 from vector<1xf32>
        %broadcast_in_dim3A_445 = vector.broadcast %squeeze3A_444 : f32 to vector<16xf32>
        %slice3A_446 = vector.extract_strided_slice %get3A_340 {offsets = [2], sizes = [1], strides = [1]} : vector<16xf32> to vector<1xf32>
        %squeeze3A_447 = vector.extract %slice3A_446[0] : f32 from vector<1xf32>
        %broadcast_in_dim3A_448 = vector.broadcast %squeeze3A_447 : f32 to vector<16xf32>
        %slice3A_449 = vector.extract_strided_slice %get3A_340 {offsets = [3], sizes = [1], strides = [1]} : vector<16xf32> to vector<1xf32>
        %squeeze3A_450 = vector.extract %slice3A_449[0] : f32 from vector<1xf32>
        %broadcast_in_dim3A_451 = vector.broadcast %squeeze3A_450 : f32 to vector<16xf32>
        %mul3A_452 = arith.mulf %get3A_352, %broadcast_in_dim3A : vector<16xf32>
        %mul3A_453 = arith.mulf %get3A_358, %broadcast_in_dim3A : vector<16xf32>
        %mul3A_454 = arith.mulf %get3A_364, %broadcast_in_dim3A_445 : vector<16xf32>
        %mul3A_455 = arith.mulf %get3A_370, %broadcast_in_dim3A_445 : vector<16xf32>
        %mul3A_456 = arith.mulf %get3A_376, %broadcast_in_dim3A_448 : vector<16xf32>
        %mul3A_457 = arith.mulf %get3A_382, %broadcast_in_dim3A_448 : vector<16xf32>
        %mul3A_458 = arith.mulf %get3A_388, %broadcast_in_dim3A_451 : vector<16xf32>
        %mul3A_459 = arith.mulf %get3A_394, %broadcast_in_dim3A_451 : vector<16xf32>
        %slice3A_460 = vector.extract_strided_slice %get3A_346 {offsets = [0], sizes = [1], strides = [1]} : vector<16xf32> to vector<1xf32>
        %squeeze3A_461 = vector.extract %slice3A_460[0] : f32 from vector<1xf32>
        %broadcast_in_dim3A_462 = vector.broadcast %squeeze3A_461 : f32 to vector<16xf32>
        %slice3A_463 = vector.extract_strided_slice %get3A_346 {offsets = [1], sizes = [1], strides = [1]} : vector<16xf32> to vector<1xf32>
        %squeeze3A_464 = vector.extract %slice3A_463[0] : f32 from vector<1xf32>
        %broadcast_in_dim3A_465 = vector.broadcast %squeeze3A_464 : f32 to vector<16xf32>
        %slice3A_466 = vector.extract_strided_slice %get3A_346 {offsets = [2], sizes = [1], strides = [1]} : vector<16xf32> to vector<1xf32>
        %squeeze3A_467 = vector.extract %slice3A_466[0] : f32 from vector<1xf32>
        %broadcast_in_dim3A_468 = vector.broadcast %squeeze3A_467 : f32 to vector<16xf32>
        %slice3A_469 = vector.extract_strided_slice %get3A_346 {offsets = [3], sizes = [1], strides = [1]} : vector<16xf32> to vector<1xf32>
        %squeeze3A_470 = vector.extract %slice3A_469[0] : f32 from vector<1xf32>
        %broadcast_in_dim3A_471 = vector.broadcast %squeeze3A_470 : f32 to vector<16xf32>
        %mul3A_472 = arith.mulf %get3A_400, %broadcast_in_dim3A_462 : vector<16xf32>
        %mul3A_473 = arith.mulf %get3A_406, %broadcast_in_dim3A_462 : vector<16xf32>
        %mul3A_474 = arith.mulf %get3A_412, %broadcast_in_dim3A_465 : vector<16xf32>
        %mul3A_475 = arith.mulf %get3A_418, %broadcast_in_dim3A_465 : vector<16xf32>
        %mul3A_476 = arith.mulf %get3A_424, %broadcast_in_dim3A_468 : vector<16xf32>
        %mul3A_477 = arith.mulf %get3A_430, %broadcast_in_dim3A_468 : vector<16xf32>
        %mul3A_478 = arith.mulf %get3A_436, %broadcast_in_dim3A_471 : vector<16xf32>
        %mul3A_479 = arith.mulf %get3A_442, %broadcast_in_dim3A_471 : vector<16xf32>
        %add3A_480 = arith.constant 0 : i32
        %add3A_481 = arith.addi %mul3A_335, %add3A_480 : i32
        %swap3A = arith.index_cast %add3A_481 : i32 to index
        %swap3A_482 = arith.constant 0 : index
        %swap3A_483 = tpu.vector_load %arg17[%swap3A, %swap3A_482] {strides = array<i32>} : memref<32x128xf32, #tpu.memory_space<vmem>>, vector<1x16xf32>,
        %swap3A_484 = vector.shape_cast %swap3A_483 : vector<1x16xf32> to vector<16xf32>
        %swap3A_485 = vector.shape_cast %mul3A_452 : vector<16xf32> to vector<1x16xf32>
        tpu.vector_store %arg17[%swap3A, %swap3A_482], %swap3A_485 {strides = array<i32>} : memref<32x128xf32, #tpu.memory_space<vmem>>, vector<1x16xf32>,
        %add3A_486 = arith.constant 0 : i32
        %add3A_487 = arith.addi %mul3A_335, %add3A_486 : i32
        %swap3A_488 = arith.index_cast %add3A_487 : i32 to index
        %swap3A_489 = arith.constant 16 : index
        %swap3A_490 = tpu.vector_load %arg17[%swap3A_488, %swap3A_489] {strides = array<i32>} : memref<32x128xf32, #tpu.memory_space<vmem>>, vector<1x16xf32>,
        %swap3A_491 = vector.shape_cast %swap3A_490 : vector<1x16xf32> to vector<16xf32>
        %swap3A_492 = vector.shape_cast %mul3A_453 : vector<16xf32> to vector<1x16xf32>
        tpu.vector_store %arg17[%swap3A_488, %swap3A_489], %swap3A_492 {strides = array<i32>} : memref<32x128xf32, #tpu.memory_space<vmem>>, vector<1x16xf32>,
        %add3A_493 = arith.constant 0 : i32
        %add3A_494 = arith.addi %mul3A_335, %add3A_493 : i32
        %swap3A_495 = arith.index_cast %add3A_494 : i32 to index
        %swap3A_496 = arith.constant 32 : index
        %swap3A_497 = tpu.vector_load %arg17[%swap3A_495, %swap3A_496] {strides = array<i32>} : memref<32x128xf32, #tpu.memory_space<vmem>>, vector<1x16xf32>,
        %swap3A_498 = vector.shape_cast %swap3A_497 : vector<1x16xf32> to vector<16xf32>
        %swap3A_499 = vector.shape_cast %mul3A_454 : vector<16xf32> to vector<1x16xf32>
        tpu.vector_store %arg17[%swap3A_495, %swap3A_496], %swap3A_499 {strides = array<i32>} : memref<32x128xf32, #tpu.memory_space<vmem>>, vector<1x16xf32>,
        %add3A_500 = arith.constant 0 : i32
        %add3A_501 = arith.addi %mul3A_335, %add3A_500 : i32
        %swap3A_502 = arith.index_cast %add3A_501 : i32 to index
        %swap3A_503 = arith.constant 48 : index
        %swap3A_504 = tpu.vector_load %arg17[%swap3A_502, %swap3A_503] {strides = array<i32>} : memref<32x128xf32, #tpu.memory_space<vmem>>, vector<1x16xf32>,
        %swap3A_505 = vector.shape_cast %swap3A_504 : vector<1x16xf32> to vector<16xf32>
        %swap3A_506 = vector.shape_cast %mul3A_455 : vector<16xf32> to vector<1x16xf32>
        tpu.vector_store %arg17[%swap3A_502, %swap3A_503], %swap3A_506 {strides = array<i32>} : memref<32x128xf32, #tpu.memory_space<vmem>>, vector<1x16xf32>,
        %add3A_507 = arith.constant 0 : i32
        %add3A_508 = arith.addi %mul3A_335, %add3A_507 : i32
        %swap3A_509 = arith.index_cast %add3A_508 : i32 to index
        %swap3A_510 = arith.constant 64 : index
        %swap3A_511 = tpu.vector_load %arg17[%swap3A_509, %swap3A_510] {strides = array<i32>} : memref<32x128xf32, #tpu.memory_space<vmem>>, vector<1x16xf32>,
        %swap3A_512 = vector.shape_cast %swap3A_511 : vector<1x16xf32> to vector<16xf32>
        %swap3A_513 = vector.shape_cast %mul3A_456 : vector<16xf32> to vector<1x16xf32>
        tpu.vector_store %arg17[%swap3A_509, %swap3A_510], %swap3A_513 {strides = array<i32>} : memref<32x128xf32, #tpu.memory_space<vmem>>, vector<1x16xf32>,
        %add3A_514 = arith.constant 0 : i32
        %add3A_515 = arith.addi %mul3A_335, %add3A_514 : i32
        %swap3A_516 = arith.index_cast %add3A_515 : i32 to index
        %swap3A_517 = arith.constant 80 : index
        %swap3A_518 = tpu.vector_load %arg17[%swap3A_516, %swap3A_517] {strides = array<i32>} : memref<32x128xf32, #tpu.memory_space<vmem>>, vector<1x16xf32>,
        %swap3A_519 = vector.shape_cast %swap3A_518 : vector<1x16xf32> to vector<16xf32>
        %swap3A_520 = vector.shape_cast %mul3A_457 : vector<16xf32> to vector<1x16xf32>
        tpu.vector_store %arg17[%swap3A_516, %swap3A_517], %swap3A_520 {strides = array<i32>} : memref<32x128xf32, #tpu.memory_space<vmem>>, vector<1x16xf32>,
        %add3A_521 = arith.constant 0 : i32
        %add3A_522 = arith.addi %mul3A_335, %add3A_521 : i32
        %swap3A_523 = arith.index_cast %add3A_522 : i32 to index
        %swap3A_524 = arith.constant 96 : index
        %swap3A_525 = tpu.vector_load %arg17[%swap3A_523, %swap3A_524] {strides = array<i32>} : memref<32x128xf32, #tpu.memory_space<vmem>>, vector<1x16xf32>,
        %swap3A_526 = vector.shape_cast %swap3A_525 : vector<1x16xf32> to vector<16xf32>
        %swap3A_527 = vector.shape_cast %mul3A_458 : vector<16xf32> to vector<1x16xf32>
        tpu.vector_store %arg17[%swap3A_523, %swap3A_524], %swap3A_527 {strides = array<i32>} : memref<32x128xf32, #tpu.memory_space<vmem>>, vector<1x16xf32>,
        %add3A_528 = arith.constant 0 : i32
        %add3A_529 = arith.addi %mul3A_335, %add3A_528 : i32
        %swap3A_530 = arith.index_cast %add3A_529 : i32 to index
        %swap3A_531 = arith.constant 112 : index
        %swap3A_532 = tpu.vector_load %arg17[%swap3A_530, %swap3A_531] {strides = array<i32>} : memref<32x128xf32, #tpu.memory_space<vmem>>, vector<1x16xf32>,
        %swap3A_533 = vector.shape_cast %swap3A_532 : vector<1x16xf32> to vector<16xf32>
        %swap3A_534 = vector.shape_cast %mul3A_459 : vector<16xf32> to vector<1x16xf32>
        tpu.vector_store %arg17[%swap3A_530, %swap3A_531], %swap3A_534 {strides = array<i32>} : memref<32x128xf32, #tpu.memory_space<vmem>>, vector<1x16xf32>,
        %add3A_535 = arith.constant 1 : i32
        %add3A_536 = arith.addi %mul3A_335, %add3A_535 : i32
        %swap3A_537 = arith.index_cast %add3A_536 : i32 to index
        %swap3A_538 = arith.constant 0 : index
        %swap3A_539 = tpu.vector_load %arg17[%swap3A_537, %swap3A_538] {strides = array<i32>} : memref<32x128xf32, #tpu.memory_space<vmem>>, vector<1x16xf32>,
        %swap3A_540 = vector.shape_cast %swap3A_539 : vector<1x16xf32> to vector<16xf32>
        %swap3A_541 = vector.shape_cast %mul3A_472 : vector<16xf32> to vector<1x16xf32>
        tpu.vector_store %arg17[%swap3A_537, %swap3A_538], %swap3A_541 {strides = array<i32>} : memref<32x128xf32, #tpu.memory_space<vmem>>, vector<1x16xf32>,
        %add3A_542 = arith.constant 1 : i32
        %add3A_543 = arith.addi %mul3A_335, %add3A_542 : i32
        %swap3A_544 = arith.index_cast %add3A_543 : i32 to index
        %swap3A_545 = arith.constant 16 : index
        %swap3A_546 = tpu.vector_load %arg17[%swap3A_544, %swap3A_545] {strides = array<i32>} : memref<32x128xf32, #tpu.memory_space<vmem>>, vector<1x16xf32>,
        %swap3A_547 = vector.shape_cast %swap3A_546 : vector<1x16xf32> to vector<16xf32>
        %swap3A_548 = vector.shape_cast %mul3A_473 : vector<16xf32> to vector<1x16xf32>
        tpu.vector_store %arg17[%swap3A_544, %swap3A_545], %swap3A_548 {strides = array<i32>} : memref<32x128xf32, #tpu.memory_space<vmem>>, vector<1x16xf32>,
        %add3A_549 = arith.constant 1 : i32
        %add3A_550 = arith.addi %mul3A_335, %add3A_549 : i32
        %swap3A_551 = arith.index_cast %add3A_550 : i32 to index
        %swap3A_552 = arith.constant 32 : index
        %swap3A_553 = tpu.vector_load %arg17[%swap3A_551, %swap3A_552] {strides = array<i32>} : memref<32x128xf32, #tpu.memory_space<vmem>>, vector<1x16xf32>,
        %swap3A_554 = vector.shape_cast %swap3A_553 : vector<1x16xf32> to vector<16xf32>
        %swap3A_555 = vector.shape_cast %mul3A_474 : vector<16xf32> to vector<1x16xf32>
        tpu.vector_store %arg17[%swap3A_551, %swap3A_552], %swap3A_555 {strides = array<i32>} : memref<32x128xf32, #tpu.memory_space<vmem>>, vector<1x16xf32>,
        %add3A_556 = arith.constant 1 : i32
        %add3A_557 = arith.addi %mul3A_335, %add3A_556 : i32
        %swap3A_558 = arith.index_cast %add3A_557 : i32 to index
        %swap3A_559 = arith.constant 48 : index
        %swap3A_560 = tpu.vector_load %arg17[%swap3A_558, %swap3A_559] {strides = array<i32>} : memref<32x128xf32, #tpu.memory_space<vmem>>, vector<1x16xf32>,
        %swap3A_561 = vector.shape_cast %swap3A_560 : vector<1x16xf32> to vector<16xf32>
        %swap3A_562 = vector.shape_cast %mul3A_475 : vector<16xf32> to vector<1x16xf32>
        tpu.vector_store %arg17[%swap3A_558, %swap3A_559], %swap3A_562 {strides = array<i32>} : memref<32x128xf32, #tpu.memory_space<vmem>>, vector<1x16xf32>,
        %add3A_563 = arith.constant 1 : i32
        %add3A_564 = arith.addi %mul3A_335, %add3A_563 : i32
        %swap3A_565 = arith.index_cast %add3A_564 : i32 to index
        %swap3A_566 = arith.constant 64 : index
        %swap3A_567 = tpu.vector_load %arg17[%swap3A_565, %swap3A_566] {strides = array<i32>} : memref<32x128xf32, #tpu.memory_space<vmem>>, vector<1x16xf32>,
        %swap3A_568 = vector.shape_cast %swap3A_567 : vector<1x16xf32> to vector<16xf32>
        %swap3A_569 = vector.shape_cast %mul3A_476 : vector<16xf32> to vector<1x16xf32>
        tpu.vector_store %arg17[%swap3A_565, %swap3A_566], %swap3A_569 {strides = array<i32>} : memref<32x128xf32, #tpu.memory_space<vmem>>, vector<1x16xf32>,
        %add3A_570 = arith.constant 1 : i32
        %add3A_571 = arith.addi %mul3A_335, %add3A_570 : i32
        %swap3A_572 = arith.index_cast %add3A_571 : i32 to index
        %swap3A_573 = arith.constant 80 : index
        %swap3A_574 = tpu.vector_load %arg17[%swap3A_572, %swap3A_573] {strides = array<i32>} : memref<32x128xf32, #tpu.memory_space<vmem>>, vector<1x16xf32>,
        %swap3A_575 = vector.shape_cast %swap3A_574 : vector<1x16xf32> to vector<16xf32>
        %swap3A_576 = vector.shape_cast %mul3A_477 : vector<16xf32> to vector<1x16xf32>
        tpu.vector_store %arg17[%swap3A_572, %swap3A_573], %swap3A_576 {strides = array<i32>} : memref<32x128xf32, #tpu.memory_space<vmem>>, vector<1x16xf32>,
        %add3A_577 = arith.constant 1 : i32
        %add3A_578 = arith.addi %mul3A_335, %add3A_577 : i32
        %swap3A_579 = arith.index_cast %add3A_578 : i32 to index
        %swap3A_580 = arith.constant 96 : index
        %swap3A_581 = tpu.vector_load %arg17[%swap3A_579, %swap3A_580] {strides = array<i32>} : memref<32x128xf32, #tpu.memory_space<vmem>>, vector<1x16xf32>,
        %swap3A_582 = vector.shape_cast %swap3A_581 : vector<1x16xf32> to vector<16xf32>
        %swap3A_583 = vector.shape_cast %mul3A_478 : vector<16xf32> to vector<1x16xf32>
        tpu.vector_store %arg17[%swap3A_579, %swap3A_580], %swap3A_583 {strides = array<i32>} : memref<32x128xf32, #tpu.memory_space<vmem>>, vector<1x16xf32>,
        %add3A_584 = arith.constant 1 : i32
        %add3A_585 = arith.addi %mul3A_335, %add3A_584 : i32
        %swap3A_586 = arith.index_cast %add3A_585 : i32 to index
        %swap3A_587 = arith.constant 112 : index
        %swap3A_588 = tpu.vector_load %arg17[%swap3A_586, %swap3A_587] {strides = array<i32>} : memref<32x128xf32, #tpu.memory_space<vmem>>, vector<1x16xf32>,
        %swap3A_589 = vector.shape_cast %swap3A_588 : vector<1x16xf32> to vector<16xf32>
        %swap3A_590 = vector.shape_cast %mul3A_479 : vector<16xf32> to vector<1x16xf32>
        tpu.vector_store %arg17[%swap3A_586, %swap3A_587], %swap3A_590 {strides = array<i32>} : memref<32x128xf32, #tpu.memory_space<vmem>>, vector<1x16xf32>,
        %scan3A_591 = arith.constant 1 : i32
        %scan3A_592 = arith.addi %scan3A_333, %scan3A_591 : i32
        %mul3A_593 = arith.constant 2 : i32
        %mul3A_594 = arith.muli %scan3A_592, %mul3A_593 : i32
        %add3A_595 = arith.constant 0 : i32
        %add3A_596 = arith.addi %mul3A_594, %add3A_595 : i32
        %get3A_597 = arith.index_cast %add3A_596 : i32 to index
        %get3A_598 = arith.constant 0 : index
        %get3A_599 = tpu.vector_load %arg18[%get3A_597, %get3A_598] {strides = array<i32>} : memref<32x16xf32, #tpu.memory_space<vmem>>, vector<1x16xf32>,
        %get3A_600 = vector.shape_cast %get3A_599 : vector<1x16xf32> to vector<16xf32>
        %add3A_601 = arith.constant 1 : i32
        %add3A_602 = arith.addi %mul3A_594, %add3A_601 : i32
        %get3A_603 = arith.index_cast %add3A_602 : i32 to index
        %get3A_604 = arith.constant 0 : index
        %get3A_605 = tpu.vector_load %arg18[%get3A_603, %get3A_604] {strides = array<i32>} : memref<32x16xf32, #tpu.memory_space<vmem>>, vector<1x16xf32>,
        %get3A_606 = vector.shape_cast %get3A_605 : vector<1x16xf32> to vector<16xf32>
        %add3A_607 = arith.constant 0 : i32
        %add3A_608 = arith.addi %mul3A_594, %add3A_607 : i32
        %get3A_609 = arith.index_cast %add3A_608 : i32 to index
        %get3A_610 = arith.constant 0 : index
        %get3A_611 = tpu.vector_load %arg17[%get3A_609, %get3A_610] {strides = array<i32>} : memref<32x128xf32, #tpu.memory_space<vmem>>, vector<1x16xf32>,
        %get3A_612 = vector.shape_cast %get3A_611 : vector<1x16xf32> to vector<16xf32>
        %add3A_613 = arith.constant 0 : i32
        %add3A_614 = arith.addi %mul3A_594, %add3A_613 : i32
        %get3A_615 = arith.index_cast %add3A_614 : i32 to index
        %get3A_616 = arith.constant 16 : index
        %get3A_617 = tpu.vector_load %arg17[%get3A_615, %get3A_616] {strides = array<i32>} : memref<32x128xf32, #tpu.memory_space<vmem>>, vector<1x16xf32>,
        %get3A_618 = vector.shape_cast %get3A_617 : vector<1x16xf32> to vector<16xf32>
        %add3A_619 = arith.constant 0 : i32
        %add3A_620 = arith.addi %mul3A_594, %add3A_619 : i32
        %get3A_621 = arith.index_cast %add3A_620 : i32 to index
        %get3A_622 = arith.constant 32 : index
        %get3A_623 = tpu.vector_load %arg17[%get3A_621, %get3A_622] {strides = array<i32>} : memref<32x128xf32, #tpu.memory_space<vmem>>, vector<1x16xf32>,
        %get3A_624 = vector.shape_cast %get3A_623 : vector<1x16xf32> to vector<16xf32>
        %add3A_625 = arith.constant 0 : i32
        %add3A_626 = arith.addi %mul3A_594, %add3A_625 : i32
        %get3A_627 = arith.index_cast %add3A_626 : i32 to index
        %get3A_628 = arith.constant 48 : index
        %get3A_629 = tpu.vector_load %arg17[%get3A_627, %get3A_628] {strides = array<i32>} : memref<32x128xf32, #tpu.memory_space<vmem>>, vector<1x16xf32>,
        %get3A_630 = vector.shape_cast %get3A_629 : vector<1x16xf32> to vector<16xf32>
        %add3A_631 = arith.constant 0 : i32
        %add3A_632 = arith.addi %mul3A_594, %add3A_631 : i32
        %get3A_633 = arith.index_cast %add3A_632 : i32 to index
        %get3A_634 = arith.constant 64 : index
        %get3A_635 = tpu.vector_load %arg17[%get3A_633, %get3A_634] {strides = array<i32>} : memref<32x128xf32, #tpu.memory_space<vmem>>, vector<1x16xf32>,
        %get3A_636 = vector.shape_cast %get3A_635 : vector<1x16xf32> to vector<16xf32>
        %add3A_637 = arith.constant 0 : i32
        %add3A_638 = arith.addi %mul3A_594, %add3A_637 : i32
        %get3A_639 = arith.index_cast %add3A_638 : i32 to index
        %get3A_640 = arith.constant 80 : index
        %get3A_641 = tpu.vector_load %arg17[%get3A_639, %get3A_640] {strides = array<i32>} : memref<32x128xf32, #tpu.memory_space<vmem>>, vector<1x16xf32>,
        %get3A_642 = vector.shape_cast %get3A_641 : vector<1x16xf32> to vector<16xf32>
        %add3A_643 = arith.constant 0 : i32
        %add3A_644 = arith.addi %mul3A_594, %add3A_643 : i32
        %get3A_645 = arith.index_cast %add3A_644 : i32 to index
        %get3A_646 = arith.constant 96 : index
        %get3A_647 = tpu.vector_load %arg17[%get3A_645, %get3A_646] {strides = array<i32>} : memref<32x128xf32, #tpu.memory_space<vmem>>, vector<1x16xf32>,
        %get3A_648 = vector.shape_cast %get3A_647 : vector<1x16xf32> to vector<16xf32>
        %add3A_649 = arith.constant 0 : i32
        %add3A_650 = arith.addi %mul3A_594, %add3A_649 : i32
        %get3A_651 = arith.index_cast %add3A_650 : i32 to index
        %get3A_652 = arith.constant 112 : index
        %get3A_653 = tpu.vector_load %arg17[%get3A_651, %get3A_652] {strides = array<i32>} : memref<32x128xf32, #tpu.memory_space<vmem>>, vector<1x16xf32>,
        %get3A_654 = vector.shape_cast %get3A_653 : vector<1x16xf32> to vector<16xf32>
        %add3A_655 = arith.constant 1 : i32
        %add3A_656 = arith.addi %mul3A_594, %add3A_655 : i32
        %get3A_657 = arith.index_cast %add3A_656 : i32 to index
        %get3A_658 = arith.constant 0 : index
        %get3A_659 = tpu.vector_load %arg17[%get3A_657, %get3A_658] {strides = array<i32>} : memref<32x128xf32, #tpu.memory_space<vmem>>, vector<1x16xf32>,
        %get3A_660 = vector.shape_cast %get3A_659 : vector<1x16xf32> to vector<16xf32>
        %add3A_661 = arith.constant 1 : i32
        %add3A_662 = arith.addi %mul3A_594, %add3A_661 : i32
        %get3A_663 = arith.index_cast %add3A_662 : i32 to index
        %get3A_664 = arith.constant 16 : index
        %get3A_665 = tpu.vector_load %arg17[%get3A_663, %get3A_664] {strides = array<i32>} : memref<32x128xf32, #tpu.memory_space<vmem>>, vector<1x16xf32>,
        %get3A_666 = vector.shape_cast %get3A_665 : vector<1x16xf32> to vector<16xf32>
        %add3A_667 = arith.constant 1 : i32
        %add3A_668 = arith.addi %mul3A_594, %add3A_667 : i32
        %get3A_669 = arith.index_cast %add3A_668 : i32 to index
        %get3A_670 = arith.constant 32 : index
        %get3A_671 = tpu.vector_load %arg17[%get3A_669, %get3A_670] {strides = array<i32>} : memref<32x128xf32, #tpu.memory_space<vmem>>, vector<1x16xf32>,
        %get3A_672 = vector.shape_cast %get3A_671 : vector<1x16xf32> to vector<16xf32>
        %add3A_673 = arith.constant 1 : i32
        %add3A_674 = arith.addi %mul3A_594, %add3A_673 : i32
        %get3A_675 = arith.index_cast %add3A_674 : i32 to index
        %get3A_676 = arith.constant 48 : index
        %get3A_677 = tpu.vector_load %arg17[%get3A_675, %get3A_676] {strides = array<i32>} : memref<32x128xf32, #tpu.memory_space<vmem>>, vector<1x16xf32>,
        %get3A_678 = vector.shape_cast %get3A_677 : vector<1x16xf32> to vector<16xf32>
        %add3A_679 = arith.constant 1 : i32
        %add3A_680 = arith.addi %mul3A_594, %add3A_679 : i32
        %get3A_681 = arith.index_cast %add3A_680 : i32 to index
        %get3A_682 = arith.constant 64 : index
        %get3A_683 = tpu.vector_load %arg17[%get3A_681, %get3A_682] {strides = array<i32>} : memref<32x128xf32, #tpu.memory_space<vmem>>, vector<1x16xf32>,
        %get3A_684 = vector.shape_cast %get3A_683 : vector<1x16xf32> to vector<16xf32>
        %add3A_685 = arith.constant 1 : i32
        %add3A_686 = arith.addi %mul3A_594, %add3A_685 : i32
        %get3A_687 = arith.index_cast %add3A_686 : i32 to index
        %get3A_688 = arith.constant 80 : index
        %get3A_689 = tpu.vector_load %arg17[%get3A_687, %get3A_688] {strides = array<i32>} : memref<32x128xf32, #tpu.memory_space<vmem>>, vector<1x16xf32>,
        %get3A_690 = vector.shape_cast %get3A_689 : vector<1x16xf32> to vector<16xf32>
        %add3A_691 = arith.constant 1 : i32
        %add3A_692 = arith.addi %mul3A_594, %add3A_691 : i32
        %get3A_693 = arith.index_cast %add3A_692 : i32 to index
        %get3A_694 = arith.constant 96 : index
        %get3A_695 = tpu.vector_load %arg17[%get3A_693, %get3A_694] {strides = array<i32>} : memref<32x128xf32, #tpu.memory_space<vmem>>, vector<1x16xf32>,
        %get3A_696 = vector.shape_cast %get3A_695 : vector<1x16xf32> to vector<16xf32>
        %add3A_697 = arith.constant 1 : i32
        %add3A_698 = arith.addi %mul3A_594, %add3A_697 : i32
        %get3A_699 = arith.index_cast %add3A_698 : i32 to index
        %get3A_700 = arith.constant 112 : index
        %get3A_701 = tpu.vector_load %arg17[%get3A_699, %get3A_700] {strides = array<i32>} : memref<32x128xf32, #tpu.memory_space<vmem>>, vector<1x16xf32>,
        %get3A_702 = vector.shape_cast %get3A_701 : vector<1x16xf32> to vector<16xf32>
        %slice3A_703 = vector.extract_strided_slice %get3A_600 {offsets = [0], sizes = [1], strides = [1]} : vector<16xf32> to vector<1xf32>
        %squeeze3A_704 = vector.extract %slice3A_703[0] : f32 from vector<1xf32>
        %broadcast_in_dim3A_705 = vector.broadcast %squeeze3A_704 : f32 to vector<16xf32>
        %slice3A_706 = vector.extract_strided_slice %get3A_600 {offsets = [1], sizes = [1], strides = [1]} : vector<16xf32> to vector<1xf32>
        %squeeze3A_707 = vector.extract %slice3A_706[0] : f32 from vector<1xf32>
        %broadcast_in_dim3A_708 = vector.broadcast %squeeze3A_707 : f32 to vector<16xf32>
        %slice3A_709 = vector.extract_strided_slice %get3A_600 {offsets = [2], sizes = [1], strides = [1]} : vector<16xf32> to vector<1xf32>
        %squeeze3A_710 = vector.extract %slice3A_709[0] : f32 from vector<1xf32>
        %broadcast_in_dim3A_711 = vector.broadcast %squeeze3A_710 : f32 to vector<16xf32>
        %slice3A_712 = vector.extract_strided_slice %get3A_600 {offsets = [3], sizes = [1], strides = [1]} : vector<16xf32> to vector<1xf32>
        %squeeze3A_713 = vector.extract %slice3A_712[0] : f32 from vector<1xf32>
        %broadcast_in_dim3A_714 = vector.broadcast %squeeze3A_713 : f32 to vector<16xf32>
        %mul3A_715 = arith.mulf %get3A_612, %broadcast_in_dim3A_705 : vector<16xf32>
        %mul3A_716 = arith.mulf %get3A_618, %broadcast_in_dim3A_705 : vector<16xf32>
        %mul3A_717 = arith.mulf %get3A_624, %broadcast_in_dim3A_708 : vector<16xf32>
        %mul3A_718 = arith.mulf %get3A_630, %broadcast_in_dim3A_708 : vector<16xf32>
        %mul3A_719 = arith.mulf %get3A_636, %broadcast_in_dim3A_711 : vector<16xf32>
        %mul3A_720 = arith.mulf %get3A_642, %broadcast_in_dim3A_711 : vector<16xf32>
        %mul3A_721 = arith.mulf %get3A_648, %broadcast_in_dim3A_714 : vector<16xf32>
        %mul3A_722 = arith.mulf %get3A_654, %broadcast_in_dim3A_714 : vector<16xf32>
        %slice3A_723 = vector.extract_strided_slice %get3A_606 {offsets = [0], sizes = [1], strides = [1]} : vector<16xf32> to vector<1xf32>
        %squeeze3A_724 = vector.extract %slice3A_723[0] : f32 from vector<1xf32>
        %broadcast_in_dim3A_725 = vector.broadcast %squeeze3A_724 : f32 to vector<16xf32>
        %slice3A_726 = vector.extract_strided_slice %get3A_606 {offsets = [1], sizes = [1], strides = [1]} : vector<16xf32> to vector<1xf32>
        %squeeze3A_727 = vector.extract %slice3A_726[0] : f32 from vector<1xf32>
        %broadcast_in_dim3A_728 = vector.broadcast %squeeze3A_727 : f32 to vector<16xf32>
        %slice3A_729 = vector.extract_strided_slice %get3A_606 {offsets = [2], sizes = [1], strides = [1]} : vector<16xf32> to vector<1xf32>
        %squeeze3A_730 = vector.extract %slice3A_729[0] : f32 from vector<1xf32>
        %broadcast_in_dim3A_731 = vector.broadcast %squeeze3A_730 : f32 to vector<16xf32>
        %slice3A_732 = vector.extract_strided_slice %get3A_606 {offsets = [3], sizes = [1], strides = [1]} : vector<16xf32> to vector<1xf32>
        %squeeze3A_733 = vector.extract %slice3A_732[0] : f32 from vector<1xf32>
        %broadcast_in_dim3A_734 = vector.broadcast %squeeze3A_733 : f32 to vector<16xf32>
        %mul3A_735 = arith.mulf %get3A_660, %broadcast_in_dim3A_725 : vector<16xf32>
        %mul3A_736 = arith.mulf %get3A_666, %broadcast_in_dim3A_725 : vector<16xf32>
        %mul3A_737 = arith.mulf %get3A_672, %broadcast_in_dim3A_728 : vector<16xf32>
        %mul3A_738 = arith.mulf %get3A_678, %broadcast_in_dim3A_728 : vector<16xf32>
        %mul3A_739 = arith.mulf %get3A_684, %broadcast_in_dim3A_731 : vector<16xf32>
        %mul3A_740 = arith.mulf %get3A_690, %broadcast_in_dim3A_731 : vector<16xf32>
        %mul3A_741 = arith.mulf %get3A_696, %broadcast_in_dim3A_734 : vector<16xf32>
        %mul3A_742 = arith.mulf %get3A_702, %broadcast_in_dim3A_734 : vector<16xf32>
        %add3A_743 = arith.constant 0 : i32
        %add3A_744 = arith.addi %mul3A_594, %add3A_743 : i32
        %swap3A_745 = arith.index_cast %add3A_744 : i32 to index
        %swap3A_746 = arith.constant 0 : index
        %swap3A_747 = tpu.vector_load %arg17[%swap3A_745, %swap3A_746] {strides = array<i32>} : memref<32x128xf32, #tpu.memory_space<vmem>>, vector<1x16xf32>,
        %swap3A_748 = vector.shape_cast %swap3A_747 : vector<1x16xf32> to vector<16xf32>
        %swap3A_749 = vector.shape_cast %mul3A_715 : vector<16xf32> to vector<1x16xf32>
        tpu.vector_store %arg17[%swap3A_745, %swap3A_746], %swap3A_749 {strides = array<i32>} : memref<32x128xf32, #tpu.memory_space<vmem>>, vector<1x16xf32>,
        %add3A_750 = arith.constant 0 : i32
        %add3A_751 = arith.addi %mul3A_594, %add3A_750 : i32
        %swap3A_752 = arith.index_cast %add3A_751 : i32 to index
        %swap3A_753 = arith.constant 16 : index
        %swap3A_754 = tpu.vector_load %arg17[%swap3A_752, %swap3A_753] {strides = array<i32>} : memref<32x128xf32, #tpu.memory_space<vmem>>, vector<1x16xf32>,
        %swap3A_755 = vector.shape_cast %swap3A_754 : vector<1x16xf32> to vector<16xf32>
        %swap3A_756 = vector.shape_cast %mul3A_716 : vector<16xf32> to vector<1x16xf32>
        tpu.vector_store %arg17[%swap3A_752, %swap3A_753], %swap3A_756 {strides = array<i32>} : memref<32x128xf32, #tpu.memory_space<vmem>>, vector<1x16xf32>,
        %add3A_757 = arith.constant 0 : i32
        %add3A_758 = arith.addi %mul3A_594, %add3A_757 : i32
        %swap3A_759 = arith.index_cast %add3A_758 : i32 to index
        %swap3A_760 = arith.constant 32 : index
        %swap3A_761 = tpu.vector_load %arg17[%swap3A_759, %swap3A_760] {strides = array<i32>} : memref<32x128xf32, #tpu.memory_space<vmem>>, vector<1x16xf32>,
        %swap3A_762 = vector.shape_cast %swap3A_761 : vector<1x16xf32> to vector<16xf32>
        %swap3A_763 = vector.shape_cast %mul3A_717 : vector<16xf32> to vector<1x16xf32>
        tpu.vector_store %arg17[%swap3A_759, %swap3A_760], %swap3A_763 {strides = array<i32>} : memref<32x128xf32, #tpu.memory_space<vmem>>, vector<1x16xf32>,
        %add3A_764 = arith.constant 0 : i32
        %add3A_765 = arith.addi %mul3A_594, %add3A_764 : i32
        %swap3A_766 = arith.index_cast %add3A_765 : i32 to index
        %swap3A_767 = arith.constant 48 : index
        %swap3A_768 = tpu.vector_load %arg17[%swap3A_766, %swap3A_767] {strides = array<i32>} : memref<32x128xf32, #tpu.memory_space<vmem>>, vector<1x16xf32>,
        %swap3A_769 = vector.shape_cast %swap3A_768 : vector<1x16xf32> to vector<16xf32>
        %swap3A_770 = vector.shape_cast %mul3A_718 : vector<16xf32> to vector<1x16xf32>
        tpu.vector_store %arg17[%swap3A_766, %swap3A_767], %swap3A_770 {strides = array<i32>} : memref<32x128xf32, #tpu.memory_space<vmem>>, vector<1x16xf32>,
        %add3A_771 = arith.constant 0 : i32
        %add3A_772 = arith.addi %mul3A_594, %add3A_771 : i32
        %swap3A_773 = arith.index_cast %add3A_772 : i32 to index
        %swap3A_774 = arith.constant 64 : index
        %swap3A_775 = tpu.vector_load %arg17[%swap3A_773, %swap3A_774] {strides = array<i32>} : memref<32x128xf32, #tpu.memory_space<vmem>>, vector<1x16xf32>,
        %swap3A_776 = vector.shape_cast %swap3A_775 : vector<1x16xf32> to vector<16xf32>
        %swap3A_777 = vector.shape_cast %mul3A_719 : vector<16xf32> to vector<1x16xf32>
        tpu.vector_store %arg17[%swap3A_773, %swap3A_774], %swap3A_777 {strides = array<i32>} : memref<32x128xf32, #tpu.memory_space<vmem>>, vector<1x16xf32>,
        %add3A_778 = arith.constant 0 : i32
        %add3A_779 = arith.addi %mul3A_594, %add3A_778 : i32
        %swap3A_780 = arith.index_cast %add3A_779 : i32 to index
        %swap3A_781 = arith.constant 80 : index
        %swap3A_782 = tpu.vector_load %arg17[%swap3A_780, %swap3A_781] {strides = array<i32>} : memref<32x128xf32, #tpu.memory_space<vmem>>, vector<1x16xf32>,
        %swap3A_783 = vector.shape_cast %swap3A_782 : vector<1x16xf32> to vector<16xf32>
        %swap3A_784 = vector.shape_cast %mul3A_720 : vector<16xf32> to vector<1x16xf32>
        tpu.vector_store %arg17[%swap3A_780, %swap3A_781], %swap3A_784 {strides = array<i32>} : memref<32x128xf32, #tpu.memory_space<vmem>>, vector<1x16xf32>,
        %add3A_785 = arith.constant 0 : i32
        %add3A_786 = arith.addi %mul3A_594, %add3A_785 : i32
        %swap3A_787 = arith.index_cast %add3A_786 : i32 to index
        %swap3A_788 = arith.constant 96 : index
        %swap3A_789 = tpu.vector_load %arg17[%swap3A_787, %swap3A_788] {strides = array<i32>} : memref<32x128xf32, #tpu.memory_space<vmem>>, vector<1x16xf32>,
        %swap3A_790 = vector.shape_cast %swap3A_789 : vector<1x16xf32> to vector<16xf32>
        %swap3A_791 = vector.shape_cast %mul3A_721 : vector<16xf32> to vector<1x16xf32>
        tpu.vector_store %arg17[%swap3A_787, %swap3A_788], %swap3A_791 {strides = array<i32>} : memref<32x128xf32, #tpu.memory_space<vmem>>, vector<1x16xf32>,
        %add3A_792 = arith.constant 0 : i32
        %add3A_793 = arith.addi %mul3A_594, %add3A_792 : i32
        %swap3A_794 = arith.index_cast %add3A_793 : i32 to index
        %swap3A_795 = arith.constant 112 : index
        %swap3A_796 = tpu.vector_load %arg17[%swap3A_794, %swap3A_795] {strides = array<i32>} : memref<32x128xf32, #tpu.memory_space<vmem>>, vector<1x16xf32>,
        %swap3A_797 = vector.shape_cast %swap3A_796 : vector<1x16xf32> to vector<16xf32>
        %swap3A_798 = vector.shape_cast %mul3A_722 : vector<16xf32> to vector<1x16xf32>
        tpu.vector_store %arg17[%swap3A_794, %swap3A_795], %swap3A_798 {strides = array<i32>} : memref<32x128xf32, #tpu.memory_space<vmem>>, vector<1x16xf32>,
        %add3A_799 = arith.constant 1 : i32
        %add3A_800 = arith.addi %mul3A_594, %add3A_799 : i32
        %swap3A_801 = arith.index_cast %add3A_800 : i32 to index
        %swap3A_802 = arith.constant 0 : index
        %swap3A_803 = tpu.vector_load %arg17[%swap3A_801, %swap3A_802] {strides = array<i32>} : memref<32x128xf32, #tpu.memory_space<vmem>>, vector<1x16xf32>,
        %swap3A_804 = vector.shape_cast %swap3A_803 : vector<1x16xf32> to vector<16xf32>
        %swap3A_805 = vector.shape_cast %mul3A_735 : vector<16xf32> to vector<1x16xf32>
        tpu.vector_store %arg17[%swap3A_801, %swap3A_802], %swap3A_805 {strides = array<i32>} : memref<32x128xf32, #tpu.memory_space<vmem>>, vector<1x16xf32>,
        %add3A_806 = arith.constant 1 : i32
        %add3A_807 = arith.addi %mul3A_594, %add3A_806 : i32
        %swap3A_808 = arith.index_cast %add3A_807 : i32 to index
        %swap3A_809 = arith.constant 16 : index
        %swap3A_810 = tpu.vector_load %arg17[%swap3A_808, %swap3A_809] {strides = array<i32>} : memref<32x128xf32, #tpu.memory_space<vmem>>, vector<1x16xf32>,
        %swap3A_811 = vector.shape_cast %swap3A_810 : vector<1x16xf32> to vector<16xf32>
        %swap3A_812 = vector.shape_cast %mul3A_736 : vector<16xf32> to vector<1x16xf32>
        tpu.vector_store %arg17[%swap3A_808, %swap3A_809], %swap3A_812 {strides = array<i32>} : memref<32x128xf32, #tpu.memory_space<vmem>>, vector<1x16xf32>,
        %add3A_813 = arith.constant 1 : i32
        %add3A_814 = arith.addi %mul3A_594, %add3A_813 : i32
        %swap3A_815 = arith.index_cast %add3A_814 : i32 to index
        %swap3A_816 = arith.constant 32 : index
        %swap3A_817 = tpu.vector_load %arg17[%swap3A_815, %swap3A_816] {strides = array<i32>} : memref<32x128xf32, #tpu.memory_space<vmem>>, vector<1x16xf32>,
        %swap3A_818 = vector.shape_cast %swap3A_817 : vector<1x16xf32> to vector<16xf32>
        %swap3A_819 = vector.shape_cast %mul3A_737 : vector<16xf32> to vector<1x16xf32>
        tpu.vector_store %arg17[%swap3A_815, %swap3A_816], %swap3A_819 {strides = array<i32>} : memref<32x128xf32, #tpu.memory_space<vmem>>, vector<1x16xf32>,
        %add3A_820 = arith.constant 1 : i32
        %add3A_821 = arith.addi %mul3A_594, %add3A_820 : i32
        %swap3A_822 = arith.index_cast %add3A_821 : i32 to index
        %swap3A_823 = arith.constant 48 : index
        %swap3A_824 = tpu.vector_load %arg17[%swap3A_822, %swap3A_823] {strides = array<i32>} : memref<32x128xf32, #tpu.memory_space<vmem>>, vector<1x16xf32>,
        %swap3A_825 = vector.shape_cast %swap3A_824 : vector<1x16xf32> to vector<16xf32>
        %swap3A_826 = vector.shape_cast %mul3A_738 : vector<16xf32> to vector<1x16xf32>
        tpu.vector_store %arg17[%swap3A_822, %swap3A_823], %swap3A_826 {strides = array<i32>} : memref<32x128xf32, #tpu.memory_space<vmem>>, vector<1x16xf32>,
        %add3A_827 = arith.constant 1 : i32
        %add3A_828 = arith.addi %mul3A_594, %add3A_827 : i32
        %swap3A_829 = arith.index_cast %add3A_828 : i32 to index
        %swap3A_830 = arith.constant 64 : index
        %swap3A_831 = tpu.vector_load %arg17[%swap3A_829, %swap3A_830] {strides = array<i32>} : memref<32x128xf32, #tpu.memory_space<vmem>>, vector<1x16xf32>,
        %swap3A_832 = vector.shape_cast %swap3A_831 : vector<1x16xf32> to vector<16xf32>
        %swap3A_833 = vector.shape_cast %mul3A_739 : vector<16xf32> to vector<1x16xf32>
        tpu.vector_store %arg17[%swap3A_829, %swap3A_830], %swap3A_833 {strides = array<i32>} : memref<32x128xf32, #tpu.memory_space<vmem>>, vector<1x16xf32>,
        %add3A_834 = arith.constant 1 : i32
        %add3A_835 = arith.addi %mul3A_594, %add3A_834 : i32
        %swap3A_836 = arith.index_cast %add3A_835 : i32 to index
        %swap3A_837 = arith.constant 80 : index
        %swap3A_838 = tpu.vector_load %arg17[%swap3A_836, %swap3A_837] {strides = array<i32>} : memref<32x128xf32, #tpu.memory_space<vmem>>, vector<1x16xf32>,
        %swap3A_839 = vector.shape_cast %swap3A_838 : vector<1x16xf32> to vector<16xf32>
        %swap3A_840 = vector.shape_cast %mul3A_740 : vector<16xf32> to vector<1x16xf32>
        tpu.vector_store %arg17[%swap3A_836, %swap3A_837], %swap3A_840 {strides = array<i32>} : memref<32x128xf32, #tpu.memory_space<vmem>>, vector<1x16xf32>,
        %add3A_841 = arith.constant 1 : i32
        %add3A_842 = arith.addi %mul3A_594, %add3A_841 : i32
        %swap3A_843 = arith.index_cast %add3A_842 : i32 to index
        %swap3A_844 = arith.constant 96 : index
        %swap3A_845 = tpu.vector_load %arg17[%swap3A_843, %swap3A_844] {strides = array<i32>} : memref<32x128xf32, #tpu.memory_space<vmem>>, vector<1x16xf32>,
        %swap3A_846 = vector.shape_cast %swap3A_845 : vector<1x16xf32> to vector<16xf32>
        %swap3A_847 = vector.shape_cast %mul3A_741 : vector<16xf32> to vector<1x16xf32>
        tpu.vector_store %arg17[%swap3A_843, %swap3A_844], %swap3A_847 {strides = array<i32>} : memref<32x128xf32, #tpu.memory_space<vmem>>, vector<1x16xf32>,
        %add3A_848 = arith.constant 1 : i32
        %add3A_849 = arith.addi %mul3A_594, %add3A_848 : i32
        %swap3A_850 = arith.index_cast %add3A_849 : i32 to index
        %swap3A_851 = arith.constant 112 : index
        %swap3A_852 = tpu.vector_load %arg17[%swap3A_850, %swap3A_851] {strides = array<i32>} : memref<32x128xf32, #tpu.memory_space<vmem>>, vector<1x16xf32>,
        %swap3A_853 = vector.shape_cast %swap3A_852 : vector<1x16xf32> to vector<16xf32>
        %swap3A_854 = vector.shape_cast %mul3A_742 : vector<16xf32> to vector<1x16xf32>
        tpu.vector_store %arg17[%swap3A_850, %swap3A_851], %swap3A_854 {strides = array<i32>} : memref<32x128xf32, #tpu.memory_space<vmem>>, vector<1x16xf32>,
      }
      %scan3A_137 = arith.constant 16 : i32
      %dma_start3A_138 = arith.constant 0 : i32
      %dma_start3A_139 = tpu.memref_slice %arg14[%mul3A_107, %dma_start3A_138] : memref<324x32xi32, #tpu.memory_space<vmem>> -> memref<1x32xi32, #tpu.memory_space<vmem>>
      %dma_start3A_140 = tpu.memref_squeeze %dma_start3A_139 : memref<1x32xi32, #tpu.memory_space<vmem>> -> memref<32xi32, #tpu.memory_space<vmem>>
      %dma_start3A_141 = arith.constant 0 : i32
      %dma_start3A_142 = arith.constant 0 : i32
      %dma_start3A_143 = tpu.memref_slice %arg11[%dma_start3A_141, %dma_start3A_142] : memref<10112x128xf32, #tpu.memory_space<vmem_shared>> -> memref<10112x128xf32, #tpu.memory_space<vmem_shared>>
      tpu.enqueue_indirect_dma source(%arg17 : memref<32x128xf32, #tpu.memory_space<vmem>>) target(%dma_start3A_143 : memref<10112x128xf32, #tpu.memory_space<vmem_shared>>) offsets(%dma_start3A_140 : memref<32xi32, #tpu.memory_space<vmem>>) semaphore(%arg30 : memref<!tpu.dma_semaphore, #tpu.memory_space<semaphore_mem>>) {add = true}
      %dma_start3A_144 = arith.constant 0 : i32
      %dma_start3A_145 = tpu.memref_slice %arg14[%mul3A_107, %dma_start3A_144] : memref<324x32xi32, #tpu.memory_space<vmem>> -> memref<1x32xi32, #tpu.memory_space<vmem>>
      %dma_start3A_146 = tpu.memref_squeeze %dma_start3A_145 : memref<1x32xi32, #tpu.memory_space<vmem>> -> memref<32xi32, #tpu.memory_space<vmem>>
      %dma_start3A_147 = arith.constant 0 : i32
      %dma_start3A_148 = arith.constant 0 : i32
      %dma_start3A_149 = tpu.memref_slice %arg12[%dma_start3A_147, %dma_start3A_148] : memref<10112x16xf32, #tpu.memory_space<vmem_shared>> -> memref<10112x16xf32, #tpu.memory_space<vmem_shared>>
      tpu.enqueue_indirect_dma source(%arg18 : memref<32x16xf32, #tpu.memory_space<vmem>>) target(%dma_start3A_149 : memref<10112x16xf32, #tpu.memory_space<vmem_shared>>) offsets(%dma_start3A_146 : memref<32xi32, #tpu.memory_space<vmem>>) semaphore(%arg30 : memref<!tpu.dma_semaphore, #tpu.memory_space<semaphore_mem>>) {add = true}
      %gt3A = arith.constant 0 : i32
      %gt3A_150 = arith.cmpi sgt, %scan3A_105, %gt3A : i32
      %convert_element_type3A = arith.extui %gt3A_150 : i1 to i32
      %cond3A = arith.constant 0 : i32
      %cond3A_151 = arith.cmpi ne, %convert_element_type3A, %cond3A : i32
      scf.if %cond3A_151 {
        %dma_wait3A_333 = arith.constant 0 : i32
        %dma_wait3A_334 = tpu.memref_slice %arg14[%mul3A_107, %dma_wait3A_333] : memref<324x32xi32, #tpu.memory_space<vmem>> -> memref<1x32xi32, #tpu.memory_space<vmem>>
        %dma_wait3A_335 = tpu.memref_squeeze %dma_wait3A_334 : memref<1x32xi32, #tpu.memory_space<vmem>> -> memref<32xi32, #tpu.memory_space<vmem>>
        %dma_wait3A_336 = arith.constant 0 : i32
        %dma_wait3A_337 = arith.constant 0 : i32
        %dma_wait3A_338 = tpu.memref_slice %arg11[%dma_wait3A_336, %dma_wait3A_337] : memref<10112x128xf32, #tpu.memory_space<vmem_shared>> -> memref<10112x128xf32, #tpu.memory_space<vmem_shared>>
        tpu.wait_indirect_dma semaphore(%arg38 : memref<!tpu.dma_semaphore, #tpu.memory_space<semaphore_mem>>) src(%arg25 : memref<32x128xf32, #tpu.memory_space<vmem>>) dst(%dma_wait3A_338 : memref<10112x128xf32, #tpu.memory_space<vmem_shared>>)
        %dma_wait3A_339 = arith.constant 0 : i32
        %dma_wait3A_340 = tpu.memref_slice %arg14[%mul3A_107, %dma_wait3A_339] : memref<324x32xi32, #tpu.memory_space<vmem>> -> memref<1x32xi32, #tpu.memory_space<vmem>>
        %dma_wait3A_341 = tpu.memref_squeeze %dma_wait3A_340 : memref<1x32xi32, #tpu.memory_space<vmem>> -> memref<32xi32, #tpu.memory_space<vmem>>
        %dma_wait3A_342 = arith.constant 0 : i32
        %dma_wait3A_343 = arith.constant 0 : i32
        %dma_wait3A_344 = tpu.memref_slice %arg12[%dma_wait3A_342, %dma_wait3A_343] : memref<10112x16xf32, #tpu.memory_space<vmem_shared>> -> memref<10112x16xf32, #tpu.memory_space<vmem_shared>>
        tpu.wait_indirect_dma semaphore(%arg38 : memref<!tpu.dma_semaphore, #tpu.memory_space<semaphore_mem>>) src(%arg26 : memref<32x16xf32, #tpu.memory_space<vmem>>) dst(%dma_wait3A_344 : memref<10112x16xf32, #tpu.memory_space<vmem_shared>>)
      } else {
      }
      %add3A_152 = arith.constant 2 : i32
      %add3A_153 = arith.addi %mul3A_107, %add3A_152 : i32
      %dma_start3A_154 = arith.constant 0 : i32
      %dma_start3A_155 = tpu.memref_slice %arg13[%add3A_153, %dma_start3A_154] : memref<324x32xi32, #tpu.memory_space<vmem>> -> memref<1x32xi32, #tpu.memory_space<vmem>>
      %dma_start3A_156 = tpu.memref_squeeze %dma_start3A_155 : memref<1x32xi32, #tpu.memory_space<vmem>> -> memref<32xi32, #tpu.memory_space<vmem>>
      %dma_start3A_157 = arith.constant 0 : i32
      %dma_start3A_158 = arith.constant 0 : i32
      %dma_start3A_159 = tpu.memref_slice %arg3[%dma_start3A_157, %dma_start3A_158] : memref<10112x16xf32, #tpu.memory_space<hbm>> -> memref<10112x16xf32, #tpu.memory_space<hbm>>
      tpu.enqueue_indirect_dma source(%dma_start3A_159 : memref<10112x16xf32, #tpu.memory_space<hbm>>) target(%arg23 : memref<32x16xf32, #tpu.memory_space<vmem>>) offsets(%dma_start3A_156 : memref<32xi32, #tpu.memory_space<vmem>>) semaphore(%arg35 : memref<!tpu.dma_semaphore, #tpu.memory_space<semaphore_mem>>)
      %dma_start3A_160 = arith.constant 0 : i32
      %dma_start3A_161 = tpu.memref_slice %arg14[%add3A_153, %dma_start3A_160] : memref<324x32xi32, #tpu.memory_space<vmem>> -> memref<1x32xi32, #tpu.memory_space<vmem>>
      %dma_start3A_162 = tpu.memref_squeeze %dma_start3A_161 : memref<1x32xi32, #tpu.memory_space<vmem>> -> memref<32xi32, #tpu.memory_space<vmem>>
      %dma_start3A_163 = arith.constant 0 : i32
      %dma_start3A_164 = arith.constant 0 : i32
      %dma_start3A_165 = tpu.memref_slice %arg4[%dma_start3A_163, %dma_start3A_164] : memref<10112x16xf32, #tpu.memory_space<hbm>> -> memref<10112x16xf32, #tpu.memory_space<hbm>>
      tpu.enqueue_indirect_dma source(%dma_start3A_165 : memref<10112x16xf32, #tpu.memory_space<hbm>>) target(%arg24 : memref<32x16xf32, #tpu.memory_space<vmem>>) offsets(%dma_start3A_162 : memref<32xi32, #tpu.memory_space<vmem>>) semaphore(%arg36 : memref<!tpu.dma_semaphore, #tpu.memory_space<semaphore_mem>>)
      %dma_start3A_166 = arith.constant 0 : i32
      %dma_start3A_167 = tpu.memref_slice %arg13[%add3A_153, %dma_start3A_166] : memref<324x32xi32, #tpu.memory_space<vmem>> -> memref<1x32xi32, #tpu.memory_space<vmem>>
      %dma_start3A_168 = tpu.memref_squeeze %dma_start3A_167 : memref<1x32xi32, #tpu.memory_space<vmem>> -> memref<32xi32, #tpu.memory_space<vmem>>
      %dma_start3A_169 = arith.constant 0 : i32
      %dma_start3A_170 = arith.constant 0 : i32
      %dma_start3A_171 = tpu.memref_slice %arg2[%dma_start3A_169, %dma_start3A_170] : memref<10000x128xf32, #tpu.memory_space<hbm>> -> memref<10000x128xf32, #tpu.memory_space<hbm>>
      tpu.enqueue_indirect_dma source(%dma_start3A_171 : memref<10000x128xf32, #tpu.memory_space<hbm>>) target(%arg25 : memref<32x128xf32, #tpu.memory_space<vmem>>) offsets(%dma_start3A_168 : memref<32xi32, #tpu.memory_space<vmem>>) semaphore(%arg37 : memref<!tpu.dma_semaphore, #tpu.memory_space<semaphore_mem>>)
      %add3A_172 = arith.constant 1 : i32
      %add3A_173 = arith.addi %mul3A_107, %add3A_172 : i32
      %dma_wait3A_174 = arith.constant 0 : i32
      %dma_wait3A_175 = tpu.memref_slice %arg13[%add3A_173, %dma_wait3A_174] : memref<324x32xi32, #tpu.memory_space<vmem>> -> memref<1x32xi32, #tpu.memory_space<vmem>>
      %dma_wait3A_176 = tpu.memref_squeeze %dma_wait3A_175 : memref<1x32xi32, #tpu.memory_space<vmem>> -> memref<32xi32, #tpu.memory_space<vmem>>
      %dma_wait3A_177 = arith.constant 0 : i32
      %dma_wait3A_178 = arith.constant 0 : i32
      %dma_wait3A_179 = tpu.memref_slice %arg3[%dma_wait3A_177, %dma_wait3A_178] : memref<10112x16xf32, #tpu.memory_space<hbm>> -> memref<10112x16xf32, #tpu.memory_space<hbm>>
      tpu.wait_indirect_dma semaphore(%arg31 : memref<!tpu.dma_semaphore, #tpu.memory_space<semaphore_mem>>) src(%dma_wait3A_179 : memref<10112x16xf32, #tpu.memory_space<hbm>>) dst(%arg19 : memref<32x16xf32, #tpu.memory_space<vmem>>)
      %dma_wait3A_180 = arith.constant 0 : i32
      %dma_wait3A_181 = tpu.memref_slice %arg14[%add3A_173, %dma_wait3A_180] : memref<324x32xi32, #tpu.memory_space<vmem>> -> memref<1x32xi32, #tpu.memory_space<vmem>>
      %dma_wait3A_182 = tpu.memref_squeeze %dma_wait3A_181 : memref<1x32xi32, #tpu.memory_space<vmem>> -> memref<32xi32, #tpu.memory_space<vmem>>
      %dma_wait3A_183 = arith.constant 0 : i32
      %dma_wait3A_184 = arith.constant 0 : i32
      %dma_wait3A_185 = tpu.memref_slice %arg4[%dma_wait3A_183, %dma_wait3A_184] : memref<10112x16xf32, #tpu.memory_space<hbm>> -> memref<10112x16xf32, #tpu.memory_space<hbm>>
      tpu.wait_indirect_dma semaphore(%arg32 : memref<!tpu.dma_semaphore, #tpu.memory_space<semaphore_mem>>) src(%dma_wait3A_185 : memref<10112x16xf32, #tpu.memory_space<hbm>>) dst(%arg20 : memref<32x16xf32, #tpu.memory_space<vmem>>)
      %dma_wait3A_186 = arith.constant 0 : i32
      %dma_wait3A_187 = tpu.memref_slice %arg13[%add3A_173, %dma_wait3A_186] : memref<324x32xi32, #tpu.memory_space<vmem>> -> memref<1x32xi32, #tpu.memory_space<vmem>>
      %dma_wait3A_188 = tpu.memref_squeeze %dma_wait3A_187 : memref<1x32xi32, #tpu.memory_space<vmem>> -> memref<32xi32, #tpu.memory_space<vmem>>
      %dma_wait3A_189 = arith.constant 0 : i32
      %dma_wait3A_190 = arith.constant 0 : i32
      %dma_wait3A_191 = tpu.memref_slice %arg2[%dma_wait3A_189, %dma_wait3A_190] : memref<10000x128xf32, #tpu.memory_space<hbm>> -> memref<10000x128xf32, #tpu.memory_space<hbm>>
      tpu.wait_indirect_dma semaphore(%arg33 : memref<!tpu.dma_semaphore, #tpu.memory_space<semaphore_mem>>) src(%dma_wait3A_191 : memref<10000x128xf32, #tpu.memory_space<hbm>>) dst(%arg21 : memref<32x128xf32, #tpu.memory_space<vmem>>)
      %add3A_192 = arith.constant 1 : i32
      %add3A_193 = arith.addi %mul3A_107, %add3A_192 : i32
      %scan3A_194 = arith.constant 0 : i32
      %scan3A_195 = arith.constant 0 : i32
      %scan3A_196 = arith.constant 4 : i32
      %scan3A_197 = arith.addi %scan3A_195, %scan3A_196 : i32
      %scan3A_198 = arith.constant 1 : i32
      scf.for %scan3A_333 = %scan3A_195 to %scan3A_197 step %scan3A_198  : i32 {
        %mul3A_334 = arith.constant 8 : i32
        %mul3A_335 = arith.muli %scan3A_333, %mul3A_334 : i32
        %add3A_336 = arith.constant 0 : i32
        %add3A_337 = arith.addi %mul3A_335, %add3A_336 : i32
        %get3A = arith.index_cast %add3A_337 : i32 to index
        %get3A_338 = arith.constant 0 : index
        %get3A_339 = tpu.vector_load %arg19[%get3A, %get3A_338] {strides = array<i32>} : memref<32x16xf32, #tpu.memory_space<vmem>>, vector<1x16xf32>,
        %get3A_340 = vector.shape_cast %get3A_339 : vector<1x16xf32> to vector<16xf32>
        %add3A_341 = arith.constant 0 : i32
        %add3A_342 = arith.addi %mul3A_335, %add3A_341 : i32
        %get3A_343 = arith.index_cast %add3A_342 : i32 to index
        %get3A_344 = arith.constant 0 : index
        %get3A_345 = tpu.vector_load %arg20[%get3A_343, %get3A_344] {strides = array<i32>} : memref<32x16xf32, #tpu.memory_space<vmem>>, vector<1x16xf32>,
        %get3A_346 = vector.shape_cast %get3A_345 : vector<1x16xf32> to vector<16xf32>
        %add3A_347 = arith.addf %get3A_340, %get3A_346 : vector<16xf32>
        %add3A_348 = arith.constant 1 : i32
        %add3A_349 = arith.addi %mul3A_335, %add3A_348 : i32
        %get3A_350 = arith.index_cast %add3A_349 : i32 to index
        %get3A_351 = arith.constant 0 : index
        %get3A_352 = tpu.vector_load %arg19[%get3A_350, %get3A_351] {strides = array<i32>} : memref<32x16xf32, #tpu.memory_space<vmem>>, vector<1x16xf32>,
        %get3A_353 = vector.shape_cast %get3A_352 : vector<1x16xf32> to vector<16xf32>
        %add3A_354 = arith.constant 1 : i32
        %add3A_355 = arith.addi %mul3A_335, %add3A_354 : i32
        %get3A_356 = arith.index_cast %add3A_355 : i32 to index
        %get3A_357 = arith.constant 0 : index
        %get3A_358 = tpu.vector_load %arg20[%get3A_356, %get3A_357] {strides = array<i32>} : memref<32x16xf32, #tpu.memory_space<vmem>>, vector<1x16xf32>,
        %get3A_359 = vector.shape_cast %get3A_358 : vector<1x16xf32> to vector<16xf32>
        %add3A_360 = arith.addf %get3A_353, %get3A_359 : vector<16xf32>
        %add3A_361 = arith.constant 2 : i32
        %add3A_362 = arith.addi %mul3A_335, %add3A_361 : i32
        %get3A_363 = arith.index_cast %add3A_362 : i32 to index
        %get3A_364 = arith.constant 0 : index
        %get3A_365 = tpu.vector_load %arg19[%get3A_363, %get3A_364] {strides = array<i32>} : memref<32x16xf32, #tpu.memory_space<vmem>>, vector<1x16xf32>,
        %get3A_366 = vector.shape_cast %get3A_365 : vector<1x16xf32> to vector<16xf32>
        %add3A_367 = arith.constant 2 : i32
        %add3A_368 = arith.addi %mul3A_335, %add3A_367 : i32
        %get3A_369 = arith.index_cast %add3A_368 : i32 to index
        %get3A_370 = arith.constant 0 : index
        %get3A_371 = tpu.vector_load %arg20[%get3A_369, %get3A_370] {strides = array<i32>} : memref<32x16xf32, #tpu.memory_space<vmem>>, vector<1x16xf32>,
        %get3A_372 = vector.shape_cast %get3A_371 : vector<1x16xf32> to vector<16xf32>
        %add3A_373 = arith.addf %get3A_366, %get3A_372 : vector<16xf32>
        %add3A_374 = arith.constant 3 : i32
        %add3A_375 = arith.addi %mul3A_335, %add3A_374 : i32
        %get3A_376 = arith.index_cast %add3A_375 : i32 to index
        %get3A_377 = arith.constant 0 : index
        %get3A_378 = tpu.vector_load %arg19[%get3A_376, %get3A_377] {strides = array<i32>} : memref<32x16xf32, #tpu.memory_space<vmem>>, vector<1x16xf32>,
        %get3A_379 = vector.shape_cast %get3A_378 : vector<1x16xf32> to vector<16xf32>
        %add3A_380 = arith.constant 3 : i32
        %add3A_381 = arith.addi %mul3A_335, %add3A_380 : i32
        %get3A_382 = arith.index_cast %add3A_381 : i32 to index
        %get3A_383 = arith.constant 0 : index
        %get3A_384 = tpu.vector_load %arg20[%get3A_382, %get3A_383] {strides = array<i32>} : memref<32x16xf32, #tpu.memory_space<vmem>>, vector<1x16xf32>,
        %get3A_385 = vector.shape_cast %get3A_384 : vector<1x16xf32> to vector<16xf32>
        %add3A_386 = arith.addf %get3A_379, %get3A_385 : vector<16xf32>
        %add3A_387 = arith.constant 4 : i32
        %add3A_388 = arith.addi %mul3A_335, %add3A_387 : i32
        %get3A_389 = arith.index_cast %add3A_388 : i32 to index
        %get3A_390 = arith.constant 0 : index
        %get3A_391 = tpu.vector_load %arg19[%get3A_389, %get3A_390] {strides = array<i32>} : memref<32x16xf32, #tpu.memory_space<vmem>>, vector<1x16xf32>,
        %get3A_392 = vector.shape_cast %get3A_391 : vector<1x16xf32> to vector<16xf32>
        %add3A_393 = arith.constant 4 : i32
        %add3A_394 = arith.addi %mul3A_335, %add3A_393 : i32
        %get3A_395 = arith.index_cast %add3A_394 : i32 to index
        %get3A_396 = arith.constant 0 : index
        %get3A_397 = tpu.vector_load %arg20[%get3A_395, %get3A_396] {strides = array<i32>} : memref<32x16xf32, #tpu.memory_space<vmem>>, vector<1x16xf32>,
        %get3A_398 = vector.shape_cast %get3A_397 : vector<1x16xf32> to vector<16xf32>
        %add3A_399 = arith.addf %get3A_392, %get3A_398 : vector<16xf32>
        %add3A_400 = arith.constant 5 : i32
        %add3A_401 = arith.addi %mul3A_335, %add3A_400 : i32
        %get3A_402 = arith.index_cast %add3A_401 : i32 to index
        %get3A_403 = arith.constant 0 : index
        %get3A_404 = tpu.vector_load %arg19[%get3A_402, %get3A_403] {strides = array<i32>} : memref<32x16xf32, #tpu.memory_space<vmem>>, vector<1x16xf32>,
        %get3A_405 = vector.shape_cast %get3A_404 : vector<1x16xf32> to vector<16xf32>
        %add3A_406 = arith.constant 5 : i32
        %add3A_407 = arith.addi %mul3A_335, %add3A_406 : i32
        %get3A_408 = arith.index_cast %add3A_407 : i32 to index
        %get3A_409 = arith.constant 0 : index
        %get3A_410 = tpu.vector_load %arg20[%get3A_408, %get3A_409] {strides = array<i32>} : memref<32x16xf32, #tpu.memory_space<vmem>>, vector<1x16xf32>,
        %get3A_411 = vector.shape_cast %get3A_410 : vector<1x16xf32> to vector<16xf32>
        %add3A_412 = arith.addf %get3A_405, %get3A_411 : vector<16xf32>
        %add3A_413 = arith.constant 6 : i32
        %add3A_414 = arith.addi %mul3A_335, %add3A_413 : i32
        %get3A_415 = arith.index_cast %add3A_414 : i32 to index
        %get3A_416 = arith.constant 0 : index
        %get3A_417 = tpu.vector_load %arg19[%get3A_415, %get3A_416] {strides = array<i32>} : memref<32x16xf32, #tpu.memory_space<vmem>>, vector<1x16xf32>,
        %get3A_418 = vector.shape_cast %get3A_417 : vector<1x16xf32> to vector<16xf32>
        %add3A_419 = arith.constant 6 : i32
        %add3A_420 = arith.addi %mul3A_335, %add3A_419 : i32
        %get3A_421 = arith.index_cast %add3A_420 : i32 to index
        %get3A_422 = arith.constant 0 : index
        %get3A_423 = tpu.vector_load %arg20[%get3A_421, %get3A_422] {strides = array<i32>} : memref<32x16xf32, #tpu.memory_space<vmem>>, vector<1x16xf32>,
        %get3A_424 = vector.shape_cast %get3A_423 : vector<1x16xf32> to vector<16xf32>
        %add3A_425 = arith.addf %get3A_418, %get3A_424 : vector<16xf32>
        %add3A_426 = arith.constant 7 : i32
        %add3A_427 = arith.addi %mul3A_335, %add3A_426 : i32
        %get3A_428 = arith.index_cast %add3A_427 : i32 to index
        %get3A_429 = arith.constant 0 : index
        %get3A_430 = tpu.vector_load %arg19[%get3A_428, %get3A_429] {strides = array<i32>} : memref<32x16xf32, #tpu.memory_space<vmem>>, vector<1x16xf32>,
        %get3A_431 = vector.shape_cast %get3A_430 : vector<1x16xf32> to vector<16xf32>
        %add3A_432 = arith.constant 7 : i32
        %add3A_433 = arith.addi %mul3A_335, %add3A_432 : i32
        %get3A_434 = arith.index_cast %add3A_433 : i32 to index
        %get3A_435 = arith.constant 0 : index
        %get3A_436 = tpu.vector_load %arg20[%get3A_434, %get3A_435] {strides = array<i32>} : memref<32x16xf32, #tpu.memory_space<vmem>>, vector<1x16xf32>,
        %get3A_437 = vector.shape_cast %get3A_436 : vector<1x16xf32> to vector<16xf32>
        %add3A_438 = arith.addf %get3A_431, %get3A_437 : vector<16xf32>
        %ge3A = arith.constant 0.000000e+00 : f32
        %ge3A_439 = vector.broadcast %ge3A : f32 to vector<16xf32>
        %ge3A_440 = arith.cmpf oge, %add3A_347, %ge3A_439 : vector<16xf32>
        %mul3A_441 = arith.constant 2.000000e-01 : f32
        %mul3A_442 = vector.broadcast %mul3A_441 : f32 to vector<16xf32>
        %mul3A_443 = arith.mulf %add3A_347, %mul3A_442 : vector<16xf32>
        %select_n3A = arith.select %ge3A_440, %add3A_347, %mul3A_443 : vector<16xi1>, vector<16xf32>
        %ge3A_444 = arith.constant 0.000000e+00 : f32
        %ge3A_445 = vector.broadcast %ge3A_444 : f32 to vector<16xf32>
        %ge3A_446 = arith.cmpf oge, %add3A_360, %ge3A_445 : vector<16xf32>
        %mul3A_447 = arith.constant 2.000000e-01 : f32
        %mul3A_448 = vector.broadcast %mul3A_447 : f32 to vector<16xf32>
        %mul3A_449 = arith.mulf %add3A_360, %mul3A_448 : vector<16xf32>
        %select_n3A_450 = arith.select %ge3A_446, %add3A_360, %mul3A_449 : vector<16xi1>, vector<16xf32>
        %ge3A_451 = arith.constant 0.000000e+00 : f32
        %ge3A_452 = vector.broadcast %ge3A_451 : f32 to vector<16xf32>
        %ge3A_453 = arith.cmpf oge, %add3A_373, %ge3A_452 : vector<16xf32>
        %mul3A_454 = arith.constant 2.000000e-01 : f32
        %mul3A_455 = vector.broadcast %mul3A_454 : f32 to vector<16xf32>
        %mul3A_456 = arith.mulf %add3A_373, %mul3A_455 : vector<16xf32>
        %select_n3A_457 = arith.select %ge3A_453, %add3A_373, %mul3A_456 : vector<16xi1>, vector<16xf32>
        %ge3A_458 = arith.constant 0.000000e+00 : f32
        %ge3A_459 = vector.broadcast %ge3A_458 : f32 to vector<16xf32>
        %ge3A_460 = arith.cmpf oge, %add3A_386, %ge3A_459 : vector<16xf32>
        %mul3A_461 = arith.constant 2.000000e-01 : f32
        %mul3A_462 = vector.broadcast %mul3A_461 : f32 to vector<16xf32>
        %mul3A_463 = arith.mulf %add3A_386, %mul3A_462 : vector<16xf32>
        %select_n3A_464 = arith.select %ge3A_460, %add3A_386, %mul3A_463 : vector<16xi1>, vector<16xf32>
        %ge3A_465 = arith.constant 0.000000e+00 : f32
        %ge3A_466 = vector.broadcast %ge3A_465 : f32 to vector<16xf32>
        %ge3A_467 = arith.cmpf oge, %add3A_399, %ge3A_466 : vector<16xf32>
        %mul3A_468 = arith.constant 2.000000e-01 : f32
        %mul3A_469 = vector.broadcast %mul3A_468 : f32 to vector<16xf32>
        %mul3A_470 = arith.mulf %add3A_399, %mul3A_469 : vector<16xf32>
        %select_n3A_471 = arith.select %ge3A_467, %add3A_399, %mul3A_470 : vector<16xi1>, vector<16xf32>
        %ge3A_472 = arith.constant 0.000000e+00 : f32
        %ge3A_473 = vector.broadcast %ge3A_472 : f32 to vector<16xf32>
        %ge3A_474 = arith.cmpf oge, %add3A_412, %ge3A_473 : vector<16xf32>
        %mul3A_475 = arith.constant 2.000000e-01 : f32
        %mul3A_476 = vector.broadcast %mul3A_475 : f32 to vector<16xf32>
        %mul3A_477 = arith.mulf %add3A_412, %mul3A_476 : vector<16xf32>
        %select_n3A_478 = arith.select %ge3A_474, %add3A_412, %mul3A_477 : vector<16xi1>, vector<16xf32>
        %ge3A_479 = arith.constant 0.000000e+00 : f32
        %ge3A_480 = vector.broadcast %ge3A_479 : f32 to vector<16xf32>
        %ge3A_481 = arith.cmpf oge, %add3A_425, %ge3A_480 : vector<16xf32>
        %mul3A_482 = arith.constant 2.000000e-01 : f32
        %mul3A_483 = vector.broadcast %mul3A_482 : f32 to vector<16xf32>
        %mul3A_484 = arith.mulf %add3A_425, %mul3A_483 : vector<16xf32>
        %select_n3A_485 = arith.select %ge3A_481, %add3A_425, %mul3A_484 : vector<16xi1>, vector<16xf32>
        %ge3A_486 = arith.constant 0.000000e+00 : f32
        %ge3A_487 = vector.broadcast %ge3A_486 : f32 to vector<16xf32>
        %ge3A_488 = arith.cmpf oge, %add3A_438, %ge3A_487 : vector<16xf32>
        %mul3A_489 = arith.constant 2.000000e-01 : f32
        %mul3A_490 = vector.broadcast %mul3A_489 : f32 to vector<16xf32>
        %mul3A_491 = arith.mulf %add3A_438, %mul3A_490 : vector<16xf32>
        %select_n3A_492 = arith.select %ge3A_488, %add3A_438, %mul3A_491 : vector<16xi1>, vector<16xf32>
        %exp3A = math.exp %select_n3A : vector<16xf32>
        %exp3A_493 = math.exp %select_n3A_450 : vector<16xf32>
        %exp3A_494 = math.exp %select_n3A_457 : vector<16xf32>
        %exp3A_495 = math.exp %select_n3A_464 : vector<16xf32>
        %exp3A_496 = math.exp %select_n3A_471 : vector<16xf32>
        %exp3A_497 = math.exp %select_n3A_478 : vector<16xf32>
        %exp3A_498 = math.exp %select_n3A_485 : vector<16xf32>
        %exp3A_499 = math.exp %select_n3A_492 : vector<16xf32>
        %add3A_500 = arith.constant 0 : i32
        %add3A_501 = arith.addi %mul3A_335, %add3A_500 : i32
        %swap3A = arith.index_cast %add3A_501 : i32 to index
        %swap3A_502 = arith.constant 0 : index
        %swap3A_503 = tpu.vector_load %arg22[%swap3A, %swap3A_502] {strides = array<i32>} : memref<32x16xf32, #tpu.memory_space<vmem>>, vector<1x16xf32>,
        %swap3A_504 = vector.shape_cast %swap3A_503 : vector<1x16xf32> to vector<16xf32>
        %swap3A_505 = vector.shape_cast %exp3A : vector<16xf32> to vector<1x16xf32>
        tpu.vector_store %arg22[%swap3A, %swap3A_502], %swap3A_505 {strides = array<i32>} : memref<32x16xf32, #tpu.memory_space<vmem>>, vector<1x16xf32>,
        %add3A_506 = arith.constant 1 : i32
        %add3A_507 = arith.addi %mul3A_335, %add3A_506 : i32
        %swap3A_508 = arith.index_cast %add3A_507 : i32 to index
        %swap3A_509 = arith.constant 0 : index
        %swap3A_510 = tpu.vector_load %arg22[%swap3A_508, %swap3A_509] {strides = array<i32>} : memref<32x16xf32, #tpu.memory_space<vmem>>, vector<1x16xf32>,
        %swap3A_511 = vector.shape_cast %swap3A_510 : vector<1x16xf32> to vector<16xf32>
        %swap3A_512 = vector.shape_cast %exp3A_493 : vector<16xf32> to vector<1x16xf32>
        tpu.vector_store %arg22[%swap3A_508, %swap3A_509], %swap3A_512 {strides = array<i32>} : memref<32x16xf32, #tpu.memory_space<vmem>>, vector<1x16xf32>,
        %add3A_513 = arith.constant 2 : i32
        %add3A_514 = arith.addi %mul3A_335, %add3A_513 : i32
        %swap3A_515 = arith.index_cast %add3A_514 : i32 to index
        %swap3A_516 = arith.constant 0 : index
        %swap3A_517 = tpu.vector_load %arg22[%swap3A_515, %swap3A_516] {strides = array<i32>} : memref<32x16xf32, #tpu.memory_space<vmem>>, vector<1x16xf32>,
        %swap3A_518 = vector.shape_cast %swap3A_517 : vector<1x16xf32> to vector<16xf32>
        %swap3A_519 = vector.shape_cast %exp3A_494 : vector<16xf32> to vector<1x16xf32>
        tpu.vector_store %arg22[%swap3A_515, %swap3A_516], %swap3A_519 {strides = array<i32>} : memref<32x16xf32, #tpu.memory_space<vmem>>, vector<1x16xf32>,
        %add3A_520 = arith.constant 3 : i32
        %add3A_521 = arith.addi %mul3A_335, %add3A_520 : i32
        %swap3A_522 = arith.index_cast %add3A_521 : i32 to index
        %swap3A_523 = arith.constant 0 : index
        %swap3A_524 = tpu.vector_load %arg22[%swap3A_522, %swap3A_523] {strides = array<i32>} : memref<32x16xf32, #tpu.memory_space<vmem>>, vector<1x16xf32>,
        %swap3A_525 = vector.shape_cast %swap3A_524 : vector<1x16xf32> to vector<16xf32>
        %swap3A_526 = vector.shape_cast %exp3A_495 : vector<16xf32> to vector<1x16xf32>
        tpu.vector_store %arg22[%swap3A_522, %swap3A_523], %swap3A_526 {strides = array<i32>} : memref<32x16xf32, #tpu.memory_space<vmem>>, vector<1x16xf32>,
        %add3A_527 = arith.constant 4 : i32
        %add3A_528 = arith.addi %mul3A_335, %add3A_527 : i32
        %swap3A_529 = arith.index_cast %add3A_528 : i32 to index
        %swap3A_530 = arith.constant 0 : index
        %swap3A_531 = tpu.vector_load %arg22[%swap3A_529, %swap3A_530] {strides = array<i32>} : memref<32x16xf32, #tpu.memory_space<vmem>>, vector<1x16xf32>,
        %swap3A_532 = vector.shape_cast %swap3A_531 : vector<1x16xf32> to vector<16xf32>
        %swap3A_533 = vector.shape_cast %exp3A_496 : vector<16xf32> to vector<1x16xf32>
        tpu.vector_store %arg22[%swap3A_529, %swap3A_530], %swap3A_533 {strides = array<i32>} : memref<32x16xf32, #tpu.memory_space<vmem>>, vector<1x16xf32>,
        %add3A_534 = arith.constant 5 : i32
        %add3A_535 = arith.addi %mul3A_335, %add3A_534 : i32
        %swap3A_536 = arith.index_cast %add3A_535 : i32 to index
        %swap3A_537 = arith.constant 0 : index
        %swap3A_538 = tpu.vector_load %arg22[%swap3A_536, %swap3A_537] {strides = array<i32>} : memref<32x16xf32, #tpu.memory_space<vmem>>, vector<1x16xf32>,
        %swap3A_539 = vector.shape_cast %swap3A_538 : vector<1x16xf32> to vector<16xf32>
        %swap3A_540 = vector.shape_cast %exp3A_497 : vector<16xf32> to vector<1x16xf32>
        tpu.vector_store %arg22[%swap3A_536, %swap3A_537], %swap3A_540 {strides = array<i32>} : memref<32x16xf32, #tpu.memory_space<vmem>>, vector<1x16xf32>,
        %add3A_541 = arith.constant 6 : i32
        %add3A_542 = arith.addi %mul3A_335, %add3A_541 : i32
        %swap3A_543 = arith.index_cast %add3A_542 : i32 to index
        %swap3A_544 = arith.constant 0 : index
        %swap3A_545 = tpu.vector_load %arg22[%swap3A_543, %swap3A_544] {strides = array<i32>} : memref<32x16xf32, #tpu.memory_space<vmem>>, vector<1x16xf32>,
        %swap3A_546 = vector.shape_cast %swap3A_545 : vector<1x16xf32> to vector<16xf32>
        %swap3A_547 = vector.shape_cast %exp3A_498 : vector<16xf32> to vector<1x16xf32>
        tpu.vector_store %arg22[%swap3A_543, %swap3A_544], %swap3A_547 {strides = array<i32>} : memref<32x16xf32, #tpu.memory_space<vmem>>, vector<1x16xf32>,
        %add3A_548 = arith.constant 7 : i32
        %add3A_549 = arith.addi %mul3A_335, %add3A_548 : i32
        %swap3A_550 = arith.index_cast %add3A_549 : i32 to index
        %swap3A_551 = arith.constant 0 : index
        %swap3A_552 = tpu.vector_load %arg22[%swap3A_550, %swap3A_551] {strides = array<i32>} : memref<32x16xf32, #tpu.memory_space<vmem>>, vector<1x16xf32>,
        %swap3A_553 = vector.shape_cast %swap3A_552 : vector<1x16xf32> to vector<16xf32>
        %swap3A_554 = vector.shape_cast %exp3A_499 : vector<16xf32> to vector<1x16xf32>
        tpu.vector_store %arg22[%swap3A_550, %swap3A_551], %swap3A_554 {strides = array<i32>} : memref<32x16xf32, #tpu.memory_space<vmem>>, vector<1x16xf32>,
      }
      %scan3A_199 = arith.constant 4 : i32
      %scan3A_200 = arith.constant 0 : i32
      %scan3A_201 = arith.constant 0 : i32
      %scan3A_202 = arith.constant 16 : i32
      %scan3A_203 = arith.addi %scan3A_201, %scan3A_202 : i32
      %scan3A_204 = arith.constant 2 : i32
      scf.for %scan3A_333 = %scan3A_201 to %scan3A_203 step %scan3A_204  : i32 {
        %mul3A_334 = arith.constant 2 : i32
        %mul3A_335 = arith.muli %scan3A_333, %mul3A_334 : i32
        %add3A_336 = arith.constant 0 : i32
        %add3A_337 = arith.addi %mul3A_335, %add3A_336 : i32
        %get3A = arith.index_cast %add3A_337 : i32 to index
        %get3A_338 = arith.constant 0 : index
        %get3A_339 = tpu.vector_load %arg22[%get3A, %get3A_338] {strides = array<i32>} : memref<32x16xf32, #tpu.memory_space<vmem>>, vector<1x16xf32>,
        %get3A_340 = vector.shape_cast %get3A_339 : vector<1x16xf32> to vector<16xf32>
        %add3A_341 = arith.constant 1 : i32
        %add3A_342 = arith.addi %mul3A_335, %add3A_341 : i32
        %get3A_343 = arith.index_cast %add3A_342 : i32 to index
        %get3A_344 = arith.constant 0 : index
        %get3A_345 = tpu.vector_load %arg22[%get3A_343, %get3A_344] {strides = array<i32>} : memref<32x16xf32, #tpu.memory_space<vmem>>, vector<1x16xf32>,
        %get3A_346 = vector.shape_cast %get3A_345 : vector<1x16xf32> to vector<16xf32>
        %add3A_347 = arith.constant 0 : i32
        %add3A_348 = arith.addi %mul3A_335, %add3A_347 : i32
        %get3A_349 = arith.index_cast %add3A_348 : i32 to index
        %get3A_350 = arith.constant 0 : index
        %get3A_351 = tpu.vector_load %arg21[%get3A_349, %get3A_350] {strides = array<i32>} : memref<32x128xf32, #tpu.memory_space<vmem>>, vector<1x16xf32>,
        %get3A_352 = vector.shape_cast %get3A_351 : vector<1x16xf32> to vector<16xf32>
        %add3A_353 = arith.constant 0 : i32
        %add3A_354 = arith.addi %mul3A_335, %add3A_353 : i32
        %get3A_355 = arith.index_cast %add3A_354 : i32 to index
        %get3A_356 = arith.constant 16 : index
        %get3A_357 = tpu.vector_load %arg21[%get3A_355, %get3A_356] {strides = array<i32>} : memref<32x128xf32, #tpu.memory_space<vmem>>, vector<1x16xf32>,
        %get3A_358 = vector.shape_cast %get3A_357 : vector<1x16xf32> to vector<16xf32>
        %add3A_359 = arith.constant 0 : i32
        %add3A_360 = arith.addi %mul3A_335, %add3A_359 : i32
        %get3A_361 = arith.index_cast %add3A_360 : i32 to index
        %get3A_362 = arith.constant 32 : index
        %get3A_363 = tpu.vector_load %arg21[%get3A_361, %get3A_362] {strides = array<i32>} : memref<32x128xf32, #tpu.memory_space<vmem>>, vector<1x16xf32>,
        %get3A_364 = vector.shape_cast %get3A_363 : vector<1x16xf32> to vector<16xf32>
        %add3A_365 = arith.constant 0 : i32
        %add3A_366 = arith.addi %mul3A_335, %add3A_365 : i32
        %get3A_367 = arith.index_cast %add3A_366 : i32 to index
        %get3A_368 = arith.constant 48 : index
        %get3A_369 = tpu.vector_load %arg21[%get3A_367, %get3A_368] {strides = array<i32>} : memref<32x128xf32, #tpu.memory_space<vmem>>, vector<1x16xf32>,
        %get3A_370 = vector.shape_cast %get3A_369 : vector<1x16xf32> to vector<16xf32>
        %add3A_371 = arith.constant 0 : i32
        %add3A_372 = arith.addi %mul3A_335, %add3A_371 : i32
        %get3A_373 = arith.index_cast %add3A_372 : i32 to index
        %get3A_374 = arith.constant 64 : index
        %get3A_375 = tpu.vector_load %arg21[%get3A_373, %get3A_374] {strides = array<i32>} : memref<32x128xf32, #tpu.memory_space<vmem>>, vector<1x16xf32>,
        %get3A_376 = vector.shape_cast %get3A_375 : vector<1x16xf32> to vector<16xf32>
        %add3A_377 = arith.constant 0 : i32
        %add3A_378 = arith.addi %mul3A_335, %add3A_377 : i32
        %get3A_379 = arith.index_cast %add3A_378 : i32 to index
        %get3A_380 = arith.constant 80 : index
        %get3A_381 = tpu.vector_load %arg21[%get3A_379, %get3A_380] {strides = array<i32>} : memref<32x128xf32, #tpu.memory_space<vmem>>, vector<1x16xf32>,
        %get3A_382 = vector.shape_cast %get3A_381 : vector<1x16xf32> to vector<16xf32>
        %add3A_383 = arith.constant 0 : i32
        %add3A_384 = arith.addi %mul3A_335, %add3A_383 : i32
        %get3A_385 = arith.index_cast %add3A_384 : i32 to index
        %get3A_386 = arith.constant 96 : index
        %get3A_387 = tpu.vector_load %arg21[%get3A_385, %get3A_386] {strides = array<i32>} : memref<32x128xf32, #tpu.memory_space<vmem>>, vector<1x16xf32>,
        %get3A_388 = vector.shape_cast %get3A_387 : vector<1x16xf32> to vector<16xf32>
        %add3A_389 = arith.constant 0 : i32
        %add3A_390 = arith.addi %mul3A_335, %add3A_389 : i32
        %get3A_391 = arith.index_cast %add3A_390 : i32 to index
        %get3A_392 = arith.constant 112 : index
        %get3A_393 = tpu.vector_load %arg21[%get3A_391, %get3A_392] {strides = array<i32>} : memref<32x128xf32, #tpu.memory_space<vmem>>, vector<1x16xf32>,
        %get3A_394 = vector.shape_cast %get3A_393 : vector<1x16xf32> to vector<16xf32>
        %add3A_395 = arith.constant 1 : i32
        %add3A_396 = arith.addi %mul3A_335, %add3A_395 : i32
        %get3A_397 = arith.index_cast %add3A_396 : i32 to index
        %get3A_398 = arith.constant 0 : index
        %get3A_399 = tpu.vector_load %arg21[%get3A_397, %get3A_398] {strides = array<i32>} : memref<32x128xf32, #tpu.memory_space<vmem>>, vector<1x16xf32>,
        %get3A_400 = vector.shape_cast %get3A_399 : vector<1x16xf32> to vector<16xf32>
        %add3A_401 = arith.constant 1 : i32
        %add3A_402 = arith.addi %mul3A_335, %add3A_401 : i32
        %get3A_403 = arith.index_cast %add3A_402 : i32 to index
        %get3A_404 = arith.constant 16 : index
        %get3A_405 = tpu.vector_load %arg21[%get3A_403, %get3A_404] {strides = array<i32>} : memref<32x128xf32, #tpu.memory_space<vmem>>, vector<1x16xf32>,
        %get3A_406 = vector.shape_cast %get3A_405 : vector<1x16xf32> to vector<16xf32>
        %add3A_407 = arith.constant 1 : i32
        %add3A_408 = arith.addi %mul3A_335, %add3A_407 : i32
        %get3A_409 = arith.index_cast %add3A_408 : i32 to index
        %get3A_410 = arith.constant 32 : index
        %get3A_411 = tpu.vector_load %arg21[%get3A_409, %get3A_410] {strides = array<i32>} : memref<32x128xf32, #tpu.memory_space<vmem>>, vector<1x16xf32>,
        %get3A_412 = vector.shape_cast %get3A_411 : vector<1x16xf32> to vector<16xf32>
        %add3A_413 = arith.constant 1 : i32
        %add3A_414 = arith.addi %mul3A_335, %add3A_413 : i32
        %get3A_415 = arith.index_cast %add3A_414 : i32 to index
        %get3A_416 = arith.constant 48 : index
        %get3A_417 = tpu.vector_load %arg21[%get3A_415, %get3A_416] {strides = array<i32>} : memref<32x128xf32, #tpu.memory_space<vmem>>, vector<1x16xf32>,
        %get3A_418 = vector.shape_cast %get3A_417 : vector<1x16xf32> to vector<16xf32>
        %add3A_419 = arith.constant 1 : i32
        %add3A_420 = arith.addi %mul3A_335, %add3A_419 : i32
        %get3A_421 = arith.index_cast %add3A_420 : i32 to index
        %get3A_422 = arith.constant 64 : index
        %get3A_423 = tpu.vector_load %arg21[%get3A_421, %get3A_422] {strides = array<i32>} : memref<32x128xf32, #tpu.memory_space<vmem>>, vector<1x16xf32>,
        %get3A_424 = vector.shape_cast %get3A_423 : vector<1x16xf32> to vector<16xf32>
        %add3A_425 = arith.constant 1 : i32
        %add3A_426 = arith.addi %mul3A_335, %add3A_425 : i32
        %get3A_427 = arith.index_cast %add3A_426 : i32 to index
        %get3A_428 = arith.constant 80 : index
        %get3A_429 = tpu.vector_load %arg21[%get3A_427, %get3A_428] {strides = array<i32>} : memref<32x128xf32, #tpu.memory_space<vmem>>, vector<1x16xf32>,
        %get3A_430 = vector.shape_cast %get3A_429 : vector<1x16xf32> to vector<16xf32>
        %add3A_431 = arith.constant 1 : i32
        %add3A_432 = arith.addi %mul3A_335, %add3A_431 : i32
        %get3A_433 = arith.index_cast %add3A_432 : i32 to index
        %get3A_434 = arith.constant 96 : index
        %get3A_435 = tpu.vector_load %arg21[%get3A_433, %get3A_434] {strides = array<i32>} : memref<32x128xf32, #tpu.memory_space<vmem>>, vector<1x16xf32>,
        %get3A_436 = vector.shape_cast %get3A_435 : vector<1x16xf32> to vector<16xf32>
        %add3A_437 = arith.constant 1 : i32
        %add3A_438 = arith.addi %mul3A_335, %add3A_437 : i32
        %get3A_439 = arith.index_cast %add3A_438 : i32 to index
        %get3A_440 = arith.constant 112 : index
        %get3A_441 = tpu.vector_load %arg21[%get3A_439, %get3A_440] {strides = array<i32>} : memref<32x128xf32, #tpu.memory_space<vmem>>, vector<1x16xf32>,
        %get3A_442 = vector.shape_cast %get3A_441 : vector<1x16xf32> to vector<16xf32>
        %slice3A = vector.extract_strided_slice %get3A_340 {offsets = [0], sizes = [1], strides = [1]} : vector<16xf32> to vector<1xf32>
        %squeeze3A = vector.extract %slice3A[0] : f32 from vector<1xf32>
        %broadcast_in_dim3A = vector.broadcast %squeeze3A : f32 to vector<16xf32>
        %slice3A_443 = vector.extract_strided_slice %get3A_340 {offsets = [1], sizes = [1], strides = [1]} : vector<16xf32> to vector<1xf32>
        %squeeze3A_444 = vector.extract %slice3A_443[0] : f32 from vector<1xf32>
        %broadcast_in_dim3A_445 = vector.broadcast %squeeze3A_444 : f32 to vector<16xf32>
        %slice3A_446 = vector.extract_strided_slice %get3A_340 {offsets = [2], sizes = [1], strides = [1]} : vector<16xf32> to vector<1xf32>
        %squeeze3A_447 = vector.extract %slice3A_446[0] : f32 from vector<1xf32>
        %broadcast_in_dim3A_448 = vector.broadcast %squeeze3A_447 : f32 to vector<16xf32>
        %slice3A_449 = vector.extract_strided_slice %get3A_340 {offsets = [3], sizes = [1], strides = [1]} : vector<16xf32> to vector<1xf32>
        %squeeze3A_450 = vector.extract %slice3A_449[0] : f32 from vector<1xf32>
        %broadcast_in_dim3A_451 = vector.broadcast %squeeze3A_450 : f32 to vector<16xf32>
        %mul3A_452 = arith.mulf %get3A_352, %broadcast_in_dim3A : vector<16xf32>
        %mul3A_453 = arith.mulf %get3A_358, %broadcast_in_dim3A : vector<16xf32>
        %mul3A_454 = arith.mulf %get3A_364, %broadcast_in_dim3A_445 : vector<16xf32>
        %mul3A_455 = arith.mulf %get3A_370, %broadcast_in_dim3A_445 : vector<16xf32>
        %mul3A_456 = arith.mulf %get3A_376, %broadcast_in_dim3A_448 : vector<16xf32>
        %mul3A_457 = arith.mulf %get3A_382, %broadcast_in_dim3A_448 : vector<16xf32>
        %mul3A_458 = arith.mulf %get3A_388, %broadcast_in_dim3A_451 : vector<16xf32>
        %mul3A_459 = arith.mulf %get3A_394, %broadcast_in_dim3A_451 : vector<16xf32>
        %slice3A_460 = vector.extract_strided_slice %get3A_346 {offsets = [0], sizes = [1], strides = [1]} : vector<16xf32> to vector<1xf32>
        %squeeze3A_461 = vector.extract %slice3A_460[0] : f32 from vector<1xf32>
        %broadcast_in_dim3A_462 = vector.broadcast %squeeze3A_461 : f32 to vector<16xf32>
        %slice3A_463 = vector.extract_strided_slice %get3A_346 {offsets = [1], sizes = [1], strides = [1]} : vector<16xf32> to vector<1xf32>
        %squeeze3A_464 = vector.extract %slice3A_463[0] : f32 from vector<1xf32>
        %broadcast_in_dim3A_465 = vector.broadcast %squeeze3A_464 : f32 to vector<16xf32>
        %slice3A_466 = vector.extract_strided_slice %get3A_346 {offsets = [2], sizes = [1], strides = [1]} : vector<16xf32> to vector<1xf32>
        %squeeze3A_467 = vector.extract %slice3A_466[0] : f32 from vector<1xf32>
        %broadcast_in_dim3A_468 = vector.broadcast %squeeze3A_467 : f32 to vector<16xf32>
        %slice3A_469 = vector.extract_strided_slice %get3A_346 {offsets = [3], sizes = [1], strides = [1]} : vector<16xf32> to vector<1xf32>
        %squeeze3A_470 = vector.extract %slice3A_469[0] : f32 from vector<1xf32>
        %broadcast_in_dim3A_471 = vector.broadcast %squeeze3A_470 : f32 to vector<16xf32>
        %mul3A_472 = arith.mulf %get3A_400, %broadcast_in_dim3A_462 : vector<16xf32>
        %mul3A_473 = arith.mulf %get3A_406, %broadcast_in_dim3A_462 : vector<16xf32>
        %mul3A_474 = arith.mulf %get3A_412, %broadcast_in_dim3A_465 : vector<16xf32>
        %mul3A_475 = arith.mulf %get3A_418, %broadcast_in_dim3A_465 : vector<16xf32>
        %mul3A_476 = arith.mulf %get3A_424, %broadcast_in_dim3A_468 : vector<16xf32>
        %mul3A_477 = arith.mulf %get3A_430, %broadcast_in_dim3A_468 : vector<16xf32>
        %mul3A_478 = arith.mulf %get3A_436, %broadcast_in_dim3A_471 : vector<16xf32>
        %mul3A_479 = arith.mulf %get3A_442, %broadcast_in_dim3A_471 : vector<16xf32>
        %add3A_480 = arith.constant 0 : i32
        %add3A_481 = arith.addi %mul3A_335, %add3A_480 : i32
        %swap3A = arith.index_cast %add3A_481 : i32 to index
        %swap3A_482 = arith.constant 0 : index
        %swap3A_483 = tpu.vector_load %arg21[%swap3A, %swap3A_482] {strides = array<i32>} : memref<32x128xf32, #tpu.memory_space<vmem>>, vector<1x16xf32>,
        %swap3A_484 = vector.shape_cast %swap3A_483 : vector<1x16xf32> to vector<16xf32>
        %swap3A_485 = vector.shape_cast %mul3A_452 : vector<16xf32> to vector<1x16xf32>
        tpu.vector_store %arg21[%swap3A, %swap3A_482], %swap3A_485 {strides = array<i32>} : memref<32x128xf32, #tpu.memory_space<vmem>>, vector<1x16xf32>,
        %add3A_486 = arith.constant 0 : i32
        %add3A_487 = arith.addi %mul3A_335, %add3A_486 : i32
        %swap3A_488 = arith.index_cast %add3A_487 : i32 to index
        %swap3A_489 = arith.constant 16 : index
        %swap3A_490 = tpu.vector_load %arg21[%swap3A_488, %swap3A_489] {strides = array<i32>} : memref<32x128xf32, #tpu.memory_space<vmem>>, vector<1x16xf32>,
        %swap3A_491 = vector.shape_cast %swap3A_490 : vector<1x16xf32> to vector<16xf32>
        %swap3A_492 = vector.shape_cast %mul3A_453 : vector<16xf32> to vector<1x16xf32>
        tpu.vector_store %arg21[%swap3A_488, %swap3A_489], %swap3A_492 {strides = array<i32>} : memref<32x128xf32, #tpu.memory_space<vmem>>, vector<1x16xf32>,
        %add3A_493 = arith.constant 0 : i32
        %add3A_494 = arith.addi %mul3A_335, %add3A_493 : i32
        %swap3A_495 = arith.index_cast %add3A_494 : i32 to index
        %swap3A_496 = arith.constant 32 : index
        %swap3A_497 = tpu.vector_load %arg21[%swap3A_495, %swap3A_496] {strides = array<i32>} : memref<32x128xf32, #tpu.memory_space<vmem>>, vector<1x16xf32>,
        %swap3A_498 = vector.shape_cast %swap3A_497 : vector<1x16xf32> to vector<16xf32>
        %swap3A_499 = vector.shape_cast %mul3A_454 : vector<16xf32> to vector<1x16xf32>
        tpu.vector_store %arg21[%swap3A_495, %swap3A_496], %swap3A_499 {strides = array<i32>} : memref<32x128xf32, #tpu.memory_space<vmem>>, vector<1x16xf32>,
        %add3A_500 = arith.constant 0 : i32
        %add3A_501 = arith.addi %mul3A_335, %add3A_500 : i32
        %swap3A_502 = arith.index_cast %add3A_501 : i32 to index
        %swap3A_503 = arith.constant 48 : index
        %swap3A_504 = tpu.vector_load %arg21[%swap3A_502, %swap3A_503] {strides = array<i32>} : memref<32x128xf32, #tpu.memory_space<vmem>>, vector<1x16xf32>,
        %swap3A_505 = vector.shape_cast %swap3A_504 : vector<1x16xf32> to vector<16xf32>
        %swap3A_506 = vector.shape_cast %mul3A_455 : vector<16xf32> to vector<1x16xf32>
        tpu.vector_store %arg21[%swap3A_502, %swap3A_503], %swap3A_506 {strides = array<i32>} : memref<32x128xf32, #tpu.memory_space<vmem>>, vector<1x16xf32>,
        %add3A_507 = arith.constant 0 : i32
        %add3A_508 = arith.addi %mul3A_335, %add3A_507 : i32
        %swap3A_509 = arith.index_cast %add3A_508 : i32 to index
        %swap3A_510 = arith.constant 64 : index
        %swap3A_511 = tpu.vector_load %arg21[%swap3A_509, %swap3A_510] {strides = array<i32>} : memref<32x128xf32, #tpu.memory_space<vmem>>, vector<1x16xf32>,
        %swap3A_512 = vector.shape_cast %swap3A_511 : vector<1x16xf32> to vector<16xf32>
        %swap3A_513 = vector.shape_cast %mul3A_456 : vector<16xf32> to vector<1x16xf32>
        tpu.vector_store %arg21[%swap3A_509, %swap3A_510], %swap3A_513 {strides = array<i32>} : memref<32x128xf32, #tpu.memory_space<vmem>>, vector<1x16xf32>,
        %add3A_514 = arith.constant 0 : i32
        %add3A_515 = arith.addi %mul3A_335, %add3A_514 : i32
        %swap3A_516 = arith.index_cast %add3A_515 : i32 to index
        %swap3A_517 = arith.constant 80 : index
        %swap3A_518 = tpu.vector_load %arg21[%swap3A_516, %swap3A_517] {strides = array<i32>} : memref<32x128xf32, #tpu.memory_space<vmem>>, vector<1x16xf32>,
        %swap3A_519 = vector.shape_cast %swap3A_518 : vector<1x16xf32> to vector<16xf32>
        %swap3A_520 = vector.shape_cast %mul3A_457 : vector<16xf32> to vector<1x16xf32>
        tpu.vector_store %arg21[%swap3A_516, %swap3A_517], %swap3A_520 {strides = array<i32>} : memref<32x128xf32, #tpu.memory_space<vmem>>, vector<1x16xf32>,
        %add3A_521 = arith.constant 0 : i32
        %add3A_522 = arith.addi %mul3A_335, %add3A_521 : i32
        %swap3A_523 = arith.index_cast %add3A_522 : i32 to index
        %swap3A_524 = arith.constant 96 : index
        %swap3A_525 = tpu.vector_load %arg21[%swap3A_523, %swap3A_524] {strides = array<i32>} : memref<32x128xf32, #tpu.memory_space<vmem>>, vector<1x16xf32>,
        %swap3A_526 = vector.shape_cast %swap3A_525 : vector<1x16xf32> to vector<16xf32>
        %swap3A_527 = vector.shape_cast %mul3A_458 : vector<16xf32> to vector<1x16xf32>
        tpu.vector_store %arg21[%swap3A_523, %swap3A_524], %swap3A_527 {strides = array<i32>} : memref<32x128xf32, #tpu.memory_space<vmem>>, vector<1x16xf32>,
        %add3A_528 = arith.constant 0 : i32
        %add3A_529 = arith.addi %mul3A_335, %add3A_528 : i32
        %swap3A_530 = arith.index_cast %add3A_529 : i32 to index
        %swap3A_531 = arith.constant 112 : index
        %swap3A_532 = tpu.vector_load %arg21[%swap3A_530, %swap3A_531] {strides = array<i32>} : memref<32x128xf32, #tpu.memory_space<vmem>>, vector<1x16xf32>,
        %swap3A_533 = vector.shape_cast %swap3A_532 : vector<1x16xf32> to vector<16xf32>
        %swap3A_534 = vector.shape_cast %mul3A_459 : vector<16xf32> to vector<1x16xf32>
        tpu.vector_store %arg21[%swap3A_530, %swap3A_531], %swap3A_534 {strides = array<i32>} : memref<32x128xf32, #tpu.memory_space<vmem>>, vector<1x16xf32>,
        %add3A_535 = arith.constant 1 : i32
        %add3A_536 = arith.addi %mul3A_335, %add3A_535 : i32
        %swap3A_537 = arith.index_cast %add3A_536 : i32 to index
        %swap3A_538 = arith.constant 0 : index
        %swap3A_539 = tpu.vector_load %arg21[%swap3A_537, %swap3A_538] {strides = array<i32>} : memref<32x128xf32, #tpu.memory_space<vmem>>, vector<1x16xf32>,
        %swap3A_540 = vector.shape_cast %swap3A_539 : vector<1x16xf32> to vector<16xf32>
        %swap3A_541 = vector.shape_cast %mul3A_472 : vector<16xf32> to vector<1x16xf32>
        tpu.vector_store %arg21[%swap3A_537, %swap3A_538], %swap3A_541 {strides = array<i32>} : memref<32x128xf32, #tpu.memory_space<vmem>>, vector<1x16xf32>,
        %add3A_542 = arith.constant 1 : i32
        %add3A_543 = arith.addi %mul3A_335, %add3A_542 : i32
        %swap3A_544 = arith.index_cast %add3A_543 : i32 to index
        %swap3A_545 = arith.constant 16 : index
        %swap3A_546 = tpu.vector_load %arg21[%swap3A_544, %swap3A_545] {strides = array<i32>} : memref<32x128xf32, #tpu.memory_space<vmem>>, vector<1x16xf32>,
        %swap3A_547 = vector.shape_cast %swap3A_546 : vector<1x16xf32> to vector<16xf32>
        %swap3A_548 = vector.shape_cast %mul3A_473 : vector<16xf32> to vector<1x16xf32>
        tpu.vector_store %arg21[%swap3A_544, %swap3A_545], %swap3A_548 {strides = array<i32>} : memref<32x128xf32, #tpu.memory_space<vmem>>, vector<1x16xf32>,
        %add3A_549 = arith.constant 1 : i32
        %add3A_550 = arith.addi %mul3A_335, %add3A_549 : i32
        %swap3A_551 = arith.index_cast %add3A_550 : i32 to index
        %swap3A_552 = arith.constant 32 : index
        %swap3A_553 = tpu.vector_load %arg21[%swap3A_551, %swap3A_552] {strides = array<i32>} : memref<32x128xf32, #tpu.memory_space<vmem>>, vector<1x16xf32>,
        %swap3A_554 = vector.shape_cast %swap3A_553 : vector<1x16xf32> to vector<16xf32>
        %swap3A_555 = vector.shape_cast %mul3A_474 : vector<16xf32> to vector<1x16xf32>
        tpu.vector_store %arg21[%swap3A_551, %swap3A_552], %swap3A_555 {strides = array<i32>} : memref<32x128xf32, #tpu.memory_space<vmem>>, vector<1x16xf32>,
        %add3A_556 = arith.constant 1 : i32
        %add3A_557 = arith.addi %mul3A_335, %add3A_556 : i32
        %swap3A_558 = arith.index_cast %add3A_557 : i32 to index
        %swap3A_559 = arith.constant 48 : index
        %swap3A_560 = tpu.vector_load %arg21[%swap3A_558, %swap3A_559] {strides = array<i32>} : memref<32x128xf32, #tpu.memory_space<vmem>>, vector<1x16xf32>,
        %swap3A_561 = vector.shape_cast %swap3A_560 : vector<1x16xf32> to vector<16xf32>
        %swap3A_562 = vector.shape_cast %mul3A_475 : vector<16xf32> to vector<1x16xf32>
        tpu.vector_store %arg21[%swap3A_558, %swap3A_559], %swap3A_562 {strides = array<i32>} : memref<32x128xf32, #tpu.memory_space<vmem>>, vector<1x16xf32>,
        %add3A_563 = arith.constant 1 : i32
        %add3A_564 = arith.addi %mul3A_335, %add3A_563 : i32
        %swap3A_565 = arith.index_cast %add3A_564 : i32 to index
        %swap3A_566 = arith.constant 64 : index
        %swap3A_567 = tpu.vector_load %arg21[%swap3A_565, %swap3A_566] {strides = array<i32>} : memref<32x128xf32, #tpu.memory_space<vmem>>, vector<1x16xf32>,
        %swap3A_568 = vector.shape_cast %swap3A_567 : vector<1x16xf32> to vector<16xf32>
        %swap3A_569 = vector.shape_cast %mul3A_476 : vector<16xf32> to vector<1x16xf32>
        tpu.vector_store %arg21[%swap3A_565, %swap3A_566], %swap3A_569 {strides = array<i32>} : memref<32x128xf32, #tpu.memory_space<vmem>>, vector<1x16xf32>,
        %add3A_570 = arith.constant 1 : i32
        %add3A_571 = arith.addi %mul3A_335, %add3A_570 : i32
        %swap3A_572 = arith.index_cast %add3A_571 : i32 to index
        %swap3A_573 = arith.constant 80 : index
        %swap3A_574 = tpu.vector_load %arg21[%swap3A_572, %swap3A_573] {strides = array<i32>} : memref<32x128xf32, #tpu.memory_space<vmem>>, vector<1x16xf32>,
        %swap3A_575 = vector.shape_cast %swap3A_574 : vector<1x16xf32> to vector<16xf32>
        %swap3A_576 = vector.shape_cast %mul3A_477 : vector<16xf32> to vector<1x16xf32>
        tpu.vector_store %arg21[%swap3A_572, %swap3A_573], %swap3A_576 {strides = array<i32>} : memref<32x128xf32, #tpu.memory_space<vmem>>, vector<1x16xf32>,
        %add3A_577 = arith.constant 1 : i32
        %add3A_578 = arith.addi %mul3A_335, %add3A_577 : i32
        %swap3A_579 = arith.index_cast %add3A_578 : i32 to index
        %swap3A_580 = arith.constant 96 : index
        %swap3A_581 = tpu.vector_load %arg21[%swap3A_579, %swap3A_580] {strides = array<i32>} : memref<32x128xf32, #tpu.memory_space<vmem>>, vector<1x16xf32>,
        %swap3A_582 = vector.shape_cast %swap3A_581 : vector<1x16xf32> to vector<16xf32>
        %swap3A_583 = vector.shape_cast %mul3A_478 : vector<16xf32> to vector<1x16xf32>
        tpu.vector_store %arg21[%swap3A_579, %swap3A_580], %swap3A_583 {strides = array<i32>} : memref<32x128xf32, #tpu.memory_space<vmem>>, vector<1x16xf32>,
        %add3A_584 = arith.constant 1 : i32
        %add3A_585 = arith.addi %mul3A_335, %add3A_584 : i32
        %swap3A_586 = arith.index_cast %add3A_585 : i32 to index
        %swap3A_587 = arith.constant 112 : index
        %swap3A_588 = tpu.vector_load %arg21[%swap3A_586, %swap3A_587] {strides = array<i32>} : memref<32x128xf32, #tpu.memory_space<vmem>>, vector<1x16xf32>,
        %swap3A_589 = vector.shape_cast %swap3A_588 : vector<1x16xf32> to vector<16xf32>
        %swap3A_590 = vector.shape_cast %mul3A_479 : vector<16xf32> to vector<1x16xf32>
        tpu.vector_store %arg21[%swap3A_586, %swap3A_587], %swap3A_590 {strides = array<i32>} : memref<32x128xf32, #tpu.memory_space<vmem>>, vector<1x16xf32>,
        %scan3A_591 = arith.constant 1 : i32
        %scan3A_592 = arith.addi %scan3A_333, %scan3A_591 : i32
        %mul3A_593 = arith.constant 2 : i32
        %mul3A_594 = arith.muli %scan3A_592, %mul3A_593 : i32
        %add3A_595 = arith.constant 0 : i32
        %add3A_596 = arith.addi %mul3A_594, %add3A_595 : i32
        %get3A_597 = arith.index_cast %add3A_596 : i32 to index
        %get3A_598 = arith.constant 0 : index
        %get3A_599 = tpu.vector_load %arg22[%get3A_597, %get3A_598] {strides = array<i32>} : memref<32x16xf32, #tpu.memory_space<vmem>>, vector<1x16xf32>,
        %get3A_600 = vector.shape_cast %get3A_599 : vector<1x16xf32> to vector<16xf32>
        %add3A_601 = arith.constant 1 : i32
        %add3A_602 = arith.addi %mul3A_594, %add3A_601 : i32
        %get3A_603 = arith.index_cast %add3A_602 : i32 to index
        %get3A_604 = arith.constant 0 : index
        %get3A_605 = tpu.vector_load %arg22[%get3A_603, %get3A_604] {strides = array<i32>} : memref<32x16xf32, #tpu.memory_space<vmem>>, vector<1x16xf32>,
        %get3A_606 = vector.shape_cast %get3A_605 : vector<1x16xf32> to vector<16xf32>
        %add3A_607 = arith.constant 0 : i32
        %add3A_608 = arith.addi %mul3A_594, %add3A_607 : i32
        %get3A_609 = arith.index_cast %add3A_608 : i32 to index
        %get3A_610 = arith.constant 0 : index
        %get3A_611 = tpu.vector_load %arg21[%get3A_609, %get3A_610] {strides = array<i32>} : memref<32x128xf32, #tpu.memory_space<vmem>>, vector<1x16xf32>,
        %get3A_612 = vector.shape_cast %get3A_611 : vector<1x16xf32> to vector<16xf32>
        %add3A_613 = arith.constant 0 : i32
        %add3A_614 = arith.addi %mul3A_594, %add3A_613 : i32
        %get3A_615 = arith.index_cast %add3A_614 : i32 to index
        %get3A_616 = arith.constant 16 : index
        %get3A_617 = tpu.vector_load %arg21[%get3A_615, %get3A_616] {strides = array<i32>} : memref<32x128xf32, #tpu.memory_space<vmem>>, vector<1x16xf32>,
        %get3A_618 = vector.shape_cast %get3A_617 : vector<1x16xf32> to vector<16xf32>
        %add3A_619 = arith.constant 0 : i32
        %add3A_620 = arith.addi %mul3A_594, %add3A_619 : i32
        %get3A_621 = arith.index_cast %add3A_620 : i32 to index
        %get3A_622 = arith.constant 32 : index
        %get3A_623 = tpu.vector_load %arg21[%get3A_621, %get3A_622] {strides = array<i32>} : memref<32x128xf32, #tpu.memory_space<vmem>>, vector<1x16xf32>,
        %get3A_624 = vector.shape_cast %get3A_623 : vector<1x16xf32> to vector<16xf32>
        %add3A_625 = arith.constant 0 : i32
        %add3A_626 = arith.addi %mul3A_594, %add3A_625 : i32
        %get3A_627 = arith.index_cast %add3A_626 : i32 to index
        %get3A_628 = arith.constant 48 : index
        %get3A_629 = tpu.vector_load %arg21[%get3A_627, %get3A_628] {strides = array<i32>} : memref<32x128xf32, #tpu.memory_space<vmem>>, vector<1x16xf32>,
        %get3A_630 = vector.shape_cast %get3A_629 : vector<1x16xf32> to vector<16xf32>
        %add3A_631 = arith.constant 0 : i32
        %add3A_632 = arith.addi %mul3A_594, %add3A_631 : i32
        %get3A_633 = arith.index_cast %add3A_632 : i32 to index
        %get3A_634 = arith.constant 64 : index
        %get3A_635 = tpu.vector_load %arg21[%get3A_633, %get3A_634] {strides = array<i32>} : memref<32x128xf32, #tpu.memory_space<vmem>>, vector<1x16xf32>,
        %get3A_636 = vector.shape_cast %get3A_635 : vector<1x16xf32> to vector<16xf32>
        %add3A_637 = arith.constant 0 : i32
        %add3A_638 = arith.addi %mul3A_594, %add3A_637 : i32
        %get3A_639 = arith.index_cast %add3A_638 : i32 to index
        %get3A_640 = arith.constant 80 : index
        %get3A_641 = tpu.vector_load %arg21[%get3A_639, %get3A_640] {strides = array<i32>} : memref<32x128xf32, #tpu.memory_space<vmem>>, vector<1x16xf32>,
        %get3A_642 = vector.shape_cast %get3A_641 : vector<1x16xf32> to vector<16xf32>
        %add3A_643 = arith.constant 0 : i32
        %add3A_644 = arith.addi %mul3A_594, %add3A_643 : i32
        %get3A_645 = arith.index_cast %add3A_644 : i32 to index
        %get3A_646 = arith.constant 96 : index
        %get3A_647 = tpu.vector_load %arg21[%get3A_645, %get3A_646] {strides = array<i32>} : memref<32x128xf32, #tpu.memory_space<vmem>>, vector<1x16xf32>,
        %get3A_648 = vector.shape_cast %get3A_647 : vector<1x16xf32> to vector<16xf32>
        %add3A_649 = arith.constant 0 : i32
        %add3A_650 = arith.addi %mul3A_594, %add3A_649 : i32
        %get3A_651 = arith.index_cast %add3A_650 : i32 to index
        %get3A_652 = arith.constant 112 : index
        %get3A_653 = tpu.vector_load %arg21[%get3A_651, %get3A_652] {strides = array<i32>} : memref<32x128xf32, #tpu.memory_space<vmem>>, vector<1x16xf32>,
        %get3A_654 = vector.shape_cast %get3A_653 : vector<1x16xf32> to vector<16xf32>
        %add3A_655 = arith.constant 1 : i32
        %add3A_656 = arith.addi %mul3A_594, %add3A_655 : i32
        %get3A_657 = arith.index_cast %add3A_656 : i32 to index
        %get3A_658 = arith.constant 0 : index
        %get3A_659 = tpu.vector_load %arg21[%get3A_657, %get3A_658] {strides = array<i32>} : memref<32x128xf32, #tpu.memory_space<vmem>>, vector<1x16xf32>,
        %get3A_660 = vector.shape_cast %get3A_659 : vector<1x16xf32> to vector<16xf32>
        %add3A_661 = arith.constant 1 : i32
        %add3A_662 = arith.addi %mul3A_594, %add3A_661 : i32
        %get3A_663 = arith.index_cast %add3A_662 : i32 to index
        %get3A_664 = arith.constant 16 : index
        %get3A_665 = tpu.vector_load %arg21[%get3A_663, %get3A_664] {strides = array<i32>} : memref<32x128xf32, #tpu.memory_space<vmem>>, vector<1x16xf32>,
        %get3A_666 = vector.shape_cast %get3A_665 : vector<1x16xf32> to vector<16xf32>
        %add3A_667 = arith.constant 1 : i32
        %add3A_668 = arith.addi %mul3A_594, %add3A_667 : i32
        %get3A_669 = arith.index_cast %add3A_668 : i32 to index
        %get3A_670 = arith.constant 32 : index
        %get3A_671 = tpu.vector_load %arg21[%get3A_669, %get3A_670] {strides = array<i32>} : memref<32x128xf32, #tpu.memory_space<vmem>>, vector<1x16xf32>,
        %get3A_672 = vector.shape_cast %get3A_671 : vector<1x16xf32> to vector<16xf32>
        %add3A_673 = arith.constant 1 : i32
        %add3A_674 = arith.addi %mul3A_594, %add3A_673 : i32
        %get3A_675 = arith.index_cast %add3A_674 : i32 to index
        %get3A_676 = arith.constant 48 : index
        %get3A_677 = tpu.vector_load %arg21[%get3A_675, %get3A_676] {strides = array<i32>} : memref<32x128xf32, #tpu.memory_space<vmem>>, vector<1x16xf32>,
        %get3A_678 = vector.shape_cast %get3A_677 : vector<1x16xf32> to vector<16xf32>
        %add3A_679 = arith.constant 1 : i32
        %add3A_680 = arith.addi %mul3A_594, %add3A_679 : i32
        %get3A_681 = arith.index_cast %add3A_680 : i32 to index
        %get3A_682 = arith.constant 64 : index
        %get3A_683 = tpu.vector_load %arg21[%get3A_681, %get3A_682] {strides = array<i32>} : memref<32x128xf32, #tpu.memory_space<vmem>>, vector<1x16xf32>,
        %get3A_684 = vector.shape_cast %get3A_683 : vector<1x16xf32> to vector<16xf32>
        %add3A_685 = arith.constant 1 : i32
        %add3A_686 = arith.addi %mul3A_594, %add3A_685 : i32
        %get3A_687 = arith.index_cast %add3A_686 : i32 to index
        %get3A_688 = arith.constant 80 : index
        %get3A_689 = tpu.vector_load %arg21[%get3A_687, %get3A_688] {strides = array<i32>} : memref<32x128xf32, #tpu.memory_space<vmem>>, vector<1x16xf32>,
        %get3A_690 = vector.shape_cast %get3A_689 : vector<1x16xf32> to vector<16xf32>
        %add3A_691 = arith.constant 1 : i32
        %add3A_692 = arith.addi %mul3A_594, %add3A_691 : i32
        %get3A_693 = arith.index_cast %add3A_692 : i32 to index
        %get3A_694 = arith.constant 96 : index
        %get3A_695 = tpu.vector_load %arg21[%get3A_693, %get3A_694] {strides = array<i32>} : memref<32x128xf32, #tpu.memory_space<vmem>>, vector<1x16xf32>,
        %get3A_696 = vector.shape_cast %get3A_695 : vector<1x16xf32> to vector<16xf32>
        %add3A_697 = arith.constant 1 : i32
        %add3A_698 = arith.addi %mul3A_594, %add3A_697 : i32
        %get3A_699 = arith.index_cast %add3A_698 : i32 to index
        %get3A_700 = arith.constant 112 : index
        %get3A_701 = tpu.vector_load %arg21[%get3A_699, %get3A_700] {strides = array<i32>} : memref<32x128xf32, #tpu.memory_space<vmem>>, vector<1x16xf32>,
        %get3A_702 = vector.shape_cast %get3A_701 : vector<1x16xf32> to vector<16xf32>
        %slice3A_703 = vector.extract_strided_slice %get3A_600 {offsets = [0], sizes = [1], strides = [1]} : vector<16xf32> to vector<1xf32>
        %squeeze3A_704 = vector.extract %slice3A_703[0] : f32 from vector<1xf32>
        %broadcast_in_dim3A_705 = vector.broadcast %squeeze3A_704 : f32 to vector<16xf32>
        %slice3A_706 = vector.extract_strided_slice %get3A_600 {offsets = [1], sizes = [1], strides = [1]} : vector<16xf32> to vector<1xf32>
        %squeeze3A_707 = vector.extract %slice3A_706[0] : f32 from vector<1xf32>
        %broadcast_in_dim3A_708 = vector.broadcast %squeeze3A_707 : f32 to vector<16xf32>
        %slice3A_709 = vector.extract_strided_slice %get3A_600 {offsets = [2], sizes = [1], strides = [1]} : vector<16xf32> to vector<1xf32>
        %squeeze3A_710 = vector.extract %slice3A_709[0] : f32 from vector<1xf32>
        %broadcast_in_dim3A_711 = vector.broadcast %squeeze3A_710 : f32 to vector<16xf32>
        %slice3A_712 = vector.extract_strided_slice %get3A_600 {offsets = [3], sizes = [1], strides = [1]} : vector<16xf32> to vector<1xf32>
        %squeeze3A_713 = vector.extract %slice3A_712[0] : f32 from vector<1xf32>
        %broadcast_in_dim3A_714 = vector.broadcast %squeeze3A_713 : f32 to vector<16xf32>
        %mul3A_715 = arith.mulf %get3A_612, %broadcast_in_dim3A_705 : vector<16xf32>
        %mul3A_716 = arith.mulf %get3A_618, %broadcast_in_dim3A_705 : vector<16xf32>
        %mul3A_717 = arith.mulf %get3A_624, %broadcast_in_dim3A_708 : vector<16xf32>
        %mul3A_718 = arith.mulf %get3A_630, %broadcast_in_dim3A_708 : vector<16xf32>
        %mul3A_719 = arith.mulf %get3A_636, %broadcast_in_dim3A_711 : vector<16xf32>
        %mul3A_720 = arith.mulf %get3A_642, %broadcast_in_dim3A_711 : vector<16xf32>
        %mul3A_721 = arith.mulf %get3A_648, %broadcast_in_dim3A_714 : vector<16xf32>
        %mul3A_722 = arith.mulf %get3A_654, %broadcast_in_dim3A_714 : vector<16xf32>
        %slice3A_723 = vector.extract_strided_slice %get3A_606 {offsets = [0], sizes = [1], strides = [1]} : vector<16xf32> to vector<1xf32>
        %squeeze3A_724 = vector.extract %slice3A_723[0] : f32 from vector<1xf32>
        %broadcast_in_dim3A_725 = vector.broadcast %squeeze3A_724 : f32 to vector<16xf32>
        %slice3A_726 = vector.extract_strided_slice %get3A_606 {offsets = [1], sizes = [1], strides = [1]} : vector<16xf32> to vector<1xf32>
        %squeeze3A_727 = vector.extract %slice3A_726[0] : f32 from vector<1xf32>
        %broadcast_in_dim3A_728 = vector.broadcast %squeeze3A_727 : f32 to vector<16xf32>
        %slice3A_729 = vector.extract_strided_slice %get3A_606 {offsets = [2], sizes = [1], strides = [1]} : vector<16xf32> to vector<1xf32>
        %squeeze3A_730 = vector.extract %slice3A_729[0] : f32 from vector<1xf32>
        %broadcast_in_dim3A_731 = vector.broadcast %squeeze3A_730 : f32 to vector<16xf32>
        %slice3A_732 = vector.extract_strided_slice %get3A_606 {offsets = [3], sizes = [1], strides = [1]} : vector<16xf32> to vector<1xf32>
        %squeeze3A_733 = vector.extract %slice3A_732[0] : f32 from vector<1xf32>
        %broadcast_in_dim3A_734 = vector.broadcast %squeeze3A_733 : f32 to vector<16xf32>
        %mul3A_735 = arith.mulf %get3A_660, %broadcast_in_dim3A_725 : vector<16xf32>
        %mul3A_736 = arith.mulf %get3A_666, %broadcast_in_dim3A_725 : vector<16xf32>
        %mul3A_737 = arith.mulf %get3A_672, %broadcast_in_dim3A_728 : vector<16xf32>
        %mul3A_738 = arith.mulf %get3A_678, %broadcast_in_dim3A_728 : vector<16xf32>
        %mul3A_739 = arith.mulf %get3A_684, %broadcast_in_dim3A_731 : vector<16xf32>
        %mul3A_740 = arith.mulf %get3A_690, %broadcast_in_dim3A_731 : vector<16xf32>
        %mul3A_741 = arith.mulf %get3A_696, %broadcast_in_dim3A_734 : vector<16xf32>
        %mul3A_742 = arith.mulf %get3A_702, %broadcast_in_dim3A_734 : vector<16xf32>
        %add3A_743 = arith.constant 0 : i32
        %add3A_744 = arith.addi %mul3A_594, %add3A_743 : i32
        %swap3A_745 = arith.index_cast %add3A_744 : i32 to index
        %swap3A_746 = arith.constant 0 : index
        %swap3A_747 = tpu.vector_load %arg21[%swap3A_745, %swap3A_746] {strides = array<i32>} : memref<32x128xf32, #tpu.memory_space<vmem>>, vector<1x16xf32>,
        %swap3A_748 = vector.shape_cast %swap3A_747 : vector<1x16xf32> to vector<16xf32>
        %swap3A_749 = vector.shape_cast %mul3A_715 : vector<16xf32> to vector<1x16xf32>
        tpu.vector_store %arg21[%swap3A_745, %swap3A_746], %swap3A_749 {strides = array<i32>} : memref<32x128xf32, #tpu.memory_space<vmem>>, vector<1x16xf32>,
        %add3A_750 = arith.constant 0 : i32
        %add3A_751 = arith.addi %mul3A_594, %add3A_750 : i32
        %swap3A_752 = arith.index_cast %add3A_751 : i32 to index
        %swap3A_753 = arith.constant 16 : index
        %swap3A_754 = tpu.vector_load %arg21[%swap3A_752, %swap3A_753] {strides = array<i32>} : memref<32x128xf32, #tpu.memory_space<vmem>>, vector<1x16xf32>,
        %swap3A_755 = vector.shape_cast %swap3A_754 : vector<1x16xf32> to vector<16xf32>
        %swap3A_756 = vector.shape_cast %mul3A_716 : vector<16xf32> to vector<1x16xf32>
        tpu.vector_store %arg21[%swap3A_752, %swap3A_753], %swap3A_756 {strides = array<i32>} : memref<32x128xf32, #tpu.memory_space<vmem>>, vector<1x16xf32>,
        %add3A_757 = arith.constant 0 : i32
        %add3A_758 = arith.addi %mul3A_594, %add3A_757 : i32
        %swap3A_759 = arith.index_cast %add3A_758 : i32 to index
        %swap3A_760 = arith.constant 32 : index
        %swap3A_761 = tpu.vector_load %arg21[%swap3A_759, %swap3A_760] {strides = array<i32>} : memref<32x128xf32, #tpu.memory_space<vmem>>, vector<1x16xf32>,
        %swap3A_762 = vector.shape_cast %swap3A_761 : vector<1x16xf32> to vector<16xf32>
        %swap3A_763 = vector.shape_cast %mul3A_717 : vector<16xf32> to vector<1x16xf32>
        tpu.vector_store %arg21[%swap3A_759, %swap3A_760], %swap3A_763 {strides = array<i32>} : memref<32x128xf32, #tpu.memory_space<vmem>>, vector<1x16xf32>,
        %add3A_764 = arith.constant 0 : i32
        %add3A_765 = arith.addi %mul3A_594, %add3A_764 : i32
        %swap3A_766 = arith.index_cast %add3A_765 : i32 to index
        %swap3A_767 = arith.constant 48 : index
        %swap3A_768 = tpu.vector_load %arg21[%swap3A_766, %swap3A_767] {strides = array<i32>} : memref<32x128xf32, #tpu.memory_space<vmem>>, vector<1x16xf32>,
        %swap3A_769 = vector.shape_cast %swap3A_768 : vector<1x16xf32> to vector<16xf32>
        %swap3A_770 = vector.shape_cast %mul3A_718 : vector<16xf32> to vector<1x16xf32>
        tpu.vector_store %arg21[%swap3A_766, %swap3A_767], %swap3A_770 {strides = array<i32>} : memref<32x128xf32, #tpu.memory_space<vmem>>, vector<1x16xf32>,
        %add3A_771 = arith.constant 0 : i32
        %add3A_772 = arith.addi %mul3A_594, %add3A_771 : i32
        %swap3A_773 = arith.index_cast %add3A_772 : i32 to index
        %swap3A_774 = arith.constant 64 : index
        %swap3A_775 = tpu.vector_load %arg21[%swap3A_773, %swap3A_774] {strides = array<i32>} : memref<32x128xf32, #tpu.memory_space<vmem>>, vector<1x16xf32>,
        %swap3A_776 = vector.shape_cast %swap3A_775 : vector<1x16xf32> to vector<16xf32>
        %swap3A_777 = vector.shape_cast %mul3A_719 : vector<16xf32> to vector<1x16xf32>
        tpu.vector_store %arg21[%swap3A_773, %swap3A_774], %swap3A_777 {strides = array<i32>} : memref<32x128xf32, #tpu.memory_space<vmem>>, vector<1x16xf32>,
        %add3A_778 = arith.constant 0 : i32
        %add3A_779 = arith.addi %mul3A_594, %add3A_778 : i32
        %swap3A_780 = arith.index_cast %add3A_779 : i32 to index
        %swap3A_781 = arith.constant 80 : index
        %swap3A_782 = tpu.vector_load %arg21[%swap3A_780, %swap3A_781] {strides = array<i32>} : memref<32x128xf32, #tpu.memory_space<vmem>>, vector<1x16xf32>,
        %swap3A_783 = vector.shape_cast %swap3A_782 : vector<1x16xf32> to vector<16xf32>
        %swap3A_784 = vector.shape_cast %mul3A_720 : vector<16xf32> to vector<1x16xf32>
        tpu.vector_store %arg21[%swap3A_780, %swap3A_781], %swap3A_784 {strides = array<i32>} : memref<32x128xf32, #tpu.memory_space<vmem>>, vector<1x16xf32>,
        %add3A_785 = arith.constant 0 : i32
        %add3A_786 = arith.addi %mul3A_594, %add3A_785 : i32
        %swap3A_787 = arith.index_cast %add3A_786 : i32 to index
        %swap3A_788 = arith.constant 96 : index
        %swap3A_789 = tpu.vector_load %arg21[%swap3A_787, %swap3A_788] {strides = array<i32>} : memref<32x128xf32, #tpu.memory_space<vmem>>, vector<1x16xf32>,
        %swap3A_790 = vector.shape_cast %swap3A_789 : vector<1x16xf32> to vector<16xf32>
        %swap3A_791 = vector.shape_cast %mul3A_721 : vector<16xf32> to vector<1x16xf32>
        tpu.vector_store %arg21[%swap3A_787, %swap3A_788], %swap3A_791 {strides = array<i32>} : memref<32x128xf32, #tpu.memory_space<vmem>>, vector<1x16xf32>,
        %add3A_792 = arith.constant 0 : i32
        %add3A_793 = arith.addi %mul3A_594, %add3A_792 : i32
        %swap3A_794 = arith.index_cast %add3A_793 : i32 to index
        %swap3A_795 = arith.constant 112 : index
        %swap3A_796 = tpu.vector_load %arg21[%swap3A_794, %swap3A_795] {strides = array<i32>} : memref<32x128xf32, #tpu.memory_space<vmem>>, vector<1x16xf32>,
        %swap3A_797 = vector.shape_cast %swap3A_796 : vector<1x16xf32> to vector<16xf32>
        %swap3A_798 = vector.shape_cast %mul3A_722 : vector<16xf32> to vector<1x16xf32>
        tpu.vector_store %arg21[%swap3A_794, %swap3A_795], %swap3A_798 {strides = array<i32>} : memref<32x128xf32, #tpu.memory_space<vmem>>, vector<1x16xf32>,
        %add3A_799 = arith.constant 1 : i32
        %add3A_800 = arith.addi %mul3A_594, %add3A_799 : i32
        %swap3A_801 = arith.index_cast %add3A_800 : i32 to index
        %swap3A_802 = arith.constant 0 : index
        %swap3A_803 = tpu.vector_load %arg21[%swap3A_801, %swap3A_802] {strides = array<i32>} : memref<32x128xf32, #tpu.memory_space<vmem>>, vector<1x16xf32>,
        %swap3A_804 = vector.shape_cast %swap3A_803 : vector<1x16xf32> to vector<16xf32>
        %swap3A_805 = vector.shape_cast %mul3A_735 : vector<16xf32> to vector<1x16xf32>
        tpu.vector_store %arg21[%swap3A_801, %swap3A_802], %swap3A_805 {strides = array<i32>} : memref<32x128xf32, #tpu.memory_space<vmem>>, vector<1x16xf32>,
        %add3A_806 = arith.constant 1 : i32
        %add3A_807 = arith.addi %mul3A_594, %add3A_806 : i32
        %swap3A_808 = arith.index_cast %add3A_807 : i32 to index
        %swap3A_809 = arith.constant 16 : index
        %swap3A_810 = tpu.vector_load %arg21[%swap3A_808, %swap3A_809] {strides = array<i32>} : memref<32x128xf32, #tpu.memory_space<vmem>>, vector<1x16xf32>,
        %swap3A_811 = vector.shape_cast %swap3A_810 : vector<1x16xf32> to vector<16xf32>
        %swap3A_812 = vector.shape_cast %mul3A_736 : vector<16xf32> to vector<1x16xf32>
        tpu.vector_store %arg21[%swap3A_808, %swap3A_809], %swap3A_812 {strides = array<i32>} : memref<32x128xf32, #tpu.memory_space<vmem>>, vector<1x16xf32>,
        %add3A_813 = arith.constant 1 : i32
        %add3A_814 = arith.addi %mul3A_594, %add3A_813 : i32
        %swap3A_815 = arith.index_cast %add3A_814 : i32 to index
        %swap3A_816 = arith.constant 32 : index
        %swap3A_817 = tpu.vector_load %arg21[%swap3A_815, %swap3A_816] {strides = array<i32>} : memref<32x128xf32, #tpu.memory_space<vmem>>, vector<1x16xf32>,
        %swap3A_818 = vector.shape_cast %swap3A_817 : vector<1x16xf32> to vector<16xf32>
        %swap3A_819 = vector.shape_cast %mul3A_737 : vector<16xf32> to vector<1x16xf32>
        tpu.vector_store %arg21[%swap3A_815, %swap3A_816], %swap3A_819 {strides = array<i32>} : memref<32x128xf32, #tpu.memory_space<vmem>>, vector<1x16xf32>,
        %add3A_820 = arith.constant 1 : i32
        %add3A_821 = arith.addi %mul3A_594, %add3A_820 : i32
        %swap3A_822 = arith.index_cast %add3A_821 : i32 to index
        %swap3A_823 = arith.constant 48 : index
        %swap3A_824 = tpu.vector_load %arg21[%swap3A_822, %swap3A_823] {strides = array<i32>} : memref<32x128xf32, #tpu.memory_space<vmem>>, vector<1x16xf32>,
        %swap3A_825 = vector.shape_cast %swap3A_824 : vector<1x16xf32> to vector<16xf32>
        %swap3A_826 = vector.shape_cast %mul3A_738 : vector<16xf32> to vector<1x16xf32>
        tpu.vector_store %arg21[%swap3A_822, %swap3A_823], %swap3A_826 {strides = array<i32>} : memref<32x128xf32, #tpu.memory_space<vmem>>, vector<1x16xf32>,
        %add3A_827 = arith.constant 1 : i32
        %add3A_828 = arith.addi %mul3A_594, %add3A_827 : i32
        %swap3A_829 = arith.index_cast %add3A_828 : i32 to index
        %swap3A_830 = arith.constant 64 : index
        %swap3A_831 = tpu.vector_load %arg21[%swap3A_829, %swap3A_830] {strides = array<i32>} : memref<32x128xf32, #tpu.memory_space<vmem>>, vector<1x16xf32>,
        %swap3A_832 = vector.shape_cast %swap3A_831 : vector<1x16xf32> to vector<16xf32>
        %swap3A_833 = vector.shape_cast %mul3A_739 : vector<16xf32> to vector<1x16xf32>
        tpu.vector_store %arg21[%swap3A_829, %swap3A_830], %swap3A_833 {strides = array<i32>} : memref<32x128xf32, #tpu.memory_space<vmem>>, vector<1x16xf32>,
        %add3A_834 = arith.constant 1 : i32
        %add3A_835 = arith.addi %mul3A_594, %add3A_834 : i32
        %swap3A_836 = arith.index_cast %add3A_835 : i32 to index
        %swap3A_837 = arith.constant 80 : index
        %swap3A_838 = tpu.vector_load %arg21[%swap3A_836, %swap3A_837] {strides = array<i32>} : memref<32x128xf32, #tpu.memory_space<vmem>>, vector<1x16xf32>,
        %swap3A_839 = vector.shape_cast %swap3A_838 : vector<1x16xf32> to vector<16xf32>
        %swap3A_840 = vector.shape_cast %mul3A_740 : vector<16xf32> to vector<1x16xf32>
        tpu.vector_store %arg21[%swap3A_836, %swap3A_837], %swap3A_840 {strides = array<i32>} : memref<32x128xf32, #tpu.memory_space<vmem>>, vector<1x16xf32>,
        %add3A_841 = arith.constant 1 : i32
        %add3A_842 = arith.addi %mul3A_594, %add3A_841 : i32
        %swap3A_843 = arith.index_cast %add3A_842 : i32 to index
        %swap3A_844 = arith.constant 96 : index
        %swap3A_845 = tpu.vector_load %arg21[%swap3A_843, %swap3A_844] {strides = array<i32>} : memref<32x128xf32, #tpu.memory_space<vmem>>, vector<1x16xf32>,
        %swap3A_846 = vector.shape_cast %swap3A_845 : vector<1x16xf32> to vector<16xf32>
        %swap3A_847 = vector.shape_cast %mul3A_741 : vector<16xf32> to vector<1x16xf32>
        tpu.vector_store %arg21[%swap3A_843, %swap3A_844], %swap3A_847 {strides = array<i32>} : memref<32x128xf32, #tpu.memory_space<vmem>>, vector<1x16xf32>,
        %add3A_848 = arith.constant 1 : i32
        %add3A_849 = arith.addi %mul3A_594, %add3A_848 : i32
        %swap3A_850 = arith.index_cast %add3A_849 : i32 to index
        %swap3A_851 = arith.constant 112 : index
        %swap3A_852 = tpu.vector_load %arg21[%swap3A_850, %swap3A_851] {strides = array<i32>} : memref<32x128xf32, #tpu.memory_space<vmem>>, vector<1x16xf32>,
        %swap3A_853 = vector.shape_cast %swap3A_852 : vector<1x16xf32> to vector<16xf32>
        %swap3A_854 = vector.shape_cast %mul3A_742 : vector<16xf32> to vector<1x16xf32>
        tpu.vector_store %arg21[%swap3A_850, %swap3A_851], %swap3A_854 {strides = array<i32>} : memref<32x128xf32, #tpu.memory_space<vmem>>, vector<1x16xf32>,
      }
      %scan3A_205 = arith.constant 16 : i32
      %dma_start3A_206 = arith.constant 0 : i32
      %dma_start3A_207 = tpu.memref_slice %arg14[%add3A_193, %dma_start3A_206] : memref<324x32xi32, #tpu.memory_space<vmem>> -> memref<1x32xi32, #tpu.memory_space<vmem>>
      %dma_start3A_208 = tpu.memref_squeeze %dma_start3A_207 : memref<1x32xi32, #tpu.memory_space<vmem>> -> memref<32xi32, #tpu.memory_space<vmem>>
      %dma_start3A_209 = arith.constant 0 : i32
      %dma_start3A_210 = arith.constant 0 : i32
      %dma_start3A_211 = tpu.memref_slice %arg11[%dma_start3A_209, %dma_start3A_210] : memref<10112x128xf32, #tpu.memory_space<vmem_shared>> -> memref<10112x128xf32, #tpu.memory_space<vmem_shared>>
      tpu.enqueue_indirect_dma source(%arg21 : memref<32x128xf32, #tpu.memory_space<vmem>>) target(%dma_start3A_211 : memref<10112x128xf32, #tpu.memory_space<vmem_shared>>) offsets(%dma_start3A_208 : memref<32xi32, #tpu.memory_space<vmem>>) semaphore(%arg34 : memref<!tpu.dma_semaphore, #tpu.memory_space<semaphore_mem>>) {add = true}
      %dma_start3A_212 = arith.constant 0 : i32
      %dma_start3A_213 = tpu.memref_slice %arg14[%add3A_193, %dma_start3A_212] : memref<324x32xi32, #tpu.memory_space<vmem>> -> memref<1x32xi32, #tpu.memory_space<vmem>>
      %dma_start3A_214 = tpu.memref_squeeze %dma_start3A_213 : memref<1x32xi32, #tpu.memory_space<vmem>> -> memref<32xi32, #tpu.memory_space<vmem>>
      %dma_start3A_215 = arith.constant 0 : i32
      %dma_start3A_216 = arith.constant 0 : i32
      %dma_start3A_217 = tpu.memref_slice %arg12[%dma_start3A_215, %dma_start3A_216] : memref<10112x16xf32, #tpu.memory_space<vmem_shared>> -> memref<10112x16xf32, #tpu.memory_space<vmem_shared>>
      tpu.enqueue_indirect_dma source(%arg22 : memref<32x16xf32, #tpu.memory_space<vmem>>) target(%dma_start3A_217 : memref<10112x16xf32, #tpu.memory_space<vmem_shared>>) offsets(%dma_start3A_214 : memref<32xi32, #tpu.memory_space<vmem>>) semaphore(%arg34 : memref<!tpu.dma_semaphore, #tpu.memory_space<semaphore_mem>>) {add = true}
      %dma_wait3A_218 = arith.constant 0 : i32
      %dma_wait3A_219 = tpu.memref_slice %arg14[%mul3A_107, %dma_wait3A_218] : memref<324x32xi32, #tpu.memory_space<vmem>> -> memref<1x32xi32, #tpu.memory_space<vmem>>
      %dma_wait3A_220 = tpu.memref_squeeze %dma_wait3A_219 : memref<1x32xi32, #tpu.memory_space<vmem>> -> memref<32xi32, #tpu.memory_space<vmem>>
      %dma_wait3A_221 = arith.constant 0 : i32
      %dma_wait3A_222 = arith.constant 0 : i32
      %dma_wait3A_223 = tpu.memref_slice %arg11[%dma_wait3A_221, %dma_wait3A_222] : memref<10112x128xf32, #tpu.memory_space<vmem_shared>> -> memref<10112x128xf32, #tpu.memory_space<vmem_shared>>
      tpu.wait_indirect_dma semaphore(%arg30 : memref<!tpu.dma_semaphore, #tpu.memory_space<semaphore_mem>>) src(%arg17 : memref<32x128xf32, #tpu.memory_space<vmem>>) dst(%dma_wait3A_223 : memref<10112x128xf32, #tpu.memory_space<vmem_shared>>)
      %dma_wait3A_224 = arith.constant 0 : i32
      %dma_wait3A_225 = tpu.memref_slice %arg14[%mul3A_107, %dma_wait3A_224] : memref<324x32xi32, #tpu.memory_space<vmem>> -> memref<1x32xi32, #tpu.memory_space<vmem>>
      %dma_wait3A_226 = tpu.memref_squeeze %dma_wait3A_225 : memref<1x32xi32, #tpu.memory_space<vmem>> -> memref<32xi32, #tpu.memory_space<vmem>>
      %dma_wait3A_227 = arith.constant 0 : i32
      %dma_wait3A_228 = arith.constant 0 : i32
      %dma_wait3A_229 = tpu.memref_slice %arg12[%dma_wait3A_227, %dma_wait3A_228] : memref<10112x16xf32, #tpu.memory_space<vmem_shared>> -> memref<10112x16xf32, #tpu.memory_space<vmem_shared>>
      tpu.wait_indirect_dma semaphore(%arg30 : memref<!tpu.dma_semaphore, #tpu.memory_space<semaphore_mem>>) src(%arg18 : memref<32x16xf32, #tpu.memory_space<vmem>>) dst(%dma_wait3A_229 : memref<10112x16xf32, #tpu.memory_space<vmem_shared>>)
      %add3A_230 = arith.constant 3 : i32
      %add3A_231 = arith.addi %mul3A_107, %add3A_230 : i32
      %min3A = arith.constant 323 : i32
      %min3A_232 = arith.minsi %add3A_231, %min3A : i32
      %dma_start3A_233 = arith.constant 0 : i32
      %dma_start3A_234 = tpu.memref_slice %arg13[%min3A_232, %dma_start3A_233] : memref<324x32xi32, #tpu.memory_space<vmem>> -> memref<1x32xi32, #tpu.memory_space<vmem>>
      %dma_start3A_235 = tpu.memref_squeeze %dma_start3A_234 : memref<1x32xi32, #tpu.memory_space<vmem>> -> memref<32xi32, #tpu.memory_space<vmem>>
      %dma_start3A_236 = arith.constant 0 : i32
      %dma_start3A_237 = arith.constant 0 : i32
      %dma_start3A_238 = tpu.memref_slice %arg3[%dma_start3A_236, %dma_start3A_237] : memref<10112x16xf32, #tpu.memory_space<hbm>> -> memref<10112x16xf32, #tpu.memory_space<hbm>>
      tpu.enqueue_indirect_dma source(%dma_start3A_238 : memref<10112x16xf32, #tpu.memory_space<hbm>>) target(%arg15 : memref<32x16xf32, #tpu.memory_space<vmem>>) offsets(%dma_start3A_235 : memref<32xi32, #tpu.memory_space<vmem>>) semaphore(%arg27 : memref<!tpu.dma_semaphore, #tpu.memory_space<semaphore_mem>>)
      %dma_start3A_239 = arith.constant 0 : i32
      %dma_start3A_240 = tpu.memref_slice %arg14[%min3A_232, %dma_start3A_239] : memref<324x32xi32, #tpu.memory_space<vmem>> -> memref<1x32xi32, #tpu.memory_space<vmem>>
      %dma_start3A_241 = tpu.memref_squeeze %dma_start3A_240 : memref<1x32xi32, #tpu.memory_space<vmem>> -> memref<32xi32, #tpu.memory_space<vmem>>
      %dma_start3A_242 = arith.constant 0 : i32
      %dma_start3A_243 = arith.constant 0 : i32
      %dma_start3A_244 = tpu.memref_slice %arg4[%dma_start3A_242, %dma_start3A_243] : memref<10112x16xf32, #tpu.memory_space<hbm>> -> memref<10112x16xf32, #tpu.memory_space<hbm>>
      tpu.enqueue_indirect_dma source(%dma_start3A_244 : memref<10112x16xf32, #tpu.memory_space<hbm>>) target(%arg16 : memref<32x16xf32, #tpu.memory_space<vmem>>) offsets(%dma_start3A_241 : memref<32xi32, #tpu.memory_space<vmem>>) semaphore(%arg28 : memref<!tpu.dma_semaphore, #tpu.memory_space<semaphore_mem>>)
      %dma_start3A_245 = arith.constant 0 : i32
      %dma_start3A_246 = tpu.memref_slice %arg13[%min3A_232, %dma_start3A_245] : memref<324x32xi32, #tpu.memory_space<vmem>> -> memref<1x32xi32, #tpu.memory_space<vmem>>
      %dma_start3A_247 = tpu.memref_squeeze %dma_start3A_246 : memref<1x32xi32, #tpu.memory_space<vmem>> -> memref<32xi32, #tpu.memory_space<vmem>>
      %dma_start3A_248 = arith.constant 0 : i32
      %dma_start3A_249 = arith.constant 0 : i32
      %dma_start3A_250 = tpu.memref_slice %arg2[%dma_start3A_248, %dma_start3A_249] : memref<10000x128xf32, #tpu.memory_space<hbm>> -> memref<10000x128xf32, #tpu.memory_space<hbm>>
      tpu.enqueue_indirect_dma source(%dma_start3A_250 : memref<10000x128xf32, #tpu.memory_space<hbm>>) target(%arg17 : memref<32x128xf32, #tpu.memory_space<vmem>>) offsets(%dma_start3A_247 : memref<32xi32, #tpu.memory_space<vmem>>) semaphore(%arg29 : memref<!tpu.dma_semaphore, #tpu.memory_space<semaphore_mem>>)
      %add3A_251 = arith.constant 2 : i32
      %add3A_252 = arith.addi %mul3A_107, %add3A_251 : i32
      %dma_wait3A_253 = arith.constant 0 : i32
      %dma_wait3A_254 = tpu.memref_slice %arg13[%add3A_252, %dma_wait3A_253] : memref<324x32xi32, #tpu.memory_space<vmem>> -> memref<1x32xi32, #tpu.memory_space<vmem>>
      %dma_wait3A_255 = tpu.memref_squeeze %dma_wait3A_254 : memref<1x32xi32, #tpu.memory_space<vmem>> -> memref<32xi32, #tpu.memory_space<vmem>>
      %dma_wait3A_256 = arith.constant 0 : i32
      %dma_wait3A_257 = arith.constant 0 : i32
      %dma_wait3A_258 = tpu.memref_slice %arg3[%dma_wait3A_256, %dma_wait3A_257] : memref<10112x16xf32, #tpu.memory_space<hbm>> -> memref<10112x16xf32, #tpu.memory_space<hbm>>
      tpu.wait_indirect_dma semaphore(%arg35 : memref<!tpu.dma_semaphore, #tpu.memory_space<semaphore_mem>>) src(%dma_wait3A_258 : memref<10112x16xf32, #tpu.memory_space<hbm>>) dst(%arg23 : memref<32x16xf32, #tpu.memory_space<vmem>>)
      %dma_wait3A_259 = arith.constant 0 : i32
      %dma_wait3A_260 = tpu.memref_slice %arg14[%add3A_252, %dma_wait3A_259] : memref<324x32xi32, #tpu.memory_space<vmem>> -> memref<1x32xi32, #tpu.memory_space<vmem>>
      %dma_wait3A_261 = tpu.memref_squeeze %dma_wait3A_260 : memref<1x32xi32, #tpu.memory_space<vmem>> -> memref<32xi32, #tpu.memory_space<vmem>>
      %dma_wait3A_262 = arith.constant 0 : i32
      %dma_wait3A_263 = arith.constant 0 : i32
      %dma_wait3A_264 = tpu.memref_slice %arg4[%dma_wait3A_262, %dma_wait3A_263] : memref<10112x16xf32, #tpu.memory_space<hbm>> -> memref<10112x16xf32, #tpu.memory_space<hbm>>
      tpu.wait_indirect_dma semaphore(%arg36 : memref<!tpu.dma_semaphore, #tpu.memory_space<semaphore_mem>>) src(%dma_wait3A_264 : memref<10112x16xf32, #tpu.memory_space<hbm>>) dst(%arg24 : memref<32x16xf32, #tpu.memory_space<vmem>>)
      %dma_wait3A_265 = arith.constant 0 : i32
      %dma_wait3A_266 = tpu.memref_slice %arg13[%add3A_252, %dma_wait3A_265] : memref<324x32xi32, #tpu.memory_space<vmem>> -> memref<1x32xi32, #tpu.memory_space<vmem>>
      %dma_wait3A_267 = tpu.memref_squeeze %dma_wait3A_266 : memref<1x32xi32, #tpu.memory_space<vmem>> -> memref<32xi32, #tpu.memory_space<vmem>>
      %dma_wait3A_268 = arith.constant 0 : i32
      %dma_wait3A_269 = arith.constant 0 : i32
      %dma_wait3A_270 = tpu.memref_slice %arg2[%dma_wait3A_268, %dma_wait3A_269] : memref<10000x128xf32, #tpu.memory_space<hbm>> -> memref<10000x128xf32, #tpu.memory_space<hbm>>
      tpu.wait_indirect_dma semaphore(%arg37 : memref<!tpu.dma_semaphore, #tpu.memory_space<semaphore_mem>>) src(%dma_wait3A_270 : memref<10000x128xf32, #tpu.memory_space<hbm>>) dst(%arg25 : memref<32x128xf32, #tpu.memory_space<vmem>>)
      %add3A_271 = arith.constant 2 : i32
      %add3A_272 = arith.addi %mul3A_107, %add3A_271 : i32
      %scan3A_273 = arith.constant 0 : i32
      %scan3A_274 = arith.constant 0 : i32
      %scan3A_275 = arith.constant 4 : i32
      %scan3A_276 = arith.addi %scan3A_274, %scan3A_275 : i32
      %scan3A_277 = arith.constant 1 : i32
      scf.for %scan3A_333 = %scan3A_274 to %scan3A_276 step %scan3A_277  : i32 {
        %mul3A_334 = arith.constant 8 : i32
        %mul3A_335 = arith.muli %scan3A_333, %mul3A_334 : i32
        %add3A_336 = arith.constant 0 : i32
        %add3A_337 = arith.addi %mul3A_335, %add3A_336 : i32
        %get3A = arith.index_cast %add3A_337 : i32 to index
        %get3A_338 = arith.constant 0 : index
        %get3A_339 = tpu.vector_load %arg23[%get3A, %get3A_338] {strides = array<i32>} : memref<32x16xf32, #tpu.memory_space<vmem>>, vector<1x16xf32>,
        %get3A_340 = vector.shape_cast %get3A_339 : vector<1x16xf32> to vector<16xf32>
        %add3A_341 = arith.constant 0 : i32
        %add3A_342 = arith.addi %mul3A_335, %add3A_341 : i32
        %get3A_343 = arith.index_cast %add3A_342 : i32 to index
        %get3A_344 = arith.constant 0 : index
        %get3A_345 = tpu.vector_load %arg24[%get3A_343, %get3A_344] {strides = array<i32>} : memref<32x16xf32, #tpu.memory_space<vmem>>, vector<1x16xf32>,
        %get3A_346 = vector.shape_cast %get3A_345 : vector<1x16xf32> to vector<16xf32>
        %add3A_347 = arith.addf %get3A_340, %get3A_346 : vector<16xf32>
        %add3A_348 = arith.constant 1 : i32
        %add3A_349 = arith.addi %mul3A_335, %add3A_348 : i32
        %get3A_350 = arith.index_cast %add3A_349 : i32 to index
        %get3A_351 = arith.constant 0 : index
        %get3A_352 = tpu.vector_load %arg23[%get3A_350, %get3A_351] {strides = array<i32>} : memref<32x16xf32, #tpu.memory_space<vmem>>, vector<1x16xf32>,
        %get3A_353 = vector.shape_cast %get3A_352 : vector<1x16xf32> to vector<16xf32>
        %add3A_354 = arith.constant 1 : i32
        %add3A_355 = arith.addi %mul3A_335, %add3A_354 : i32
        %get3A_356 = arith.index_cast %add3A_355 : i32 to index
        %get3A_357 = arith.constant 0 : index
        %get3A_358 = tpu.vector_load %arg24[%get3A_356, %get3A_357] {strides = array<i32>} : memref<32x16xf32, #tpu.memory_space<vmem>>, vector<1x16xf32>,
        %get3A_359 = vector.shape_cast %get3A_358 : vector<1x16xf32> to vector<16xf32>
        %add3A_360 = arith.addf %get3A_353, %get3A_359 : vector<16xf32>
        %add3A_361 = arith.constant 2 : i32
        %add3A_362 = arith.addi %mul3A_335, %add3A_361 : i32
        %get3A_363 = arith.index_cast %add3A_362 : i32 to index
        %get3A_364 = arith.constant 0 : index
        %get3A_365 = tpu.vector_load %arg23[%get3A_363, %get3A_364] {strides = array<i32>} : memref<32x16xf32, #tpu.memory_space<vmem>>, vector<1x16xf32>,
        %get3A_366 = vector.shape_cast %get3A_365 : vector<1x16xf32> to vector<16xf32>
        %add3A_367 = arith.constant 2 : i32
        %add3A_368 = arith.addi %mul3A_335, %add3A_367 : i32
        %get3A_369 = arith.index_cast %add3A_368 : i32 to index
        %get3A_370 = arith.constant 0 : index
        %get3A_371 = tpu.vector_load %arg24[%get3A_369, %get3A_370] {strides = array<i32>} : memref<32x16xf32, #tpu.memory_space<vmem>>, vector<1x16xf32>,
        %get3A_372 = vector.shape_cast %get3A_371 : vector<1x16xf32> to vector<16xf32>
        %add3A_373 = arith.addf %get3A_366, %get3A_372 : vector<16xf32>
        %add3A_374 = arith.constant 3 : i32
        %add3A_375 = arith.addi %mul3A_335, %add3A_374 : i32
        %get3A_376 = arith.index_cast %add3A_375 : i32 to index
        %get3A_377 = arith.constant 0 : index
        %get3A_378 = tpu.vector_load %arg23[%get3A_376, %get3A_377] {strides = array<i32>} : memref<32x16xf32, #tpu.memory_space<vmem>>, vector<1x16xf32>,
        %get3A_379 = vector.shape_cast %get3A_378 : vector<1x16xf32> to vector<16xf32>
        %add3A_380 = arith.constant 3 : i32
        %add3A_381 = arith.addi %mul3A_335, %add3A_380 : i32
        %get3A_382 = arith.index_cast %add3A_381 : i32 to index
        %get3A_383 = arith.constant 0 : index
        %get3A_384 = tpu.vector_load %arg24[%get3A_382, %get3A_383] {strides = array<i32>} : memref<32x16xf32, #tpu.memory_space<vmem>>, vector<1x16xf32>,
        %get3A_385 = vector.shape_cast %get3A_384 : vector<1x16xf32> to vector<16xf32>
        %add3A_386 = arith.addf %get3A_379, %get3A_385 : vector<16xf32>
        %add3A_387 = arith.constant 4 : i32
        %add3A_388 = arith.addi %mul3A_335, %add3A_387 : i32
        %get3A_389 = arith.index_cast %add3A_388 : i32 to index
        %get3A_390 = arith.constant 0 : index
        %get3A_391 = tpu.vector_load %arg23[%get3A_389, %get3A_390] {strides = array<i32>} : memref<32x16xf32, #tpu.memory_space<vmem>>, vector<1x16xf32>,
        %get3A_392 = vector.shape_cast %get3A_391 : vector<1x16xf32> to vector<16xf32>
        %add3A_393 = arith.constant 4 : i32
        %add3A_394 = arith.addi %mul3A_335, %add3A_393 : i32
        %get3A_395 = arith.index_cast %add3A_394 : i32 to index
        %get3A_396 = arith.constant 0 : index
        %get3A_397 = tpu.vector_load %arg24[%get3A_395, %get3A_396] {strides = array<i32>} : memref<32x16xf32, #tpu.memory_space<vmem>>, vector<1x16xf32>,
        %get3A_398 = vector.shape_cast %get3A_397 : vector<1x16xf32> to vector<16xf32>
        %add3A_399 = arith.addf %get3A_392, %get3A_398 : vector<16xf32>
        %add3A_400 = arith.constant 5 : i32
        %add3A_401 = arith.addi %mul3A_335, %add3A_400 : i32
        %get3A_402 = arith.index_cast %add3A_401 : i32 to index
        %get3A_403 = arith.constant 0 : index
        %get3A_404 = tpu.vector_load %arg23[%get3A_402, %get3A_403] {strides = array<i32>} : memref<32x16xf32, #tpu.memory_space<vmem>>, vector<1x16xf32>,
        %get3A_405 = vector.shape_cast %get3A_404 : vector<1x16xf32> to vector<16xf32>
        %add3A_406 = arith.constant 5 : i32
        %add3A_407 = arith.addi %mul3A_335, %add3A_406 : i32
        %get3A_408 = arith.index_cast %add3A_407 : i32 to index
        %get3A_409 = arith.constant 0 : index
        %get3A_410 = tpu.vector_load %arg24[%get3A_408, %get3A_409] {strides = array<i32>} : memref<32x16xf32, #tpu.memory_space<vmem>>, vector<1x16xf32>,
        %get3A_411 = vector.shape_cast %get3A_410 : vector<1x16xf32> to vector<16xf32>
        %add3A_412 = arith.addf %get3A_405, %get3A_411 : vector<16xf32>
        %add3A_413 = arith.constant 6 : i32
        %add3A_414 = arith.addi %mul3A_335, %add3A_413 : i32
        %get3A_415 = arith.index_cast %add3A_414 : i32 to index
        %get3A_416 = arith.constant 0 : index
        %get3A_417 = tpu.vector_load %arg23[%get3A_415, %get3A_416] {strides = array<i32>} : memref<32x16xf32, #tpu.memory_space<vmem>>, vector<1x16xf32>,
        %get3A_418 = vector.shape_cast %get3A_417 : vector<1x16xf32> to vector<16xf32>
        %add3A_419 = arith.constant 6 : i32
        %add3A_420 = arith.addi %mul3A_335, %add3A_419 : i32
        %get3A_421 = arith.index_cast %add3A_420 : i32 to index
        %get3A_422 = arith.constant 0 : index
        %get3A_423 = tpu.vector_load %arg24[%get3A_421, %get3A_422] {strides = array<i32>} : memref<32x16xf32, #tpu.memory_space<vmem>>, vector<1x16xf32>,
        %get3A_424 = vector.shape_cast %get3A_423 : vector<1x16xf32> to vector<16xf32>
        %add3A_425 = arith.addf %get3A_418, %get3A_424 : vector<16xf32>
        %add3A_426 = arith.constant 7 : i32
        %add3A_427 = arith.addi %mul3A_335, %add3A_426 : i32
        %get3A_428 = arith.index_cast %add3A_427 : i32 to index
        %get3A_429 = arith.constant 0 : index
        %get3A_430 = tpu.vector_load %arg23[%get3A_428, %get3A_429] {strides = array<i32>} : memref<32x16xf32, #tpu.memory_space<vmem>>, vector<1x16xf32>,
        %get3A_431 = vector.shape_cast %get3A_430 : vector<1x16xf32> to vector<16xf32>
        %add3A_432 = arith.constant 7 : i32
        %add3A_433 = arith.addi %mul3A_335, %add3A_432 : i32
        %get3A_434 = arith.index_cast %add3A_433 : i32 to index
        %get3A_435 = arith.constant 0 : index
        %get3A_436 = tpu.vector_load %arg24[%get3A_434, %get3A_435] {strides = array<i32>} : memref<32x16xf32, #tpu.memory_space<vmem>>, vector<1x16xf32>,
        %get3A_437 = vector.shape_cast %get3A_436 : vector<1x16xf32> to vector<16xf32>
        %add3A_438 = arith.addf %get3A_431, %get3A_437 : vector<16xf32>
        %ge3A = arith.constant 0.000000e+00 : f32
        %ge3A_439 = vector.broadcast %ge3A : f32 to vector<16xf32>
        %ge3A_440 = arith.cmpf oge, %add3A_347, %ge3A_439 : vector<16xf32>
        %mul3A_441 = arith.constant 2.000000e-01 : f32
        %mul3A_442 = vector.broadcast %mul3A_441 : f32 to vector<16xf32>
        %mul3A_443 = arith.mulf %add3A_347, %mul3A_442 : vector<16xf32>
        %select_n3A = arith.select %ge3A_440, %add3A_347, %mul3A_443 : vector<16xi1>, vector<16xf32>
        %ge3A_444 = arith.constant 0.000000e+00 : f32
        %ge3A_445 = vector.broadcast %ge3A_444 : f32 to vector<16xf32>
        %ge3A_446 = arith.cmpf oge, %add3A_360, %ge3A_445 : vector<16xf32>
        %mul3A_447 = arith.constant 2.000000e-01 : f32
        %mul3A_448 = vector.broadcast %mul3A_447 : f32 to vector<16xf32>
        %mul3A_449 = arith.mulf %add3A_360, %mul3A_448 : vector<16xf32>
        %select_n3A_450 = arith.select %ge3A_446, %add3A_360, %mul3A_449 : vector<16xi1>, vector<16xf32>
        %ge3A_451 = arith.constant 0.000000e+00 : f32
        %ge3A_452 = vector.broadcast %ge3A_451 : f32 to vector<16xf32>
        %ge3A_453 = arith.cmpf oge, %add3A_373, %ge3A_452 : vector<16xf32>
        %mul3A_454 = arith.constant 2.000000e-01 : f32
        %mul3A_455 = vector.broadcast %mul3A_454 : f32 to vector<16xf32>
        %mul3A_456 = arith.mulf %add3A_373, %mul3A_455 : vector<16xf32>
        %select_n3A_457 = arith.select %ge3A_453, %add3A_373, %mul3A_456 : vector<16xi1>, vector<16xf32>
        %ge3A_458 = arith.constant 0.000000e+00 : f32
        %ge3A_459 = vector.broadcast %ge3A_458 : f32 to vector<16xf32>
        %ge3A_460 = arith.cmpf oge, %add3A_386, %ge3A_459 : vector<16xf32>
        %mul3A_461 = arith.constant 2.000000e-01 : f32
        %mul3A_462 = vector.broadcast %mul3A_461 : f32 to vector<16xf32>
        %mul3A_463 = arith.mulf %add3A_386, %mul3A_462 : vector<16xf32>
        %select_n3A_464 = arith.select %ge3A_460, %add3A_386, %mul3A_463 : vector<16xi1>, vector<16xf32>
        %ge3A_465 = arith.constant 0.000000e+00 : f32
        %ge3A_466 = vector.broadcast %ge3A_465 : f32 to vector<16xf32>
        %ge3A_467 = arith.cmpf oge, %add3A_399, %ge3A_466 : vector<16xf32>
        %mul3A_468 = arith.constant 2.000000e-01 : f32
        %mul3A_469 = vector.broadcast %mul3A_468 : f32 to vector<16xf32>
        %mul3A_470 = arith.mulf %add3A_399, %mul3A_469 : vector<16xf32>
        %select_n3A_471 = arith.select %ge3A_467, %add3A_399, %mul3A_470 : vector<16xi1>, vector<16xf32>
        %ge3A_472 = arith.constant 0.000000e+00 : f32
        %ge3A_473 = vector.broadcast %ge3A_472 : f32 to vector<16xf32>
        %ge3A_474 = arith.cmpf oge, %add3A_412, %ge3A_473 : vector<16xf32>
        %mul3A_475 = arith.constant 2.000000e-01 : f32
        %mul3A_476 = vector.broadcast %mul3A_475 : f32 to vector<16xf32>
        %mul3A_477 = arith.mulf %add3A_412, %mul3A_476 : vector<16xf32>
        %select_n3A_478 = arith.select %ge3A_474, %add3A_412, %mul3A_477 : vector<16xi1>, vector<16xf32>
        %ge3A_479 = arith.constant 0.000000e+00 : f32
        %ge3A_480 = vector.broadcast %ge3A_479 : f32 to vector<16xf32>
        %ge3A_481 = arith.cmpf oge, %add3A_425, %ge3A_480 : vector<16xf32>
        %mul3A_482 = arith.constant 2.000000e-01 : f32
        %mul3A_483 = vector.broadcast %mul3A_482 : f32 to vector<16xf32>
        %mul3A_484 = arith.mulf %add3A_425, %mul3A_483 : vector<16xf32>
        %select_n3A_485 = arith.select %ge3A_481, %add3A_425, %mul3A_484 : vector<16xi1>, vector<16xf32>
        %ge3A_486 = arith.constant 0.000000e+00 : f32
        %ge3A_487 = vector.broadcast %ge3A_486 : f32 to vector<16xf32>
        %ge3A_488 = arith.cmpf oge, %add3A_438, %ge3A_487 : vector<16xf32>
        %mul3A_489 = arith.constant 2.000000e-01 : f32
        %mul3A_490 = vector.broadcast %mul3A_489 : f32 to vector<16xf32>
        %mul3A_491 = arith.mulf %add3A_438, %mul3A_490 : vector<16xf32>
        %select_n3A_492 = arith.select %ge3A_488, %add3A_438, %mul3A_491 : vector<16xi1>, vector<16xf32>
        %exp3A = math.exp %select_n3A : vector<16xf32>
        %exp3A_493 = math.exp %select_n3A_450 : vector<16xf32>
        %exp3A_494 = math.exp %select_n3A_457 : vector<16xf32>
        %exp3A_495 = math.exp %select_n3A_464 : vector<16xf32>
        %exp3A_496 = math.exp %select_n3A_471 : vector<16xf32>
        %exp3A_497 = math.exp %select_n3A_478 : vector<16xf32>
        %exp3A_498 = math.exp %select_n3A_485 : vector<16xf32>
        %exp3A_499 = math.exp %select_n3A_492 : vector<16xf32>
        %add3A_500 = arith.constant 0 : i32
        %add3A_501 = arith.addi %mul3A_335, %add3A_500 : i32
        %swap3A = arith.index_cast %add3A_501 : i32 to index
        %swap3A_502 = arith.constant 0 : index
        %swap3A_503 = tpu.vector_load %arg26[%swap3A, %swap3A_502] {strides = array<i32>} : memref<32x16xf32, #tpu.memory_space<vmem>>, vector<1x16xf32>,
        %swap3A_504 = vector.shape_cast %swap3A_503 : vector<1x16xf32> to vector<16xf32>
        %swap3A_505 = vector.shape_cast %exp3A : vector<16xf32> to vector<1x16xf32>
        tpu.vector_store %arg26[%swap3A, %swap3A_502], %swap3A_505 {strides = array<i32>} : memref<32x16xf32, #tpu.memory_space<vmem>>, vector<1x16xf32>,
        %add3A_506 = arith.constant 1 : i32
        %add3A_507 = arith.addi %mul3A_335, %add3A_506 : i32
        %swap3A_508 = arith.index_cast %add3A_507 : i32 to index
        %swap3A_509 = arith.constant 0 : index
        %swap3A_510 = tpu.vector_load %arg26[%swap3A_508, %swap3A_509] {strides = array<i32>} : memref<32x16xf32, #tpu.memory_space<vmem>>, vector<1x16xf32>,
        %swap3A_511 = vector.shape_cast %swap3A_510 : vector<1x16xf32> to vector<16xf32>
        %swap3A_512 = vector.shape_cast %exp3A_493 : vector<16xf32> to vector<1x16xf32>
        tpu.vector_store %arg26[%swap3A_508, %swap3A_509], %swap3A_512 {strides = array<i32>} : memref<32x16xf32, #tpu.memory_space<vmem>>, vector<1x16xf32>,
        %add3A_513 = arith.constant 2 : i32
        %add3A_514 = arith.addi %mul3A_335, %add3A_513 : i32
        %swap3A_515 = arith.index_cast %add3A_514 : i32 to index
        %swap3A_516 = arith.constant 0 : index
        %swap3A_517 = tpu.vector_load %arg26[%swap3A_515, %swap3A_516] {strides = array<i32>} : memref<32x16xf32, #tpu.memory_space<vmem>>, vector<1x16xf32>,
        %swap3A_518 = vector.shape_cast %swap3A_517 : vector<1x16xf32> to vector<16xf32>
        %swap3A_519 = vector.shape_cast %exp3A_494 : vector<16xf32> to vector<1x16xf32>
        tpu.vector_store %arg26[%swap3A_515, %swap3A_516], %swap3A_519 {strides = array<i32>} : memref<32x16xf32, #tpu.memory_space<vmem>>, vector<1x16xf32>,
        %add3A_520 = arith.constant 3 : i32
        %add3A_521 = arith.addi %mul3A_335, %add3A_520 : i32
        %swap3A_522 = arith.index_cast %add3A_521 : i32 to index
        %swap3A_523 = arith.constant 0 : index
        %swap3A_524 = tpu.vector_load %arg26[%swap3A_522, %swap3A_523] {strides = array<i32>} : memref<32x16xf32, #tpu.memory_space<vmem>>, vector<1x16xf32>,
        %swap3A_525 = vector.shape_cast %swap3A_524 : vector<1x16xf32> to vector<16xf32>
        %swap3A_526 = vector.shape_cast %exp3A_495 : vector<16xf32> to vector<1x16xf32>
        tpu.vector_store %arg26[%swap3A_522, %swap3A_523], %swap3A_526 {strides = array<i32>} : memref<32x16xf32, #tpu.memory_space<vmem>>, vector<1x16xf32>,
        %add3A_527 = arith.constant 4 : i32
        %add3A_528 = arith.addi %mul3A_335, %add3A_527 : i32
        %swap3A_529 = arith.index_cast %add3A_528 : i32 to index
        %swap3A_530 = arith.constant 0 : index
        %swap3A_531 = tpu.vector_load %arg26[%swap3A_529, %swap3A_530] {strides = array<i32>} : memref<32x16xf32, #tpu.memory_space<vmem>>, vector<1x16xf32>,
        %swap3A_532 = vector.shape_cast %swap3A_531 : vector<1x16xf32> to vector<16xf32>
        %swap3A_533 = vector.shape_cast %exp3A_496 : vector<16xf32> to vector<1x16xf32>
        tpu.vector_store %arg26[%swap3A_529, %swap3A_530], %swap3A_533 {strides = array<i32>} : memref<32x16xf32, #tpu.memory_space<vmem>>, vector<1x16xf32>,
        %add3A_534 = arith.constant 5 : i32
        %add3A_535 = arith.addi %mul3A_335, %add3A_534 : i32
        %swap3A_536 = arith.index_cast %add3A_535 : i32 to index
        %swap3A_537 = arith.constant 0 : index
        %swap3A_538 = tpu.vector_load %arg26[%swap3A_536, %swap3A_537] {strides = array<i32>} : memref<32x16xf32, #tpu.memory_space<vmem>>, vector<1x16xf32>,
        %swap3A_539 = vector.shape_cast %swap3A_538 : vector<1x16xf32> to vector<16xf32>
        %swap3A_540 = vector.shape_cast %exp3A_497 : vector<16xf32> to vector<1x16xf32>
        tpu.vector_store %arg26[%swap3A_536, %swap3A_537], %swap3A_540 {strides = array<i32>} : memref<32x16xf32, #tpu.memory_space<vmem>>, vector<1x16xf32>,
        %add3A_541 = arith.constant 6 : i32
        %add3A_542 = arith.addi %mul3A_335, %add3A_541 : i32
        %swap3A_543 = arith.index_cast %add3A_542 : i32 to index
        %swap3A_544 = arith.constant 0 : index
        %swap3A_545 = tpu.vector_load %arg26[%swap3A_543, %swap3A_544] {strides = array<i32>} : memref<32x16xf32, #tpu.memory_space<vmem>>, vector<1x16xf32>,
        %swap3A_546 = vector.shape_cast %swap3A_545 : vector<1x16xf32> to vector<16xf32>
        %swap3A_547 = vector.shape_cast %exp3A_498 : vector<16xf32> to vector<1x16xf32>
        tpu.vector_store %arg26[%swap3A_543, %swap3A_544], %swap3A_547 {strides = array<i32>} : memref<32x16xf32, #tpu.memory_space<vmem>>, vector<1x16xf32>,
        %add3A_548 = arith.constant 7 : i32
        %add3A_549 = arith.addi %mul3A_335, %add3A_548 : i32
        %swap3A_550 = arith.index_cast %add3A_549 : i32 to index
        %swap3A_551 = arith.constant 0 : index
        %swap3A_552 = tpu.vector_load %arg26[%swap3A_550, %swap3A_551] {strides = array<i32>} : memref<32x16xf32, #tpu.memory_space<vmem>>, vector<1x16xf32>,
        %swap3A_553 = vector.shape_cast %swap3A_552 : vector<1x16xf32> to vector<16xf32>
        %swap3A_554 = vector.shape_cast %exp3A_499 : vector<16xf32> to vector<1x16xf32>
        tpu.vector_store %arg26[%swap3A_550, %swap3A_551], %swap3A_554 {strides = array<i32>} : memref<32x16xf32, #tpu.memory_space<vmem>>, vector<1x16xf32>,
      }
      %scan3A_278 = arith.constant 4 : i32
      %scan3A_279 = arith.constant 0 : i32
      %scan3A_280 = arith.constant 0 : i32
      %scan3A_281 = arith.constant 16 : i32
      %scan3A_282 = arith.addi %scan3A_280, %scan3A_281 : i32
      %scan3A_283 = arith.constant 2 : i32
      scf.for %scan3A_333 = %scan3A_280 to %scan3A_282 step %scan3A_283  : i32 {
        %mul3A_334 = arith.constant 2 : i32
        %mul3A_335 = arith.muli %scan3A_333, %mul3A_334 : i32
        %add3A_336 = arith.constant 0 : i32
        %add3A_337 = arith.addi %mul3A_335, %add3A_336 : i32
        %get3A = arith.index_cast %add3A_337 : i32 to index
        %get3A_338 = arith.constant 0 : index
        %get3A_339 = tpu.vector_load %arg26[%get3A, %get3A_338] {strides = array<i32>} : memref<32x16xf32, #tpu.memory_space<vmem>>, vector<1x16xf32>,
        %get3A_340 = vector.shape_cast %get3A_339 : vector<1x16xf32> to vector<16xf32>
        %add3A_341 = arith.constant 1 : i32
        %add3A_342 = arith.addi %mul3A_335, %add3A_341 : i32
        %get3A_343 = arith.index_cast %add3A_342 : i32 to index
        %get3A_344 = arith.constant 0 : index
        %get3A_345 = tpu.vector_load %arg26[%get3A_343, %get3A_344] {strides = array<i32>} : memref<32x16xf32, #tpu.memory_space<vmem>>, vector<1x16xf32>,
        %get3A_346 = vector.shape_cast %get3A_345 : vector<1x16xf32> to vector<16xf32>
        %add3A_347 = arith.constant 0 : i32
        %add3A_348 = arith.addi %mul3A_335, %add3A_347 : i32
        %get3A_349 = arith.index_cast %add3A_348 : i32 to index
        %get3A_350 = arith.constant 0 : index
        %get3A_351 = tpu.vector_load %arg25[%get3A_349, %get3A_350] {strides = array<i32>} : memref<32x128xf32, #tpu.memory_space<vmem>>, vector<1x16xf32>,
        %get3A_352 = vector.shape_cast %get3A_351 : vector<1x16xf32> to vector<16xf32>
        %add3A_353 = arith.constant 0 : i32
        %add3A_354 = arith.addi %mul3A_335, %add3A_353 : i32
        %get3A_355 = arith.index_cast %add3A_354 : i32 to index
        %get3A_356 = arith.constant 16 : index
        %get3A_357 = tpu.vector_load %arg25[%get3A_355, %get3A_356] {strides = array<i32>} : memref<32x128xf32, #tpu.memory_space<vmem>>, vector<1x16xf32>,
        %get3A_358 = vector.shape_cast %get3A_357 : vector<1x16xf32> to vector<16xf32>
        %add3A_359 = arith.constant 0 : i32
        %add3A_360 = arith.addi %mul3A_335, %add3A_359 : i32
        %get3A_361 = arith.index_cast %add3A_360 : i32 to index
        %get3A_362 = arith.constant 32 : index
        %get3A_363 = tpu.vector_load %arg25[%get3A_361, %get3A_362] {strides = array<i32>} : memref<32x128xf32, #tpu.memory_space<vmem>>, vector<1x16xf32>,
        %get3A_364 = vector.shape_cast %get3A_363 : vector<1x16xf32> to vector<16xf32>
        %add3A_365 = arith.constant 0 : i32
        %add3A_366 = arith.addi %mul3A_335, %add3A_365 : i32
        %get3A_367 = arith.index_cast %add3A_366 : i32 to index
        %get3A_368 = arith.constant 48 : index
        %get3A_369 = tpu.vector_load %arg25[%get3A_367, %get3A_368] {strides = array<i32>} : memref<32x128xf32, #tpu.memory_space<vmem>>, vector<1x16xf32>,
        %get3A_370 = vector.shape_cast %get3A_369 : vector<1x16xf32> to vector<16xf32>
        %add3A_371 = arith.constant 0 : i32
        %add3A_372 = arith.addi %mul3A_335, %add3A_371 : i32
        %get3A_373 = arith.index_cast %add3A_372 : i32 to index
        %get3A_374 = arith.constant 64 : index
        %get3A_375 = tpu.vector_load %arg25[%get3A_373, %get3A_374] {strides = array<i32>} : memref<32x128xf32, #tpu.memory_space<vmem>>, vector<1x16xf32>,
        %get3A_376 = vector.shape_cast %get3A_375 : vector<1x16xf32> to vector<16xf32>
        %add3A_377 = arith.constant 0 : i32
        %add3A_378 = arith.addi %mul3A_335, %add3A_377 : i32
        %get3A_379 = arith.index_cast %add3A_378 : i32 to index
        %get3A_380 = arith.constant 80 : index
        %get3A_381 = tpu.vector_load %arg25[%get3A_379, %get3A_380] {strides = array<i32>} : memref<32x128xf32, #tpu.memory_space<vmem>>, vector<1x16xf32>,
        %get3A_382 = vector.shape_cast %get3A_381 : vector<1x16xf32> to vector<16xf32>
        %add3A_383 = arith.constant 0 : i32
        %add3A_384 = arith.addi %mul3A_335, %add3A_383 : i32
        %get3A_385 = arith.index_cast %add3A_384 : i32 to index
        %get3A_386 = arith.constant 96 : index
        %get3A_387 = tpu.vector_load %arg25[%get3A_385, %get3A_386] {strides = array<i32>} : memref<32x128xf32, #tpu.memory_space<vmem>>, vector<1x16xf32>,
        %get3A_388 = vector.shape_cast %get3A_387 : vector<1x16xf32> to vector<16xf32>
        %add3A_389 = arith.constant 0 : i32
        %add3A_390 = arith.addi %mul3A_335, %add3A_389 : i32
        %get3A_391 = arith.index_cast %add3A_390 : i32 to index
        %get3A_392 = arith.constant 112 : index
        %get3A_393 = tpu.vector_load %arg25[%get3A_391, %get3A_392] {strides = array<i32>} : memref<32x128xf32, #tpu.memory_space<vmem>>, vector<1x16xf32>,
        %get3A_394 = vector.shape_cast %get3A_393 : vector<1x16xf32> to vector<16xf32>
        %add3A_395 = arith.constant 1 : i32
        %add3A_396 = arith.addi %mul3A_335, %add3A_395 : i32
        %get3A_397 = arith.index_cast %add3A_396 : i32 to index
        %get3A_398 = arith.constant 0 : index
        %get3A_399 = tpu.vector_load %arg25[%get3A_397, %get3A_398] {strides = array<i32>} : memref<32x128xf32, #tpu.memory_space<vmem>>, vector<1x16xf32>,
        %get3A_400 = vector.shape_cast %get3A_399 : vector<1x16xf32> to vector<16xf32>
        %add3A_401 = arith.constant 1 : i32
        %add3A_402 = arith.addi %mul3A_335, %add3A_401 : i32
        %get3A_403 = arith.index_cast %add3A_402 : i32 to index
        %get3A_404 = arith.constant 16 : index
        %get3A_405 = tpu.vector_load %arg25[%get3A_403, %get3A_404] {strides = array<i32>} : memref<32x128xf32, #tpu.memory_space<vmem>>, vector<1x16xf32>,
        %get3A_406 = vector.shape_cast %get3A_405 : vector<1x16xf32> to vector<16xf32>
        %add3A_407 = arith.constant 1 : i32
        %add3A_408 = arith.addi %mul3A_335, %add3A_407 : i32
        %get3A_409 = arith.index_cast %add3A_408 : i32 to index
        %get3A_410 = arith.constant 32 : index
        %get3A_411 = tpu.vector_load %arg25[%get3A_409, %get3A_410] {strides = array<i32>} : memref<32x128xf32, #tpu.memory_space<vmem>>, vector<1x16xf32>,
        %get3A_412 = vector.shape_cast %get3A_411 : vector<1x16xf32> to vector<16xf32>
        %add3A_413 = arith.constant 1 : i32
        %add3A_414 = arith.addi %mul3A_335, %add3A_413 : i32
        %get3A_415 = arith.index_cast %add3A_414 : i32 to index
        %get3A_416 = arith.constant 48 : index
        %get3A_417 = tpu.vector_load %arg25[%get3A_415, %get3A_416] {strides = array<i32>} : memref<32x128xf32, #tpu.memory_space<vmem>>, vector<1x16xf32>,
        %get3A_418 = vector.shape_cast %get3A_417 : vector<1x16xf32> to vector<16xf32>
        %add3A_419 = arith.constant 1 : i32
        %add3A_420 = arith.addi %mul3A_335, %add3A_419 : i32
        %get3A_421 = arith.index_cast %add3A_420 : i32 to index
        %get3A_422 = arith.constant 64 : index
        %get3A_423 = tpu.vector_load %arg25[%get3A_421, %get3A_422] {strides = array<i32>} : memref<32x128xf32, #tpu.memory_space<vmem>>, vector<1x16xf32>,
        %get3A_424 = vector.shape_cast %get3A_423 : vector<1x16xf32> to vector<16xf32>
        %add3A_425 = arith.constant 1 : i32
        %add3A_426 = arith.addi %mul3A_335, %add3A_425 : i32
        %get3A_427 = arith.index_cast %add3A_426 : i32 to index
        %get3A_428 = arith.constant 80 : index
        %get3A_429 = tpu.vector_load %arg25[%get3A_427, %get3A_428] {strides = array<i32>} : memref<32x128xf32, #tpu.memory_space<vmem>>, vector<1x16xf32>,
        %get3A_430 = vector.shape_cast %get3A_429 : vector<1x16xf32> to vector<16xf32>
        %add3A_431 = arith.constant 1 : i32
        %add3A_432 = arith.addi %mul3A_335, %add3A_431 : i32
        %get3A_433 = arith.index_cast %add3A_432 : i32 to index
        %get3A_434 = arith.constant 96 : index
        %get3A_435 = tpu.vector_load %arg25[%get3A_433, %get3A_434] {strides = array<i32>} : memref<32x128xf32, #tpu.memory_space<vmem>>, vector<1x16xf32>,
        %get3A_436 = vector.shape_cast %get3A_435 : vector<1x16xf32> to vector<16xf32>
        %add3A_437 = arith.constant 1 : i32
        %add3A_438 = arith.addi %mul3A_335, %add3A_437 : i32
        %get3A_439 = arith.index_cast %add3A_438 : i32 to index
        %get3A_440 = arith.constant 112 : index
        %get3A_441 = tpu.vector_load %arg25[%get3A_439, %get3A_440] {strides = array<i32>} : memref<32x128xf32, #tpu.memory_space<vmem>>, vector<1x16xf32>,
        %get3A_442 = vector.shape_cast %get3A_441 : vector<1x16xf32> to vector<16xf32>
        %slice3A = vector.extract_strided_slice %get3A_340 {offsets = [0], sizes = [1], strides = [1]} : vector<16xf32> to vector<1xf32>
        %squeeze3A = vector.extract %slice3A[0] : f32 from vector<1xf32>
        %broadcast_in_dim3A = vector.broadcast %squeeze3A : f32 to vector<16xf32>
        %slice3A_443 = vector.extract_strided_slice %get3A_340 {offsets = [1], sizes = [1], strides = [1]} : vector<16xf32> to vector<1xf32>
        %squeeze3A_444 = vector.extract %slice3A_443[0] : f32 from vector<1xf32>
        %broadcast_in_dim3A_445 = vector.broadcast %squeeze3A_444 : f32 to vector<16xf32>
        %slice3A_446 = vector.extract_strided_slice %get3A_340 {offsets = [2], sizes = [1], strides = [1]} : vector<16xf32> to vector<1xf32>
        %squeeze3A_447 = vector.extract %slice3A_446[0] : f32 from vector<1xf32>
        %broadcast_in_dim3A_448 = vector.broadcast %squeeze3A_447 : f32 to vector<16xf32>
        %slice3A_449 = vector.extract_strided_slice %get3A_340 {offsets = [3], sizes = [1], strides = [1]} : vector<16xf32> to vector<1xf32>
        %squeeze3A_450 = vector.extract %slice3A_449[0] : f32 from vector<1xf32>
        %broadcast_in_dim3A_451 = vector.broadcast %squeeze3A_450 : f32 to vector<16xf32>
        %mul3A_452 = arith.mulf %get3A_352, %broadcast_in_dim3A : vector<16xf32>
        %mul3A_453 = arith.mulf %get3A_358, %broadcast_in_dim3A : vector<16xf32>
        %mul3A_454 = arith.mulf %get3A_364, %broadcast_in_dim3A_445 : vector<16xf32>
        %mul3A_455 = arith.mulf %get3A_370, %broadcast_in_dim3A_445 : vector<16xf32>
        %mul3A_456 = arith.mulf %get3A_376, %broadcast_in_dim3A_448 : vector<16xf32>
        %mul3A_457 = arith.mulf %get3A_382, %broadcast_in_dim3A_448 : vector<16xf32>
        %mul3A_458 = arith.mulf %get3A_388, %broadcast_in_dim3A_451 : vector<16xf32>
        %mul3A_459 = arith.mulf %get3A_394, %broadcast_in_dim3A_451 : vector<16xf32>
        %slice3A_460 = vector.extract_strided_slice %get3A_346 {offsets = [0], sizes = [1], strides = [1]} : vector<16xf32> to vector<1xf32>
        %squeeze3A_461 = vector.extract %slice3A_460[0] : f32 from vector<1xf32>
        %broadcast_in_dim3A_462 = vector.broadcast %squeeze3A_461 : f32 to vector<16xf32>
        %slice3A_463 = vector.extract_strided_slice %get3A_346 {offsets = [1], sizes = [1], strides = [1]} : vector<16xf32> to vector<1xf32>
        %squeeze3A_464 = vector.extract %slice3A_463[0] : f32 from vector<1xf32>
        %broadcast_in_dim3A_465 = vector.broadcast %squeeze3A_464 : f32 to vector<16xf32>
        %slice3A_466 = vector.extract_strided_slice %get3A_346 {offsets = [2], sizes = [1], strides = [1]} : vector<16xf32> to vector<1xf32>
        %squeeze3A_467 = vector.extract %slice3A_466[0] : f32 from vector<1xf32>
        %broadcast_in_dim3A_468 = vector.broadcast %squeeze3A_467 : f32 to vector<16xf32>
        %slice3A_469 = vector.extract_strided_slice %get3A_346 {offsets = [3], sizes = [1], strides = [1]} : vector<16xf32> to vector<1xf32>
        %squeeze3A_470 = vector.extract %slice3A_469[0] : f32 from vector<1xf32>
        %broadcast_in_dim3A_471 = vector.broadcast %squeeze3A_470 : f32 to vector<16xf32>
        %mul3A_472 = arith.mulf %get3A_400, %broadcast_in_dim3A_462 : vector<16xf32>
        %mul3A_473 = arith.mulf %get3A_406, %broadcast_in_dim3A_462 : vector<16xf32>
        %mul3A_474 = arith.mulf %get3A_412, %broadcast_in_dim3A_465 : vector<16xf32>
        %mul3A_475 = arith.mulf %get3A_418, %broadcast_in_dim3A_465 : vector<16xf32>
        %mul3A_476 = arith.mulf %get3A_424, %broadcast_in_dim3A_468 : vector<16xf32>
        %mul3A_477 = arith.mulf %get3A_430, %broadcast_in_dim3A_468 : vector<16xf32>
        %mul3A_478 = arith.mulf %get3A_436, %broadcast_in_dim3A_471 : vector<16xf32>
        %mul3A_479 = arith.mulf %get3A_442, %broadcast_in_dim3A_471 : vector<16xf32>
        %add3A_480 = arith.constant 0 : i32
        %add3A_481 = arith.addi %mul3A_335, %add3A_480 : i32
        %swap3A = arith.index_cast %add3A_481 : i32 to index
        %swap3A_482 = arith.constant 0 : index
        %swap3A_483 = tpu.vector_load %arg25[%swap3A, %swap3A_482] {strides = array<i32>} : memref<32x128xf32, #tpu.memory_space<vmem>>, vector<1x16xf32>,
        %swap3A_484 = vector.shape_cast %swap3A_483 : vector<1x16xf32> to vector<16xf32>
        %swap3A_485 = vector.shape_cast %mul3A_452 : vector<16xf32> to vector<1x16xf32>
        tpu.vector_store %arg25[%swap3A, %swap3A_482], %swap3A_485 {strides = array<i32>} : memref<32x128xf32, #tpu.memory_space<vmem>>, vector<1x16xf32>,
        %add3A_486 = arith.constant 0 : i32
        %add3A_487 = arith.addi %mul3A_335, %add3A_486 : i32
        %swap3A_488 = arith.index_cast %add3A_487 : i32 to index
        %swap3A_489 = arith.constant 16 : index
        %swap3A_490 = tpu.vector_load %arg25[%swap3A_488, %swap3A_489] {strides = array<i32>} : memref<32x128xf32, #tpu.memory_space<vmem>>, vector<1x16xf32>,
        %swap3A_491 = vector.shape_cast %swap3A_490 : vector<1x16xf32> to vector<16xf32>
        %swap3A_492 = vector.shape_cast %mul3A_453 : vector<16xf32> to vector<1x16xf32>
        tpu.vector_store %arg25[%swap3A_488, %swap3A_489], %swap3A_492 {strides = array<i32>} : memref<32x128xf32, #tpu.memory_space<vmem>>, vector<1x16xf32>,
        %add3A_493 = arith.constant 0 : i32
        %add3A_494 = arith.addi %mul3A_335, %add3A_493 : i32
        %swap3A_495 = arith.index_cast %add3A_494 : i32 to index
        %swap3A_496 = arith.constant 32 : index
        %swap3A_497 = tpu.vector_load %arg25[%swap3A_495, %swap3A_496] {strides = array<i32>} : memref<32x128xf32, #tpu.memory_space<vmem>>, vector<1x16xf32>,
        %swap3A_498 = vector.shape_cast %swap3A_497 : vector<1x16xf32> to vector<16xf32>
        %swap3A_499 = vector.shape_cast %mul3A_454 : vector<16xf32> to vector<1x16xf32>
        tpu.vector_store %arg25[%swap3A_495, %swap3A_496], %swap3A_499 {strides = array<i32>} : memref<32x128xf32, #tpu.memory_space<vmem>>, vector<1x16xf32>,
        %add3A_500 = arith.constant 0 : i32
        %add3A_501 = arith.addi %mul3A_335, %add3A_500 : i32
        %swap3A_502 = arith.index_cast %add3A_501 : i32 to index
        %swap3A_503 = arith.constant 48 : index
        %swap3A_504 = tpu.vector_load %arg25[%swap3A_502, %swap3A_503] {strides = array<i32>} : memref<32x128xf32, #tpu.memory_space<vmem>>, vector<1x16xf32>,
        %swap3A_505 = vector.shape_cast %swap3A_504 : vector<1x16xf32> to vector<16xf32>
        %swap3A_506 = vector.shape_cast %mul3A_455 : vector<16xf32> to vector<1x16xf32>
        tpu.vector_store %arg25[%swap3A_502, %swap3A_503], %swap3A_506 {strides = array<i32>} : memref<32x128xf32, #tpu.memory_space<vmem>>, vector<1x16xf32>,
        %add3A_507 = arith.constant 0 : i32
        %add3A_508 = arith.addi %mul3A_335, %add3A_507 : i32
        %swap3A_509 = arith.index_cast %add3A_508 : i32 to index
        %swap3A_510 = arith.constant 64 : index
        %swap3A_511 = tpu.vector_load %arg25[%swap3A_509, %swap3A_510] {strides = array<i32>} : memref<32x128xf32, #tpu.memory_space<vmem>>, vector<1x16xf32>,
        %swap3A_512 = vector.shape_cast %swap3A_511 : vector<1x16xf32> to vector<16xf32>
        %swap3A_513 = vector.shape_cast %mul3A_456 : vector<16xf32> to vector<1x16xf32>
        tpu.vector_store %arg25[%swap3A_509, %swap3A_510], %swap3A_513 {strides = array<i32>} : memref<32x128xf32, #tpu.memory_space<vmem>>, vector<1x16xf32>,
        %add3A_514 = arith.constant 0 : i32
        %add3A_515 = arith.addi %mul3A_335, %add3A_514 : i32
        %swap3A_516 = arith.index_cast %add3A_515 : i32 to index
        %swap3A_517 = arith.constant 80 : index
        %swap3A_518 = tpu.vector_load %arg25[%swap3A_516, %swap3A_517] {strides = array<i32>} : memref<32x128xf32, #tpu.memory_space<vmem>>, vector<1x16xf32>,
        %swap3A_519 = vector.shape_cast %swap3A_518 : vector<1x16xf32> to vector<16xf32>
        %swap3A_520 = vector.shape_cast %mul3A_457 : vector<16xf32> to vector<1x16xf32>
        tpu.vector_store %arg25[%swap3A_516, %swap3A_517], %swap3A_520 {strides = array<i32>} : memref<32x128xf32, #tpu.memory_space<vmem>>, vector<1x16xf32>,
        %add3A_521 = arith.constant 0 : i32
        %add3A_522 = arith.addi %mul3A_335, %add3A_521 : i32
        %swap3A_523 = arith.index_cast %add3A_522 : i32 to index
        %swap3A_524 = arith.constant 96 : index
        %swap3A_525 = tpu.vector_load %arg25[%swap3A_523, %swap3A_524] {strides = array<i32>} : memref<32x128xf32, #tpu.memory_space<vmem>>, vector<1x16xf32>,
        %swap3A_526 = vector.shape_cast %swap3A_525 : vector<1x16xf32> to vector<16xf32>
        %swap3A_527 = vector.shape_cast %mul3A_458 : vector<16xf32> to vector<1x16xf32>
        tpu.vector_store %arg25[%swap3A_523, %swap3A_524], %swap3A_527 {strides = array<i32>} : memref<32x128xf32, #tpu.memory_space<vmem>>, vector<1x16xf32>,
        %add3A_528 = arith.constant 0 : i32
        %add3A_529 = arith.addi %mul3A_335, %add3A_528 : i32
        %swap3A_530 = arith.index_cast %add3A_529 : i32 to index
        %swap3A_531 = arith.constant 112 : index
        %swap3A_532 = tpu.vector_load %arg25[%swap3A_530, %swap3A_531] {strides = array<i32>} : memref<32x128xf32, #tpu.memory_space<vmem>>, vector<1x16xf32>,
        %swap3A_533 = vector.shape_cast %swap3A_532 : vector<1x16xf32> to vector<16xf32>
        %swap3A_534 = vector.shape_cast %mul3A_459 : vector<16xf32> to vector<1x16xf32>
        tpu.vector_store %arg25[%swap3A_530, %swap3A_531], %swap3A_534 {strides = array<i32>} : memref<32x128xf32, #tpu.memory_space<vmem>>, vector<1x16xf32>,
        %add3A_535 = arith.constant 1 : i32
        %add3A_536 = arith.addi %mul3A_335, %add3A_535 : i32
        %swap3A_537 = arith.index_cast %add3A_536 : i32 to index
        %swap3A_538 = arith.constant 0 : index
        %swap3A_539 = tpu.vector_load %arg25[%swap3A_537, %swap3A_538] {strides = array<i32>} : memref<32x128xf32, #tpu.memory_space<vmem>>, vector<1x16xf32>,
        %swap3A_540 = vector.shape_cast %swap3A_539 : vector<1x16xf32> to vector<16xf32>
        %swap3A_541 = vector.shape_cast %mul3A_472 : vector<16xf32> to vector<1x16xf32>
        tpu.vector_store %arg25[%swap3A_537, %swap3A_538], %swap3A_541 {strides = array<i32>} : memref<32x128xf32, #tpu.memory_space<vmem>>, vector<1x16xf32>,
        %add3A_542 = arith.constant 1 : i32
        %add3A_543 = arith.addi %mul3A_335, %add3A_542 : i32
        %swap3A_544 = arith.index_cast %add3A_543 : i32 to index
        %swap3A_545 = arith.constant 16 : index
        %swap3A_546 = tpu.vector_load %arg25[%swap3A_544, %swap3A_545] {strides = array<i32>} : memref<32x128xf32, #tpu.memory_space<vmem>>, vector<1x16xf32>,
        %swap3A_547 = vector.shape_cast %swap3A_546 : vector<1x16xf32> to vector<16xf32>
        %swap3A_548 = vector.shape_cast %mul3A_473 : vector<16xf32> to vector<1x16xf32>
        tpu.vector_store %arg25[%swap3A_544, %swap3A_545], %swap3A_548 {strides = array<i32>} : memref<32x128xf32, #tpu.memory_space<vmem>>, vector<1x16xf32>,
        %add3A_549 = arith.constant 1 : i32
        %add3A_550 = arith.addi %mul3A_335, %add3A_549 : i32
        %swap3A_551 = arith.index_cast %add3A_550 : i32 to index
        %swap3A_552 = arith.constant 32 : index
        %swap3A_553 = tpu.vector_load %arg25[%swap3A_551, %swap3A_552] {strides = array<i32>} : memref<32x128xf32, #tpu.memory_space<vmem>>, vector<1x16xf32>,
        %swap3A_554 = vector.shape_cast %swap3A_553 : vector<1x16xf32> to vector<16xf32>
        %swap3A_555 = vector.shape_cast %mul3A_474 : vector<16xf32> to vector<1x16xf32>
        tpu.vector_store %arg25[%swap3A_551, %swap3A_552], %swap3A_555 {strides = array<i32>} : memref<32x128xf32, #tpu.memory_space<vmem>>, vector<1x16xf32>,
        %add3A_556 = arith.constant 1 : i32
        %add3A_557 = arith.addi %mul3A_335, %add3A_556 : i32
        %swap3A_558 = arith.index_cast %add3A_557 : i32 to index
        %swap3A_559 = arith.constant 48 : index
        %swap3A_560 = tpu.vector_load %arg25[%swap3A_558, %swap3A_559] {strides = array<i32>} : memref<32x128xf32, #tpu.memory_space<vmem>>, vector<1x16xf32>,
        %swap3A_561 = vector.shape_cast %swap3A_560 : vector<1x16xf32> to vector<16xf32>
        %swap3A_562 = vector.shape_cast %mul3A_475 : vector<16xf32> to vector<1x16xf32>
        tpu.vector_store %arg25[%swap3A_558, %swap3A_559], %swap3A_562 {strides = array<i32>} : memref<32x128xf32, #tpu.memory_space<vmem>>, vector<1x16xf32>,
        %add3A_563 = arith.constant 1 : i32
        %add3A_564 = arith.addi %mul3A_335, %add3A_563 : i32
        %swap3A_565 = arith.index_cast %add3A_564 : i32 to index
        %swap3A_566 = arith.constant 64 : index
        %swap3A_567 = tpu.vector_load %arg25[%swap3A_565, %swap3A_566] {strides = array<i32>} : memref<32x128xf32, #tpu.memory_space<vmem>>, vector<1x16xf32>,
        %swap3A_568 = vector.shape_cast %swap3A_567 : vector<1x16xf32> to vector<16xf32>
        %swap3A_569 = vector.shape_cast %mul3A_476 : vector<16xf32> to vector<1x16xf32>
        tpu.vector_store %arg25[%swap3A_565, %swap3A_566], %swap3A_569 {strides = array<i32>} : memref<32x128xf32, #tpu.memory_space<vmem>>, vector<1x16xf32>,
        %add3A_570 = arith.constant 1 : i32
        %add3A_571 = arith.addi %mul3A_335, %add3A_570 : i32
        %swap3A_572 = arith.index_cast %add3A_571 : i32 to index
        %swap3A_573 = arith.constant 80 : index
        %swap3A_574 = tpu.vector_load %arg25[%swap3A_572, %swap3A_573] {strides = array<i32>} : memref<32x128xf32, #tpu.memory_space<vmem>>, vector<1x16xf32>,
        %swap3A_575 = vector.shape_cast %swap3A_574 : vector<1x16xf32> to vector<16xf32>
        %swap3A_576 = vector.shape_cast %mul3A_477 : vector<16xf32> to vector<1x16xf32>
        tpu.vector_store %arg25[%swap3A_572, %swap3A_573], %swap3A_576 {strides = array<i32>} : memref<32x128xf32, #tpu.memory_space<vmem>>, vector<1x16xf32>,
        %add3A_577 = arith.constant 1 : i32
        %add3A_578 = arith.addi %mul3A_335, %add3A_577 : i32
        %swap3A_579 = arith.index_cast %add3A_578 : i32 to index
        %swap3A_580 = arith.constant 96 : index
        %swap3A_581 = tpu.vector_load %arg25[%swap3A_579, %swap3A_580] {strides = array<i32>} : memref<32x128xf32, #tpu.memory_space<vmem>>, vector<1x16xf32>,
        %swap3A_582 = vector.shape_cast %swap3A_581 : vector<1x16xf32> to vector<16xf32>
        %swap3A_583 = vector.shape_cast %mul3A_478 : vector<16xf32> to vector<1x16xf32>
        tpu.vector_store %arg25[%swap3A_579, %swap3A_580], %swap3A_583 {strides = array<i32>} : memref<32x128xf32, #tpu.memory_space<vmem>>, vector<1x16xf32>,
        %add3A_584 = arith.constant 1 : i32
        %add3A_585 = arith.addi %mul3A_335, %add3A_584 : i32
        %swap3A_586 = arith.index_cast %add3A_585 : i32 to index
        %swap3A_587 = arith.constant 112 : index
        %swap3A_588 = tpu.vector_load %arg25[%swap3A_586, %swap3A_587] {strides = array<i32>} : memref<32x128xf32, #tpu.memory_space<vmem>>, vector<1x16xf32>,
        %swap3A_589 = vector.shape_cast %swap3A_588 : vector<1x16xf32> to vector<16xf32>
        %swap3A_590 = vector.shape_cast %mul3A_479 : vector<16xf32> to vector<1x16xf32>
        tpu.vector_store %arg25[%swap3A_586, %swap3A_587], %swap3A_590 {strides = array<i32>} : memref<32x128xf32, #tpu.memory_space<vmem>>, vector<1x16xf32>,
        %scan3A_591 = arith.constant 1 : i32
        %scan3A_592 = arith.addi %scan3A_333, %scan3A_591 : i32
        %mul3A_593 = arith.constant 2 : i32
        %mul3A_594 = arith.muli %scan3A_592, %mul3A_593 : i32
        %add3A_595 = arith.constant 0 : i32
        %add3A_596 = arith.addi %mul3A_594, %add3A_595 : i32
        %get3A_597 = arith.index_cast %add3A_596 : i32 to index
        %get3A_598 = arith.constant 0 : index
        %get3A_599 = tpu.vector_load %arg26[%get3A_597, %get3A_598] {strides = array<i32>} : memref<32x16xf32, #tpu.memory_space<vmem>>, vector<1x16xf32>,
        %get3A_600 = vector.shape_cast %get3A_599 : vector<1x16xf32> to vector<16xf32>
        %add3A_601 = arith.constant 1 : i32
        %add3A_602 = arith.addi %mul3A_594, %add3A_601 : i32
        %get3A_603 = arith.index_cast %add3A_602 : i32 to index
        %get3A_604 = arith.constant 0 : index
        %get3A_605 = tpu.vector_load %arg26[%get3A_603, %get3A_604] {strides = array<i32>} : memref<32x16xf32, #tpu.memory_space<vmem>>, vector<1x16xf32>,
        %get3A_606 = vector.shape_cast %get3A_605 : vector<1x16xf32> to vector<16xf32>
        %add3A_607 = arith.constant 0 : i32
        %add3A_608 = arith.addi %mul3A_594, %add3A_607 : i32
        %get3A_609 = arith.index_cast %add3A_608 : i32 to index
        %get3A_610 = arith.constant 0 : index
        %get3A_611 = tpu.vector_load %arg25[%get3A_609, %get3A_610] {strides = array<i32>} : memref<32x128xf32, #tpu.memory_space<vmem>>, vector<1x16xf32>,
        %get3A_612 = vector.shape_cast %get3A_611 : vector<1x16xf32> to vector<16xf32>
        %add3A_613 = arith.constant 0 : i32
        %add3A_614 = arith.addi %mul3A_594, %add3A_613 : i32
        %get3A_615 = arith.index_cast %add3A_614 : i32 to index
        %get3A_616 = arith.constant 16 : index
        %get3A_617 = tpu.vector_load %arg25[%get3A_615, %get3A_616] {strides = array<i32>} : memref<32x128xf32, #tpu.memory_space<vmem>>, vector<1x16xf32>,
        %get3A_618 = vector.shape_cast %get3A_617 : vector<1x16xf32> to vector<16xf32>
        %add3A_619 = arith.constant 0 : i32
        %add3A_620 = arith.addi %mul3A_594, %add3A_619 : i32
        %get3A_621 = arith.index_cast %add3A_620 : i32 to index
        %get3A_622 = arith.constant 32 : index
        %get3A_623 = tpu.vector_load %arg25[%get3A_621, %get3A_622] {strides = array<i32>} : memref<32x128xf32, #tpu.memory_space<vmem>>, vector<1x16xf32>,
        %get3A_624 = vector.shape_cast %get3A_623 : vector<1x16xf32> to vector<16xf32>
        %add3A_625 = arith.constant 0 : i32
        %add3A_626 = arith.addi %mul3A_594, %add3A_625 : i32
        %get3A_627 = arith.index_cast %add3A_626 : i32 to index
        %get3A_628 = arith.constant 48 : index
        %get3A_629 = tpu.vector_load %arg25[%get3A_627, %get3A_628] {strides = array<i32>} : memref<32x128xf32, #tpu.memory_space<vmem>>, vector<1x16xf32>,
        %get3A_630 = vector.shape_cast %get3A_629 : vector<1x16xf32> to vector<16xf32>
        %add3A_631 = arith.constant 0 : i32
        %add3A_632 = arith.addi %mul3A_594, %add3A_631 : i32
        %get3A_633 = arith.index_cast %add3A_632 : i32 to index
        %get3A_634 = arith.constant 64 : index
        %get3A_635 = tpu.vector_load %arg25[%get3A_633, %get3A_634] {strides = array<i32>} : memref<32x128xf32, #tpu.memory_space<vmem>>, vector<1x16xf32>,
        %get3A_636 = vector.shape_cast %get3A_635 : vector<1x16xf32> to vector<16xf32>
        %add3A_637 = arith.constant 0 : i32
        %add3A_638 = arith.addi %mul3A_594, %add3A_637 : i32
        %get3A_639 = arith.index_cast %add3A_638 : i32 to index
        %get3A_640 = arith.constant 80 : index
        %get3A_641 = tpu.vector_load %arg25[%get3A_639, %get3A_640] {strides = array<i32>} : memref<32x128xf32, #tpu.memory_space<vmem>>, vector<1x16xf32>,
        %get3A_642 = vector.shape_cast %get3A_641 : vector<1x16xf32> to vector<16xf32>
        %add3A_643 = arith.constant 0 : i32
        %add3A_644 = arith.addi %mul3A_594, %add3A_643 : i32
        %get3A_645 = arith.index_cast %add3A_644 : i32 to index
        %get3A_646 = arith.constant 96 : index
        %get3A_647 = tpu.vector_load %arg25[%get3A_645, %get3A_646] {strides = array<i32>} : memref<32x128xf32, #tpu.memory_space<vmem>>, vector<1x16xf32>,
        %get3A_648 = vector.shape_cast %get3A_647 : vector<1x16xf32> to vector<16xf32>
        %add3A_649 = arith.constant 0 : i32
        %add3A_650 = arith.addi %mul3A_594, %add3A_649 : i32
        %get3A_651 = arith.index_cast %add3A_650 : i32 to index
        %get3A_652 = arith.constant 112 : index
        %get3A_653 = tpu.vector_load %arg25[%get3A_651, %get3A_652] {strides = array<i32>} : memref<32x128xf32, #tpu.memory_space<vmem>>, vector<1x16xf32>,
        %get3A_654 = vector.shape_cast %get3A_653 : vector<1x16xf32> to vector<16xf32>
        %add3A_655 = arith.constant 1 : i32
        %add3A_656 = arith.addi %mul3A_594, %add3A_655 : i32
        %get3A_657 = arith.index_cast %add3A_656 : i32 to index
        %get3A_658 = arith.constant 0 : index
        %get3A_659 = tpu.vector_load %arg25[%get3A_657, %get3A_658] {strides = array<i32>} : memref<32x128xf32, #tpu.memory_space<vmem>>, vector<1x16xf32>,
        %get3A_660 = vector.shape_cast %get3A_659 : vector<1x16xf32> to vector<16xf32>
        %add3A_661 = arith.constant 1 : i32
        %add3A_662 = arith.addi %mul3A_594, %add3A_661 : i32
        %get3A_663 = arith.index_cast %add3A_662 : i32 to index
        %get3A_664 = arith.constant 16 : index
        %get3A_665 = tpu.vector_load %arg25[%get3A_663, %get3A_664] {strides = array<i32>} : memref<32x128xf32, #tpu.memory_space<vmem>>, vector<1x16xf32>,
        %get3A_666 = vector.shape_cast %get3A_665 : vector<1x16xf32> to vector<16xf32>
        %add3A_667 = arith.constant 1 : i32
        %add3A_668 = arith.addi %mul3A_594, %add3A_667 : i32
        %get3A_669 = arith.index_cast %add3A_668 : i32 to index
        %get3A_670 = arith.constant 32 : index
        %get3A_671 = tpu.vector_load %arg25[%get3A_669, %get3A_670] {strides = array<i32>} : memref<32x128xf32, #tpu.memory_space<vmem>>, vector<1x16xf32>,
        %get3A_672 = vector.shape_cast %get3A_671 : vector<1x16xf32> to vector<16xf32>
        %add3A_673 = arith.constant 1 : i32
        %add3A_674 = arith.addi %mul3A_594, %add3A_673 : i32
        %get3A_675 = arith.index_cast %add3A_674 : i32 to index
        %get3A_676 = arith.constant 48 : index
        %get3A_677 = tpu.vector_load %arg25[%get3A_675, %get3A_676] {strides = array<i32>} : memref<32x128xf32, #tpu.memory_space<vmem>>, vector<1x16xf32>,
        %get3A_678 = vector.shape_cast %get3A_677 : vector<1x16xf32> to vector<16xf32>
        %add3A_679 = arith.constant 1 : i32
        %add3A_680 = arith.addi %mul3A_594, %add3A_679 : i32
        %get3A_681 = arith.index_cast %add3A_680 : i32 to index
        %get3A_682 = arith.constant 64 : index
        %get3A_683 = tpu.vector_load %arg25[%get3A_681, %get3A_682] {strides = array<i32>} : memref<32x128xf32, #tpu.memory_space<vmem>>, vector<1x16xf32>,
        %get3A_684 = vector.shape_cast %get3A_683 : vector<1x16xf32> to vector<16xf32>
        %add3A_685 = arith.constant 1 : i32
        %add3A_686 = arith.addi %mul3A_594, %add3A_685 : i32
        %get3A_687 = arith.index_cast %add3A_686 : i32 to index
        %get3A_688 = arith.constant 80 : index
        %get3A_689 = tpu.vector_load %arg25[%get3A_687, %get3A_688] {strides = array<i32>} : memref<32x128xf32, #tpu.memory_space<vmem>>, vector<1x16xf32>,
        %get3A_690 = vector.shape_cast %get3A_689 : vector<1x16xf32> to vector<16xf32>
        %add3A_691 = arith.constant 1 : i32
        %add3A_692 = arith.addi %mul3A_594, %add3A_691 : i32
        %get3A_693 = arith.index_cast %add3A_692 : i32 to index
        %get3A_694 = arith.constant 96 : index
        %get3A_695 = tpu.vector_load %arg25[%get3A_693, %get3A_694] {strides = array<i32>} : memref<32x128xf32, #tpu.memory_space<vmem>>, vector<1x16xf32>,
        %get3A_696 = vector.shape_cast %get3A_695 : vector<1x16xf32> to vector<16xf32>
        %add3A_697 = arith.constant 1 : i32
        %add3A_698 = arith.addi %mul3A_594, %add3A_697 : i32
        %get3A_699 = arith.index_cast %add3A_698 : i32 to index
        %get3A_700 = arith.constant 112 : index
        %get3A_701 = tpu.vector_load %arg25[%get3A_699, %get3A_700] {strides = array<i32>} : memref<32x128xf32, #tpu.memory_space<vmem>>, vector<1x16xf32>,
        %get3A_702 = vector.shape_cast %get3A_701 : vector<1x16xf32> to vector<16xf32>
        %slice3A_703 = vector.extract_strided_slice %get3A_600 {offsets = [0], sizes = [1], strides = [1]} : vector<16xf32> to vector<1xf32>
        %squeeze3A_704 = vector.extract %slice3A_703[0] : f32 from vector<1xf32>
        %broadcast_in_dim3A_705 = vector.broadcast %squeeze3A_704 : f32 to vector<16xf32>
        %slice3A_706 = vector.extract_strided_slice %get3A_600 {offsets = [1], sizes = [1], strides = [1]} : vector<16xf32> to vector<1xf32>
        %squeeze3A_707 = vector.extract %slice3A_706[0] : f32 from vector<1xf32>
        %broadcast_in_dim3A_708 = vector.broadcast %squeeze3A_707 : f32 to vector<16xf32>
        %slice3A_709 = vector.extract_strided_slice %get3A_600 {offsets = [2], sizes = [1], strides = [1]} : vector<16xf32> to vector<1xf32>
        %squeeze3A_710 = vector.extract %slice3A_709[0] : f32 from vector<1xf32>
        %broadcast_in_dim3A_711 = vector.broadcast %squeeze3A_710 : f32 to vector<16xf32>
        %slice3A_712 = vector.extract_strided_slice %get3A_600 {offsets = [3], sizes = [1], strides = [1]} : vector<16xf32> to vector<1xf32>
        %squeeze3A_713 = vector.extract %slice3A_712[0] : f32 from vector<1xf32>
        %broadcast_in_dim3A_714 = vector.broadcast %squeeze3A_713 : f32 to vector<16xf32>
        %mul3A_715 = arith.mulf %get3A_612, %broadcast_in_dim3A_705 : vector<16xf32>
        %mul3A_716 = arith.mulf %get3A_618, %broadcast_in_dim3A_705 : vector<16xf32>
        %mul3A_717 = arith.mulf %get3A_624, %broadcast_in_dim3A_708 : vector<16xf32>
        %mul3A_718 = arith.mulf %get3A_630, %broadcast_in_dim3A_708 : vector<16xf32>
        %mul3A_719 = arith.mulf %get3A_636, %broadcast_in_dim3A_711 : vector<16xf32>
        %mul3A_720 = arith.mulf %get3A_642, %broadcast_in_dim3A_711 : vector<16xf32>
        %mul3A_721 = arith.mulf %get3A_648, %broadcast_in_dim3A_714 : vector<16xf32>
        %mul3A_722 = arith.mulf %get3A_654, %broadcast_in_dim3A_714 : vector<16xf32>
        %slice3A_723 = vector.extract_strided_slice %get3A_606 {offsets = [0], sizes = [1], strides = [1]} : vector<16xf32> to vector<1xf32>
        %squeeze3A_724 = vector.extract %slice3A_723[0] : f32 from vector<1xf32>
        %broadcast_in_dim3A_725 = vector.broadcast %squeeze3A_724 : f32 to vector<16xf32>
        %slice3A_726 = vector.extract_strided_slice %get3A_606 {offsets = [1], sizes = [1], strides = [1]} : vector<16xf32> to vector<1xf32>
        %squeeze3A_727 = vector.extract %slice3A_726[0] : f32 from vector<1xf32>
        %broadcast_in_dim3A_728 = vector.broadcast %squeeze3A_727 : f32 to vector<16xf32>
        %slice3A_729 = vector.extract_strided_slice %get3A_606 {offsets = [2], sizes = [1], strides = [1]} : vector<16xf32> to vector<1xf32>
        %squeeze3A_730 = vector.extract %slice3A_729[0] : f32 from vector<1xf32>
        %broadcast_in_dim3A_731 = vector.broadcast %squeeze3A_730 : f32 to vector<16xf32>
        %slice3A_732 = vector.extract_strided_slice %get3A_606 {offsets = [3], sizes = [1], strides = [1]} : vector<16xf32> to vector<1xf32>
        %squeeze3A_733 = vector.extract %slice3A_732[0] : f32 from vector<1xf32>
        %broadcast_in_dim3A_734 = vector.broadcast %squeeze3A_733 : f32 to vector<16xf32>
        %mul3A_735 = arith.mulf %get3A_660, %broadcast_in_dim3A_725 : vector<16xf32>
        %mul3A_736 = arith.mulf %get3A_666, %broadcast_in_dim3A_725 : vector<16xf32>
        %mul3A_737 = arith.mulf %get3A_672, %broadcast_in_dim3A_728 : vector<16xf32>
        %mul3A_738 = arith.mulf %get3A_678, %broadcast_in_dim3A_728 : vector<16xf32>
        %mul3A_739 = arith.mulf %get3A_684, %broadcast_in_dim3A_731 : vector<16xf32>
        %mul3A_740 = arith.mulf %get3A_690, %broadcast_in_dim3A_731 : vector<16xf32>
        %mul3A_741 = arith.mulf %get3A_696, %broadcast_in_dim3A_734 : vector<16xf32>
        %mul3A_742 = arith.mulf %get3A_702, %broadcast_in_dim3A_734 : vector<16xf32>
        %add3A_743 = arith.constant 0 : i32
        %add3A_744 = arith.addi %mul3A_594, %add3A_743 : i32
        %swap3A_745 = arith.index_cast %add3A_744 : i32 to index
        %swap3A_746 = arith.constant 0 : index
        %swap3A_747 = tpu.vector_load %arg25[%swap3A_745, %swap3A_746] {strides = array<i32>} : memref<32x128xf32, #tpu.memory_space<vmem>>, vector<1x16xf32>,
        %swap3A_748 = vector.shape_cast %swap3A_747 : vector<1x16xf32> to vector<16xf32>
        %swap3A_749 = vector.shape_cast %mul3A_715 : vector<16xf32> to vector<1x16xf32>
        tpu.vector_store %arg25[%swap3A_745, %swap3A_746], %swap3A_749 {strides = array<i32>} : memref<32x128xf32, #tpu.memory_space<vmem>>, vector<1x16xf32>,
        %add3A_750 = arith.constant 0 : i32
        %add3A_751 = arith.addi %mul3A_594, %add3A_750 : i32
        %swap3A_752 = arith.index_cast %add3A_751 : i32 to index
        %swap3A_753 = arith.constant 16 : index
        %swap3A_754 = tpu.vector_load %arg25[%swap3A_752, %swap3A_753] {strides = array<i32>} : memref<32x128xf32, #tpu.memory_space<vmem>>, vector<1x16xf32>,
        %swap3A_755 = vector.shape_cast %swap3A_754 : vector<1x16xf32> to vector<16xf32>
        %swap3A_756 = vector.shape_cast %mul3A_716 : vector<16xf32> to vector<1x16xf32>
        tpu.vector_store %arg25[%swap3A_752, %swap3A_753], %swap3A_756 {strides = array<i32>} : memref<32x128xf32, #tpu.memory_space<vmem>>, vector<1x16xf32>,
        %add3A_757 = arith.constant 0 : i32
        %add3A_758 = arith.addi %mul3A_594, %add3A_757 : i32
        %swap3A_759 = arith.index_cast %add3A_758 : i32 to index
        %swap3A_760 = arith.constant 32 : index
        %swap3A_761 = tpu.vector_load %arg25[%swap3A_759, %swap3A_760] {strides = array<i32>} : memref<32x128xf32, #tpu.memory_space<vmem>>, vector<1x16xf32>,
        %swap3A_762 = vector.shape_cast %swap3A_761 : vector<1x16xf32> to vector<16xf32>
        %swap3A_763 = vector.shape_cast %mul3A_717 : vector<16xf32> to vector<1x16xf32>
        tpu.vector_store %arg25[%swap3A_759, %swap3A_760], %swap3A_763 {strides = array<i32>} : memref<32x128xf32, #tpu.memory_space<vmem>>, vector<1x16xf32>,
        %add3A_764 = arith.constant 0 : i32
        %add3A_765 = arith.addi %mul3A_594, %add3A_764 : i32
        %swap3A_766 = arith.index_cast %add3A_765 : i32 to index
        %swap3A_767 = arith.constant 48 : index
        %swap3A_768 = tpu.vector_load %arg25[%swap3A_766, %swap3A_767] {strides = array<i32>} : memref<32x128xf32, #tpu.memory_space<vmem>>, vector<1x16xf32>,
        %swap3A_769 = vector.shape_cast %swap3A_768 : vector<1x16xf32> to vector<16xf32>
        %swap3A_770 = vector.shape_cast %mul3A_718 : vector<16xf32> to vector<1x16xf32>
        tpu.vector_store %arg25[%swap3A_766, %swap3A_767], %swap3A_770 {strides = array<i32>} : memref<32x128xf32, #tpu.memory_space<vmem>>, vector<1x16xf32>,
        %add3A_771 = arith.constant 0 : i32
        %add3A_772 = arith.addi %mul3A_594, %add3A_771 : i32
        %swap3A_773 = arith.index_cast %add3A_772 : i32 to index
        %swap3A_774 = arith.constant 64 : index
        %swap3A_775 = tpu.vector_load %arg25[%swap3A_773, %swap3A_774] {strides = array<i32>} : memref<32x128xf32, #tpu.memory_space<vmem>>, vector<1x16xf32>,
        %swap3A_776 = vector.shape_cast %swap3A_775 : vector<1x16xf32> to vector<16xf32>
        %swap3A_777 = vector.shape_cast %mul3A_719 : vector<16xf32> to vector<1x16xf32>
        tpu.vector_store %arg25[%swap3A_773, %swap3A_774], %swap3A_777 {strides = array<i32>} : memref<32x128xf32, #tpu.memory_space<vmem>>, vector<1x16xf32>,
        %add3A_778 = arith.constant 0 : i32
        %add3A_779 = arith.addi %mul3A_594, %add3A_778 : i32
        %swap3A_780 = arith.index_cast %add3A_779 : i32 to index
        %swap3A_781 = arith.constant 80 : index
        %swap3A_782 = tpu.vector_load %arg25[%swap3A_780, %swap3A_781] {strides = array<i32>} : memref<32x128xf32, #tpu.memory_space<vmem>>, vector<1x16xf32>,
        %swap3A_783 = vector.shape_cast %swap3A_782 : vector<1x16xf32> to vector<16xf32>
        %swap3A_784 = vector.shape_cast %mul3A_720 : vector<16xf32> to vector<1x16xf32>
        tpu.vector_store %arg25[%swap3A_780, %swap3A_781], %swap3A_784 {strides = array<i32>} : memref<32x128xf32, #tpu.memory_space<vmem>>, vector<1x16xf32>,
        %add3A_785 = arith.constant 0 : i32
        %add3A_786 = arith.addi %mul3A_594, %add3A_785 : i32
        %swap3A_787 = arith.index_cast %add3A_786 : i32 to index
        %swap3A_788 = arith.constant 96 : index
        %swap3A_789 = tpu.vector_load %arg25[%swap3A_787, %swap3A_788] {strides = array<i32>} : memref<32x128xf32, #tpu.memory_space<vmem>>, vector<1x16xf32>,
        %swap3A_790 = vector.shape_cast %swap3A_789 : vector<1x16xf32> to vector<16xf32>
        %swap3A_791 = vector.shape_cast %mul3A_721 : vector<16xf32> to vector<1x16xf32>
        tpu.vector_store %arg25[%swap3A_787, %swap3A_788], %swap3A_791 {strides = array<i32>} : memref<32x128xf32, #tpu.memory_space<vmem>>, vector<1x16xf32>,
        %add3A_792 = arith.constant 0 : i32
        %add3A_793 = arith.addi %mul3A_594, %add3A_792 : i32
        %swap3A_794 = arith.index_cast %add3A_793 : i32 to index
        %swap3A_795 = arith.constant 112 : index
        %swap3A_796 = tpu.vector_load %arg25[%swap3A_794, %swap3A_795] {strides = array<i32>} : memref<32x128xf32, #tpu.memory_space<vmem>>, vector<1x16xf32>,
        %swap3A_797 = vector.shape_cast %swap3A_796 : vector<1x16xf32> to vector<16xf32>
        %swap3A_798 = vector.shape_cast %mul3A_722 : vector<16xf32> to vector<1x16xf32>
        tpu.vector_store %arg25[%swap3A_794, %swap3A_795], %swap3A_798 {strides = array<i32>} : memref<32x128xf32, #tpu.memory_space<vmem>>, vector<1x16xf32>,
        %add3A_799 = arith.constant 1 : i32
        %add3A_800 = arith.addi %mul3A_594, %add3A_799 : i32
        %swap3A_801 = arith.index_cast %add3A_800 : i32 to index
        %swap3A_802 = arith.constant 0 : index
        %swap3A_803 = tpu.vector_load %arg25[%swap3A_801, %swap3A_802] {strides = array<i32>} : memref<32x128xf32, #tpu.memory_space<vmem>>, vector<1x16xf32>,
        %swap3A_804 = vector.shape_cast %swap3A_803 : vector<1x16xf32> to vector<16xf32>
        %swap3A_805 = vector.shape_cast %mul3A_735 : vector<16xf32> to vector<1x16xf32>
        tpu.vector_store %arg25[%swap3A_801, %swap3A_802], %swap3A_805 {strides = array<i32>} : memref<32x128xf32, #tpu.memory_space<vmem>>, vector<1x16xf32>,
        %add3A_806 = arith.constant 1 : i32
        %add3A_807 = arith.addi %mul3A_594, %add3A_806 : i32
        %swap3A_808 = arith.index_cast %add3A_807 : i32 to index
        %swap3A_809 = arith.constant 16 : index
        %swap3A_810 = tpu.vector_load %arg25[%swap3A_808, %swap3A_809] {strides = array<i32>} : memref<32x128xf32, #tpu.memory_space<vmem>>, vector<1x16xf32>,
        %swap3A_811 = vector.shape_cast %swap3A_810 : vector<1x16xf32> to vector<16xf32>
        %swap3A_812 = vector.shape_cast %mul3A_736 : vector<16xf32> to vector<1x16xf32>
        tpu.vector_store %arg25[%swap3A_808, %swap3A_809], %swap3A_812 {strides = array<i32>} : memref<32x128xf32, #tpu.memory_space<vmem>>, vector<1x16xf32>,
        %add3A_813 = arith.constant 1 : i32
        %add3A_814 = arith.addi %mul3A_594, %add3A_813 : i32
        %swap3A_815 = arith.index_cast %add3A_814 : i32 to index
        %swap3A_816 = arith.constant 32 : index
        %swap3A_817 = tpu.vector_load %arg25[%swap3A_815, %swap3A_816] {strides = array<i32>} : memref<32x128xf32, #tpu.memory_space<vmem>>, vector<1x16xf32>,
        %swap3A_818 = vector.shape_cast %swap3A_817 : vector<1x16xf32> to vector<16xf32>
        %swap3A_819 = vector.shape_cast %mul3A_737 : vector<16xf32> to vector<1x16xf32>
        tpu.vector_store %arg25[%swap3A_815, %swap3A_816], %swap3A_819 {strides = array<i32>} : memref<32x128xf32, #tpu.memory_space<vmem>>, vector<1x16xf32>,
        %add3A_820 = arith.constant 1 : i32
        %add3A_821 = arith.addi %mul3A_594, %add3A_820 : i32
        %swap3A_822 = arith.index_cast %add3A_821 : i32 to index
        %swap3A_823 = arith.constant 48 : index
        %swap3A_824 = tpu.vector_load %arg25[%swap3A_822, %swap3A_823] {strides = array<i32>} : memref<32x128xf32, #tpu.memory_space<vmem>>, vector<1x16xf32>,
        %swap3A_825 = vector.shape_cast %swap3A_824 : vector<1x16xf32> to vector<16xf32>
        %swap3A_826 = vector.shape_cast %mul3A_738 : vector<16xf32> to vector<1x16xf32>
        tpu.vector_store %arg25[%swap3A_822, %swap3A_823], %swap3A_826 {strides = array<i32>} : memref<32x128xf32, #tpu.memory_space<vmem>>, vector<1x16xf32>,
        %add3A_827 = arith.constant 1 : i32
        %add3A_828 = arith.addi %mul3A_594, %add3A_827 : i32
        %swap3A_829 = arith.index_cast %add3A_828 : i32 to index
        %swap3A_830 = arith.constant 64 : index
        %swap3A_831 = tpu.vector_load %arg25[%swap3A_829, %swap3A_830] {strides = array<i32>} : memref<32x128xf32, #tpu.memory_space<vmem>>, vector<1x16xf32>,
        %swap3A_832 = vector.shape_cast %swap3A_831 : vector<1x16xf32> to vector<16xf32>
        %swap3A_833 = vector.shape_cast %mul3A_739 : vector<16xf32> to vector<1x16xf32>
        tpu.vector_store %arg25[%swap3A_829, %swap3A_830], %swap3A_833 {strides = array<i32>} : memref<32x128xf32, #tpu.memory_space<vmem>>, vector<1x16xf32>,
        %add3A_834 = arith.constant 1 : i32
        %add3A_835 = arith.addi %mul3A_594, %add3A_834 : i32
        %swap3A_836 = arith.index_cast %add3A_835 : i32 to index
        %swap3A_837 = arith.constant 80 : index
        %swap3A_838 = tpu.vector_load %arg25[%swap3A_836, %swap3A_837] {strides = array<i32>} : memref<32x128xf32, #tpu.memory_space<vmem>>, vector<1x16xf32>,
        %swap3A_839 = vector.shape_cast %swap3A_838 : vector<1x16xf32> to vector<16xf32>
        %swap3A_840 = vector.shape_cast %mul3A_740 : vector<16xf32> to vector<1x16xf32>
        tpu.vector_store %arg25[%swap3A_836, %swap3A_837], %swap3A_840 {strides = array<i32>} : memref<32x128xf32, #tpu.memory_space<vmem>>, vector<1x16xf32>,
        %add3A_841 = arith.constant 1 : i32
        %add3A_842 = arith.addi %mul3A_594, %add3A_841 : i32
        %swap3A_843 = arith.index_cast %add3A_842 : i32 to index
        %swap3A_844 = arith.constant 96 : index
        %swap3A_845 = tpu.vector_load %arg25[%swap3A_843, %swap3A_844] {strides = array<i32>} : memref<32x128xf32, #tpu.memory_space<vmem>>, vector<1x16xf32>,
        %swap3A_846 = vector.shape_cast %swap3A_845 : vector<1x16xf32> to vector<16xf32>
        %swap3A_847 = vector.shape_cast %mul3A_741 : vector<16xf32> to vector<1x16xf32>
        tpu.vector_store %arg25[%swap3A_843, %swap3A_844], %swap3A_847 {strides = array<i32>} : memref<32x128xf32, #tpu.memory_space<vmem>>, vector<1x16xf32>,
        %add3A_848 = arith.constant 1 : i32
        %add3A_849 = arith.addi %mul3A_594, %add3A_848 : i32
        %swap3A_850 = arith.index_cast %add3A_849 : i32 to index
        %swap3A_851 = arith.constant 112 : index
        %swap3A_852 = tpu.vector_load %arg25[%swap3A_850, %swap3A_851] {strides = array<i32>} : memref<32x128xf32, #tpu.memory_space<vmem>>, vector<1x16xf32>,
        %swap3A_853 = vector.shape_cast %swap3A_852 : vector<1x16xf32> to vector<16xf32>
        %swap3A_854 = vector.shape_cast %mul3A_742 : vector<16xf32> to vector<1x16xf32>
        tpu.vector_store %arg25[%swap3A_850, %swap3A_851], %swap3A_854 {strides = array<i32>} : memref<32x128xf32, #tpu.memory_space<vmem>>, vector<1x16xf32>,
      }
      %scan3A_284 = arith.constant 16 : i32
      %dma_start3A_285 = arith.constant 0 : i32
      %dma_start3A_286 = tpu.memref_slice %arg14[%add3A_272, %dma_start3A_285] : memref<324x32xi32, #tpu.memory_space<vmem>> -> memref<1x32xi32, #tpu.memory_space<vmem>>
      %dma_start3A_287 = tpu.memref_squeeze %dma_start3A_286 : memref<1x32xi32, #tpu.memory_space<vmem>> -> memref<32xi32, #tpu.memory_space<vmem>>
      %dma_start3A_288 = arith.constant 0 : i32
      %dma_start3A_289 = arith.constant 0 : i32
      %dma_start3A_290 = tpu.memref_slice %arg11[%dma_start3A_288, %dma_start3A_289] : memref<10112x128xf32, #tpu.memory_space<vmem_shared>> -> memref<10112x128xf32, #tpu.memory_space<vmem_shared>>
      tpu.enqueue_indirect_dma source(%arg25 : memref<32x128xf32, #tpu.memory_space<vmem>>) target(%dma_start3A_290 : memref<10112x128xf32, #tpu.memory_space<vmem_shared>>) offsets(%dma_start3A_287 : memref<32xi32, #tpu.memory_space<vmem>>) semaphore(%arg38 : memref<!tpu.dma_semaphore, #tpu.memory_space<semaphore_mem>>) {add = true}
      %dma_start3A_291 = arith.constant 0 : i32
      %dma_start3A_292 = tpu.memref_slice %arg14[%add3A_272, %dma_start3A_291] : memref<324x32xi32, #tpu.memory_space<vmem>> -> memref<1x32xi32, #tpu.memory_space<vmem>>
      %dma_start3A_293 = tpu.memref_squeeze %dma_start3A_292 : memref<1x32xi32, #tpu.memory_space<vmem>> -> memref<32xi32, #tpu.memory_space<vmem>>
      %dma_start3A_294 = arith.constant 0 : i32
      %dma_start3A_295 = arith.constant 0 : i32
      %dma_start3A_296 = tpu.memref_slice %arg12[%dma_start3A_294, %dma_start3A_295] : memref<10112x16xf32, #tpu.memory_space<vmem_shared>> -> memref<10112x16xf32, #tpu.memory_space<vmem_shared>>
      tpu.enqueue_indirect_dma source(%arg26 : memref<32x16xf32, #tpu.memory_space<vmem>>) target(%dma_start3A_296 : memref<10112x16xf32, #tpu.memory_space<vmem_shared>>) offsets(%dma_start3A_293 : memref<32xi32, #tpu.memory_space<vmem>>) semaphore(%arg38 : memref<!tpu.dma_semaphore, #tpu.memory_space<semaphore_mem>>) {add = true}
      %add3A_297 = arith.constant 1 : i32
      %add3A_298 = arith.addi %mul3A_107, %add3A_297 : i32
      %dma_wait3A_299 = arith.constant 0 : i32
      %dma_wait3A_300 = tpu.memref_slice %arg14[%add3A_298, %dma_wait3A_299] : memref<324x32xi32, #tpu.memory_space<vmem>> -> memref<1x32xi32, #tpu.memory_space<vmem>>
      %dma_wait3A_301 = tpu.memref_squeeze %dma_wait3A_300 : memref<1x32xi32, #tpu.memory_space<vmem>> -> memref<32xi32, #tpu.memory_space<vmem>>
      %dma_wait3A_302 = arith.constant 0 : i32
      %dma_wait3A_303 = arith.constant 0 : i32
      %dma_wait3A_304 = tpu.memref_slice %arg11[%dma_wait3A_302, %dma_wait3A_303] : memref<10112x128xf32, #tpu.memory_space<vmem_shared>> -> memref<10112x128xf32, #tpu.memory_space<vmem_shared>>
      tpu.wait_indirect_dma semaphore(%arg34 : memref<!tpu.dma_semaphore, #tpu.memory_space<semaphore_mem>>) src(%arg21 : memref<32x128xf32, #tpu.memory_space<vmem>>) dst(%dma_wait3A_304 : memref<10112x128xf32, #tpu.memory_space<vmem_shared>>)
      %dma_wait3A_305 = arith.constant 0 : i32
      %dma_wait3A_306 = tpu.memref_slice %arg14[%add3A_298, %dma_wait3A_305] : memref<324x32xi32, #tpu.memory_space<vmem>> -> memref<1x32xi32, #tpu.memory_space<vmem>>
      %dma_wait3A_307 = tpu.memref_squeeze %dma_wait3A_306 : memref<1x32xi32, #tpu.memory_space<vmem>> -> memref<32xi32, #tpu.memory_space<vmem>>
      %dma_wait3A_308 = arith.constant 0 : i32
      %dma_wait3A_309 = arith.constant 0 : i32
      %dma_wait3A_310 = tpu.memref_slice %arg12[%dma_wait3A_308, %dma_wait3A_309] : memref<10112x16xf32, #tpu.memory_space<vmem_shared>> -> memref<10112x16xf32, #tpu.memory_space<vmem_shared>>
      tpu.wait_indirect_dma semaphore(%arg34 : memref<!tpu.dma_semaphore, #tpu.memory_space<semaphore_mem>>) src(%arg22 : memref<32x16xf32, #tpu.memory_space<vmem>>) dst(%dma_wait3A_310 : memref<10112x16xf32, #tpu.memory_space<vmem_shared>>)
      %add3A_311 = arith.constant 4 : i32
      %add3A_312 = arith.addi %mul3A_107, %add3A_311 : i32
      %min3A_313 = arith.constant 323 : i32
      %min3A_314 = arith.minsi %add3A_312, %min3A_313 : i32
      %dma_start3A_315 = arith.constant 0 : i32
      %dma_start3A_316 = tpu.memref_slice %arg13[%min3A_314, %dma_start3A_315] : memref<324x32xi32, #tpu.memory_space<vmem>> -> memref<1x32xi32, #tpu.memory_space<vmem>>
      %dma_start3A_317 = tpu.memref_squeeze %dma_start3A_316 : memref<1x32xi32, #tpu.memory_space<vmem>> -> memref<32xi32, #tpu.memory_space<vmem>>
      %dma_start3A_318 = arith.constant 0 : i32
      %dma_start3A_319 = arith.constant 0 : i32
      %dma_start3A_320 = tpu.memref_slice %arg3[%dma_start3A_318, %dma_start3A_319] : memref<10112x16xf32, #tpu.memory_space<hbm>> -> memref<10112x16xf32, #tpu.memory_space<hbm>>
      tpu.enqueue_indirect_dma source(%dma_start3A_320 : memref<10112x16xf32, #tpu.memory_space<hbm>>) target(%arg19 : memref<32x16xf32, #tpu.memory_space<vmem>>) offsets(%dma_start3A_317 : memref<32xi32, #tpu.memory_space<vmem>>) semaphore(%arg31 : memref<!tpu.dma_semaphore, #tpu.memory_space<semaphore_mem>>)
      %dma_start3A_321 = arith.constant 0 : i32
      %dma_start3A_322 = tpu.memref_slice %arg14[%min3A_314, %dma_start3A_321] : memref<324x32xi32, #tpu.memory_space<vmem>> -> memref<1x32xi32, #tpu.memory_space<vmem>>
      %dma_start3A_323 = tpu.memref_squeeze %dma_start3A_322 : memref<1x32xi32, #tpu.memory_space<vmem>> -> memref<32xi32, #tpu.memory_space<vmem>>
      %dma_start3A_324 = arith.constant 0 : i32
      %dma_start3A_325 = arith.constant 0 : i32
      %dma_start3A_326 = tpu.memref_slice %arg4[%dma_start3A_324, %dma_start3A_325] : memref<10112x16xf32, #tpu.memory_space<hbm>> -> memref<10112x16xf32, #tpu.memory_space<hbm>>
      tpu.enqueue_indirect_dma source(%dma_start3A_326 : memref<10112x16xf32, #tpu.memory_space<hbm>>) target(%arg20 : memref<32x16xf32, #tpu.memory_space<vmem>>) offsets(%dma_start3A_323 : memref<32xi32, #tpu.memory_space<vmem>>) semaphore(%arg32 : memref<!tpu.dma_semaphore, #tpu.memory_space<semaphore_mem>>)
      %dma_start3A_327 = arith.constant 0 : i32
      %dma_start3A_328 = tpu.memref_slice %arg13[%min3A_314, %dma_start3A_327] : memref<324x32xi32, #tpu.memory_space<vmem>> -> memref<1x32xi32, #tpu.memory_space<vmem>>
      %dma_start3A_329 = tpu.memref_squeeze %dma_start3A_328 : memref<1x32xi32, #tpu.memory_space<vmem>> -> memref<32xi32, #tpu.memory_space<vmem>>
      %dma_start3A_330 = arith.constant 0 : i32
      %dma_start3A_331 = arith.constant 0 : i32
      %dma_start3A_332 = tpu.memref_slice %arg2[%dma_start3A_330, %dma_start3A_331] : memref<10000x128xf32, #tpu.memory_space<hbm>> -> memref<10000x128xf32, #tpu.memory_space<hbm>>
      tpu.enqueue_indirect_dma source(%dma_start3A_332 : memref<10000x128xf32, #tpu.memory_space<hbm>>) target(%arg21 : memref<32x128xf32, #tpu.memory_space<vmem>>) offsets(%dma_start3A_329 : memref<32xi32, #tpu.memory_space<vmem>>) semaphore(%arg33 : memref<!tpu.dma_semaphore, #tpu.memory_space<semaphore_mem>>)
    }
    %scan3A_48 = arith.constant 108 : i32
    %dma_wait3A = arith.constant 323 : i32
    %dma_wait3A_49 = arith.constant 0 : i32
    %dma_wait3A_50 = tpu.memref_slice %arg14[%dma_wait3A, %dma_wait3A_49] : memref<324x32xi32, #tpu.memory_space<vmem>> -> memref<1x32xi32, #tpu.memory_space<vmem>>
    %dma_wait3A_51 = tpu.memref_squeeze %dma_wait3A_50 : memref<1x32xi32, #tpu.memory_space<vmem>> -> memref<32xi32, #tpu.memory_space<vmem>>
    %dma_wait3A_52 = arith.constant 0 : i32
    %dma_wait3A_53 = arith.constant 0 : i32
    %dma_wait3A_54 = tpu.memref_slice %arg11[%dma_wait3A_52, %dma_wait3A_53] : memref<10112x128xf32, #tpu.memory_space<vmem_shared>> -> memref<10112x128xf32, #tpu.memory_space<vmem_shared>>
    tpu.wait_indirect_dma semaphore(%arg38 : memref<!tpu.dma_semaphore, #tpu.memory_space<semaphore_mem>>) src(%arg25 : memref<32x128xf32, #tpu.memory_space<vmem>>) dst(%dma_wait3A_54 : memref<10112x128xf32, #tpu.memory_space<vmem_shared>>)
    %dma_wait3A_55 = arith.constant 323 : i32
    %dma_wait3A_56 = arith.constant 0 : i32
    %dma_wait3A_57 = tpu.memref_slice %arg14[%dma_wait3A_55, %dma_wait3A_56] : memref<324x32xi32, #tpu.memory_space<vmem>> -> memref<1x32xi32, #tpu.memory_space<vmem>>
    %dma_wait3A_58 = tpu.memref_squeeze %dma_wait3A_57 : memref<1x32xi32, #tpu.memory_space<vmem>> -> memref<32xi32, #tpu.memory_space<vmem>>
    %dma_wait3A_59 = arith.constant 0 : i32
    %dma_wait3A_60 = arith.constant 0 : i32
    %dma_wait3A_61 = tpu.memref_slice %arg12[%dma_wait3A_59, %dma_wait3A_60] : memref<10112x16xf32, #tpu.memory_space<vmem_shared>> -> memref<10112x16xf32, #tpu.memory_space<vmem_shared>>
    tpu.wait_indirect_dma semaphore(%arg38 : memref<!tpu.dma_semaphore, #tpu.memory_space<semaphore_mem>>) src(%arg26 : memref<32x16xf32, #tpu.memory_space<vmem>>) dst(%dma_wait3A_61 : memref<10112x16xf32, #tpu.memory_space<vmem_shared>>)
    %dma_wait3A_62 = arith.constant 323 : i32
    %dma_wait3A_63 = arith.constant 0 : i32
    %dma_wait3A_64 = tpu.memref_slice %arg13[%dma_wait3A_62, %dma_wait3A_63] : memref<324x32xi32, #tpu.memory_space<vmem>> -> memref<1x32xi32, #tpu.memory_space<vmem>>
    %dma_wait3A_65 = tpu.memref_squeeze %dma_wait3A_64 : memref<1x32xi32, #tpu.memory_space<vmem>> -> memref<32xi32, #tpu.memory_space<vmem>>
    %dma_wait3A_66 = arith.constant 0 : i32
    %dma_wait3A_67 = arith.constant 0 : i32
    %dma_wait3A_68 = tpu.memref_slice %arg3[%dma_wait3A_66, %dma_wait3A_67] : memref<10112x16xf32, #tpu.memory_space<hbm>> -> memref<10112x16xf32, #tpu.memory_space<hbm>>
    tpu.wait_indirect_dma semaphore(%arg27 : memref<!tpu.dma_semaphore, #tpu.memory_space<semaphore_mem>>) src(%dma_wait3A_68 : memref<10112x16xf32, #tpu.memory_space<hbm>>) dst(%arg15 : memref<32x16xf32, #tpu.memory_space<vmem>>)
    %dma_wait3A_69 = arith.constant 323 : i32
    %dma_wait3A_70 = arith.constant 0 : i32
    %dma_wait3A_71 = tpu.memref_slice %arg14[%dma_wait3A_69, %dma_wait3A_70] : memref<324x32xi32, #tpu.memory_space<vmem>> -> memref<1x32xi32, #tpu.memory_space<vmem>>
    %dma_wait3A_72 = tpu.memref_squeeze %dma_wait3A_71 : memref<1x32xi32, #tpu.memory_space<vmem>> -> memref<32xi32, #tpu.memory_space<vmem>>
    %dma_wait3A_73 = arith.constant 0 : i32
    %dma_wait3A_74 = arith.constant 0 : i32
    %dma_wait3A_75 = tpu.memref_slice %arg4[%dma_wait3A_73, %dma_wait3A_74] : memref<10112x16xf32, #tpu.memory_space<hbm>> -> memref<10112x16xf32, #tpu.memory_space<hbm>>
    tpu.wait_indirect_dma semaphore(%arg28 : memref<!tpu.dma_semaphore, #tpu.memory_space<semaphore_mem>>) src(%dma_wait3A_75 : memref<10112x16xf32, #tpu.memory_space<hbm>>) dst(%arg16 : memref<32x16xf32, #tpu.memory_space<vmem>>)
    %dma_wait3A_76 = arith.constant 323 : i32
    %dma_wait3A_77 = arith.constant 0 : i32
    %dma_wait3A_78 = tpu.memref_slice %arg13[%dma_wait3A_76, %dma_wait3A_77] : memref<324x32xi32, #tpu.memory_space<vmem>> -> memref<1x32xi32, #tpu.memory_space<vmem>>
    %dma_wait3A_79 = tpu.memref_squeeze %dma_wait3A_78 : memref<1x32xi32, #tpu.memory_space<vmem>> -> memref<32xi32, #tpu.memory_space<vmem>>
    %dma_wait3A_80 = arith.constant 0 : i32
    %dma_wait3A_81 = arith.constant 0 : i32
    %dma_wait3A_82 = tpu.memref_slice %arg2[%dma_wait3A_80, %dma_wait3A_81] : memref<10000x128xf32, #tpu.memory_space<hbm>> -> memref<10000x128xf32, #tpu.memory_space<hbm>>
    tpu.wait_indirect_dma semaphore(%arg29 : memref<!tpu.dma_semaphore, #tpu.memory_space<semaphore_mem>>) src(%dma_wait3A_82 : memref<10000x128xf32, #tpu.memory_space<hbm>>) dst(%arg17 : memref<32x128xf32, #tpu.memory_space<vmem>>)
    %dma_wait3A_83 = arith.constant 323 : i32
    %dma_wait3A_84 = arith.constant 0 : i32
    %dma_wait3A_85 = tpu.memref_slice %arg13[%dma_wait3A_83, %dma_wait3A_84] : memref<324x32xi32, #tpu.memory_space<vmem>> -> memref<1x32xi32, #tpu.memory_space<vmem>>
    %dma_wait3A_86 = tpu.memref_squeeze %dma_wait3A_85 : memref<1x32xi32, #tpu.memory_space<vmem>> -> memref<32xi32, #tpu.memory_space<vmem>>
    %dma_wait3A_87 = arith.constant 0 : i32
    %dma_wait3A_88 = arith.constant 0 : i32
    %dma_wait3A_89 = tpu.memref_slice %arg3[%dma_wait3A_87, %dma_wait3A_88] : memref<10112x16xf32, #tpu.memory_space<hbm>> -> memref<10112x16xf32, #tpu.memory_space<hbm>>
    tpu.wait_indirect_dma semaphore(%arg31 : memref<!tpu.dma_semaphore, #tpu.memory_space<semaphore_mem>>) src(%dma_wait3A_89 : memref<10112x16xf32, #tpu.memory_space<hbm>>) dst(%arg19 : memref<32x16xf32, #tpu.memory_space<vmem>>)
    %dma_wait3A_90 = arith.constant 323 : i32
    %dma_wait3A_91 = arith.constant 0 : i32
    %dma_wait3A_92 = tpu.memref_slice %arg14[%dma_wait3A_90, %dma_wait3A_91] : memref<324x32xi32, #tpu.memory_space<vmem>> -> memref<1x32xi32, #tpu.memory_space<vmem>>
    %dma_wait3A_93 = tpu.memref_squeeze %dma_wait3A_92 : memref<1x32xi32, #tpu.memory_space<vmem>> -> memref<32xi32, #tpu.memory_space<vmem>>
    %dma_wait3A_94 = arith.constant 0 : i32
    %dma_wait3A_95 = arith.constant 0 : i32
    %dma_wait3A_96 = tpu.memref_slice %arg4[%dma_wait3A_94, %dma_wait3A_95] : memref<10112x16xf32, #tpu.memory_space<hbm>> -> memref<10112x16xf32, #tpu.memory_space<hbm>>
    tpu.wait_indirect_dma semaphore(%arg32 : memref<!tpu.dma_semaphore, #tpu.memory_space<semaphore_mem>>) src(%dma_wait3A_96 : memref<10112x16xf32, #tpu.memory_space<hbm>>) dst(%arg20 : memref<32x16xf32, #tpu.memory_space<vmem>>)
    %dma_wait3A_97 = arith.constant 323 : i32
    %dma_wait3A_98 = arith.constant 0 : i32
    %dma_wait3A_99 = tpu.memref_slice %arg13[%dma_wait3A_97, %dma_wait3A_98] : memref<324x32xi32, #tpu.memory_space<vmem>> -> memref<1x32xi32, #tpu.memory_space<vmem>>
    %dma_wait3A_100 = tpu.memref_squeeze %dma_wait3A_99 : memref<1x32xi32, #tpu.memory_space<vmem>> -> memref<32xi32, #tpu.memory_space<vmem>>
    %dma_wait3A_101 = arith.constant 0 : i32
    %dma_wait3A_102 = arith.constant 0 : i32
    %dma_wait3A_103 = tpu.memref_slice %arg2[%dma_wait3A_101, %dma_wait3A_102] : memref<10000x128xf32, #tpu.memory_space<hbm>> -> memref<10000x128xf32, #tpu.memory_space<hbm>>
    tpu.wait_indirect_dma semaphore(%arg33 : memref<!tpu.dma_semaphore, #tpu.memory_space<semaphore_mem>>) src(%dma_wait3A_103 : memref<10000x128xf32, #tpu.memory_space<hbm>>) dst(%arg21 : memref<32x128xf32, #tpu.memory_space<vmem>>)
    %barrier3A_104 = arith.constant 0 : index
    tpu.barrier barrier_id(%barrier3A_104)
    "tpu.region"() ({
      %run_scoped3A = tpu.sem_alloc : memref<!tpu.dma_semaphore, #tpu.memory_space<semaphore_mem>>
      %dma_start3A_105 = arith.constant 0 : i32
      %dma_start3A_106 = tpu.memref_slice %arg9[%arg0, %mul3A_2, %dma_start3A_105] : memref<2x10112x128xf32, #tpu.memory_space<hbm>> -> memref<1x632x128xf32, #tpu.memory_space<hbm>>
      %dma_start3A_107 = tpu.memref_squeeze %dma_start3A_106 : memref<1x632x128xf32, #tpu.memory_space<hbm>> -> memref<632x128xf32, #tpu.memory_space<hbm>>
      %dma_start3A_108 = arith.constant 0 : i32
      %dma_start3A_109 = tpu.memref_slice %arg11[%mul3A_2, %dma_start3A_108] : memref<10112x128xf32, #tpu.memory_space<vmem_shared>> -> memref<632x128xf32, #tpu.memory_space<vmem_shared>>
      tpu.enqueue_dma source(%dma_start3A_109 : memref<632x128xf32, #tpu.memory_space<vmem_shared>>) target(%dma_start3A_107 : memref<632x128xf32, #tpu.memory_space<hbm>>) target_semaphore(%run_scoped3A : memref<!tpu.dma_semaphore, #tpu.memory_space<semaphore_mem>>)
      %dma_wait3A_110 = arith.constant 0 : i32
      %dma_wait3A_111 = tpu.memref_slice %arg9[%arg0, %mul3A_2, %dma_wait3A_110] : memref<2x10112x128xf32, #tpu.memory_space<hbm>> -> memref<1x632x128xf32, #tpu.memory_space<hbm>>
      %dma_wait3A_112 = tpu.memref_squeeze %dma_wait3A_111 : memref<1x632x128xf32, #tpu.memory_space<hbm>> -> memref<632x128xf32, #tpu.memory_space<hbm>>
      %dma_wait3A_113 = arith.constant 0 : i32
      %dma_wait3A_114 = tpu.memref_slice %arg11[%mul3A_2, %dma_wait3A_113] : memref<10112x128xf32, #tpu.memory_space<vmem_shared>> -> memref<632x128xf32, #tpu.memory_space<vmem_shared>>
      tpu.wait_dma2 semaphore(%run_scoped3A : memref<!tpu.dma_semaphore, #tpu.memory_space<semaphore_mem>>) src(%dma_wait3A_114 : memref<632x128xf32, #tpu.memory_space<vmem_shared>>) dst(%dma_wait3A_112 : memref<632x128xf32, #tpu.memory_space<hbm>>)
      tpu.yield
    }) : () -> ()
    "tpu.region"() ({
      %run_scoped3A = tpu.sem_alloc : memref<!tpu.dma_semaphore, #tpu.memory_space<semaphore_mem>>
      %dma_start3A_105 = arith.constant 0 : i32
      %dma_start3A_106 = tpu.memref_slice %arg10[%arg0, %mul3A_2, %dma_start3A_105] : memref<2x10112x16xf32, #tpu.memory_space<hbm>> -> memref<1x632x16xf32, #tpu.memory_space<hbm>>
      %dma_start3A_107 = tpu.memref_squeeze %dma_start3A_106 : memref<1x632x16xf32, #tpu.memory_space<hbm>> -> memref<632x16xf32, #tpu.memory_space<hbm>>
      %dma_start3A_108 = arith.constant 0 : i32
      %dma_start3A_109 = tpu.memref_slice %arg12[%mul3A_2, %dma_start3A_108] : memref<10112x16xf32, #tpu.memory_space<vmem_shared>> -> memref<632x16xf32, #tpu.memory_space<vmem_shared>>
      tpu.enqueue_dma source(%dma_start3A_109 : memref<632x16xf32, #tpu.memory_space<vmem_shared>>) target(%dma_start3A_107 : memref<632x16xf32, #tpu.memory_space<hbm>>) target_semaphore(%run_scoped3A : memref<!tpu.dma_semaphore, #tpu.memory_space<semaphore_mem>>)
      %dma_wait3A_110 = arith.constant 0 : i32
      %dma_wait3A_111 = tpu.memref_slice %arg10[%arg0, %mul3A_2, %dma_wait3A_110] : memref<2x10112x16xf32, #tpu.memory_space<hbm>> -> memref<1x632x16xf32, #tpu.memory_space<hbm>>
      %dma_wait3A_112 = tpu.memref_squeeze %dma_wait3A_111 : memref<1x632x16xf32, #tpu.memory_space<hbm>> -> memref<632x16xf32, #tpu.memory_space<hbm>>
      %dma_wait3A_113 = arith.constant 0 : i32
      %dma_wait3A_114 = tpu.memref_slice %arg12[%mul3A_2, %dma_wait3A_113] : memref<10112x16xf32, #tpu.memory_space<vmem_shared>> -> memref<632x16xf32, #tpu.memory_space<vmem_shared>>
      tpu.wait_dma2 semaphore(%run_scoped3A : memref<!tpu.dma_semaphore, #tpu.memory_space<semaphore_mem>>) src(%dma_wait3A_114 : memref<632x16xf32, #tpu.memory_space<vmem_shared>>) dst(%dma_wait3A_112 : memref<632x16xf32, #tpu.memory_space<hbm>>)
      tpu.yield
    }) : () -> ()
    return
  }
}

module attributes {stable_mosaic.version = 14 : i64} {
  func.func @_proj_body(%arg0: i32, %arg1: memref<2000x128xf32, #tpu.memory_space<vmem>>, %arg2: memref<128x128xf32, #tpu.memory_space<vmem>>, %arg3: memref<1x128xf32, #tpu.memory_space<vmem>>, %arg4: memref<1x128xf32, #tpu.memory_space<vmem>>, %arg5: memref<2000x128xf32, #tpu.memory_space<vmem>>, %arg6: memref<2000x16xf32, #tpu.memory_space<vmem>>, %arg7: memref<2000x16xf32, #tpu.memory_space<vmem>>) attributes {dimension_semantics = [#tpu.dimension_semantics<arbitrary>], iteration_bounds = array<i64: 5>, scalar_prefetch = 0 : i64, scratch_operands = 0 : i64, tpu.core_type = #tpu.core_type<tc>, window_params = [{transform_indices = @transform_0, window_bounds = array<i64: 2000, 128>}, {pipeline_mode = #tpu.pipeline_mode<synchronous>, transform_indices = @transform_1, window_bounds = array<i64: 128, 128>}, {pipeline_mode = #tpu.pipeline_mode<synchronous>, transform_indices = @transform_2, window_bounds = array<i64: 1, 128>}, {pipeline_mode = #tpu.pipeline_mode<synchronous>, transform_indices = @transform_3, window_bounds = array<i64: 1, 128>}, {transform_indices = @transform_4, window_bounds = array<i64: 2000, 128>}, {transform_indices = @transform_5, window_bounds = array<i64: 2000, 16>}, {transform_indices = @transform_6, window_bounds = array<i64: 2000, 16>}]} {
    %get3A = arith.constant 0 : index
    %get3A_0 = arith.constant 0 : index
    %get3A_1 = vector.load %arg1[%get3A, %get3A_0] : memref<2000x128xf32, #tpu.memory_space<vmem>>, vector<2000x128xf32>
    %get3A_2 = arith.constant 0 : index
    %get3A_3 = arith.constant 0 : index
    %get3A_4 = vector.load %arg2[%get3A_2, %get3A_3] : memref<128x128xf32, #tpu.memory_space<vmem>>, vector<128x128xf32>
    %dot_general3A = arith.constant dense<0.000000e+00> : vector<2000x128xf32>
    %dot_general3A_5 = tpu.matmul %get3A_1, %get3A_4, %dot_general3A {dimension_numbers = #tpu.dot_dimension_numbers<[1], [0], [0], [1], [0, 0, 1, 1], [], []>, transpose_lhs_hint = false} : vector<2000x128xf32>, vector<128x128xf32>, vector<2000x128xf32> -> vector<2000x128xf32>
    %swap3A = arith.constant 0 : index
    %swap3A_6 = arith.constant 0 : index
    %swap3A_7 = vector.load %arg5[%swap3A, %swap3A_6] : memref<2000x128xf32, #tpu.memory_space<vmem>>, vector<2000x128xf32>
    tpu.vector_store %arg5[%swap3A, %swap3A_6], %dot_general3A_5 {strides = array<i32>} : memref<2000x128xf32, #tpu.memory_space<vmem>>, vector<2000x128xf32>,
    %iota3A = tpu.iota {dimensions = array<i32: 0>} : vector<128x16xi32>
    %jit3A = arith.constant 32 : i32
    %div3A = vector.broadcast %jit3A : i32 to vector<128x16xi32>
    %div3A_8 = arith.divsi %iota3A, %div3A : vector<128x16xi32>
    %sign3A = arith.constant 0 : i32
    %sign3A_9 = vector.broadcast %sign3A : i32 to vector<128x16xi32>
    %sign3A_10 = arith.cmpi sgt, %iota3A, %sign3A_9 : vector<128x16xi32>
    %sign3A_11 = arith.extui %sign3A_10 : vector<128x16xi1> to vector<128x16xi32>
    %sign3A_12 = arith.constant 0 : i32
    %sign3A_13 = vector.broadcast %sign3A_12 : i32 to vector<128x16xi32>
    %sign3A_14 = arith.cmpi slt, %iota3A, %sign3A_13 : vector<128x16xi32>
    %sign3A_15 = arith.extui %sign3A_14 : vector<128x16xi1> to vector<128x16xi32>
    %sign3A_16 = arith.subi %sign3A_11, %sign3A_15 : vector<128x16xi32>
    %sign3A_17 = arith.constant 0 : i32
    %sign3A_18 = arith.cmpi sgt, %jit3A, %sign3A_17 : i32
    %sign3A_19 = arith.extui %sign3A_18 : i1 to i32
    %sign3A_20 = arith.constant 0 : i32
    %sign3A_21 = arith.cmpi slt, %jit3A, %sign3A_20 : i32
    %sign3A_22 = arith.extui %sign3A_21 : i1 to i32
    %sign3A_23 = arith.subi %sign3A_19, %sign3A_22 : i32
    %ne3A = vector.broadcast %sign3A_23 : i32 to vector<128x16xi32>
    %ne3A_24 = arith.cmpi ne, %sign3A_16, %ne3A : vector<128x16xi32>
    %rem3A = vector.broadcast %jit3A : i32 to vector<128x16xi32>
    %rem3A_25 = arith.remsi %iota3A, %rem3A : vector<128x16xi32>
    %ne3A_26 = arith.constant 0 : i32
    %ne3A_27 = vector.broadcast %ne3A_26 : i32 to vector<128x16xi32>
    %ne3A_28 = arith.cmpi ne, %rem3A_25, %ne3A_27 : vector<128x16xi32>
    %and3A = arith.andi %ne3A_24, %ne3A_28 : vector<128x16xi1>
    %sub3A = arith.constant 1 : i32
    %sub3A_29 = vector.broadcast %sub3A : i32 to vector<128x16xi32>
    %sub3A_30 = arith.subi %div3A_8, %sub3A_29 : vector<128x16xi32>
    %select_n3A = arith.select %and3A, %sub3A_30, %div3A_8 : vector<128x16xi1>, vector<128x16xi32>
    %iota3A_31 = tpu.iota {dimensions = array<i32: 1>} : vector<128x16xi32>
    %lt3A = arith.constant 4 : i32
    %lt3A_32 = vector.broadcast %lt3A : i32 to vector<128x16xi32>
    %lt3A_33 = arith.cmpi slt, %iota3A_31, %lt3A_32 : vector<128x16xi32>
    %eq3A = arith.cmpi eq, %select_n3A, %iota3A_31 : vector<128x16xi32>
    %and3A_34 = arith.andi %lt3A_33, %eq3A : vector<128x16xi1>
    %jit3A_35 = arith.constant 1.000000e+00 : f32
    %jit3A_36 = arith.constant 0.000000e+00 : f32
    %broadcast_in_dim3A = vector.broadcast %jit3A_35 : f32 to vector<128x16xf32>
    %broadcast_in_dim3A_37 = vector.broadcast %jit3A_36 : f32 to vector<128x16xf32>
    %select_n3A_38 = arith.select %and3A_34, %broadcast_in_dim3A, %broadcast_in_dim3A_37 : vector<128x16xi1>, vector<128x16xf32>
    %get3A_39 = arith.constant 0 : index
    %get3A_40 = arith.constant 0 : index
    %get3A_41 = vector.load %arg3[%get3A_39, %get3A_40] : memref<1x128xf32, #tpu.memory_space<vmem>>, vector<1x128xf32>
    %mul3A = vector.broadcast %get3A_41 : vector<1x128xf32> to vector<2000x128xf32>
    %mul3A_42 = arith.mulf %dot_general3A_5, %mul3A : vector<2000x128xf32>
    %dot_general3A_43 = arith.constant dense<0.000000e+00> : vector<2000x16xf32>
    %dot_general3A_44 = tpu.matmul %mul3A_42, %select_n3A_38, %dot_general3A_43 {dimension_numbers = #tpu.dot_dimension_numbers<[1], [0], [0], [1], [0, 0, 1, 1], [], []>, transpose_lhs_hint = false} : vector<2000x128xf32>, vector<128x16xf32>, vector<2000x16xf32> -> vector<2000x16xf32>
    %swap3A_45 = arith.constant 0 : index
    %swap3A_46 = arith.constant 0 : index
    %swap3A_47 = vector.load %arg6[%swap3A_45, %swap3A_46] : memref<2000x16xf32, #tpu.memory_space<vmem>>, vector<2000x16xf32>
    tpu.vector_store %arg6[%swap3A_45, %swap3A_46], %dot_general3A_44 {strides = array<i32>} : memref<2000x16xf32, #tpu.memory_space<vmem>>, vector<2000x16xf32>,
    %get3A_48 = arith.constant 0 : index
    %get3A_49 = arith.constant 0 : index
    %get3A_50 = vector.load %arg4[%get3A_48, %get3A_49] : memref<1x128xf32, #tpu.memory_space<vmem>>, vector<1x128xf32>
    %mul3A_51 = vector.broadcast %get3A_50 : vector<1x128xf32> to vector<2000x128xf32>
    %mul3A_52 = arith.mulf %dot_general3A_5, %mul3A_51 : vector<2000x128xf32>
    %dot_general3A_53 = arith.constant dense<0.000000e+00> : vector<2000x16xf32>
    %dot_general3A_54 = tpu.matmul %mul3A_52, %select_n3A_38, %dot_general3A_53 {dimension_numbers = #tpu.dot_dimension_numbers<[1], [0], [0], [1], [0, 0, 1, 1], [], []>, transpose_lhs_hint = false} : vector<2000x128xf32>, vector<128x16xf32>, vector<2000x16xf32> -> vector<2000x16xf32>
    %swap3A_55 = arith.constant 0 : index
    %swap3A_56 = arith.constant 0 : index
    %swap3A_57 = vector.load %arg7[%swap3A_55, %swap3A_56] : memref<2000x16xf32, #tpu.memory_space<vmem>>, vector<2000x16xf32>
    tpu.vector_store %arg7[%swap3A_55, %swap3A_56], %dot_general3A_54 {strides = array<i32>} : memref<2000x16xf32, #tpu.memory_space<vmem>>, vector<2000x16xf32>,
    return
  }
  func.func @transform_0(%arg0: i32) -> (i32, i32) {
    %c0_i32 = arith.constant 0 : i32
    %c0_i32_0 = arith.constant 0 : i32
    return %arg0, %c0_i32 : i32, i32
  }
  func.func @transform_1(%arg0: i32) -> (i32, i32) {
    %c0_i32 = arith.constant 0 : i32
    %c0_i32_0 = arith.constant 0 : i32
    %c0_i32_1 = arith.constant 0 : i32
    return %c0_i32, %c0_i32_0 : i32, i32
  }
  func.func @transform_2(%arg0: i32) -> (i32, i32) {
    %c0_i32 = arith.constant 0 : i32
    %c0_i32_0 = arith.constant 0 : i32
    %c0_i32_1 = arith.constant 0 : i32
    return %c0_i32, %c0_i32_0 : i32, i32
  }
  func.func @transform_3(%arg0: i32) -> (i32, i32) {
    %c0_i32 = arith.constant 0 : i32
    %c0_i32_0 = arith.constant 0 : i32
    %c0_i32_1 = arith.constant 0 : i32
    return %c0_i32, %c0_i32_0 : i32, i32
  }
  func.func @transform_4(%arg0: i32) -> (i32, i32) {
    %c0_i32 = arith.constant 0 : i32
    %c0_i32_0 = arith.constant 0 : i32
    return %arg0, %c0_i32 : i32, i32
  }
  func.func @transform_5(%arg0: i32) -> (i32, i32) {
    %c0_i32 = arith.constant 0 : i32
    %c0_i32_0 = arith.constant 0 : i32
    return %arg0, %c0_i32 : i32, i32
  }
  func.func @transform_6(%arg0: i32) -> (i32, i32) {
    %c0_i32 = arith.constant 0 : i32
    %c0_i32_0 = arith.constant 0 : i32
    return %arg0, %c0_i32 : i32, i32
  }
}

module attributes {stable_mosaic.version = 14 : i64} {
  func.func @_combine_body(%arg0: i32, %arg1: memref<2x2000x128xf32, #tpu.memory_space<vmem>>, %arg2: memref<2x2000x16xf32, #tpu.memory_space<vmem>>, %arg3: memref<1x128xf32, #tpu.memory_space<vmem>>, %arg4: memref<2000x128xf32, #tpu.memory_space<vmem>>) attributes {dimension_semantics = [#tpu.dimension_semantics<arbitrary>], iteration_bounds = array<i64: 5>, scalar_prefetch = 0 : i64, scratch_operands = 0 : i64, tpu.core_type = #tpu.core_type<tc>, window_params = [{transform_indices = @transform_0, window_bounds = array<i64: 2, 2000, 128>}, {transform_indices = @transform_1, window_bounds = array<i64: 2, 2000, 16>}, {pipeline_mode = #tpu.pipeline_mode<synchronous>, transform_indices = @transform_2, window_bounds = array<i64: 1, 128>}, {transform_indices = @transform_3, window_bounds = array<i64: 2000, 128>}]} {
    %get3A = arith.constant 0 : index
    %get3A_0 = arith.constant 0 : index
    %get3A_1 = arith.constant 0 : index
    %get3A_2 = vector.load %arg1[%get3A, %get3A_0, %get3A_1] : memref<2x2000x128xf32, #tpu.memory_space<vmem>>, vector<2x2000x128xf32>
    %get3A_3 = arith.constant 0 : index
    %get3A_4 = arith.constant 0 : index
    %get3A_5 = arith.constant 0 : index
    %get3A_6 = vector.load %arg2[%get3A_3, %get3A_4, %get3A_5] : memref<2x2000x16xf32, #tpu.memory_space<vmem>>, vector<2x2000x16xf32>
    %slice3A = vector.extract_strided_slice %get3A_2 {offsets = [0, 0, 0], sizes = [1, 2000, 128], strides = [1, 1, 1]} : vector<2x2000x128xf32> to vector<1x2000x128xf32>
    %squeeze3A = vector.shape_cast %slice3A : vector<1x2000x128xf32> to vector<2000x128xf32>
    %slice3A_7 = vector.extract_strided_slice %get3A_2 {offsets = [1, 0, 0], sizes = [1, 2000, 128], strides = [1, 1, 1]} : vector<2x2000x128xf32> to vector<1x2000x128xf32>
    %squeeze3A_8 = vector.shape_cast %slice3A_7 : vector<1x2000x128xf32> to vector<2000x128xf32>
    %add3A = arith.addf %squeeze3A, %squeeze3A_8 : vector<2000x128xf32>
    %slice3A_9 = vector.extract_strided_slice %get3A_6 {offsets = [0, 0, 0], sizes = [1, 2000, 16], strides = [1, 1, 1]} : vector<2x2000x16xf32> to vector<1x2000x16xf32>
    %squeeze3A_10 = vector.shape_cast %slice3A_9 : vector<1x2000x16xf32> to vector<2000x16xf32>
    %slice3A_11 = vector.extract_strided_slice %get3A_6 {offsets = [1, 0, 0], sizes = [1, 2000, 16], strides = [1, 1, 1]} : vector<2x2000x16xf32> to vector<1x2000x16xf32>
    %squeeze3A_12 = vector.shape_cast %slice3A_11 : vector<1x2000x16xf32> to vector<2000x16xf32>
    %add3A_13 = arith.addf %squeeze3A_10, %squeeze3A_12 : vector<2000x16xf32>
    %iota3A = tpu.iota {dimensions = array<i32: 0>} : vector<16x128xi32>
    %iota3A_14 = tpu.iota {dimensions = array<i32: 1>} : vector<16x128xi32>
    %jit3A = arith.constant 32 : i32
    %div3A = vector.broadcast %jit3A : i32 to vector<16x128xi32>
    %div3A_15 = arith.divsi %iota3A_14, %div3A : vector<16x128xi32>
    %sign3A = arith.constant 0 : i32
    %sign3A_16 = vector.broadcast %sign3A : i32 to vector<16x128xi32>
    %sign3A_17 = arith.cmpi sgt, %iota3A_14, %sign3A_16 : vector<16x128xi32>
    %sign3A_18 = arith.extui %sign3A_17 : vector<16x128xi1> to vector<16x128xi32>
    %sign3A_19 = arith.constant 0 : i32
    %sign3A_20 = vector.broadcast %sign3A_19 : i32 to vector<16x128xi32>
    %sign3A_21 = arith.cmpi slt, %iota3A_14, %sign3A_20 : vector<16x128xi32>
    %sign3A_22 = arith.extui %sign3A_21 : vector<16x128xi1> to vector<16x128xi32>
    %sign3A_23 = arith.subi %sign3A_18, %sign3A_22 : vector<16x128xi32>
    %sign3A_24 = arith.constant 0 : i32
    %sign3A_25 = arith.cmpi sgt, %jit3A, %sign3A_24 : i32
    %sign3A_26 = arith.extui %sign3A_25 : i1 to i32
    %sign3A_27 = arith.constant 0 : i32
    %sign3A_28 = arith.cmpi slt, %jit3A, %sign3A_27 : i32
    %sign3A_29 = arith.extui %sign3A_28 : i1 to i32
    %sign3A_30 = arith.subi %sign3A_26, %sign3A_29 : i32
    %ne3A = vector.broadcast %sign3A_30 : i32 to vector<16x128xi32>
    %ne3A_31 = arith.cmpi ne, %sign3A_23, %ne3A : vector<16x128xi32>
    %rem3A = vector.broadcast %jit3A : i32 to vector<16x128xi32>
    %rem3A_32 = arith.remsi %iota3A_14, %rem3A : vector<16x128xi32>
    %ne3A_33 = arith.constant 0 : i32
    %ne3A_34 = vector.broadcast %ne3A_33 : i32 to vector<16x128xi32>
    %ne3A_35 = arith.cmpi ne, %rem3A_32, %ne3A_34 : vector<16x128xi32>
    %and3A = arith.andi %ne3A_31, %ne3A_35 : vector<16x128xi1>
    %sub3A = arith.constant 1 : i32
    %sub3A_36 = vector.broadcast %sub3A : i32 to vector<16x128xi32>
    %sub3A_37 = arith.subi %div3A_15, %sub3A_36 : vector<16x128xi32>
    %select_n3A = arith.select %and3A, %sub3A_37, %div3A_15 : vector<16x128xi1>, vector<16x128xi32>
    %eq3A = arith.cmpi eq, %iota3A, %select_n3A : vector<16x128xi32>
    %jit3A_38 = arith.constant 1.000000e+00 : f32
    %jit3A_39 = arith.constant 0.000000e+00 : f32
    %broadcast_in_dim3A = vector.broadcast %jit3A_38 : f32 to vector<16x128xf32>
    %broadcast_in_dim3A_40 = vector.broadcast %jit3A_39 : f32 to vector<16x128xf32>
    %select_n3A_41 = arith.select %eq3A, %broadcast_in_dim3A, %broadcast_in_dim3A_40 : vector<16x128xi1>, vector<16x128xf32>
    %dot_general3A = arith.constant dense<0.000000e+00> : vector<2000x128xf32>
    %dot_general3A_42 = tpu.matmul %add3A_13, %select_n3A_41, %dot_general3A {dimension_numbers = #tpu.dot_dimension_numbers<[1], [0], [0], [1], [0, 0, 1, 1], [], []>, transpose_lhs_hint = false} : vector<2000x16xf32>, vector<16x128xf32>, vector<2000x128xf32> -> vector<2000x128xf32>
    %div3A_43 = arith.divf %add3A, %dot_general3A_42 : vector<2000x128xf32>
    %get3A_44 = arith.constant 0 : index
    %get3A_45 = arith.constant 0 : index
    %get3A_46 = vector.load %arg3[%get3A_44, %get3A_45] : memref<1x128xf32, #tpu.memory_space<vmem>>, vector<1x128xf32>
    %add3A_47 = vector.broadcast %get3A_46 : vector<1x128xf32> to vector<2000x128xf32>
    %add3A_48 = arith.addf %div3A_43, %add3A_47 : vector<2000x128xf32>
    %swap3A = arith.constant 0 : index
    %swap3A_49 = arith.constant 0 : index
    %swap3A_50 = vector.load %arg4[%swap3A, %swap3A_49] : memref<2000x128xf32, #tpu.memory_space<vmem>>, vector<2000x128xf32>
    tpu.vector_store %arg4[%swap3A, %swap3A_49], %add3A_48 {strides = array<i32>} : memref<2000x128xf32, #tpu.memory_space<vmem>>, vector<2000x128xf32>,
    return
  }
  func.func @transform_0(%arg0: i32) -> (i32, i32, i32) {
    %c0_i32 = arith.constant 0 : i32
    %c0_i32_0 = arith.constant 0 : i32
    %c0_i32_1 = arith.constant 0 : i32
    return %c0_i32, %arg0, %c0_i32_0 : i32, i32, i32
  }
  func.func @transform_1(%arg0: i32) -> (i32, i32, i32) {
    %c0_i32 = arith.constant 0 : i32
    %c0_i32_0 = arith.constant 0 : i32
    %c0_i32_1 = arith.constant 0 : i32
    return %c0_i32, %arg0, %c0_i32_0 : i32, i32, i32
  }
  func.func @transform_2(%arg0: i32) -> (i32, i32) {
    %c0_i32 = arith.constant 0 : i32
    %c0_i32_0 = arith.constant 0 : i32
    %c0_i32_1 = arith.constant 0 : i32
    return %c0_i32, %c0_i32_0 : i32, i32
  }
  func.func @transform_3(%arg0: i32) -> (i32, i32) {
    %c0_i32 = arith.constant 0 : i32
    %c0_i32_0 = arith.constant 0 : i32
    return %arg0, %c0_i32 : i32, i32
  }
}

</mosaic_0001>

<sc_bundles>
// kernel: kernel.5.cloned.1.call-start
scs
__scs_entry_jumppad:
0x0: {  	(pc) =	sbr.rel $0x88, $3  }
0x1: {  	(tag) =	ssettag $0x0;
	lr =	simm.s32 $0x1  }
0x2: {  	[smem:$0x3F9B] =	sst lr;
	_ =	strace $0xD0000000  }
0x3: {  	_ = 	snop  }
0x4: {  	_ = 	snop  }
0x5: {  	_ = 	snop  }
0x6: {  	_ = 	snop  }
0x7: {  	_ = 	snop  }
__scs_overlays_trampoline_lowered:
0x8: {  	[smem:$0x3FAA] =	sst s0  }
0x9: {  	[smem:$0x3FAB] =	sst s1  }
0xa: {  	[smem:$0x3FAC] =	sst s2  }
0xb: {  	[smem:$0x3FAD] =	sst s3  }
0xc: {  	[smem:$0x3FAE] =	sst s4  }
0xd: {  	[smem:$0x3FAF] =	sst s5  }
0xe: {  	[smem:$0x3FB0] =	sst s6  }
0xf: {  	[smem:$0x3FB1] =	sst s7  }
0x10: {  	[smem:$0x3FB2] =	sst s8  }
0x11: {  	[smem:$0x3FB3] =	sst s9;
	s0 =	simm.s32 @!p0 $0x0  }
0x12: {  	s1 =	sld [smem:$0x3F99];
	s0 =	simm.s32 @p0 $0x1  }
0x13: {  	[smem:$0x3FB4] =	sst s0;
	s0 =	simm.s32 @!p1 $0x0  }
0x14: {  	s2 =	sld [smem:$0x3F98];
	s0 =	simm.s32 @p1 $0x1  }
0x15: {  	[smem:$0x3FB5] =	sst s0;
	s0 =	simm.s32 @!p2 $0x0  }
0x16: {  	s3 =	sld [smem:$0x3FDB];
	s0 =	simm.s32 @p2 $0x1  }
0x17: {  	s4 =	simm.s32 $0x1BF5;
	[smem:$0x3FB7] =	sst s0  }
0x18: {  	s0 =	sld [smem:$0x3F9A];
	_ =	swait.ge [sflag:s4], $0x0  }
0x19: {  	s7 =	sld [smem:$0x3F9B]  }
0x1a: {  	s8 =	sadd.s32 $0xFFFFE003, lr  }
0x1b: {  	s9 =	sadd.s32 $0xFFFFFEF7, lr;
	s5 =	simm.s32 $0xFFFFFFFF;
	p2 =	slt.u32 s8, $0xFFFFF086  }
0x1c: {  	p1 =	slt.u32 s9, $0xF7A;
	s5 =	simm.s32 @!p2 $0x0  }
0x1d: {  	s5 =	simm.s32 @p1 $0x1;
	p0 =	seq.s32 s7, s2  }
0x1e: {  	s7 =	smul.u32 @!p0 $0xF7A, s2;
	p2 =	seq.s32 @!p0 s5, $0x0  }
0x1f: {  	s9 =	smul.u32 $0xF7A, s1;
	s8 =	simm.s32 @!p0 $0x1BF5;
	p2 =	por !p2, p0  }
0x20: {  	[sflag:s8] =	ssyncset.s32 @!p0 $0xFFFFF086;
	s6 =	sadd.s32 @!p0 s3, s7;
	s7 =	simm.s32 @!p0 $0x108  }
0x21: {  	s3 =	sadd.s32 s3, s9;
	s6 =	sadd.s32 @!p0 $0x88, s6;
	s7 =	simm.s32 @p2 $0x1082  }
0x22: {  	[simem:s7], [sflag:s8] =	dma.local @!p0 [hbm:s6], $0xF7A  }
0x23: {  	s9 =	sor.u32 $0xD0000000, s2;
	s6 =	simm.s32 $0x108;
	_ =	swait.ge @!p0 [sflag:s8], $0x0  }
0x24: {  	s3 =	sadd.s32 $0x88, s3;
	s6 =	simm.s32 @!p1 $0x1082;
	[sflag:s4] =	ssyncset.s32 $0xFFFFF086  }
0x25: {  	[simem:s6], [sflag:s4] =	dma.local [hbm:s3], $0xF7A  }
0x26: {  	[smem:$0x3F9B] =	sst s1;
	(tag) =	ssettag s2;
	_ =	strace s9  }
0x27: {  	s1 =	sld [smem:$0x3FAB]  }
0x28: {  	s2 =	sld [smem:$0x3FAC]  }
0x29: {  	s4 =	sld [smem:$0x3FAE]  }
0x2a: {  	p0 =	seq.s32 s5, $0x0;
	s5 =	sld [smem:$0x3FAF]  }
0x2b: {  	s6 =	sld [smem:$0x3FB0]  }
0x2c: {  	s7 =	sld [smem:$0x3FB1]  }
0x2d: {  	s3 =	simm.s32 $0x108;
	s8 =	sld [smem:$0x3FB2]  }
0x2e: {  	s3 =	simm.s32 @!p0 $0x1082;
	s9 =	sld [smem:$0x3FB3]  }
0x2f: {  	lr =	sadd.s32 s0, s3;
	s0 =	sld [smem:$0x3FAA]  }
0x30: {  	s3 =	sld [smem:$0x3FAD]  }
0x31: {  	[smem:$0x3FB6] =	sst s10  }
0x32: {  	s10 =	sld [smem:$0x3FB4];
	_ =	sdelay $0x3  }
0x33: {  	p0 =	seq.s32 s10, $0x1;
	s10 =	sld [smem:$0x3FB6];
	_ =	sdelay $0x3  }
0x34: {  	[smem:$0x3FB6] =	sst s10  }
0x35: {  	s10 =	sld [smem:$0x3FB5];
	_ =	sdelay $0x3  }
0x36: {  	p1 =	seq.s32 s10, $0x1;
	s10 =	sld [smem:$0x3FB6];
	_ =	sdelay $0x3  }
0x37: {  	[smem:$0x3FB6] =	sst s10  }
0x38: {  	s10 =	sld [smem:$0x3FB7]  }
0x39: {  	_ = 	snop;
	(pc) =	sbr.ind lr, $3  }
0x3a: {  	_ = 	snop  }
0x3b: {  	_ = 	snop  }
0x3c: {  	p2 =	seq.s32 s10, $0x1;
	s10 =	sld [smem:$0x3FB6]  }
0x3d: {  	_ =	shalt  }
0x3e: {  	_ =	shalt  }
0x3f: {  	_ =	shalt  }
0x40: {  	_ =	shalt  }
0x41: {  	_ =	shalt  }
0x42: {  	_ =	shalt  }
0x43: {  	_ =	shalt  }
0x44: {  	_ =	shalt  }
0x45: {  	_ =	shalt  }
0x46: {  	_ =	shalt  }
0x47: {  	_ =	shalt  }
0x48: {  	_ =	shalt  }
0x49: {  	_ =	shalt  }
0x4a: {  	_ =	shalt  }
0x4b: {  	_ =	shalt  }
0x4c: {  	_ =	shalt  }
0x4d: {  	_ =	shalt  }
0x4e: {  	_ =	shalt  }
0x4f: {  	_ =	shalt  }
0x50: {  	_ =	shalt  }
0x51: {  	_ =	shalt  }
0x52: {  	_ =	shalt  }
0x53: {  	_ =	shalt  }
0x54: {  	_ =	shalt  }
0x55: {  	_ =	shalt  }
0x56: {  	_ =	shalt  }
0x57: {  	_ =	shalt  }
0x58: {  	_ =	shalt  }
0x59: {  	_ =	shalt  }
0x5a: {  	_ =	shalt  }
0x5b: {  	_ =	shalt  }
0x5c: {  	_ =	shalt  }
0x5d: {  	_ =	shalt  }
0x5e: {  	_ =	shalt  }
0x5f: {  	_ =	shalt  }
0x60: {  	_ =	shalt  }
0x61: {  	_ =	shalt  }
0x62: {  	_ =	shalt  }
0x63: {  	_ =	shalt  }
0x64: {  	_ =	shalt  }
0x65: {  	_ =	shalt  }
0x66: {  	_ =	shalt  }
0x67: {  	_ =	shalt  }
0x68: {  	_ =	shalt  }
0x69: {  	_ =	shalt  }
0x6a: {  	_ =	shalt  }
0x6b: {  	_ =	shalt  }
0x6c: {  	_ =	shalt  }
0x6d: {  	_ =	shalt  }
0x6e: {  	_ =	shalt  }
0x6f: {  	_ =	shalt  }
0x70: {  	_ =	shalt  }
0x71: {  	_ =	shalt  }
0x72: {  	_ =	shalt  }
0x73: {  	_ =	shalt  }
0x74: {  	_ =	shalt  }
0x75: {  	_ =	shalt  }
0x76: {  	_ =	shalt  }
0x77: {  	_ =	shalt  }
0x78: {  	_ =	shalt  }
0x79: {  	_ =	shalt  }
0x7a: {  	_ =	shalt  }
0x7b: {  	_ =	shalt  }
0x7c: {  	_ =	shalt  }
0x7d: {  	_ =	shalt  }
0x7e: {  	_ =	shalt  }
0x7f: {  	_ =	shalt  }
0x80: {  	_ =	shalt  }
0x81: {  	_ =	shalt  }
0x82: {  	_ =	shalt  }
0x83: {  	_ =	shalt  }
0x84: {  	_ =	shalt  }
0x85: {  	_ =	shalt  }
0x86: {  	_ =	shalt  }
0x87: {  	_ =	shalt  }
.Lfunc_end0:
.L_simem_size_0:
called_computation_lowered:
.L_overlay_start_0:
0x88: {  	s2 =	sld [smem:$0x3FD9]  }
0x89: {  	s3 =	sld [smem:$0x3FFE];
	_ =	sdelay $0x1  }
0x8a: {  	s1 =	srdreg.scid  }
0x8b: {  	s0 =	sand.u32 $0x1, s1  }
0x8c: {  	s17 =	sshll.u32 s0, $0xA;
	s2 =	sadd.s32 s3, s2  }
0x8d: {  	s2 =	sadd.s32 s2, s17  }
0x8e: {  	[smem:$0x3FC2] =	sst s2  }
0x8f: {  	_ = 	snop  }
0x90: {  	s2 =	sld [smem:$0x3FD0];
	(tm) =	ssettm $0x1  }
0x91: {  	s18 =	sld [smem:$0x3FFB];
	_ =	sdelay $0x3  }
0x92: {  	_ =	strace s18  }
0x93: {  	s3 =	sld [smem:$0x3FFC];
	_ =	sdelay $0x3  }
0x94: {  	_ =	strace s3  }
0x95: {  	s3 =	sld [smem:$0x3FFD];
	_ =	sdelay $0x3  }
0x96: {  	_ =	strace s3  }
0x97: {  	_ =	strace $0x8FFFFFFF  }
0x98: {  	s19 =	sld [smem:$0x3FDB];
	_ =	sdelay $0x1  }
0x99: {  	s4 =	simm.s32 $_scs_section_size  }
0x9a: {  	s5 =	simm.s32 $_size__tile_overlayer_lowered;
	s6 =	simm.s32 $_tile_overlayer_lowered  }
0x9b: {  	s22 =	simm.s32 $0x1BFF;
	s21 =	sshll.u32 s6, $0x1;
	s3 =	sadd.s32 s4, s19  }
0x9c: {  	s7 =	simm.s32 $0x0;
	s20 =	sshll.u32 s5, $0x1;
	s5 =	sadd.s32 s21, s3  }
0x9d: {  	[timem:s7], [sflag:s22] =	dma.local [hbm:s5], s20  }
0x9e: {  	_ =	swait.ge [sflag:s22], s20  }
0x9f: {  	s4 =	ssub.s32 $0x0, s20;
	[sflag:s22] =	ssyncset.done $0x0  }
0xa0: {  	[sflag:s22] =	ssyncadd.s32 s4;
	_ =	sdelay $0x1  }
0xa1: {  	s23 =	simm.s32 $0x1B8B  }
0xa2: {  	_ =	swait.ge [sflag:s23], $0x1  }
0xa3: {  	[sflag:s23] =	ssyncset.done $0x0  }
0xa4: {  	s25 =	simm.s32 $0x1B8E;
	s24 =	sld [smem:$0x3FFE];
	[sflag:s23] =	ssyncadd.s32 $0xFFFFFFFF  }
0xa5: {  	s26 =	simm.s32 $execute0_lowered;
	[smem:$0x3FD2] =	sst s25  }
0xa6: {  	s5 =	sshll.u32 s26, $0x1;
	_ =	strace $0x80000046;
	[dreg:$0x1] =	wrdreg $0xFFFFFFFF  }
0xa7: {  	s28 =	simm.s32 $_size_execute0_lowered;
	s3 =	sadd.s32 s3, s5;
	[dreg:$0x0] =	wrdreg $0x0  }
0xa8: {  	s5 =	sshll.u32 s28, $0x1;
	[dreg:$0x2] =	wrdreg s3  }
0xa9: {  	[dreg:$0x3] =	wrdreg s5  }
0xaa: {  	[dreg:$0x4] =	wrdreg $0xC0  }
0xab: {  	_ =	task [dreg:s7], $0x5FFFF  }
0xac: {  	[dreg:$0x1] =	wrdreg $0xFFFFFFFF  }
0xad: {  	[dreg:$0x0] =	wrdreg $0x60  }
0xae: {  	[dreg:$0x2] =	wrdreg s2  }
0xaf: {  	[dreg:$0x3] =	wrdreg s24  }
0xb0: {  	[dreg:$0x4] =	wrdreg $0x0  }
0xb1: {  	[dreg:$0x5] =	wrdreg $0x13C000  }
0xb2: {  	[dreg:$0x6] =	wrdreg $0x9  }
0xb3: {  	_ =	task.clear_ibuf [dreg:s7], $0x7FFFF;
	_ =	strace $0x90000046  }
0xb4: {  	s29 =	simm.s32 $0x9;
	_ =	strace $0x80000048  }
0xb5: {  	_ =	swait.ge [sflag:s29], $0x1  }
0xb6: {  	[sflag:s29] =	ssyncadd.s32 $0xFFFFFFFF  }
0xb7: {  	_ =	strace $0x90000048  }
0xb8: {  	_ =	sfence  }
0xb9: {  	s30 =	sld [smem:$0x0];
	_ =	sdelay $0x2  }
0xba: {  	s31 =	sshll.u32 s1, $0xD;
	s1 =	sshrl.u32 s1, $0x2  }
0xbb: {  	s3 =	sand.u32 $0x4000, s31;
	s1 =	sadd.s32 s1, s30  }
0xbc: {  	s0 =	sor.u32 s3, s0;
	s1 =	sshll.u32 s1, $0x11  }
0xbd: {  	s0 =	sor.u32 s1, s0  }
0xbe: {  	s0 =	sadd.s32 $0x8F2B, s0  }
0xbf: {  	[sflag:s0] =	ssyncadd.remote.s32 $0x1  }
0xc0: {  	_ =	sfence.sel $0xFFFF  }
0xc1: {  	[dreg:$0x0] =	wrdreg $0xFFFFFFFF;
	(pc) =	sbr.abs _section_cstart, $3  }
0xc2: {  	[dreg:$0x1] =	wrdreg $0xFFFFFFFF  }
0xc3: {  	_ =	task.clear_ibuf [dreg:s7], $0x2FFFF;
	_ =	strace $0x9FFFFFFF  }
0xc4: {  	(tm) =	ssettm $0x7FFFFFFF  }
0xc5: {  	_ =	shalt  }
tec
execute0_lowered:
.L_overlay_start_1:
0x0: {  	(tag) =	ssettag $0x1  }
0x1: {  	s1 =	rddreg [dreg:$0x0]  }
0x2: {  	s0 =	srdreg.scid;
	s2 =	rddreg [dreg:$0x1]  }
0x3: {  	s14 =	stileid.u32;
	s3 =	rddreg [dreg:$0x2];
	s6 =	simm.s32 $0x0  }
0x4: {  	s17 =	simm.s32 $0xD;
	s21 =	simm.s32 $0x20;
	s29 =	simm.s32 $0x1CC80  }
0x5: {  	s30 =	simm.s32 $0x1CE80;
	s31 =	simm.s32 $0x1;
	s15 =	simm.s32 $0xA  }
0x6: {  	s19 =	simm.s32 $0xB;
	s18 =	simm.s32 $0x8;
	s20 =	simm.s32 $0x0  }
0x7: {  	s0 =	sand.u32 $0x1, s0;
	s4 =	sshll.u32 s14, $0x1;
	s8 =	smul.u32 $0x13C00, s14  }
0x8: {  	[smem:$0x7FF] =	sst s6;
	s9 =	smul.u32 $0x2780, s14;
	s6 =	sadd.s32 $0x6200, s2  }
0x9: {  	s7 =	sadd.s32 $0x1200, s2;
	s24 =	sshll.u32 s14, $0x6;
	s14 =	simm.s32 $0x9  }
0xa: {  	s5 =	sor.u32 s0, s4;
	s4 =	rddreg [dreg:$0x3];
	s10 =	smul.u32 $0x13C000, s0  }
0xb: {  	_ =	strace $0x80000047;
	s12 =	smul.u32 $0x27800, s0;
	s0 =	ssub.s32 $0x2, s0  }
0xc: {  	s5 =	smul.u32 $0x510, s5;
	s11 =	sshrl.u32 s8, $0x3;
	s13 =	sshrl.u32 s9, $0x3  }
0xd: {  	s23 =	sshrl.u32 s0, $0x1;
	s11 =	sadd.s32 s11, s2;
	s13 =	sadd.s32 s13, s2  }
0xe: {  	s10 =	sadd.s32 s8, s10;
	s12 =	sadd.s32 s9, s12;
	s0 =	ssub.s32 s0, s23  }
0xf: {  	s8 =	sadd.s32 s8, s3;
	s9 =	sadd.s32 s9, s4;
	s5 =	sadd.s32 s5, s2  }
0x10: {  	s10 =	sshrl.u32 s10, $0x3;
	s12 =	sshrl.u32 s12, $0x3;
	s11 =	sadd.s32 $0x1F600, s11  }
0x11: {  	s25 =	sadd.s32 $0x46E00, s13;
	s0 =	smax.u32 s0, $0x1;
	[dreg:$0x5] =	wrdreg s11  }
0x12: {  	s16 =	sshrl.u32 s8, $0x3;
	s9 =	sshrl.u32 s9, $0x3;
	[dreg:$0x7] =	wrdreg s25  }
0x13: {  	s8 =	simm.s32 $0x5;
	s13 =	simm.s32 $0x4;
	[dreg:$0xc] =	wrdreg s0  }
0x14: {  	s10 =	sadd.s32 s10, s2;
	s2 =	sadd.s32 s12, s2;
	[dreg:$0xd] =	wrdreg s16  }
0x15: {  	s12 =	sor.u32 $0x1C0D, s24;
	s26 =	sadd.s32 $0x15400, s5;
	[dreg:$0xe] =	wrdreg s9  }
0x16: {  	s5 =	sadd.s32 $0xB200, s5;
	s24 =	simm.s32 $0x1B880;
	[dreg:$0x8] =	wrdreg s26  }
0x17: {  	s0 =	simm.s32 $0x3;
	s25 =	simm.s32 $0x1E480;
	[dreg:$0x9] =	wrdreg s5  }
0x18: {  	s11 =	simm.s32 $0x7;
	s28 =	sadd.s32 $0x55C00, s10;
	[dreg:$0x6] =	wrdreg s12  }
0x19: {  	s2 =	sadd.s32 $0x4BE00, s2;
	s26 =	simm.s32 $0x1CA80;
	[dreg:$0xa] =	wrdreg s28  }
0x1a: {  	s10 =	simm.s32 $0x6;
	[dreg:$0xb] =	wrdreg s2;
	s2 =	simm.s32 $0x2  }
.LBB2_1:
0x1b: {  	[dreg:$0xf] =	wrdreg s20  }
0x1c: {  	s5 =	rddreg [dreg:$0x5]  }
0x1d: {  	[spmem:s16], [sflag:s12] =	dma.local [hbm:s5], $0x2780  }
0x1e: {  	_ =	swait.ge [sflag:s17], $0x2780  }
0x1f: {  	[sflag:s17] =	ssyncset.done $0x0  }
0x20: {  	s16 =	rddreg [dreg:$0x7];
	[sflag:s17] =	ssyncadd.s32 $0xFFFFD880  }
0x21: {  	[spmem:s9], [sflag:s12] =	dma.local [hbm:s16], $0x4F0  }
0x22: {  	_ =	swait.ge [sflag:s17], $0x4F0  }
0x23: {  	s20 =	simm.s32 $0x0;
	[sflag:s17] =	ssyncset.done $0x0  }
0x24: {  	s12 =	simm.s32 $0x16380;
	s22 =	rddreg [dreg:$0x8];
	[sflag:s17] =	ssyncadd.s32 $0xFFFFFB10  }
0x25: {  	[tilespmem:s12], [sflag:$0xD] =	stream.linear.gather [hbm4b:s22+s20], $0x2880, $0x38;
	[tilespmem:$0x1F680] =	vst v63  }
0x26: {  	_ =	swait.ge [sflag:s17], $0x2880  }
0x27: {  	[sflag:s17] =	ssyncset.done $0x0  }
0x28: {  	s28 =	simm.s32 $0x18C00;
	s23 =	rddreg [dreg:$0x9];
	[sflag:s17] =	ssyncadd.s32 $0xFFFFD780  }
0x29: {  	[tilespmem:s28], [sflag:$0xD] =	stream.linear.gather [hbm4b:s23+s20], $0x2880, $0x38;
	[tilespmem:$0x1F680] =	vst v63  }
0x2a: {  	_ =	swait.ge [sflag:s17], $0x2880  }
0x2b: {  	[sflag:s17] =	ssyncset.done $0x0  }
0x2c: {  	[sflag:s17] =	ssyncadd.s32 $0xFFFFD780  }
0x2d: {  	s20 =	simm.s32 $0x1B480;
	[bflag:$0x0] =	sbarrier.arrive $0xFFFF  }
0x2e: {  	[tilespmem:s20], [sflag:$0x1] =	stream.indirect.gather [hbm4b:s6+s21], $0x10, s12, s21, $0xb8;
	[tilespmem:$0x1F680] =	vst v63  }
0x2f: {  	s22 =	simm.s32 $0x1B680  }
0x30: {  	[tilespmem:s22], [sflag:$0x2] =	stream.indirect.gather [hbm4b:s7+s21], $0x10, s28, s21, $0xb8;
	[tilespmem:$0x1F680] =	vst v63  }
0x31: {  	_ = 	snop  }
0x32: {  	[tilespmem:s24], [sflag:$0x3] =	stream.indirect.gather [hbm4b:s1+s21], $0x80, s12, s21, $0xb8;
	[tilespmem:$0x1F680] =	vst v63  }
0x33: {  	s23 =	simm.s32 $0x163A0  }
0x34: {  	[tilespmem:s26], [sflag:$0x5] =	stream.indirect.gather [hbm4b:s6+s21], $0x10, s23, s21, $0xb8;
	[tilespmem:$0x1F680] =	vst v63  }
0x35: {  	s28 =	simm.s32 $0x18C20  }
0x36: {  	[tilespmem:s29], [sflag:$0x6] =	stream.indirect.gather [hbm4b:s7+s21], $0x10, s28, s21, $0xb8;
	[tilespmem:$0x1F680] =	vst v63  }
0x37: {  	s9 =	simm.s32 $0x0  }
0x38: {  	[tilespmem:s30], [sflag:$0x7] =	stream.indirect.gather [hbm4b:s1+s21], $0x80, s23, s21, $0xb8;
	[tilespmem:$0x1F680] =	vst v63  }
.LBB2_2:
0x39: {  	_ =	swait.ge [sflag:s31], $0x200  }
0x3a: {  	[sflag:s31] =	ssyncset.done $0x0  }
0x3b: {  	[sflag:s31] =	ssyncadd.s32 $0xFFFFFE00  }
0x3c: {  	_ =	swait.ge [sflag:s2], $0x200  }
0x3d: {  	[sflag:s2] =	ssyncset.done $0x0  }
0x3e: {  	[sflag:s2] =	ssyncadd.s32 $0xFFFFFE00  }
0x3f: {  	_ =	swait.ge [sflag:s0], $0x1000  }
0x40: {  	[sflag:s0] =	ssyncset.done $0x0  }
0x41: {  	s5 =	simm.s32 $0x0;
	[sflag:s0] =	ssyncadd.s32 $0xFFFFF000  }
0x42: {  	v0 =	vld [tilespmem:s5+$0x1B6D0]  }
0x43: {  	v2 =	vld [tilespmem:s5+$0x1B6C0]  }
0x44: {  	v3 =	vld [tilespmem:s5+$0x1B4C0]  }
0x45: {  	v4 =	vld [tilespmem:s5+$0x1B690]  }
0x46: {  	v5 =	vld [tilespmem:s5+$0x1B490]  }
0x47: {  	v6 =	vld [tilespmem:s5+$0x1B6B0]  }
0x48: {  	v7 =	vld [tilespmem:s5+$0x1B4B0]  }
0x49: {  	v8 =	vld [tilespmem:s5+$0x1B6A0]  }
0x4a: {  	v10 =	vld [tilespmem:s5+$0x1B4A0]  }
0x4b: {  	v1 =	vld [tilespmem:s5+$0x1B4D0]  }
0x4c: {  	v9 =	vld [tilespmem:s5+$0x1B680]  }
0x4d: {  	v11 =	vld [tilespmem:s5+$0x1B4F0]  }
0x4e: {  	v4 =	vadd.f32 v4, v5;
	v5 =	vld [tilespmem:s5+$0x1B480];
	v6 =	vadd.f32 v6, v7  }
0x4f: {  	v7 =	vld [tilespmem:s5+$0x1B4E0];
	v2 =	vadd.f32 v2, v3;
	v8 =	vadd.f32 v8, v10  }
0x50: {  	v10 =	vld [tilespmem:s5+$0x1B6E0];
	v12 =	vmul.f32 $2.000000030e-01, v4;
	vm0 =	vge.f32 v4, $0.0e+00  }
0x51: {  	v3 =	vld [tilespmem:s5+$0x1B6F0];
	v13 =	vmul.f32 $2.000000030e-01, v6;
	vm11 =	vge.f32 v8, $0.0e+00;
	v14 =	vmul.f32 $2.000000030e-01, v2  }
0x52: {  	s12 =	simm.s32 $0x80;
	vm2 =	vge.f32 v6, $0.0e+00;
	vm3 =	vge.f32 v2, $0.0e+00;
	v4 =	vsel vm0, v4, v12  }
0x53: {  	v16 =	vld [tilespmem:s12+$0x1B6C0];
	v12 =	vadd.f32 v0, v1;
	v2 =	vsel vm3, v2, v14;
	v4 =	vmul.f32 $1.442695020e+00, v4  }
0x54: {  	v17 =	vld [tilespmem:s12+$0x1B4C0];
	v5 =	vadd.f32 v9, v5;
	v9 =	vmul.f32 $2.000000030e-01, v8;
	v2 =	vmul.f32 $1.442695020e+00, v2  }
0x55: {  	v0 =	vld [tilespmem:s12+$0x1B6D0];
	v7 =	vadd.f32 v10, v7;
	(erf) = vpow2.f32 v4;
	v4 =	vsel vm2, v6, v13  }
0x56: {  	v14 =	vld [tilespmem:s12+$0x1B490];
	v3 =	vadd.f32 v3, v11;
	v15 =	vmul.f32 $2.000000030e-01, v12;
	v4 =	vmul.f32 $1.442695020e+00, v4  }
0x57: {  	vm1 =	vge.f32 v12, $0.0e+00;
	v6 =	vmul.f32 $2.000000030e-01, v5;
	v13 =	vld [tilespmem:s12+$0x1B690];
	vm12 =	vge.f32 v5, $0.0e+00  }
0x58: {  	v1 =	vld [tilespmem:s12+$0x1B4D0];
	vm13 =	vge.f32 v7, $0.0e+00;
	v12 =	vsel vm1, v12, v15;
	(erf) = vpow2.f32 v4  }
0x59: {  	v10 =	vmul.f32 $1.442695020e+00, v12;
	v12 =	vld [tilespmem:s12+$0x1B6B0];
	v4 =	vsel vm11, v8, v9;
	v9 =	vmul.f32 $2.000000030e-01, v7  }
0x5a: {  	vm14 =	vge.f32 v3, $0.0e+00;
	v5 =	vsel vm12, v5, v6;
	v8 =	vld [tilespmem:s12+$0x1B4B0];
	v4 =	vmul.f32 $1.442695020e+00, v4  }
0x5b: {  	v11 =	vld [tilespmem:s12+$0x1B6A0];
	(erf) = vpow2.f32 v2;
	v7 =	vsel vm13, v7, v9;
	v9 =	vmul.f32 $2.000000030e-01, v3  }
0x5c: {  	v15 =	vld [tilespmem:s12+$0x1B4A0];
	v5 =	vmul.f32 $1.442695020e+00, v5;
	v13 =	vadd.f32 v13, v14;
	(erf) = vpow2.f32 v4  }
0x5d: {  	v6 =	vld [tilespmem:s12+$0x1B680];
	v18 =	vmul.f32 $1.442695020e+00, v7;
	v3 =	vsel vm14, v3, v9;
	(erf) = vpow2.f32 v10  }
0x5e: {  	v10 =	vld [tilespmem:s12+$0x1B480];
	v3 =	vmul.f32 $1.442695020e+00, v3;
	(erf) = vpow2.f32 v5;
	v4 =	vpop (erf)  }
0x5f: {  	v2 =	vld [tilespmem:s12+$0x1B4F0];
	v7 =	vadd.f32 v12, v8;
	v12 =	vmul.f32 $2.000000030e-01, v13;
	(erf) = vpow2.f32 v18;
	[tilespmem:s5+$0x1C890] =	vst v4  }
0x60: {  	vm15 =	vge.f32 v13, $0.0e+00;
	v8 =	vadd.f32 v16, v17;
	(erf) = vpow2.f32 v3;
	v4 =	vld [tilespmem:s12+$0x1B4E0]  }
0x61: {  	s16 =	simm.s32 $0x400;
	v5 =	vadd.f32 v11, v15;
	v9 =	vmul.f32 $2.000000030e-01, v7;
	v12 =	vsel vm15, v13, v12;
	v3 =	vld [tilespmem:s12+$0x1B6F0];
	v11 =	vpop (erf)  }
.LBB2_3:
0x62: {  	s17 =	sshra.s32 s16, $0x2;
	p0 =	sne.s32 s16, $0x600;
	s16 =	sadd.s32 $0x200, s16;
	v13 =	vadd.f32 v0, v1;
	v14 =	vld [tilespmem:s12+$0x1B6E0];
	v18 =	vmul.f32 $1.442695020e+00, v12;
	[tilespmem:s5+$0x1C8B0] =	vst v11  }
0x63: {  	v0 =	vld [tilespmem:s17+$0x1B6D0];
	v6 =	vadd.f32 v6, v10;
	vm0 =	vge.f32 v5, $0.0e+00;
	v10 =	vmul.f32 $2.000000030e-01, v5  }
0x64: {  	v11 =	vmul.f32 $2.000000030e-01, v8;
	v1 =	vld [tilespmem:s17+$0x1B4D0];
	vm1 =	vge.f32 v13, $0.0e+00;
	v15 =	vmul.f32 $2.000000030e-01, v13;
	v16 =	vpop (erf)  }
0x65: {  	vm2 =	vge.f32 v7, $0.0e+00;
	vm3 =	vge.f32 v8, $0.0e+00;
	v17 =	vld [tilespmem:s17+$0x1B6C0];
	(erf) = vpow2.f32 v18;
	[tilespmem:s5+$0x1C8C0] =	vst v16;
	v12 =	vpop (erf)  }
0x66: {  	v7 =	vsel vm2, v7, v9;
	v8 =	vsel vm3, v8, v11;
	v18 =	vmul.f32 $2.000000030e-01, v6;
	v16 =	vld [tilespmem:s17+$0x1B4C0];
	[tilespmem:s5+$0x1C8A0] =	vst v12;
	v9 =	vpop (erf)  }
0x67: {  	v8 =	vmul.f32 $1.442695020e+00, v8;
	v12 =	vsel vm1, v13, v15;
	v15 =	vmul.f32 $1.442695020e+00, v7;
	v11 =	vld [tilespmem:s17+$0x1B690];
	[tilespmem:s5+$0x1C8D0] =	vst v9;
	v9 =	vpop (erf)  }
0x68: {  	vm1 =	vge.f32 v6, $0.0e+00;
	v4 =	vadd.f32 v14, v4;
	v12 =	vmul.f32 $1.442695020e+00, v12;
	v13 =	vld [tilespmem:s17+$0x1B490];
	[tilespmem:s5+$0x1C880] =	vst v9;
	v9 =	vpop (erf)  }
0x69: {  	v5 =	vsel vm0, v5, v10;
	v6 =	vsel vm1, v6, v18;
	v14 =	vld [tilespmem:s17+$0x1B6B0];
	(erf) = vpow2.f32 v15;
	[tilespmem:s5+$0x1C8E0] =	vst v9;
	v7 =	vpop (erf)  }
0x6a: {  	v3 =	vadd.f32 v3, v2;
	v5 =	vmul.f32 $1.442695020e+00, v5;
	v2 =	vmul.f32 $2.000000030e-01, v4;
	v9 =	vld [tilespmem:s17+$0x1B4B0];
	[tilespmem:s5+$0x1C8F0] =	vst v7;
	s5 =	smov.u32 s12;
	s12 =	smov.u32 s17  }
0x6b: {  	v18 =	vmul.f32 $1.442695020e+00, v6;
	vm0 =	vge.f32 v4, $0.0e+00;
	v15 =	vld [tilespmem:s12+$0x1B6A0]  }
0x6c: {  	v7 =	vmul.f32 $2.000000030e-01, v3;
	v2 =	vsel vm0, v4, v2;
	v6 =	vld [tilespmem:s12+$0x1B680];
	(erf) = vpow2.f32 v8  }
0x6d: {  	vm0 =	vge.f32 v3, $0.0e+00;
	v8 =	vmul.f32 $1.442695020e+00, v2;
	v19 =	vld [tilespmem:s12+$0x1B4A0];
	(erf) = vpow2.f32 v5  }
.Ltmp0:
0x6e: {  	v3 =	vsel vm0, v3, v7;
	v11 =	vadd.f32 v11, v13;
	v2 =	vld [tilespmem:s12+$0x1B4F0];
	v4 =	vpop (erf);
	(erf) = vpow2.f32 v12;
	(pc) =	sbr.rel @p0 .LBB2_3-.Ltmp0, $4  }
0x6f: {  	v3 =	vmul.f32 $1.442695020e+00, v3;
	v10 =	vld [tilespmem:s12+$0x1B480];
	v7 =	vadd.f32 v14, v9;
	[tilespmem:s5+$0x1C890] =	vst v4;
	(erf) = vpow2.f32 v18  }
0x70: {  	vm0 =	vge.f32 v11, $0.0e+00;
	v12 =	vmul.f32 $2.000000030e-01, v11;
	v4 =	vld [tilespmem:s12+$0x1B4E0];
	(erf) = vpow2.f32 v8  }
0x71: {  	v8 =	vadd.f32 v17, v16;
	v9 =	vmul.f32 $2.000000030e-01, v7;
	(erf) = vpow2.f32 v3  }
0x72: {  	v12 =	vsel vm0, v11, v12;
	v5 =	vadd.f32 v15, v19;
	v3 =	vld [tilespmem:s12+$0x1B6F0];
	v11 =	vpop (erf)  }
0x73: {  	v0 =	vadd.f32 v0, v1;
	v1 =	vld [tilespmem:s12+$0x1B6E0];
	v12 =	vmul.f32 $1.442695020e+00, v12;
	v13 =	vmul.f32 $2.000000030e-01, v8  }
0x74: {  	vm2 =	vge.f32 v7, $0.0e+00;
	vm3 =	vge.f32 v8, $0.0e+00;
	v6 =	vadd.f32 v6, v10  }
0x75: {  	vm0 =	vge.f32 v5, $0.0e+00;
	v62 =	vmul.f32 $2.000000030e-01, v5;
	v7 =	vsel vm2, v7, v9  }
0x76: {  	vm1 =	vge.f32 v0, $0.0e+00;
	v14 =	vmul.f32 $2.000000030e-01, v0;
	(erf) = vpow2.f32 v12  }
0x77: {  	v8 =	vsel vm3, v8, v13;
	v7 =	vmul.f32 $1.442695020e+00, v7;
	v63 =	vmul.f32 $2.000000030e-01, v6  }
0x78: {  	v8 =	vmul.f32 $1.442695020e+00, v8;
	vm13 =	vge.f32 v6, $0.0e+00;
	v1 =	vadd.f32 v1, v4  }
0x79: {  	v5 =	vsel vm0, v5, v62;
	v0 =	vsel vm1, v0, v14;
	(erf) = vpow2.f32 v7  }
0x7a: {  	v2 =	vadd.f32 v3, v2;
	v5 =	vmul.f32 $1.442695020e+00, v5;
	v3 =	vmul.f32 $2.000000030e-01, v1  }
0x7b: {  	v0 =	vmul.f32 $1.442695020e+00, v0;
	v4 =	vsel vm13, v6, v63;
	(erf) = vpow2.f32 v8  }
0x7c: {  	v4 =	vmul.f32 $1.442695020e+00, v4;
	v6 =	vmul.f32 $2.000000030e-01, v2;
	vm14 =	vge.f32 v1, $0.0e+00  }
0x7d: {  	[tilespmem:s5+$0x1C8B0] =	vst v11;
	v7 =	vpop (erf);
	vm15 =	vge.f32 v2, $0.0e+00;
	(erf) = vpow2.f32 v5;
	v1 =	vsel vm14, v1, v3  }
0x7e: {  	[tilespmem:s5+$0x1C8C0] =	vst v7;
	v2 =	vsel vm15, v2, v6;
	v1 =	vmul.f32 $1.442695020e+00, v1;
	v3 =	vpop (erf);
	(erf) = vpow2.f32 v0  }
0x7f: {  	v2 =	vmul.f32 $1.442695020e+00, v2;
	[tilespmem:s5+$0x1C8A0] =	vst v3;
	v0 =	vpop (erf);
	(erf) = vpow2.f32 v4  }
0x80: {  	[tilespmem:s5+$0x1C8D0] =	vst v0;
	v0 =	vpop (erf);
	(erf) = vpow2.f32 v1  }
0x81: {  	[tilespmem:s5+$0x1C880] =	vst v0;
	v0 =	vpop (erf);
	(erf) = vpow2.f32 v2  }
0x82: {  	v1 =	vpop (erf);
	[tilespmem:s5+$0x1C8E0] =	vst v0  }
0x83: {  	v0 =	vpop (erf);
	[tilespmem:s5+$0x1C8F0] =	vst v1  }
0x84: {  	[tilespmem:s12+$0x1C890] =	vst v0;
	v0 =	vpop (erf)  }
0x85: {  	[tilespmem:s12+$0x1C8B0] =	vst v0;
	v0 =	vpop (erf)  }
0x86: {  	[tilespmem:s12+$0x1C8C0] =	vst v0;
	v0 =	vpop (erf)  }
0x87: {  	[tilespmem:s12+$0x1C8A0] =	vst v0;
	v0 =	vpop (erf)  }
0x88: {  	[tilespmem:s12+$0x1C8D0] =	vst v0;
	v0 =	vpop (erf)  }
0x89: {  	[tilespmem:s12+$0x1C880] =	vst v0;
	v0 =	vpop (erf)  }
0x8a: {  	[tilespmem:s12+$0x1C8E0] =	vst v0;
	v0 =	vpop (erf)  }
0x8b: {  	s17 =	simm.s32 $0x1B980;
	[tilespmem:s12+$0x1C8F0] =	vst v0  }
0x8c: {  	v0 =	vld [tilespmem:s17+$0xFFFFFF40]  }
0x8d: {  	v1 =	vld [tilespmem:s17+$0xFFFFFF50]  }
0x8e: {  	v2 =	vld [tilespmem:s17+$0xFFFFFFF0]  }
0x8f: {  	s12 =	simm.s32 $0x1C8A0;
	v4 =	vld [tilespmem:s17+$0xFFFFFFE0]  }
0x90: {  	v3 =	vld [tilespmem:s12+$0xFFFFFFE0]  }
0x91: {  	s16 =	simm.s32 $0x0;
	s20 =	simm.s32 $0x1B980;
	s5 =	simm.s32 $0x1C8A0;
	v5 =	vld [tilespmem:s17+$0xFFFFFF60]  }
.LBB2_5:
0x92: {  	s16 =	sadd.s32 $0x2, s16;
	v6 =	vld [tilespmem:s17+$0xFFFFFF20];
	s12 =	sadd.s32 $0x40, s12;
	s20 =	sadd.s32 $0x200, s20  }
0x93: {  	p0 =	slt.u32 s16, $0xE;
	v7 =	vld [tilespmem:s17+$0xFFFFFF30]  }
0x94: {  	v8 =	vld [tilespmem:s5+$0xFFFFFFF0]  }
0x95: {  	v9 =	vld [tilespmem:s17+$0xFFFFFF70];
	v10 =	vbroadcast v3, $0x2  }
0x96: {  	v12 =	vbroadcast v3, $0x1;
	v13 =	vbroadcast v3, $0x3;
	v11 =	vld [tilespmem:s17+$0xFFFFFFD0]  }
0x97: {  	v14 =	vld [tilespmem:s17+$0xFFFFFFC0];
	v0 =	vmul.f32 v0, v10;
	v1 =	vmul.f32 v1, v10  }
0x98: {  	v6 =	vmul.f32 v6, v12;
	v10 =	vld [tilespmem:s17+$0xFFFFFF90];
	v7 =	vmul.f32 v7, v12  }
0x99: {  	v5 =	vmul.f32 v5, v13;
	v12 =	vld [tilespmem:s17+$0xFFFFFF00];
	v15 =	vbroadcast v8, $0x3;
	[tilespmem:s17+$0xFFFFFF40] =	vst v0  }
0x9a: {  	v16 =	vld [tilespmem:s17+$0xFFFFFF10];
	v0 =	vmul.f32 v9, v13;
	v9 =	vbroadcast v8, $0x2;
	[tilespmem:s17+$0xFFFFFF50] =	vst v1  }
0x9b: {  	v13 =	vld [tilespmem:s17+$0xFFFFFFB0];
	v1 =	vmul.f32 v4, v15;
	v2 =	vmul.f32 v2, v15;
	[tilespmem:s17+$0xFFFFFF60] =	vst v5  }
0x9c: {  	v4 =	vld [tilespmem:s17+$0xFFFFFFA0];
	v5 =	vmul.f32 v14, v9;
	v9 =	vmul.f32 v11, v9;
	[tilespmem:s17+$0xFFFFFF70] =	vst v0  }
0x9d: {  	v3 =	vbroadcast v3, $0x0;
	v11 =	vld [tilespmem:s17+$0xFFFFFF80];
	[tilespmem:s17+$0xFFFFFFE0] =	vst v1  }
0x9e: {  	v0 =	vld [tilespmem:s20+$0xFFFFFF40];
	[tilespmem:s17+$0xFFFFFF20] =	vst v6  }
0x9f: {  	v6 =	vmul.f32 v12, v3;
	v3 =	vmul.f32 v16, v3;
	[tilespmem:s17+$0xFFFFFF30] =	vst v7  }
0xa0: {  	v7 =	vbroadcast v8, $0x0;
	[tilespmem:s17+$0xFFFFFFD0] =	vst v9  }
0xa1: {  	v8 =	vbroadcast v8, $0x1;
	v1 =	vld [tilespmem:s20+$0xFFFFFF50];
	[tilespmem:s17+$0xFFFFFF00] =	vst v6  }
0xa2: {  	v6 =	vmul.f32 v11, v7;
	v7 =	vmul.f32 v10, v7;
	[tilespmem:s17+$0xFFFFFFC0] =	vst v5  }
0xa3: {  	v4 =	vmul.f32 v4, v8;
	v5 =	vmul.f32 v13, v8;
	[tilespmem:s17+$0xFFFFFFF0] =	vst v2;
	v2 =	vld [tilespmem:s17+$0x80]  }
0xa4: {  	[tilespmem:s17+$0xFFFFFF90] =	vst v7;
	v7 =	vld [tilespmem:s17+$0xE0]  }
0xa5: {  	[tilespmem:s17+$0xFFFFFF10] =	vst v3;
	v3 =	vld [tilespmem:s17+$0xA0]  }
0xa6: {  	[tilespmem:s17+$0xFFFFFFB0] =	vst v5;
	v5 =	vld [tilespmem:s17+$0x0]  }
0xa7: {  	[tilespmem:s17+$0xFFFFFFA0] =	vst v4;
	v4 =	vld [tilespmem:s17+$0x90]  }
0xa8: {  	[tilespmem:s17+$0xFFFFFF80] =	vst v6;
	v6 =	vld [tilespmem:s17+$0x70]  }
0xa9: {  	v8 =	vld [tilespmem:s5+$0x10]  }
0xaa: {  	v9 =	vld [tilespmem:s5+$0x0];
	s5 =	smov.u32 s12  }
0xab: {  	v10 =	vld [tilespmem:s17+$0x60]  }
0xac: {  	v11 =	vld [tilespmem:s17+$0x10]  }
0xad: {  	v12 =	vld [tilespmem:s17+$0x20]  }
0xae: {  	v13 =	vld [tilespmem:s17+$0x30];
	v14 =	vbroadcast v8, $0x0;
	v15 =	vbroadcast v8, $0x1  }
0xaf: {  	v16 =	vld [tilespmem:s17+$0x40];
	v17 =	vbroadcast v9, $0x0;
	v18 =	vbroadcast v9, $0x1  }
0xb0: {  	v20 =	vbroadcast v9, $0x2;
	v19 =	vld [tilespmem:s17+$0x50];
	v4 =	vmul.f32 v4, v14  }
0xb1: {  	v9 =	vbroadcast v9, $0x3;
	v21 =	vld [tilespmem:s17+$0xD0];
	v5 =	vmul.f32 v5, v17  }
0xb2: {  	v11 =	vmul.f32 v11, v17;
	v22 =	vld [tilespmem:s17+$0xC0];
	v12 =	vmul.f32 v12, v18;
	[tilespmem:s17+$0x90] =	vst v4  }
0xb3: {  	v10 =	vmul.f32 v10, v9;
	v4 =	vld [tilespmem:s17+$0xF0];
	v13 =	vmul.f32 v13, v18;
	[tilespmem:s17+$0x0] =	vst v5  }
0xb4: {  	v6 =	vmul.f32 v6, v9;
	v5 =	vld [tilespmem:s17+$0xB0];
	v16 =	vmul.f32 v16, v20;
	[tilespmem:s17+$0x10] =	vst v11  }
0xb5: {  	v11 =	vbroadcast v8, $0x2;
	v9 =	vmul.f32 v19, v20;
	[tilespmem:s17+$0x60] =	vst v10  }
0xb6: {  	v2 =	vmul.f32 v2, v14;
	v8 =	vbroadcast v8, $0x3;
	[tilespmem:s17+$0x70] =	vst v6  }
0xb7: {  	v3 =	vmul.f32 v3, v15;
	v6 =	vmul.f32 v22, v11;
	[tilespmem:s17+$0x50] =	vst v9  }
0xb8: {  	v7 =	vmul.f32 v7, v8;
	v4 =	vmul.f32 v4, v8;
	[tilespmem:s17+$0x80] =	vst v2  }
0xb9: {  	v2 =	vmul.f32 v5, v15;
	v5 =	vmul.f32 v21, v11;
	[tilespmem:s17+$0xA0] =	vst v3  }
0xba: {  	[tilespmem:s17+$0xF0] =	vst v4  }
0xbb: {  	[tilespmem:s17+$0xC0] =	vst v6  }
0xbc: {  	[tilespmem:s17+$0xE0] =	vst v7  }
0xbd: {  	[tilespmem:s17+$0xB0] =	vst v2  }
0xbe: {  	[tilespmem:s17+$0x30] =	vst v13  }
.Ltmp1:
0xbf: {  	[tilespmem:s17+$0xD0] =	vst v5;
	(pc) =	sbr.rel @p0 .LBB2_5-.Ltmp1, $4  }
0xc0: {  	v2 =	vld [tilespmem:s20+$0xFFFFFFF0];
	[tilespmem:s17+$0x20] =	vst v12  }
0xc1: {  	v4 =	vld [tilespmem:s20+$0xFFFFFFE0];
	[tilespmem:s17+$0x40] =	vst v16;
	s17 =	smov.u32 s20  }
0xc2: {  	v3 =	vld [tilespmem:s12+$0xFFFFFFE0]  }
0xc3: {  	v5 =	vld [tilespmem:s20+$0xFFFFFF60]  }
0xc4: {  	_ =	sdelay $0x1  }
0xc5: {  	v7 =	vld [tilespmem:s5+$0xFFFFFFF0]  }
0xc6: {  	v8 =	vld [tilespmem:s17+$0xFFFFFF70];
	v9 =	vbroadcast v3, $0x2;
	_ =	sdelay $0x1  }
0xc7: {  	v6 =	vld [tilespmem:s17+$0xFFFFFF20];
	v12 =	vbroadcast v3, $0x3;
	v0 =	vmul.f32 v0, v9  }
0xc8: {  	v10 =	vld [tilespmem:s17+$0xFFFFFF30];
	v1 =	vmul.f32 v1, v9  }
0xc9: {  	v11 =	vld [tilespmem:s17+$0xFFFFFFD0];
	v5 =	vmul.f32 v5, v12;
	v14 =	vbroadcast v7, $0x3;
	[tilespmem:s17+$0xFFFFFF40] =	vst v0  }
0xca: {  	v15 =	vld [tilespmem:s17+$0xFFFFFF00];
	v8 =	vmul.f32 v8, v12;
	v0 =	vbroadcast v3, $0x1;
	[tilespmem:s17+$0xFFFFFF50] =	vst v1  }
0xcb: {  	v13 =	vld [tilespmem:s17+$0xFFFFFFC0];
	v1 =	vmul.f32 v4, v14;
	[tilespmem:s17+$0xFFFFFF60] =	vst v5  }
0xcc: {  	[tilespmem:s17+$0xFFFFFF70] =	vst v8;
	v5 =	vmul.f32 v6, v0;
	v6 =	vbroadcast v7, $0x2  }
0xcd: {  	v9 =	vld [tilespmem:s17+$0xFFFFFF90];
	v3 =	vbroadcast v3, $0x0;
	v0 =	vmul.f32 v10, v0;
	[tilespmem:s17+$0xFFFFFFE0] =	vst v1  }
0xce: {  	v8 =	vld [tilespmem:s17+$0xFFFFFF10];
	v1 =	vmul.f32 v11, v6;
	[tilespmem:s17+$0xFFFFFF20] =	vst v5  }
0xcf: {  	v12 =	vld [tilespmem:s17+$0xFFFFFFB0];
	v5 =	vmul.f32 v15, v3;
	[tilespmem:s17+$0xFFFFFF30] =	vst v0  }
0xd0: {  	v4 =	vld [tilespmem:s17+$0xFFFFFFA0];
	v0 =	vmul.f32 v13, v6;
	v6 =	vbroadcast v7, $0x0;
	[tilespmem:s17+$0xFFFFFFD0] =	vst v1  }
0xd1: {  	v1 =	vmul.f32 v2, v14;
	v2 =	vld [tilespmem:s17+$0xFFFFFF80];
	[tilespmem:s17+$0xFFFFFF00] =	vst v5  }
0xd2: {  	v5 =	vbroadcast v7, $0x1;
	v7 =	vmul.f32 v9, v6;
	[tilespmem:s17+$0xFFFFFFC0] =	vst v0  }
0xd3: {  	v0 =	vmul.f32 v8, v3;
	[tilespmem:s17+$0xFFFFFFF0] =	vst v1  }
0xd4: {  	v1 =	vmul.f32 v12, v5;
	[tilespmem:s17+$0xFFFFFF90] =	vst v7  }
0xd5: {  	v3 =	vmul.f32 v4, v5;
	[tilespmem:s17+$0xFFFFFF10] =	vst v0  }
0xd6: {  	[tilespmem:s17+$0xFFFFFFB0] =	vst v1;
	v0 =	vmul.f32 v2, v6  }
0xd7: {  	[tilespmem:s17+$0xFFFFFFA0] =	vst v3  }
0xd8: {  	v8 =	vld [tilespmem:s17+$0x10];
	[tilespmem:s17+$0xFFFFFF80] =	vst v0  }
0xd9: {  	v0 =	vld [tilespmem:s5+$0x10]  }
0xda: {  	v5 =	vld [tilespmem:s5+$0x0]  }
0xdb: {  	v3 =	vld [tilespmem:s17+$0x90]  }
0xdc: {  	v1 =	vld [tilespmem:s17+$0x0]  }
0xdd: {  	v4 =	vld [tilespmem:s17+$0x80]  }
0xde: {  	v7 =	vld [tilespmem:s17+$0x60];
	v10 =	vbroadcast v0, $0x0  }
0xdf: {  	v6 =	vld [tilespmem:s17+$0x70];
	v12 =	vbroadcast v5, $0x0  }
0xe0: {  	v3 =	vmul.f32 v3, v10  }
0xe1: {  	v13 =	vld [tilespmem:s17+$0x50];
	v14 =	vbroadcast v5, $0x3;
	v1 =	vmul.f32 v1, v12  }
0xe2: {  	v2 =	vld [tilespmem:s17+$0xA0];
	v8 =	vmul.f32 v8, v12;
	[tilespmem:s17+$0x90] =	vst v3  }
0xe3: {  	v15 =	vld [tilespmem:s17+$0xC0];
	v7 =	vmul.f32 v7, v14;
	v4 =	vmul.f32 v4, v10;
	[tilespmem:s17+$0x0] =	vst v1  }
0xe4: {  	v12 =	vld [tilespmem:s17+$0xF0];
	v3 =	vbroadcast v5, $0x2;
	v1 =	vmul.f32 v6, v14;
	[tilespmem:s17+$0x10] =	vst v8  }
0xe5: {  	v6 =	vld [tilespmem:s17+$0xE0];
	v8 =	vbroadcast v0, $0x1;
	[tilespmem:s17+$0x60] =	vst v7;
	v14 =	vbroadcast v0, $0x3  }
0xe6: {  	v7 =	vld [tilespmem:s17+$0xB0];
	v0 =	vbroadcast v0, $0x2;
	[tilespmem:s17+$0x80] =	vst v4;
	v13 =	vmul.f32 v13, v3  }
0xe7: {  	v11 =	vld [tilespmem:s17+$0x30];
	[tilespmem:s17+$0x70] =	vst v1;
	v1 =	vmul.f32 v2, v8  }
0xe8: {  	v9 =	vld [tilespmem:s17+$0x20];
	v4 =	vmul.f32 v15, v0;
	[tilespmem:s17+$0x50] =	vst v13  }
0xe9: {  	v2 =	vld [tilespmem:s17+$0xD0];
	v10 =	vmul.f32 v12, v14;
	[tilespmem:s17+$0xA0] =	vst v1  }
0xea: {  	v16 =	vld [tilespmem:s17+$0x40];
	v1 =	vbroadcast v5, $0x1;
	[tilespmem:s17+$0xC0] =	vst v4;
	v5 =	vmul.f32 v6, v14  }
0xeb: {  	[tilespmem:s17+$0xF0] =	vst v10;
	v6 =	vmul.f32 v7, v8  }
0xec: {  	v4 =	vmul.f32 v11, v1;
	[tilespmem:s17+$0xE0] =	vst v5  }
0xed: {  	v1 =	vmul.f32 v9, v1;
	[tilespmem:s17+$0xB0] =	vst v6  }
0xee: {  	s22 =	smul.u32 $0x180, s9;
	v0 =	vmul.f32 v2, v0;
	[tilespmem:s17+$0x30] =	vst v4  }
0xef: {  	v2 =	vmul.f32 v16, v3;
	[tilespmem:s17+$0x20] =	vst v1  }
0xf0: {  	s5 =	sshra.s32 s22, $0x2;
	[tilespmem:s17+$0xD0] =	vst v0  }
0xf1: {  	s12 =	sadd.s32 $0x18C00, s5;
	[tilespmem:s17+$0x40] =	vst v2  }
0xf2: {  	[spmem:s3] =	stream.indirect.scatter.add.f32 [tilespmem:s24], [sflag:$0x4], $0x80, s12, s21, $0xb8;
	[tilespmem:$0x1F680] =	vst v63  }
0xf3: {  	s16 =	simm.s32 $0x1C880;
	p0 =	seq.s32 s9, $0x0  }
0xf4: {  	[spmem:s4] =	stream.indirect.scatter.add.f32 [tilespmem:s16], [sflag:$0x4], $0x10, s12, s21, $0xb8;
	[tilespmem:$0x1F680] =	vst v63  }
0xf5: {  	s12 =	simm.s32 @!p0 $0xC  }
0xf6: {  	_ =	swait.ge @!p0 [sflag:s12], $0x1000  }
0xf7: {  	[sflag:s12] =	ssyncset.done @!p0 $0x0  }
0xf8: {  	[sflag:s12] =	ssyncadd.s32 @!p0 $0xFFFFF000  }
0xf9: {  	s23 =	smul.u32 $0x60, s9;
	_ =	swait.ge @!p0 [sflag:s12], $0x200  }
0xfa: {  	[sflag:s12] =	ssyncset.done @!p0 $0x0  }
0xfb: {  	s20 =	sadd.s32 $0x163C0, s23;
	s22 =	simm.s32 $0x1E080;
	[sflag:s12] =	ssyncadd.s32 @!p0 $0xFFFFFE00  }
0xfc: {  	[tilespmem:s22], [sflag:$0x9] =	stream.indirect.gather [hbm4b:s6+s21], $0x10, s20, s21, $0xb8;
	[tilespmem:$0x1F680] =	vst v63  }
0xfd: {  	s17 =	sadd.s32 $0x18C40, s23;
	s23 =	simm.s32 $0x1E280  }
0xfe: {  	[tilespmem:s23], [sflag:$0xA] =	stream.indirect.gather [hbm4b:s7+s21], $0x10, s17, s21, $0xb8;
	[tilespmem:$0x1F680] =	vst v63  }
0xff: {  	_ = 	snop  }
0x100: {  	[tilespmem:s25], [sflag:$0xB] =	stream.indirect.gather [hbm4b:s1+s21], $0x80, s20, s21, $0xb8;
	[tilespmem:$0x1F680] =	vst v63  }
0x101: {  	_ =	swait.ge [sflag:s8], $0x200  }
0x102: {  	[sflag:s8] =	ssyncset.done $0x0  }
0x103: {  	[sflag:s8] =	ssyncadd.s32 $0xFFFFFE00  }
0x104: {  	_ =	swait.ge [sflag:s10], $0x200  }
0x105: {  	[sflag:s10] =	ssyncset.done $0x0  }
0x106: {  	[sflag:s10] =	ssyncadd.s32 $0xFFFFFE00  }
0x107: {  	_ =	swait.ge [sflag:s11], $0x1000  }
0x108: {  	[sflag:s11] =	ssyncset.done $0x0  }
0x109: {  	s20 =	simm.s32 $0x0;
	[sflag:s11] =	ssyncadd.s32 $0xFFFFF000  }
0x10a: {  	v0 =	vld [tilespmem:s20+$0x1CCD0]  }
0x10b: {  	v2 =	vld [tilespmem:s20+$0x1CCC0]  }
0x10c: {  	v3 =	vld [tilespmem:s20+$0x1CAC0]  }
0x10d: {  	v4 =	vld [tilespmem:s20+$0x1CC90]  }
0x10e: {  	v5 =	vld [tilespmem:s20+$0x1CA90]  }
0x10f: {  	v6 =	vld [tilespmem:s20+$0x1CCB0]  }
0x110: {  	v7 =	vld [tilespmem:s20+$0x1CAB0]  }
0x111: {  	v8 =	vld [tilespmem:s20+$0x1CCA0]  }
0x112: {  	v10 =	vld [tilespmem:s20+$0x1CAA0]  }
0x113: {  	v1 =	vld [tilespmem:s20+$0x1CAD0]  }
0x114: {  	v9 =	vld [tilespmem:s20+$0x1CC80]  }
0x115: {  	v11 =	vld [tilespmem:s20+$0x1CAF0]  }
0x116: {  	v4 =	vadd.f32 v4, v5;
	v5 =	vld [tilespmem:s20+$0x1CA80];
	v6 =	vadd.f32 v6, v7  }
0x117: {  	v7 =	vld [tilespmem:s20+$0x1CAE0];
	v2 =	vadd.f32 v2, v3;
	v8 =	vadd.f32 v8, v10  }
0x118: {  	v10 =	vld [tilespmem:s20+$0x1CCE0];
	v12 =	vmul.f32 $2.000000030e-01, v4;
	vm0 =	vge.f32 v4, $0.0e+00  }
0x119: {  	v3 =	vld [tilespmem:s20+$0x1CCF0];
	v13 =	vmul.f32 $2.000000030e-01, v6;
	vm11 =	vge.f32 v8, $0.0e+00;
	v14 =	vmul.f32 $2.000000030e-01, v2  }
0x11a: {  	s12 =	simm.s32 $0x80;
	vm2 =	vge.f32 v6, $0.0e+00;
	vm3 =	vge.f32 v2, $0.0e+00;
	v4 =	vsel vm0, v4, v12  }
0x11b: {  	v63 =	vld [tilespmem:s12+$0x1CCC0];
	v12 =	vadd.f32 v0, v1;
	v2 =	vsel vm3, v2, v14;
	v4 =	vmul.f32 $1.442695020e+00, v4  }
0x11c: {  	v17 =	vld [tilespmem:s12+$0x1CAC0];
	v5 =	vadd.f32 v9, v5;
	v9 =	vmul.f32 $2.000000030e-01, v8;
	v2 =	vmul.f32 $1.442695020e+00, v2  }
0x11d: {  	v0 =	vld [tilespmem:s12+$0x1CCD0];
	v7 =	vadd.f32 v10, v7;
	(erf) = vpow2.f32 v4;
	v4 =	vsel vm2, v6, v13  }
0x11e: {  	v14 =	vld [tilespmem:s12+$0x1CA90];
	v3 =	vadd.f32 v3, v11;
	v15 =	vmul.f32 $2.000000030e-01, v12;
	v4 =	vmul.f32 $1.442695020e+00, v4  }
0x11f: {  	vm1 =	vge.f32 v12, $0.0e+00;
	v6 =	vmul.f32 $2.000000030e-01, v5;
	v13 =	vld [tilespmem:s12+$0x1CC90];
	vm12 =	vge.f32 v5, $0.0e+00  }
0x120: {  	v1 =	vld [tilespmem:s12+$0x1CAD0];
	vm13 =	vge.f32 v7, $0.0e+00;
	v12 =	vsel vm1, v12, v15;
	(erf) = vpow2.f32 v4  }
0x121: {  	v10 =	vmul.f32 $1.442695020e+00, v12;
	v12 =	vld [tilespmem:s12+$0x1CCB0];
	v4 =	vsel vm11, v8, v9;
	v9 =	vmul.f32 $2.000000030e-01, v7  }
0x122: {  	vm14 =	vge.f32 v3, $0.0e+00;
	v5 =	vsel vm12, v5, v6;
	v8 =	vld [tilespmem:s12+$0x1CAB0];
	v4 =	vmul.f32 $1.442695020e+00, v4  }
0x123: {  	v11 =	vld [tilespmem:s12+$0x1CCA0];
	(erf) = vpow2.f32 v2;
	v7 =	vsel vm13, v7, v9;
	v9 =	vmul.f32 $2.000000030e-01, v3  }
0x124: {  	v15 =	vld [tilespmem:s12+$0x1CAA0];
	v5 =	vmul.f32 $1.442695020e+00, v5;
	v13 =	vadd.f32 v13, v14;
	(erf) = vpow2.f32 v4  }
0x125: {  	v6 =	vld [tilespmem:s12+$0x1CC80];
	v18 =	vmul.f32 $1.442695020e+00, v7;
	v3 =	vsel vm14, v3, v9;
	(erf) = vpow2.f32 v10  }
0x126: {  	v10 =	vld [tilespmem:s12+$0x1CA80];
	v3 =	vmul.f32 $1.442695020e+00, v3;
	(erf) = vpow2.f32 v5;
	v4 =	vpop (erf)  }
0x127: {  	v2 =	vld [tilespmem:s12+$0x1CAF0];
	v7 =	vadd.f32 v12, v8;
	v12 =	vmul.f32 $2.000000030e-01, v13;
	(erf) = vpow2.f32 v18;
	[tilespmem:s20+$0x1DE90] =	vst v4  }
0x128: {  	vm15 =	vge.f32 v13, $0.0e+00;
	v8 =	vadd.f32 v63, v17;
	(erf) = vpow2.f32 v3;
	v4 =	vld [tilespmem:s12+$0x1CAE0]  }
0x129: {  	s28 =	smul.u32 $0x3, s9;
	s16 =	simm.s32 $0x400;
	v5 =	vadd.f32 v11, v15;
	v9 =	vmul.f32 $2.000000030e-01, v7;
	v12 =	vsel vm15, v13, v12;
	v3 =	vld [tilespmem:s12+$0x1CCF0];
	v11 =	vpop (erf)  }
.LBB2_7:
0x12a: {  	s22 =	sshra.s32 s16, $0x2;
	p0 =	sne.s32 s16, $0x600;
	s16 =	sadd.s32 $0x200, s16;
	v13 =	vadd.f32 v0, v1;
	v14 =	vld [tilespmem:s12+$0x1CCE0];
	v18 =	vmul.f32 $1.442695020e+00, v12;
	[tilespmem:s20+$0x1DEB0] =	vst v11  }
0x12b: {  	v0 =	vld [tilespmem:s22+$0x1CCD0];
	v6 =	vadd.f32 v6, v10;
	vm0 =	vge.f32 v5, $0.0e+00;
	v10 =	vmul.f32 $2.000000030e-01, v5  }
0x12c: {  	v11 =	vmul.f32 $2.000000030e-01, v8;
	v1 =	vld [tilespmem:s22+$0x1CAD0];
	vm1 =	vge.f32 v13, $0.0e+00;
	v15 =	vmul.f32 $2.000000030e-01, v13;
	v16 =	vpop (erf)  }
0x12d: {  	vm2 =	vge.f32 v7, $0.0e+00;
	vm3 =	vge.f32 v8, $0.0e+00;
	v17 =	vld [tilespmem:s22+$0x1CCC0];
	(erf) = vpow2.f32 v18;
	[tilespmem:s20+$0x1DEC0] =	vst v16;
	v12 =	vpop (erf)  }
0x12e: {  	v7 =	vsel vm2, v7, v9;
	v8 =	vsel vm3, v8, v11;
	v18 =	vmul.f32 $2.000000030e-01, v6;
	v16 =	vld [tilespmem:s22+$0x1CAC0];
	[tilespmem:s20+$0x1DEA0] =	vst v12;
	v9 =	vpop (erf)  }
0x12f: {  	v8 =	vmul.f32 $1.442695020e+00, v8;
	v12 =	vsel vm1, v13, v15;
	v15 =	vmul.f32 $1.442695020e+00, v7;
	v11 =	vld [tilespmem:s22+$0x1CC90];
	[tilespmem:s20+$0x1DED0] =	vst v9;
	v9 =	vpop (erf)  }
0x130: {  	vm1 =	vge.f32 v6, $0.0e+00;
	v4 =	vadd.f32 v14, v4;
	v12 =	vmul.f32 $1.442695020e+00, v12;
	v13 =	vld [tilespmem:s22+$0x1CA90];
	[tilespmem:s20+$0x1DE80] =	vst v9;
	v9 =	vpop (erf)  }
0x131: {  	v5 =	vsel vm0, v5, v10;
	v6 =	vsel vm1, v6, v18;
	v14 =	vld [tilespmem:s22+$0x1CCB0];
	(erf) = vpow2.f32 v15;
	[tilespmem:s20+$0x1DEE0] =	vst v9;
	v7 =	vpop (erf)  }
0x132: {  	v3 =	vadd.f32 v3, v2;
	v5 =	vmul.f32 $1.442695020e+00, v5;
	v2 =	vmul.f32 $2.000000030e-01, v4;
	v9 =	vld [tilespmem:s22+$0x1CAB0];
	[tilespmem:s20+$0x1DEF0] =	vst v7;
	s20 =	smov.u32 s12;
	s12 =	smov.u32 s22  }
0x133: {  	v18 =	vmul.f32 $1.442695020e+00, v6;
	vm0 =	vge.f32 v4, $0.0e+00;
	v15 =	vld [tilespmem:s12+$0x1CCA0]  }
0x134: {  	v7 =	vmul.f32 $2.000000030e-01, v3;
	v2 =	vsel vm0, v4, v2;
	v6 =	vld [tilespmem:s12+$0x1CC80];
	(erf) = vpow2.f32 v8  }
0x135: {  	vm0 =	vge.f32 v3, $0.0e+00;
	v8 =	vmul.f32 $1.442695020e+00, v2;
	v19 =	vld [tilespmem:s12+$0x1CAA0];
	(erf) = vpow2.f32 v5  }
.Ltmp2:
0x136: {  	v3 =	vsel vm0, v3, v7;
	v11 =	vadd.f32 v11, v13;
	v2 =	vld [tilespmem:s12+$0x1CAF0];
	v4 =	vpop (erf);
	(erf) = vpow2.f32 v12;
	(pc) =	sbr.rel @p0 .LBB2_7-.Ltmp2, $4  }
0x137: {  	v3 =	vmul.f32 $1.442695020e+00, v3;
	v10 =	vld [tilespmem:s12+$0x1CA80];
	v7 =	vadd.f32 v14, v9;
	[tilespmem:s20+$0x1DE90] =	vst v4;
	(erf) = vpow2.f32 v18  }
0x138: {  	vm0 =	vge.f32 v11, $0.0e+00;
	v12 =	vmul.f32 $2.000000030e-01, v11;
	v4 =	vld [tilespmem:s12+$0x1CAE0];
	(erf) = vpow2.f32 v8  }
0x139: {  	v8 =	vadd.f32 v17, v16;
	v9 =	vmul.f32 $2.000000030e-01, v7;
	(erf) = vpow2.f32 v3  }
0x13a: {  	v12 =	vsel vm0, v11, v12;
	v5 =	vadd.f32 v15, v19;
	v3 =	vld [tilespmem:s12+$0x1CCF0];
	v11 =	vpop (erf)  }
0x13b: {  	v0 =	vadd.f32 v0, v1;
	v1 =	vld [tilespmem:s12+$0x1CCE0];
	v12 =	vmul.f32 $1.442695020e+00, v12;
	v13 =	vmul.f32 $2.000000030e-01, v8  }
0x13c: {  	vm2 =	vge.f32 v7, $0.0e+00;
	vm3 =	vge.f32 v8, $0.0e+00;
	v6 =	vadd.f32 v6, v10  }
0x13d: {  	vm0 =	vge.f32 v5, $0.0e+00;
	v62 =	vmul.f32 $2.000000030e-01, v5;
	v7 =	vsel vm2, v7, v9  }
0x13e: {  	vm1 =	vge.f32 v0, $0.0e+00;
	v14 =	vmul.f32 $2.000000030e-01, v0;
	(erf) = vpow2.f32 v12  }
0x13f: {  	v8 =	vsel vm3, v8, v13;
	v7 =	vmul.f32 $1.442695020e+00, v7;
	v63 =	vmul.f32 $2.000000030e-01, v6  }
0x140: {  	v8 =	vmul.f32 $1.442695020e+00, v8;
	vm13 =	vge.f32 v6, $0.0e+00;
	v1 =	vadd.f32 v1, v4  }
0x141: {  	v5 =	vsel vm0, v5, v62;
	v0 =	vsel vm1, v0, v14;
	(erf) = vpow2.f32 v7  }
0x142: {  	v2 =	vadd.f32 v3, v2;
	v5 =	vmul.f32 $1.442695020e+00, v5;
	v3 =	vmul.f32 $2.000000030e-01, v1  }
0x143: {  	v0 =	vmul.f32 $1.442695020e+00, v0;
	v4 =	vsel vm13, v6, v63;
	(erf) = vpow2.f32 v8  }
0x144: {  	v4 =	vmul.f32 $1.442695020e+00, v4;
	v6 =	vmul.f32 $2.000000030e-01, v2;
	vm14 =	vge.f32 v1, $0.0e+00  }
0x145: {  	[tilespmem:s20+$0x1DEB0] =	vst v11;
	v7 =	vpop (erf);
	vm15 =	vge.f32 v2, $0.0e+00;
	(erf) = vpow2.f32 v5;
	v1 =	vsel vm14, v1, v3  }
0x146: {  	[tilespmem:s20+$0x1DEC0] =	vst v7;
	v2 =	vsel vm15, v2, v6;
	v1 =	vmul.f32 $1.442695020e+00, v1;
	v3 =	vpop (erf);
	(erf) = vpow2.f32 v0  }
0x147: {  	v2 =	vmul.f32 $1.442695020e+00, v2;
	[tilespmem:s20+$0x1DEA0] =	vst v3;
	v0 =	vpop (erf);
	(erf) = vpow2.f32 v4  }
0x148: {  	[tilespmem:s20+$0x1DED0] =	vst v0;
	v0 =	vpop (erf);
	(erf) = vpow2.f32 v1  }
0x149: {  	[tilespmem:s20+$0x1DE80] =	vst v0;
	v0 =	vpop (erf);
	(erf) = vpow2.f32 v2  }
0x14a: {  	v1 =	vpop (erf);
	[tilespmem:s20+$0x1DEE0] =	vst v0  }
0x14b: {  	v0 =	vpop (erf);
	[tilespmem:s20+$0x1DEF0] =	vst v1  }
0x14c: {  	[tilespmem:s12+$0x1DE90] =	vst v0;
	v0 =	vpop (erf)  }
0x14d: {  	[tilespmem:s12+$0x1DEB0] =	vst v0;
	v0 =	vpop (erf)  }
0x14e: {  	[tilespmem:s12+$0x1DEC0] =	vst v0;
	v0 =	vpop (erf)  }
0x14f: {  	[tilespmem:s12+$0x1DEA0] =	vst v0;
	v0 =	vpop (erf)  }
0x150: {  	[tilespmem:s12+$0x1DED0] =	vst v0;
	v0 =	vpop (erf)  }
0x151: {  	[tilespmem:s12+$0x1DE80] =	vst v0;
	v0 =	vpop (erf)  }
0x152: {  	[tilespmem:s12+$0x1DEE0] =	vst v0;
	v0 =	vpop (erf)  }
0x153: {  	s20 =	simm.s32 $0x1CF80;
	[tilespmem:s12+$0x1DEF0] =	vst v0  }
0x154: {  	v0 =	vld [tilespmem:s20+$0xFFFFFF40]  }
0x155: {  	v1 =	vld [tilespmem:s20+$0xFFFFFF50]  }
0x156: {  	v2 =	vld [tilespmem:s20+$0xFFFFFFF0]  }
0x157: {  	s16 =	simm.s32 $0x1DEA0;
	v4 =	vld [tilespmem:s20+$0xFFFFFFE0]  }
0x158: {  	v3 =	vld [tilespmem:s16+$0xFFFFFFE0]  }
0x159: {  	s22 =	simm.s32 $0x0;
	s23 =	simm.s32 $0x1CF80;
	s12 =	simm.s32 $0x1DEA0;
	v5 =	vld [tilespmem:s20+$0xFFFFFF60]  }
.LBB2_9:
0x15a: {  	s22 =	sadd.s32 $0x2, s22;
	v6 =	vld [tilespmem:s20+$0xFFFFFF20];
	s16 =	sadd.s32 $0x40, s16;
	s23 =	sadd.s32 $0x200, s23  }
0x15b: {  	p0 =	slt.u32 s22, $0xE;
	v7 =	vld [tilespmem:s20+$0xFFFFFF30]  }
0x15c: {  	v8 =	vld [tilespmem:s12+$0xFFFFFFF0]  }
0x15d: {  	v9 =	vld [tilespmem:s20+$0xFFFFFF70];
	v10 =	vbroadcast v3, $0x2  }
0x15e: {  	v12 =	vbroadcast v3, $0x1;
	v13 =	vbroadcast v3, $0x3;
	v11 =	vld [tilespmem:s20+$0xFFFFFFD0]  }
0x15f: {  	v14 =	vld [tilespmem:s20+$0xFFFFFFC0];
	v0 =	vmul.f32 v0, v10;
	v1 =	vmul.f32 v1, v10  }
0x160: {  	v6 =	vmul.f32 v6, v12;
	v10 =	vld [tilespmem:s20+$0xFFFFFF90];
	v7 =	vmul.f32 v7, v12  }
0x161: {  	v5 =	vmul.f32 v5, v13;
	v12 =	vld [tilespmem:s20+$0xFFFFFF00];
	v15 =	vbroadcast v8, $0x3;
	[tilespmem:s20+$0xFFFFFF40] =	vst v0  }
0x162: {  	v16 =	vld [tilespmem:s20+$0xFFFFFF10];
	v0 =	vmul.f32 v9, v13;
	v9 =	vbroadcast v8, $0x2;
	[tilespmem:s20+$0xFFFFFF50] =	vst v1  }
0x163: {  	v13 =	vld [tilespmem:s20+$0xFFFFFFB0];
	v1 =	vmul.f32 v4, v15;
	v2 =	vmul.f32 v2, v15;
	[tilespmem:s20+$0xFFFFFF60] =	vst v5  }
0x164: {  	v4 =	vld [tilespmem:s20+$0xFFFFFFA0];
	v5 =	vmul.f32 v14, v9;
	v9 =	vmul.f32 v11, v9;
	[tilespmem:s20+$0xFFFFFF70] =	vst v0  }
0x165: {  	v3 =	vbroadcast v3, $0x0;
	v11 =	vld [tilespmem:s20+$0xFFFFFF80];
	[tilespmem:s20+$0xFFFFFFE0] =	vst v1  }
0x166: {  	v0 =	vld [tilespmem:s23+$0xFFFFFF40];
	[tilespmem:s20+$0xFFFFFF20] =	vst v6  }
0x167: {  	v6 =	vmul.f32 v12, v3;
	v3 =	vmul.f32 v16, v3;
	[tilespmem:s20+$0xFFFFFF30] =	vst v7  }
0x168: {  	v7 =	vbroadcast v8, $0x0;
	[tilespmem:s20+$0xFFFFFFD0] =	vst v9  }
0x169: {  	v8 =	vbroadcast v8, $0x1;
	v1 =	vld [tilespmem:s23+$0xFFFFFF50];
	[tilespmem:s20+$0xFFFFFF00] =	vst v6  }
0x16a: {  	v6 =	vmul.f32 v11, v7;
	v7 =	vmul.f32 v10, v7;
	[tilespmem:s20+$0xFFFFFFC0] =	vst v5  }
0x16b: {  	v4 =	vmul.f32 v4, v8;
	v5 =	vmul.f32 v13, v8;
	[tilespmem:s20+$0xFFFFFFF0] =	vst v2;
	v2 =	vld [tilespmem:s20+$0x80]  }
0x16c: {  	[tilespmem:s20+$0xFFFFFF90] =	vst v7;
	v7 =	vld [tilespmem:s20+$0xE0]  }
0x16d: {  	[tilespmem:s20+$0xFFFFFF10] =	vst v3;
	v3 =	vld [tilespmem:s20+$0xA0]  }
0x16e: {  	[tilespmem:s20+$0xFFFFFFB0] =	vst v5;
	v5 =	vld [tilespmem:s20+$0x0]  }
0x16f: {  	[tilespmem:s20+$0xFFFFFFA0] =	vst v4;
	v4 =	vld [tilespmem:s20+$0x90]  }
0x170: {  	[tilespmem:s20+$0xFFFFFF80] =	vst v6;
	v6 =	vld [tilespmem:s20+$0x70]  }
0x171: {  	v8 =	vld [tilespmem:s12+$0x10]  }
0x172: {  	v9 =	vld [tilespmem:s12+$0x0];
	s12 =	smov.u32 s16  }
0x173: {  	v10 =	vld [tilespmem:s20+$0x60]  }
0x174: {  	v11 =	vld [tilespmem:s20+$0x10]  }
0x175: {  	v12 =	vld [tilespmem:s20+$0x20]  }
0x176: {  	v13 =	vld [tilespmem:s20+$0x30];
	v14 =	vbroadcast v8, $0x0;
	v15 =	vbroadcast v8, $0x1  }
0x177: {  	v16 =	vld [tilespmem:s20+$0x40];
	v17 =	vbroadcast v9, $0x0;
	v18 =	vbroadcast v9, $0x1  }
0x178: {  	v20 =	vbroadcast v9, $0x2;
	v19 =	vld [tilespmem:s20+$0x50];
	v4 =	vmul.f32 v4, v14  }
0x179: {  	v9 =	vbroadcast v9, $0x3;
	v21 =	vld [tilespmem:s20+$0xD0];
	v5 =	vmul.f32 v5, v17  }
0x17a: {  	v11 =	vmul.f32 v11, v17;
	v22 =	vld [tilespmem:s20+$0xC0];
	v12 =	vmul.f32 v12, v18;
	[tilespmem:s20+$0x90] =	vst v4  }
0x17b: {  	v10 =	vmul.f32 v10, v9;
	v4 =	vld [tilespmem:s20+$0xF0];
	v13 =	vmul.f32 v13, v18;
	[tilespmem:s20+$0x0] =	vst v5  }
0x17c: {  	v6 =	vmul.f32 v6, v9;
	v5 =	vld [tilespmem:s20+$0xB0];
	v16 =	vmul.f32 v16, v20;
	[tilespmem:s20+$0x10] =	vst v11  }
0x17d: {  	v11 =	vbroadcast v8, $0x2;
	v9 =	vmul.f32 v19, v20;
	[tilespmem:s20+$0x60] =	vst v10  }
0x17e: {  	v2 =	vmul.f32 v2, v14;
	v8 =	vbroadcast v8, $0x3;
	[tilespmem:s20+$0x70] =	vst v6  }
0x17f: {  	v3 =	vmul.f32 v3, v15;
	v6 =	vmul.f32 v22, v11;
	[tilespmem:s20+$0x50] =	vst v9  }
0x180: {  	v7 =	vmul.f32 v7, v8;
	v4 =	vmul.f32 v4, v8;
	[tilespmem:s20+$0x80] =	vst v2  }
0x181: {  	v2 =	vmul.f32 v5, v15;
	v5 =	vmul.f32 v21, v11;
	[tilespmem:s20+$0xA0] =	vst v3  }
0x182: {  	[tilespmem:s20+$0xF0] =	vst v4  }
0x183: {  	[tilespmem:s20+$0xC0] =	vst v6  }
0x184: {  	[tilespmem:s20+$0xE0] =	vst v7  }
0x185: {  	[tilespmem:s20+$0xB0] =	vst v2  }
0x186: {  	[tilespmem:s20+$0x30] =	vst v13  }
.Ltmp3:
0x187: {  	[tilespmem:s20+$0xD0] =	vst v5;
	(pc) =	sbr.rel @p0 .LBB2_9-.Ltmp3, $4  }
0x188: {  	v2 =	vld [tilespmem:s23+$0xFFFFFFF0];
	[tilespmem:s20+$0x20] =	vst v12  }
0x189: {  	v4 =	vld [tilespmem:s23+$0xFFFFFFE0];
	[tilespmem:s20+$0x40] =	vst v16;
	s20 =	smov.u32 s23  }
0x18a: {  	v3 =	vld [tilespmem:s16+$0xFFFFFFE0]  }
0x18b: {  	v5 =	vld [tilespmem:s23+$0xFFFFFF60]  }
0x18c: {  	_ =	sdelay $0x1  }
0x18d: {  	v7 =	vld [tilespmem:s12+$0xFFFFFFF0]  }
0x18e: {  	v8 =	vld [tilespmem:s20+$0xFFFFFF70];
	v9 =	vbroadcast v3, $0x2;
	_ =	sdelay $0x1  }
0x18f: {  	v6 =	vld [tilespmem:s20+$0xFFFFFF20];
	v12 =	vbroadcast v3, $0x3;
	v0 =	vmul.f32 v0, v9  }
0x190: {  	v10 =	vld [tilespmem:s20+$0xFFFFFF30];
	v1 =	vmul.f32 v1, v9  }
0x191: {  	v11 =	vld [tilespmem:s20+$0xFFFFFFD0];
	v5 =	vmul.f32 v5, v12;
	v14 =	vbroadcast v7, $0x3;
	[tilespmem:s20+$0xFFFFFF40] =	vst v0  }
0x192: {  	v15 =	vld [tilespmem:s20+$0xFFFFFF00];
	v8 =	vmul.f32 v8, v12;
	v0 =	vbroadcast v3, $0x1;
	[tilespmem:s20+$0xFFFFFF50] =	vst v1  }
0x193: {  	v13 =	vld [tilespmem:s20+$0xFFFFFFC0];
	v1 =	vmul.f32 v4, v14;
	[tilespmem:s20+$0xFFFFFF60] =	vst v5  }
0x194: {  	[tilespmem:s20+$0xFFFFFF70] =	vst v8;
	v5 =	vmul.f32 v6, v0;
	v6 =	vbroadcast v7, $0x2  }
0x195: {  	v9 =	vld [tilespmem:s20+$0xFFFFFF90];
	v3 =	vbroadcast v3, $0x0;
	v0 =	vmul.f32 v10, v0;
	[tilespmem:s20+$0xFFFFFFE0] =	vst v1  }
0x196: {  	v8 =	vld [tilespmem:s20+$0xFFFFFF10];
	v1 =	vmul.f32 v11, v6;
	[tilespmem:s20+$0xFFFFFF20] =	vst v5  }
0x197: {  	v12 =	vld [tilespmem:s20+$0xFFFFFFB0];
	v5 =	vmul.f32 v15, v3;
	[tilespmem:s20+$0xFFFFFF30] =	vst v0  }
0x198: {  	v4 =	vld [tilespmem:s20+$0xFFFFFFA0];
	v0 =	vmul.f32 v13, v6;
	v6 =	vbroadcast v7, $0x0;
	[tilespmem:s20+$0xFFFFFFD0] =	vst v1  }
0x199: {  	v1 =	vmul.f32 v2, v14;
	v2 =	vld [tilespmem:s20+$0xFFFFFF80];
	[tilespmem:s20+$0xFFFFFF00] =	vst v5  }
0x19a: {  	v5 =	vbroadcast v7, $0x1;
	v7 =	vmul.f32 v9, v6;
	[tilespmem:s20+$0xFFFFFFC0] =	vst v0  }
0x19b: {  	v0 =	vmul.f32 v8, v3;
	[tilespmem:s20+$0xFFFFFFF0] =	vst v1  }
0x19c: {  	v1 =	vmul.f32 v12, v5;
	[tilespmem:s20+$0xFFFFFF90] =	vst v7  }
0x19d: {  	v3 =	vmul.f32 v4, v5;
	[tilespmem:s20+$0xFFFFFF10] =	vst v0  }
0x19e: {  	[tilespmem:s20+$0xFFFFFFB0] =	vst v1;
	v0 =	vmul.f32 v2, v6  }
0x19f: {  	[tilespmem:s20+$0xFFFFFFA0] =	vst v3  }
0x1a0: {  	v8 =	vld [tilespmem:s20+$0x10];
	[tilespmem:s20+$0xFFFFFF80] =	vst v0  }
0x1a1: {  	v0 =	vld [tilespmem:s12+$0x10]  }
0x1a2: {  	v5 =	vld [tilespmem:s12+$0x0]  }
0x1a3: {  	v3 =	vld [tilespmem:s20+$0x90]  }
0x1a4: {  	v1 =	vld [tilespmem:s20+$0x0]  }
0x1a5: {  	v4 =	vld [tilespmem:s20+$0x80]  }
0x1a6: {  	v7 =	vld [tilespmem:s20+$0x60];
	v10 =	vbroadcast v0, $0x0  }
0x1a7: {  	v6 =	vld [tilespmem:s20+$0x70];
	v12 =	vbroadcast v5, $0x0  }
0x1a8: {  	v3 =	vmul.f32 v3, v10  }
0x1a9: {  	v13 =	vld [tilespmem:s20+$0x50];
	v14 =	vbroadcast v5, $0x3;
	v1 =	vmul.f32 v1, v12  }
0x1aa: {  	v2 =	vld [tilespmem:s20+$0xA0];
	v8 =	vmul.f32 v8, v12;
	[tilespmem:s20+$0x90] =	vst v3  }
0x1ab: {  	v15 =	vld [tilespmem:s20+$0xC0];
	v7 =	vmul.f32 v7, v14;
	v4 =	vmul.f32 v4, v10;
	[tilespmem:s20+$0x0] =	vst v1  }
0x1ac: {  	v12 =	vld [tilespmem:s20+$0xF0];
	v3 =	vbroadcast v5, $0x2;
	v1 =	vmul.f32 v6, v14;
	[tilespmem:s20+$0x10] =	vst v8  }
0x1ad: {  	v6 =	vld [tilespmem:s20+$0xE0];
	v8 =	vbroadcast v0, $0x1;
	[tilespmem:s20+$0x60] =	vst v7;
	v14 =	vbroadcast v0, $0x3  }
0x1ae: {  	v7 =	vld [tilespmem:s20+$0xB0];
	v0 =	vbroadcast v0, $0x2;
	[tilespmem:s20+$0x80] =	vst v4;
	v13 =	vmul.f32 v13, v3  }
0x1af: {  	v11 =	vld [tilespmem:s20+$0x30];
	[tilespmem:s20+$0x70] =	vst v1;
	v1 =	vmul.f32 v2, v8  }
0x1b0: {  	v9 =	vld [tilespmem:s20+$0x20];
	v4 =	vmul.f32 v15, v0;
	[tilespmem:s20+$0x50] =	vst v13  }
0x1b1: {  	v2 =	vld [tilespmem:s20+$0xD0];
	v10 =	vmul.f32 v12, v14;
	[tilespmem:s20+$0xA0] =	vst v1  }
0x1b2: {  	v16 =	vld [tilespmem:s20+$0x40];
	v1 =	vbroadcast v5, $0x1;
	[tilespmem:s20+$0xC0] =	vst v4;
	v5 =	vmul.f32 v6, v14  }
0x1b3: {  	[tilespmem:s20+$0xF0] =	vst v10;
	v6 =	vmul.f32 v7, v8  }
0x1b4: {  	v4 =	vmul.f32 v11, v1;
	[tilespmem:s20+$0xE0] =	vst v5  }
0x1b5: {  	v1 =	vmul.f32 v9, v1;
	[tilespmem:s20+$0xB0] =	vst v6  }
0x1b6: {  	v0 =	vmul.f32 v2, v0;
	[tilespmem:s20+$0x30] =	vst v4  }
0x1b7: {  	v2 =	vmul.f32 v16, v3;
	[tilespmem:s20+$0x20] =	vst v1  }
0x1b8: {  	[tilespmem:s20+$0xD0] =	vst v0  }
0x1b9: {  	s5 =	sadd.s32 $0x18C20, s5;
	[tilespmem:s20+$0x40] =	vst v2  }
0x1ba: {  	[spmem:s3] =	stream.indirect.scatter.add.f32 [tilespmem:s30], [sflag:$0x8], $0x80, s5, s21, $0xb8;
	[tilespmem:$0x1F680] =	vst v63  }
0x1bb: {  	s16 =	simm.s32 $0x1DE80  }
0x1bc: {  	[spmem:s4] =	stream.indirect.scatter.add.f32 [tilespmem:s16], [sflag:$0x8], $0x10, s5, s21, $0xb8;
	[tilespmem:$0x1F680] =	vst v63  }
0x1bd: {  	_ =	swait.ge [sflag:s13], $0x1000  }
0x1be: {  	[sflag:s13] =	ssyncset.done $0x0  }
0x1bf: {  	[sflag:s13] =	ssyncadd.s32 $0xFFFFF000  }
0x1c0: {  	s20 =	smin.u32 s28, $0x140;
	_ =	swait.ge [sflag:s13], $0x200  }
0x1c1: {  	s5 =	sshll.u32 s20, $0x5;
	[sflag:s13] =	ssyncset.done $0x0  }
0x1c2: {  	s16 =	simm.s32 $0x1B480;
	s22 =	sadd.s32 $0x163E0, s5;
	[sflag:s13] =	ssyncadd.s32 $0xFFFFFE00  }
0x1c3: {  	[tilespmem:s16], [sflag:$0x1] =	stream.indirect.gather [hbm4b:s6+s21], $0x10, s22, s21, $0xb8;
	[tilespmem:$0x1F680] =	vst v63  }
0x1c4: {  	s23 =	simm.s32 $0x1B680;
	s5 =	sadd.s32 $0x18C60, s5  }
0x1c5: {  	[tilespmem:s23], [sflag:$0x2] =	stream.indirect.gather [hbm4b:s7+s21], $0x10, s5, s21, $0xb8;
	[tilespmem:$0x1F680] =	vst v63  }
0x1c6: {  	_ = 	snop  }
0x1c7: {  	[tilespmem:s24], [sflag:$0x3] =	stream.indirect.gather [hbm4b:s1+s21], $0x80, s22, s21, $0xb8;
	[tilespmem:$0x1F680] =	vst v63  }
0x1c8: {  	_ =	swait.ge [sflag:s14], $0x200  }
0x1c9: {  	[sflag:s14] =	ssyncset.done $0x0  }
0x1ca: {  	[sflag:s14] =	ssyncadd.s32 $0xFFFFFE00  }
0x1cb: {  	_ =	swait.ge [sflag:s15], $0x200  }
0x1cc: {  	[sflag:s15] =	ssyncset.done $0x0  }
0x1cd: {  	[sflag:s15] =	ssyncadd.s32 $0xFFFFFE00  }
0x1ce: {  	_ =	swait.ge [sflag:s19], $0x1000  }
0x1cf: {  	[sflag:s19] =	ssyncset.done $0x0  }
0x1d0: {  	s5 =	simm.s32 $0x0;
	[sflag:s19] =	ssyncadd.s32 $0xFFFFF000  }
0x1d1: {  	v0 =	vld [tilespmem:s5+$0x1E2D0]  }
0x1d2: {  	v2 =	vld [tilespmem:s5+$0x1E2C0]  }
0x1d3: {  	v3 =	vld [tilespmem:s5+$0x1E0C0]  }
0x1d4: {  	v4 =	vld [tilespmem:s5+$0x1E290]  }
0x1d5: {  	v5 =	vld [tilespmem:s5+$0x1E090]  }
0x1d6: {  	v6 =	vld [tilespmem:s5+$0x1E2B0]  }
0x1d7: {  	v7 =	vld [tilespmem:s5+$0x1E0B0]  }
0x1d8: {  	v8 =	vld [tilespmem:s5+$0x1E2A0]  }
0x1d9: {  	v10 =	vld [tilespmem:s5+$0x1E0A0]  }
0x1da: {  	v1 =	vld [tilespmem:s5+$0x1E0D0]  }
0x1db: {  	v9 =	vld [tilespmem:s5+$0x1E280]  }
0x1dc: {  	v11 =	vld [tilespmem:s5+$0x1E0F0]  }
0x1dd: {  	v4 =	vadd.f32 v4, v5;
	v5 =	vld [tilespmem:s5+$0x1E080];
	v6 =	vadd.f32 v6, v7  }
0x1de: {  	v7 =	vld [tilespmem:s5+$0x1E0E0];
	v2 =	vadd.f32 v2, v3;
	v8 =	vadd.f32 v8, v10  }
0x1df: {  	v10 =	vld [tilespmem:s5+$0x1E2E0];
	v12 =	vmul.f32 $2.000000030e-01, v4;
	vm0 =	vge.f32 v4, $0.0e+00  }
0x1e0: {  	v3 =	vld [tilespmem:s5+$0x1E2F0];
	v13 =	vmul.f32 $2.000000030e-01, v6;
	vm11 =	vge.f32 v8, $0.0e+00;
	v14 =	vmul.f32 $2.000000030e-01, v2  }
0x1e1: {  	s12 =	simm.s32 $0x80;
	vm2 =	vge.f32 v6, $0.0e+00;
	vm3 =	vge.f32 v2, $0.0e+00;
	v4 =	vsel vm0, v4, v12  }
0x1e2: {  	v63 =	vld [tilespmem:s12+$0x1E2C0];
	v12 =	vadd.f32 v0, v1;
	v2 =	vsel vm3, v2, v14;
	v4 =	vmul.f32 $1.442695020e+00, v4  }
0x1e3: {  	v17 =	vld [tilespmem:s12+$0x1E0C0];
	v5 =	vadd.f32 v9, v5;
	v9 =	vmul.f32 $2.000000030e-01, v8;
	v2 =	vmul.f32 $1.442695020e+00, v2  }
0x1e4: {  	v0 =	vld [tilespmem:s12+$0x1E2D0];
	v7 =	vadd.f32 v10, v7;
	(erf) = vpow2.f32 v4;
	v4 =	vsel vm2, v6, v13  }
0x1e5: {  	v14 =	vld [tilespmem:s12+$0x1E090];
	v3 =	vadd.f32 v3, v11;
	v15 =	vmul.f32 $2.000000030e-01, v12;
	v4 =	vmul.f32 $1.442695020e+00, v4  }
0x1e6: {  	vm1 =	vge.f32 v12, $0.0e+00;
	v6 =	vmul.f32 $2.000000030e-01, v5;
	v13 =	vld [tilespmem:s12+$0x1E290];
	vm12 =	vge.f32 v5, $0.0e+00  }
0x1e7: {  	v1 =	vld [tilespmem:s12+$0x1E0D0];
	vm13 =	vge.f32 v7, $0.0e+00;
	v12 =	vsel vm1, v12, v15;
	(erf) = vpow2.f32 v4  }
0x1e8: {  	v10 =	vmul.f32 $1.442695020e+00, v12;
	v12 =	vld [tilespmem:s12+$0x1E2B0];
	v4 =	vsel vm11, v8, v9;
	v9 =	vmul.f32 $2.000000030e-01, v7  }
0x1e9: {  	vm14 =	vge.f32 v3, $0.0e+00;
	v5 =	vsel vm12, v5, v6;
	v8 =	vld [tilespmem:s12+$0x1E0B0];
	v4 =	vmul.f32 $1.442695020e+00, v4  }
0x1ea: {  	v11 =	vld [tilespmem:s12+$0x1E2A0];
	(erf) = vpow2.f32 v2;
	v7 =	vsel vm13, v7, v9;
	v9 =	vmul.f32 $2.000000030e-01, v3  }
0x1eb: {  	v15 =	vld [tilespmem:s12+$0x1E0A0];
	v5 =	vmul.f32 $1.442695020e+00, v5;
	v13 =	vadd.f32 v13, v14;
	(erf) = vpow2.f32 v4  }
0x1ec: {  	v6 =	vld [tilespmem:s12+$0x1E280];
	v18 =	vmul.f32 $1.442695020e+00, v7;
	v3 =	vsel vm14, v3, v9;
	(erf) = vpow2.f32 v10  }
0x1ed: {  	v10 =	vld [tilespmem:s12+$0x1E080];
	v3 =	vmul.f32 $1.442695020e+00, v3;
	(erf) = vpow2.f32 v5;
	v4 =	vpop (erf)  }
0x1ee: {  	v2 =	vld [tilespmem:s12+$0x1E0F0];
	v7 =	vadd.f32 v12, v8;
	v12 =	vmul.f32 $2.000000030e-01, v13;
	(erf) = vpow2.f32 v18;
	[tilespmem:s5+$0x1F490] =	vst v4  }
0x1ef: {  	vm15 =	vge.f32 v13, $0.0e+00;
	v8 =	vadd.f32 v63, v17;
	(erf) = vpow2.f32 v3;
	v4 =	vld [tilespmem:s12+$0x1E0E0]  }
0x1f0: {  	s16 =	simm.s32 $0x400;
	v5 =	vadd.f32 v11, v15;
	v9 =	vmul.f32 $2.000000030e-01, v7;
	v12 =	vsel vm15, v13, v12;
	v3 =	vld [tilespmem:s12+$0x1E2F0];
	v11 =	vpop (erf)  }
.LBB2_11:
0x1f1: {  	s20 =	sshra.s32 s16, $0x2;
	p0 =	sne.s32 s16, $0x600;
	s16 =	sadd.s32 $0x200, s16;
	v13 =	vadd.f32 v0, v1;
	v14 =	vld [tilespmem:s12+$0x1E2E0];
	v18 =	vmul.f32 $1.442695020e+00, v12;
	[tilespmem:s5+$0x1F4B0] =	vst v11  }
0x1f2: {  	v0 =	vld [tilespmem:s20+$0x1E2D0];
	v6 =	vadd.f32 v6, v10;
	vm0 =	vge.f32 v5, $0.0e+00;
	v10 =	vmul.f32 $2.000000030e-01, v5  }
0x1f3: {  	v11 =	vmul.f32 $2.000000030e-01, v8;
	v1 =	vld [tilespmem:s20+$0x1E0D0];
	vm1 =	vge.f32 v13, $0.0e+00;
	v15 =	vmul.f32 $2.000000030e-01, v13;
	v16 =	vpop (erf)  }
0x1f4: {  	vm2 =	vge.f32 v7, $0.0e+00;
	vm3 =	vge.f32 v8, $0.0e+00;
	v17 =	vld [tilespmem:s20+$0x1E2C0];
	(erf) = vpow2.f32 v18;
	[tilespmem:s5+$0x1F4C0] =	vst v16;
	v12 =	vpop (erf)  }
0x1f5: {  	v7 =	vsel vm2, v7, v9;
	v8 =	vsel vm3, v8, v11;
	v18 =	vmul.f32 $2.000000030e-01, v6;
	v16 =	vld [tilespmem:s20+$0x1E0C0];
	[tilespmem:s5+$0x1F4A0] =	vst v12;
	v9 =	vpop (erf)  }
0x1f6: {  	v8 =	vmul.f32 $1.442695020e+00, v8;
	v12 =	vsel vm1, v13, v15;
	v15 =	vmul.f32 $1.442695020e+00, v7;
	v11 =	vld [tilespmem:s20+$0x1E290];
	[tilespmem:s5+$0x1F4D0] =	vst v9;
	v9 =	vpop (erf)  }
0x1f7: {  	vm1 =	vge.f32 v6, $0.0e+00;
	v4 =	vadd.f32 v14, v4;
	v12 =	vmul.f32 $1.442695020e+00, v12;
	v13 =	vld [tilespmem:s20+$0x1E090];
	[tilespmem:s5+$0x1F480] =	vst v9;
	v9 =	vpop (erf)  }
0x1f8: {  	v5 =	vsel vm0, v5, v10;
	v6 =	vsel vm1, v6, v18;
	v14 =	vld [tilespmem:s20+$0x1E2B0];
	(erf) = vpow2.f32 v15;
	[tilespmem:s5+$0x1F4E0] =	vst v9;
	v7 =	vpop (erf)  }
0x1f9: {  	v3 =	vadd.f32 v3, v2;
	v5 =	vmul.f32 $1.442695020e+00, v5;
	v2 =	vmul.f32 $2.000000030e-01, v4;
	v9 =	vld [tilespmem:s20+$0x1E0B0];
	[tilespmem:s5+$0x1F4F0] =	vst v7;
	s5 =	smov.u32 s12;
	s12 =	smov.u32 s20  }
0x1fa: {  	v18 =	vmul.f32 $1.442695020e+00, v6;
	vm0 =	vge.f32 v4, $0.0e+00;
	v15 =	vld [tilespmem:s12+$0x1E2A0]  }
0x1fb: {  	v7 =	vmul.f32 $2.000000030e-01, v3;
	v2 =	vsel vm0, v4, v2;
	v6 =	vld [tilespmem:s12+$0x1E280];
	(erf) = vpow2.f32 v8  }
0x1fc: {  	vm0 =	vge.f32 v3, $0.0e+00;
	v8 =	vmul.f32 $1.442695020e+00, v2;
	v19 =	vld [tilespmem:s12+$0x1E0A0];
	(erf) = vpow2.f32 v5  }
.Ltmp4:
0x1fd: {  	v3 =	vsel vm0, v3, v7;
	v11 =	vadd.f32 v11, v13;
	v2 =	vld [tilespmem:s12+$0x1E0F0];
	v4 =	vpop (erf);
	(erf) = vpow2.f32 v12;
	(pc) =	sbr.rel @p0 .LBB2_11-.Ltmp4, $4  }
0x1fe: {  	v3 =	vmul.f32 $1.442695020e+00, v3;
	v10 =	vld [tilespmem:s12+$0x1E080];
	v7 =	vadd.f32 v14, v9;
	[tilespmem:s5+$0x1F490] =	vst v4;
	(erf) = vpow2.f32 v18  }
0x1ff: {  	vm0 =	vge.f32 v11, $0.0e+00;
	v12 =	vmul.f32 $2.000000030e-01, v11;
	v4 =	vld [tilespmem:s12+$0x1E0E0];
	(erf) = vpow2.f32 v8  }
0x200: {  	v8 =	vadd.f32 v17, v16;
	v9 =	vmul.f32 $2.000000030e-01, v7;
	(erf) = vpow2.f32 v3  }
0x201: {  	v12 =	vsel vm0, v11, v12;
	v5 =	vadd.f32 v15, v19;
	v3 =	vld [tilespmem:s12+$0x1E2F0];
	v11 =	vpop (erf)  }
0x202: {  	v0 =	vadd.f32 v0, v1;
	v1 =	vld [tilespmem:s12+$0x1E2E0];
	v12 =	vmul.f32 $1.442695020e+00, v12;
	v13 =	vmul.f32 $2.000000030e-01, v8  }
0x203: {  	vm2 =	vge.f32 v7, $0.0e+00;
	vm3 =	vge.f32 v8, $0.0e+00;
	v6 =	vadd.f32 v6, v10  }
0x204: {  	vm0 =	vge.f32 v5, $0.0e+00;
	v62 =	vmul.f32 $2.000000030e-01, v5;
	v7 =	vsel vm2, v7, v9  }
0x205: {  	vm1 =	vge.f32 v0, $0.0e+00;
	v14 =	vmul.f32 $2.000000030e-01, v0;
	(erf) = vpow2.f32 v12  }
0x206: {  	v8 =	vsel vm3, v8, v13;
	v7 =	vmul.f32 $1.442695020e+00, v7;
	v63 =	vmul.f32 $2.000000030e-01, v6  }
0x207: {  	v8 =	vmul.f32 $1.442695020e+00, v8;
	vm13 =	vge.f32 v6, $0.0e+00;
	v1 =	vadd.f32 v1, v4  }
0x208: {  	v5 =	vsel vm0, v5, v62;
	v0 =	vsel vm1, v0, v14;
	(erf) = vpow2.f32 v7  }
0x209: {  	v2 =	vadd.f32 v3, v2;
	v5 =	vmul.f32 $1.442695020e+00, v5;
	v3 =	vmul.f32 $2.000000030e-01, v1  }
0x20a: {  	v0 =	vmul.f32 $1.442695020e+00, v0;
	v4 =	vsel vm13, v6, v63;
	(erf) = vpow2.f32 v8  }
0x20b: {  	v4 =	vmul.f32 $1.442695020e+00, v4;
	v6 =	vmul.f32 $2.000000030e-01, v2;
	vm14 =	vge.f32 v1, $0.0e+00  }
0x20c: {  	[tilespmem:s5+$0x1F4B0] =	vst v11;
	v7 =	vpop (erf);
	vm15 =	vge.f32 v2, $0.0e+00;
	(erf) = vpow2.f32 v5;
	v1 =	vsel vm14, v1, v3  }
0x20d: {  	[tilespmem:s5+$0x1F4C0] =	vst v7;
	v2 =	vsel vm15, v2, v6;
	v1 =	vmul.f32 $1.442695020e+00, v1;
	v3 =	vpop (erf);
	(erf) = vpow2.f32 v0  }
0x20e: {  	v2 =	vmul.f32 $1.442695020e+00, v2;
	[tilespmem:s5+$0x1F4A0] =	vst v3;
	v0 =	vpop (erf);
	(erf) = vpow2.f32 v4  }
0x20f: {  	[tilespmem:s5+$0x1F4D0] =	vst v0;
	v0 =	vpop (erf);
	(erf) = vpow2.f32 v1  }
0x210: {  	[tilespmem:s5+$0x1F480] =	vst v0;
	v0 =	vpop (erf);
	(erf) = vpow2.f32 v2  }
0x211: {  	v1 =	vpop (erf);
	[tilespmem:s5+$0x1F4E0] =	vst v0  }
0x212: {  	v0 =	vpop (erf);
	[tilespmem:s5+$0x1F4F0] =	vst v1  }
0x213: {  	[tilespmem:s12+$0x1F490] =	vst v0;
	v0 =	vpop (erf)  }
0x214: {  	[tilespmem:s12+$0x1F4B0] =	vst v0;
	v0 =	vpop (erf)  }
0x215: {  	[tilespmem:s12+$0x1F4C0] =	vst v0;
	v0 =	vpop (erf)  }
0x216: {  	[tilespmem:s12+$0x1F4A0] =	vst v0;
	v0 =	vpop (erf)  }
0x217: {  	[tilespmem:s12+$0x1F4D0] =	vst v0;
	v0 =	vpop (erf)  }
0x218: {  	[tilespmem:s12+$0x1F480] =	vst v0;
	v0 =	vpop (erf)  }
0x219: {  	[tilespmem:s12+$0x1F4E0] =	vst v0;
	v0 =	vpop (erf)  }
0x21a: {  	s5 =	simm.s32 $0x1E580;
	[tilespmem:s12+$0x1F4F0] =	vst v0  }
0x21b: {  	v0 =	vld [tilespmem:s5+$0xFFFFFF40]  }
0x21c: {  	v1 =	vld [tilespmem:s5+$0xFFFFFF50]  }
0x21d: {  	v2 =	vld [tilespmem:s5+$0xFFFFFFF0]  }
0x21e: {  	s16 =	simm.s32 $0x1F4A0;
	v4 =	vld [tilespmem:s5+$0xFFFFFFE0]  }
0x21f: {  	v3 =	vld [tilespmem:s16+$0xFFFFFFE0]  }
0x220: {  	s20 =	simm.s32 $0x0;
	s22 =	simm.s32 $0x1E580;
	s12 =	simm.s32 $0x1F4A0;
	v5 =	vld [tilespmem:s5+$0xFFFFFF60]  }
.LBB2_13:
0x221: {  	s20 =	sadd.s32 $0x2, s20;
	v6 =	vld [tilespmem:s5+$0xFFFFFF20];
	s16 =	sadd.s32 $0x40, s16;
	s22 =	sadd.s32 $0x200, s22  }
0x222: {  	p0 =	slt.u32 s20, $0xE;
	v7 =	vld [tilespmem:s5+$0xFFFFFF30]  }
0x223: {  	v8 =	vld [tilespmem:s12+$0xFFFFFFF0]  }
0x224: {  	v9 =	vld [tilespmem:s5+$0xFFFFFF70];
	v10 =	vbroadcast v3, $0x2  }
0x225: {  	v12 =	vbroadcast v3, $0x1;
	v13 =	vbroadcast v3, $0x3;
	v11 =	vld [tilespmem:s5+$0xFFFFFFD0]  }
0x226: {  	v14 =	vld [tilespmem:s5+$0xFFFFFFC0];
	v0 =	vmul.f32 v0, v10;
	v1 =	vmul.f32 v1, v10  }
0x227: {  	v6 =	vmul.f32 v6, v12;
	v10 =	vld [tilespmem:s5+$0xFFFFFF90];
	v7 =	vmul.f32 v7, v12  }
0x228: {  	v5 =	vmul.f32 v5, v13;
	v12 =	vld [tilespmem:s5+$0xFFFFFF00];
	v15 =	vbroadcast v8, $0x3;
	[tilespmem:s5+$0xFFFFFF40] =	vst v0  }
0x229: {  	v16 =	vld [tilespmem:s5+$0xFFFFFF10];
	v0 =	vmul.f32 v9, v13;
	v9 =	vbroadcast v8, $0x2;
	[tilespmem:s5+$0xFFFFFF50] =	vst v1  }
0x22a: {  	v13 =	vld [tilespmem:s5+$0xFFFFFFB0];
	v1 =	vmul.f32 v4, v15;
	v2 =	vmul.f32 v2, v15;
	[tilespmem:s5+$0xFFFFFF60] =	vst v5  }
0x22b: {  	v4 =	vld [tilespmem:s5+$0xFFFFFFA0];
	v5 =	vmul.f32 v14, v9;
	v9 =	vmul.f32 v11, v9;
	[tilespmem:s5+$0xFFFFFF70] =	vst v0  }
0x22c: {  	v3 =	vbroadcast v3, $0x0;
	v11 =	vld [tilespmem:s5+$0xFFFFFF80];
	[tilespmem:s5+$0xFFFFFFE0] =	vst v1  }
0x22d: {  	v0 =	vld [tilespmem:s22+$0xFFFFFF40];
	[tilespmem:s5+$0xFFFFFF20] =	vst v6  }
0x22e: {  	v6 =	vmul.f32 v12, v3;
	v3 =	vmul.f32 v16, v3;
	[tilespmem:s5+$0xFFFFFF30] =	vst v7  }
0x22f: {  	v7 =	vbroadcast v8, $0x0;
	[tilespmem:s5+$0xFFFFFFD0] =	vst v9  }
0x230: {  	v8 =	vbroadcast v8, $0x1;
	v1 =	vld [tilespmem:s22+$0xFFFFFF50];
	[tilespmem:s5+$0xFFFFFF00] =	vst v6  }
0x231: {  	v6 =	vmul.f32 v11, v7;
	v7 =	vmul.f32 v10, v7;
	[tilespmem:s5+$0xFFFFFFC0] =	vst v5  }
0x232: {  	v4 =	vmul.f32 v4, v8;
	v5 =	vmul.f32 v13, v8;
	[tilespmem:s5+$0xFFFFFFF0] =	vst v2;
	v2 =	vld [tilespmem:s5+$0x80]  }
0x233: {  	[tilespmem:s5+$0xFFFFFF90] =	vst v7;
	v7 =	vld [tilespmem:s5+$0xE0]  }
0x234: {  	[tilespmem:s5+$0xFFFFFF10] =	vst v3;
	v3 =	vld [tilespmem:s5+$0xA0]  }
0x235: {  	[tilespmem:s5+$0xFFFFFFB0] =	vst v5;
	v5 =	vld [tilespmem:s5+$0x0]  }
0x236: {  	[tilespmem:s5+$0xFFFFFFA0] =	vst v4;
	v4 =	vld [tilespmem:s5+$0x90]  }
0x237: {  	[tilespmem:s5+$0xFFFFFF80] =	vst v6;
	v6 =	vld [tilespmem:s5+$0x70]  }
0x238: {  	v8 =	vld [tilespmem:s12+$0x10]  }
0x239: {  	v9 =	vld [tilespmem:s12+$0x0];
	s12 =	smov.u32 s16  }
0x23a: {  	v10 =	vld [tilespmem:s5+$0x60]  }
0x23b: {  	v11 =	vld [tilespmem:s5+$0x10]  }
0x23c: {  	v12 =	vld [tilespmem:s5+$0x20]  }
0x23d: {  	v13 =	vld [tilespmem:s5+$0x30];
	v14 =	vbroadcast v8, $0x0;
	v15 =	vbroadcast v8, $0x1  }
0x23e: {  	v16 =	vld [tilespmem:s5+$0x40];
	v17 =	vbroadcast v9, $0x0;
	v18 =	vbroadcast v9, $0x1  }
0x23f: {  	v20 =	vbroadcast v9, $0x2;
	v19 =	vld [tilespmem:s5+$0x50];
	v4 =	vmul.f32 v4, v14  }
0x240: {  	v9 =	vbroadcast v9, $0x3;
	v21 =	vld [tilespmem:s5+$0xD0];
	v5 =	vmul.f32 v5, v17  }
0x241: {  	v11 =	vmul.f32 v11, v17;
	v22 =	vld [tilespmem:s5+$0xC0];
	v12 =	vmul.f32 v12, v18;
	[tilespmem:s5+$0x90] =	vst v4  }
0x242: {  	v10 =	vmul.f32 v10, v9;
	v4 =	vld [tilespmem:s5+$0xF0];
	v13 =	vmul.f32 v13, v18;
	[tilespmem:s5+$0x0] =	vst v5  }
0x243: {  	v6 =	vmul.f32 v6, v9;
	v5 =	vld [tilespmem:s5+$0xB0];
	v16 =	vmul.f32 v16, v20;
	[tilespmem:s5+$0x10] =	vst v11  }
0x244: {  	v11 =	vbroadcast v8, $0x2;
	v9 =	vmul.f32 v19, v20;
	[tilespmem:s5+$0x60] =	vst v10  }
0x245: {  	v2 =	vmul.f32 v2, v14;
	v8 =	vbroadcast v8, $0x3;
	[tilespmem:s5+$0x70] =	vst v6  }
0x246: {  	v3 =	vmul.f32 v3, v15;
	v6 =	vmul.f32 v22, v11;
	[tilespmem:s5+$0x50] =	vst v9  }
0x247: {  	v7 =	vmul.f32 v7, v8;
	v4 =	vmul.f32 v4, v8;
	[tilespmem:s5+$0x80] =	vst v2  }
0x248: {  	v2 =	vmul.f32 v5, v15;
	v5 =	vmul.f32 v21, v11;
	[tilespmem:s5+$0xA0] =	vst v3  }
0x249: {  	[tilespmem:s5+$0xF0] =	vst v4  }
0x24a: {  	[tilespmem:s5+$0xC0] =	vst v6  }
0x24b: {  	[tilespmem:s5+$0xE0] =	vst v7  }
0x24c: {  	[tilespmem:s5+$0xB0] =	vst v2  }
0x24d: {  	[tilespmem:s5+$0x30] =	vst v13  }
.Ltmp5:
0x24e: {  	[tilespmem:s5+$0xD0] =	vst v5;
	(pc) =	sbr.rel @p0 .LBB2_13-.Ltmp5, $4  }
0x24f: {  	v2 =	vld [tilespmem:s22+$0xFFFFFFF0];
	[tilespmem:s5+$0x20] =	vst v12  }
0x250: {  	v4 =	vld [tilespmem:s22+$0xFFFFFFE0];
	[tilespmem:s5+$0x40] =	vst v16;
	s5 =	smov.u32 s22  }
0x251: {  	v3 =	vld [tilespmem:s16+$0xFFFFFFE0]  }
0x252: {  	v5 =	vld [tilespmem:s22+$0xFFFFFF60]  }
0x253: {  	_ =	sdelay $0x1  }
0x254: {  	v6 =	vld [tilespmem:s5+$0xFFFFFF20]  }
0x255: {  	v8 =	vld [tilespmem:s5+$0xFFFFFF70];
	v9 =	vbroadcast v3, $0x2  }
0x256: {  	v7 =	vld [tilespmem:s12+$0xFFFFFFF0]  }
0x257: {  	v15 =	vld [tilespmem:s5+$0xFFFFFF00];
	v12 =	vbroadcast v3, $0x3;
	v0 =	vmul.f32 v0, v9  }
0x258: {  	v19 =	vld [tilespmem:s5+$0xFFFFFF10];
	v1 =	vmul.f32 v1, v9  }
0x259: {  	v61 =	vbroadcast v3, $0x1;
	v5 =	vmul.f32 v5, v12;
	[tilespmem:s5+$0xFFFFFF40] =	vst v0  }
0x25a: {  	v10 =	vld [tilespmem:s5+$0xFFFFFF30];
	v20 =	vbroadcast v3, $0x0;
	v8 =	vmul.f32 v8, v12;
	[tilespmem:s5+$0xFFFFFF50] =	vst v1  }
0x25b: {  	v11 =	vld [tilespmem:s5+$0xFFFFFFD0];
	v16 =	vmul.f32 v6, v61;
	[tilespmem:s5+$0xFFFFFF60] =	vst v5  }
0x25c: {  	v13 =	vld [tilespmem:s5+$0xFFFFFFC0];
	v14 =	vbroadcast v7, $0x3;
	v22 =	vmul.f32 v15, v20;
	[tilespmem:s5+$0xFFFFFF70] =	vst v8  }
0x25d: {  	v29 =	vmul.f32 v19, v20;
	[tilespmem:s5+$0xFFFFFF20] =	vst v16  }
0x25e: {  	v60 =	vld [tilespmem:s5+$0xFFFFFF90];
	v17 =	vbroadcast v7, $0x2;
	v62 =	vmul.f32 v4, v14;
	[tilespmem:s5+$0xFFFFFF00] =	vst v22  }
0x25f: {  	v18 =	vld [tilespmem:s5+$0xFFFFFFB0];
	v0 =	vmul.f32 v10, v61;
	[tilespmem:s5+$0xFFFFFF10] =	vst v29  }
0x260: {  	v63 =	vld [tilespmem:s5+$0xFFFFFFA0];
	v21 =	vmul.f32 v11, v17;
	[tilespmem:s5+$0xFFFFFFE0] =	vst v62  }
0x261: {  	v26 =	vld [tilespmem:s5+$0xFFFFFF80];
	v24 =	vbroadcast v7, $0x0;
	v23 =	vmul.f32 v13, v17;
	[tilespmem:s5+$0xFFFFFF30] =	vst v0  }
0x262: {  	v27 =	vbroadcast v7, $0x1;
	v25 =	vmul.f32 v2, v14;
	[tilespmem:s5+$0xFFFFFFD0] =	vst v21  }
0x263: {  	v28 =	vmul.f32 v60, v24;
	[tilespmem:s5+$0xFFFFFFC0] =	vst v23  }
0x264: {  	v30 =	vmul.f32 v18, v27;
	[tilespmem:s5+$0xFFFFFFF0] =	vst v25  }
0x265: {  	v31 =	vmul.f32 v63, v27;
	[tilespmem:s5+$0xFFFFFF90] =	vst v28  }
0x266: {  	v33 =	vmul.f32 v26, v24;
	[tilespmem:s5+$0xFFFFFFB0] =	vst v30  }
0x267: {  	[tilespmem:s5+$0xFFFFFFA0] =	vst v31  }
0x268: {  	[tilespmem:s5+$0xFFFFFF80] =	vst v33  }
0x269: {  	v0 =	vld [tilespmem:s12+$0x10]  }
0x26a: {  	v37 =	vld [tilespmem:s12+$0x0]  }
0x26b: {  	v36 =	vld [tilespmem:s5+$0x90]  }
0x26c: {  	v35 =	vld [tilespmem:s5+$0x0]  }
0x26d: {  	v40 =	vld [tilespmem:s5+$0x10]  }
0x26e: {  	v39 =	vld [tilespmem:s5+$0x60];
	v42 =	vbroadcast v0, $0x0  }
0x26f: {  	v38 =	vld [tilespmem:s5+$0x70];
	v44 =	vbroadcast v37, $0x0  }
0x270: {  	v45 =	vld [tilespmem:s5+$0x50];
	v3 =	vmul.f32 v36, v42  }
0x271: {  	v32 =	vld [tilespmem:s5+$0x80];
	v46 =	vbroadcast v37, $0x3;
	v1 =	vmul.f32 v35, v44  }
0x272: {  	v34 =	vld [tilespmem:s5+$0xA0];
	v8 =	vmul.f32 v40, v44;
	[tilespmem:s5+$0x90] =	vst v3  }
0x273: {  	v49 =	vld [tilespmem:s5+$0xF0];
	v48 =	vbroadcast v37, $0x2;
	v7 =	vmul.f32 v39, v46;
	[tilespmem:s5+$0x0] =	vst v1  }
0x274: {  	v47 =	vld [tilespmem:s5+$0xC0];
	v50 =	vmul.f32 v38, v46;
	[tilespmem:s5+$0x10] =	vst v8  }
0x275: {  	v51 =	vld [tilespmem:s5+$0xE0];
	v52 =	vbroadcast v0, $0x1;
	v13 =	vmul.f32 v45, v48;
	[tilespmem:s5+$0x60] =	vst v7  }
0x276: {  	v53 =	vld [tilespmem:s5+$0xB0];
	v54 =	vbroadcast v0, $0x3;
	v4 =	vmul.f32 v32, v42;
	[tilespmem:s5+$0x70] =	vst v50  }
0x277: {  	v43 =	vld [tilespmem:s5+$0x30];
	v0 =	vbroadcast v0, $0x2;
	v55 =	vmul.f32 v34, v52;
	[tilespmem:s5+$0x50] =	vst v13  }
0x278: {  	v56 =	vld [tilespmem:s5+$0xD0];
	v57 =	vmul.f32 v49, v54;
	[tilespmem:s5+$0x80] =	vst v4  }
0x279: {  	v16 =	vld [tilespmem:s5+$0x40];
	v58 =	vmul.f32 v47, v0;
	[tilespmem:s5+$0xA0] =	vst v55  }
0x27a: {  	v41 =	vld [tilespmem:s5+$0x20];
	v59 =	vbroadcast v37, $0x1;
	v60 =	vmul.f32 v51, v54;
	[tilespmem:s5+$0xF0] =	vst v57  }
0x27b: {  	v61 =	vmul.f32 v53, v52;
	[tilespmem:s5+$0xC0] =	vst v58  }
0x27c: {  	v62 =	vmul.f32 v43, v59;
	[tilespmem:s5+$0xE0] =	vst v60  }
0x27d: {  	v0 =	vmul.f32 v56, v0;
	[tilespmem:s5+$0xB0] =	vst v61  }
0x27e: {  	v63 =	vmul.f32 v16, v48;
	[tilespmem:s5+$0x30] =	vst v62  }
0x27f: {  	v1 =	vmul.f32 v41, v59;
	[tilespmem:s5+$0xD0] =	vst v0  }
0x280: {  	[tilespmem:s5+$0x40] =	vst v63  }
0x281: {  	[tilespmem:s5+$0x20] =	vst v1  }
0x282: {  	[spmem:s3] =	stream.indirect.scatter.add.f32 [tilespmem:s25], [sflag:$0xC], $0x80, s17, s21, $0xb8;
	[tilespmem:$0x1F680] =	vst v63  }
0x283: {  	s22 =	simm.s32 $0x1F480  }
0x284: {  	[spmem:s4] =	stream.indirect.scatter.add.f32 [tilespmem:s22], [sflag:$0xC], $0x10, s17, s21, $0xb8;
	[tilespmem:$0x1F680] =	vst v63  }
0x285: {  	_ =	swait.ge [sflag:s18], $0x1000  }
0x286: {  	[sflag:s18] =	ssyncset.done $0x0  }
0x287: {  	[sflag:s18] =	ssyncadd.s32 $0xFFFFF000  }
0x288: {  	s23 =	smin.u32 s28, $0x13F;
	_ =	swait.ge [sflag:s18], $0x200  }
0x289: {  	s9 =	sadd.s32 $0x1, s9;
	s5 =	sshll.u32 s23, $0x5;
	[sflag:s18] =	ssyncset.done $0x0  }
0x28a: {  	p0 =	sne.s32 s9, $0x6C;
	s28 =	sadd.s32 $0x16400, s5;
	[sflag:s18] =	ssyncadd.s32 $0xFFFFFE00  }
0x28b: {  	[tilespmem:s26], [sflag:$0x5] =	stream.indirect.gather [hbm4b:s6+s21], $0x10, s28, s21, $0xb8;
	[tilespmem:$0x1F680] =	vst v63  }
.Ltmp6:
0x28c: {  	_ = 	snop;
	(pc) =	sbr.rel @p0 .LBB2_2-.Ltmp6, $4  }
0x28d: {  	s5 =	sadd.s32 $0x18C80, s5  }
0x28e: {  	[tilespmem:s29], [sflag:$0x6] =	stream.indirect.gather [hbm4b:s7+s21], $0x10, s5, s21, $0xb8;
	[tilespmem:$0x1F680] =	vst v63  }
0x28f: {  	_ = 	snop  }
0x290: {  	[tilespmem:s30], [sflag:$0x7] =	stream.indirect.gather [hbm4b:s1+s21], $0x80, s28, s21, $0xb8;
	[tilespmem:$0x1F680] =	vst v63  }
0x291: {  	s5 =	simm.s32 $0xC  }
0x292: {  	_ =	swait.ge [sflag:s5], $0x1000  }
0x293: {  	[sflag:s5] =	ssyncset.done $0x0  }
0x294: {  	[sflag:s5] =	ssyncadd.s32 $0xFFFFF000  }
0x295: {  	_ =	swait.ge [sflag:s5], $0x200  }
0x296: {  	[sflag:s5] =	ssyncset.done $0x0  }
0x297: {  	[sflag:s5] =	ssyncadd.s32 $0xFFFFFE00  }
0x298: {  	_ =	swait.ge [sflag:s31], $0x200  }
0x299: {  	[sflag:s31] =	ssyncset.done $0x0  }
0x29a: {  	[sflag:s31] =	ssyncadd.s32 $0xFFFFFE00  }
0x29b: {  	_ =	swait.ge [sflag:s2], $0x200  }
0x29c: {  	[sflag:s2] =	ssyncset.done $0x0  }
0x29d: {  	[sflag:s2] =	ssyncadd.s32 $0xFFFFFE00  }
0x29e: {  	_ =	swait.ge [sflag:s0], $0x1000  }
0x29f: {  	[sflag:s0] =	ssyncset.done $0x0  }
0x2a0: {  	[sflag:s0] =	ssyncadd.s32 $0xFFFFF000  }
0x2a1: {  	_ =	swait.ge [sflag:s8], $0x200  }
0x2a2: {  	[sflag:s8] =	ssyncset.done $0x0  }
0x2a3: {  	[sflag:s8] =	ssyncadd.s32 $0xFFFFFE00  }
0x2a4: {  	_ =	swait.ge [sflag:s10], $0x200  }
0x2a5: {  	[sflag:s10] =	ssyncset.done $0x0  }
0x2a6: {  	[sflag:s10] =	ssyncadd.s32 $0xFFFFFE00  }
0x2a7: {  	_ =	swait.ge [sflag:s11], $0x1000  }
0x2a8: {  	[sflag:s11] =	ssyncset.done $0x0  }
0x2a9: {  	[sflag:s11] =	ssyncadd.s32 $0xFFFFF000  }
0x2aa: {  	[bflag:$0x0] =	sbarrier.arrive $0xFFFF  }
0x2ab: {  	s12 =	rddreg [dreg:$0x6]  }
0x2ac: {  	s22 =	rddreg [dreg:$0xa]  }
0x2ad: {  	s17 =	simm.s32 $0xD;
	s16 =	rddreg [dreg:$0xd]  }
0x2ae: {  	[hbm:s22], [sflag:s12] =	dma.local [spmem:s16], $0x2780  }
0x2af: {  	_ =	swait.ge [sflag:s17], $0x2780  }
0x2b0: {  	[sflag:s17] =	ssyncset.done $0x0;
	s23 =	rddreg [dreg:$0xb]  }
0x2b1: {  	s9 =	rddreg [dreg:$0xe];
	[sflag:s17] =	ssyncadd.s32 $0xFFFFD880  }
0x2b2: {  	[hbm:s23], [sflag:s12] =	dma.local [spmem:s9], $0x4F0  }
0x2b3: {  	_ =	swait.ge [sflag:s17], $0x4F0  }
0x2b4: {  	s20 =	rddreg [dreg:$0xf]  }
0x2b5: {  	s28 =	rddreg [dreg:$0xc];
	s20 =	sadd.s32 $0x1, s20  }
0x2b6: {  	p0 =	sne.s32 s20, s28  }
.Ltmp7:
0x2b7: {  	_ = 	snop;
	(pc) =	sbr.rel @p0 .LBB2_1-.Ltmp7, $3  }
0x2b8: {  	_ =	sdelay $0x1  }
0x2b9: {  	[sflag:s17] =	ssyncset.done $0x0  }
0x2ba: {  	[sflag:s17] =	ssyncadd.s32 $0xFFFFFB10  }
0x2bb: {  	_ =	sfence.sel $0x180000  }
0x2bc: {  	[bflag:$0x0] =	sbarrier.arrive $0xFFFF  }
0x2bd: {  	_ =	strace $0x90000047  }
0x2be: {  	s0 =	stileid.u32;
	[bflag:$0x2] =	sbarrier.arrive $0xFFFF  }
0x2bf: {  	p0 =	sne.s32 s0, $0x0;
	s0 =	rddreg [dreg:$0x4]  }
0x2c0: {  	s0 =	sadd.s32 @!p0 $0x100000, s0  }
0x2c1: {  	[sflag:s0] =	ssyncadd.tile.s32 @!p0 $0x1;
	_ =	shalt  }
.Lfunc_end2:
_tile_overlayer_lowered:
.L_overlay_start_2:
0x2c2: {  	(tag) =	ssettag $0x2  }
0x2c3: {  	s0 =	rddreg [dreg:$0x0];
	s2 =	stileid.u32  }
0x2c4: {  	s1 =	rddreg [dreg:$0x1];
	p0 =	sne.s32 s2, $0x0  }
0x2c5: {  	s3 =	rddreg [dreg:$0x2];
	[bflag:$0x3] =	sbarrier.arrive $0xFFFF;
	s2 =	simm.s32 @!p0 $0x1C0D  }
0x2c6: {  	[timem:s3], [sflag:s2] =	dma.local @!p0 [hbm:s0], s1  }
0x2c7: {  	s0 =	simm.s32 @!p0 $0xD  }
0x2c8: {  	_ =	swait.ge @!p0 [sflag:s0], s1  }
0x2c9: {  	s1 =	ssub.s32 @!p0 $0x0, s1;
	[sflag:s0] =	ssyncset.done @!p0 $0x0  }
0x2ca: {  	[sflag:s0] =	ssyncadd.s32 @!p0 s1  }
0x2cb: {  	[bflag:$0x3] =	sbarrier.arrive $0xFFFF  }
0x2cc: {  	_ =	shalt  }

</sc_bundles>
